<compile_context>
chip_gen: v7x
topology: tpu7x:2x2x1
jax: 0.10.2.dev20260603
libtpu: 0.0.44.dev20260713+nightly
codegen_flags: <defaults>
</compile_context>

<pallas_src>
import functools

import jax
import jax.numpy as jnp
from jax import lax
from jax.experimental import pallas as pl
from jax.experimental.pallas import tpu as pltpu
from jax.experimental.pallas import tpu_sc as plsc

B = 16384
L = 20
D_M = 32
D_C = 16
OUT = 20
NUM_CATS = 1000
NUM_MOVIES = 1000000

NC = 2
NS = 16
NW = NC * NS
CH = B // NW
IDX_MINOR = 128
NCHUNK = CH // IDX_MINOR
NG = CH // 16

GW = 128
MPACK = GW // D_M
WM_ROWS = NUM_MOVIES // MPACK
WB_ROWS = NUM_MOVIES // GW
TAIL_BASE = NUM_MOVIES - GW


def _sc_gather_bag(mid3, mcol2, bidx3, bcol2, toffc2, tmask2, rowids, rowL,
                   catsS, wm128, wb128, wbtail, wc_flat):
    mesh = plsc.VectorSubcoreMesh(core_axis_name="c", subcore_axis_name="s")

    @functools.partial(
        pl.kernel,
        mesh=mesh,
        compiler_params=pltpu.CompilerParams(
            needs_layout_passes=False, use_tc_tiling_on_sc=False),
        out_type=[
            jax.ShapeDtypeStruct((NW, D_M, CH), jnp.float32),
            jax.ShapeDtypeStruct((NW, D_C, CH), jnp.float32),
            jax.ShapeDtypeStruct((NW, CH), jnp.float32),
        ],
        scratch_types=[
            pltpu.VMEM((NCHUNK, IDX_MINOR), jnp.int32),
            pltpu.VMEM((NCHUNK, IDX_MINOR), jnp.int32),
            pltpu.VMEM((CH, GW), jnp.float32),
            pltpu.VMEM((D_M, CH), jnp.float32),
            pltpu.VMEM((NUM_CATS * D_C,), jnp.float32),
            pltpu.VMEM((CH * L,), jnp.int32),
            pltpu.VMEM((D_C, CH), jnp.float32),
            pltpu.VMEM((CH,), jnp.int32),
            pltpu.VMEM((CH,), jnp.int32),
            pltpu.VMEM((CH,), jnp.int32),
            pltpu.VMEM((CH,), jnp.float32),
            pltpu.VMEM((GW,), jnp.float32),
            pltpu.VMEM((CH,), jnp.int32),
            pltpu.VMEM((CH,), jnp.int32),
            pltpu.VMEM((CH,), jnp.float32),
            pltpu.SemaphoreType.DMA,
            pltpu.SemaphoreType.DMA,
        ],
    )
    def body(mid_hbm, mcol_hbm, bidx_hbm, bcol_hbm, toffc_hbm, tmask_hbm,
             rowid_hbm, rowL_hbm, cats_hbm, wm_hbm, wb_hbm, wbtail_hbm,
             wc_hbm,
             mrows_out, sums_out, bias_out,
             mid_v, bidx_v, stage_v, mrowsT_v, wc_v, cats_v, sumsT_v,
             mcol_v, bcol_v, toffc_v, tmask_v, tail_v, rowid_v, rowL_v,
             bias_v, sem_m, sem_b):
        w = lax.axis_index("s") * NC + lax.axis_index("c")

        pltpu.sync_copy(mid_hbm.at[w], mid_v)
        mcopies = []
        for k in range(NCHUNK):
            sl = pl.ds(k * IDX_MINOR, IDX_MINOR)
            mcopies.append(pltpu.async_copy(
                wm_hbm.at[mid_v.at[k]], stage_v.at[sl], sem_m))

        pltpu.sync_copy(wc_hbm, wc_v)
        pltpu.sync_copy(cats_hbm.at[w], cats_v)
        pltpu.sync_copy(mcol_hbm.at[w], mcol_v)
        pltpu.sync_copy(rowid_hbm, rowid_v)
        pltpu.sync_copy(rowL_hbm, rowL_v)
        pltpu.sync_copy(bidx_hbm.at[w], bidx_v)
        pltpu.sync_copy(bcol_hbm.at[w], bcol_v)
        pltpu.sync_copy(toffc_hbm.at[w], toffc_v)
        pltpu.sync_copy(tmask_hbm.at[w], tmask_v)
        pltpu.sync_copy(wbtail_hbm, tail_v)

        def group_body(g, carry):
            s16 = pl.ds(g * 16, 16)
            base = rowL_v[s16]
            cvecs = [plsc.load_gather(cats_v, [base + l]) for l in range(L)]
            for d in range(D_C):
                acc = plsc.load_gather(wc_v, [cvecs[0] + d])
                for l in range(1, L):
                    acc = acc + plsc.load_gather(wc_v, [cvecs[l] + d])
                sumsT_v[d, s16] = acc
            return carry

        lax.fori_loop(0, NG, group_body, 0)

        for cp in mcopies:
            cp.wait()

        def movie_body(g, carry):
            s16 = pl.ds(g * 16, 16)
            rvec = rowid_v[s16]
            cvec = mcol_v[s16]
            for d in range(D_M):
                mrowsT_v[d, s16] = plsc.load_gather(stage_v, [rvec, cvec + d])
            return carry

        lax.fori_loop(0, NG, movie_body, 0)
        pltpu.sync_copy(mrowsT_v, mrows_out.at[w])
        pltpu.sync_copy(sumsT_v, sums_out.at[w])

        bcopies = []
        for k in range(NCHUNK):
            sl = pl.ds(k * IDX_MINOR, IDX_MINOR)
            bcopies.append(pltpu.async_copy(
                wb_hbm.at[bidx_v.at[k]], stage_v.at[sl], sem_b))
        for cp in bcopies:
            cp.wait()

        def bias_body(g, carry):
            s16 = pl.ds(g * 16, 16)
            rvec = rowid_v[s16]
            cvec = bcol_v[s16]
            safe = plsc.load_gather(stage_v, [rvec, cvec])
            tail = plsc.load_gather(tail_v, [toffc_v[s16]])
            m = tmask_v[s16]
            bias_v[s16] = safe + m * (tail - safe)
            return carry

        lax.fori_loop(0, NG, bias_body, 0)
        pltpu.sync_copy(bias_v, bias_out.at[w])

    return body(mid3, mcol2, bidx3, bcol2, toffc2, tmask2, rowids, rowL,
                catsS, wm128, wb128, wbtail, wc_flat)


WPB = 4
BT = WPB * CH


def _tc_body(mrowsT_ref, sumsT_ref, cnt_ref, fcm_ref, fcc_ref, fcb_ref,
             out_ref):
    cnt = cnt_ref[...]
    inv = jnp.where(cnt > 0.0, 1.0 / jnp.maximum(cnt, 1.0), 0.0)
    catvT = sumsT_ref[...] * inv
    mparts = [
        lax.dot_general(mrowsT_ref[i], fcm_ref[...], (((0,), (0,)), ((), ())),
                        preferred_element_type=jnp.float32)
        for i in range(WPB)
    ]
    cparts = [
        lax.dot_general(catvT[i], fcc_ref[...], (((0,), (0,)), ((), ())),
                        preferred_element_type=jnp.float32)
        for i in range(WPB)
    ]
    mv = jnp.stack(mparts, axis=0)
    cv = jnp.stack(cparts, axis=0)
    out_ref[...] = mv + cv + fcb_ref[...].reshape(1, 1, OUT)


def _tc_head(mrowsT, sumsT, cntf, fcm, fcc, fcb):
    return pl.pallas_call(
        _tc_body,
        grid=(NW // WPB,),
        in_specs=[
            pl.BlockSpec((WPB, D_M, CH), lambda i: (i, 0, 0)),
            pl.BlockSpec((WPB, D_C, CH), lambda i: (i, 0, 0)),
            pl.BlockSpec((WPB, 1, CH), lambda i: (i, 0, 0)),
            pl.BlockSpec((D_M, OUT), lambda i: (0, 0)),
            pl.BlockSpec((D_C, OUT), lambda i: (0, 0)),
            pl.BlockSpec((1, OUT), lambda i: (0, 0)),
        ],
        out_specs=pl.BlockSpec((WPB, CH, OUT), lambda i: (i, 0, 0)),
        out_shape=jax.ShapeDtypeStruct((NW, CH, OUT), jnp.float32),
    )(mrowsT, sumsT, cntf, fcm, fcc, fcb)


def kernel(movie_id, movie_categories, W_movies, W_cats, W_bias, fc_W, fc_b):
    mid = movie_id.astype(jnp.int32)
    cats_i32 = movie_categories.astype(jnp.int32)
    mid3 = (mid // MPACK).reshape(NW, NCHUNK, IDX_MINOR)
    mcol2 = ((mid % MPACK) * D_M).reshape(NW, CH)
    bidx3 = jnp.minimum(mid // GW, WB_ROWS - 1).reshape(NW, NCHUNK, IDX_MINOR)
    bcol2 = (mid % GW).reshape(NW, CH)
    toffc2 = jnp.clip(mid - TAIL_BASE, 0, GW - 1).reshape(NW, CH)
    tmask2 = (mid >= WB_ROWS * GW).astype(jnp.float32).reshape(NW, CH)
    rowids = jnp.arange(CH, dtype=jnp.int32)
    rowL = rowids * L
    catsS = (cats_i32 * D_C).reshape(NW, CH * L)
    cntf = jnp.sum((cats_i32 != 0).astype(jnp.float32),
                   axis=1).reshape(NW, 1, CH)
    wm128 = W_movies.reshape(WM_ROWS, GW)
    wbflat = W_bias.reshape(NUM_MOVIES)
    wb128 = wbflat[:WB_ROWS * GW].reshape(WB_ROWS, GW)
    wbtail = wbflat[TAIL_BASE:]
    wc_flat = W_cats.reshape(NUM_CATS * D_C)
    mrowsT, sumsT, bias = _sc_gather_bag(
        mid3, mcol2, bidx3, bcol2, toffc2, tmask2, rowids, rowL, catsS,
        wm128, wb128, wbtail, wc_flat)
    fcm = fc_W[:, :D_M].T
    fcc = fc_W[:, D_M:].T
    fcb = fc_b.reshape(1, OUT)
    movie_vec = _tc_head(mrowsT, sumsT, cntf, fcm, fcc, fcb)
    return movie_vec.reshape(B, OUT), bias.reshape(B)

# --- scband reference (transcript-rebuilt; emitter-appended) ---
"""Pipeline reference for scband-movie-encoder-20048907338164 (READ-ONLY COPY).

The authoritative reference and input builder live on the scoring server;
editing this copy changes nothing except your own understanding.
"""

import jax, jax.numpy as jnp
import numpy as np

B = 16384
L = 20
NUM_MOVIES = 1000000
NUM_CATS = 1000
D_M = 32
D_C = 16
OUT = 20


def setup_inputs(seed: int = 0) -> dict:
    key = jax.random.key(seed)
    k1, k2, k3, k4, k5, k6, k7 = jax.random.split(key, 7)
    movie_id = jax.random.randint(k1, (B,), 0, NUM_MOVIES, dtype=jnp.int32).astype(jnp.int64)
    movie_categories = jax.random.randint(k2, (B, L), 0, NUM_CATS, dtype=jnp.int32).astype(jnp.int64)
    W_movies = jax.random.normal(k3, (NUM_MOVIES, D_M), dtype=jnp.float32) * 0.02
    W_cats = jax.random.normal(k4, (NUM_CATS, D_C), dtype=jnp.float32) * 0.02
    W_cats = W_cats.at[0].set(0.0)  # padding_idx=0 row is zeros
    W_bias = jax.random.normal(k5, (NUM_MOVIES, 1), dtype=jnp.float32) * 0.02
    fc_W = jax.random.normal(k6, (OUT, D_M + D_C), dtype=jnp.float32) * 0.05
    fc_b = jax.random.normal(k7, (OUT,), dtype=jnp.float32) * 0.01
    return {
        "movie_id": movie_id,
        "movie_categories": movie_categories,
        "W_movies": W_movies,
        "W_cats": W_cats,
        "W_bias": W_bias,
        "fc_W": fc_W,
        "fc_b": fc_b,
    }


def reference(movie_id, movie_categories, W_movies, W_cats, W_bias, fc_W, fc_b):
    # Embedding lookup for movie ids
    raw_movie_vec = jnp.take(W_movies, movie_id, axis=0)  # [B, D_M]
    # EmbeddingBag(mode='mean', padding_idx=0): mean over non-padding entries
    emb = jnp.take(W_cats, movie_categories, axis=0)  # [B, L, D_C]
    mask = (movie_categories != 0).astype(emb.dtype)[..., None]  # [B, L, 1]
    summed = jnp.sum(emb * mask, axis=1)  # [B, D_C]
    count = jnp.sum(mask, axis=1)  # [B, 1]
    categories_vec = jnp.where(count > 0, summed / jnp.maximum(count, 1.0), 0.0)
    movie_vec = jnp.concatenate([raw_movie_vec, categories_vec], axis=1)
    movie_vec = movie_vec @ fc_W.T + fc_b  # [B, OUT]
    movie_bias = jnp.take(W_bias, movie_id, axis=0).reshape(-1)  # [B]
    return (movie_vec, movie_bias)

if __name__ == "__main__":
    import jax
    _d = setup_inputs()
    print(jax.jit(kernel)(*tuple(_d.values())))

</pallas_src>

<mosaic_0001>
#map = affine_map<(d0, d1) -> (0, 0, 0)>
#map1 = affine_map<(d0, d1) -> (0, 0)>
#map2 = affine_map<(d0, d1) -> (0)>
module attributes {stable_mosaic.version = 14 : i64} {
  func.func @body(%arg0: i32, %arg1: i32, %arg2: memref<32x4x128xi32, #tpu.memory_space<hbm>>, %arg3: memref<32x512xi32, #tpu.memory_space<hbm>>, %arg4: memref<32x4x128xi32, #tpu.memory_space<hbm>>, %arg5: memref<32x512xi32, #tpu.memory_space<hbm>>, %arg6: memref<32x512xi32, #tpu.memory_space<hbm>>, %arg7: memref<32x512xf32, #tpu.memory_space<hbm>>, %arg8: memref<512xi32, #tpu.memory_space<hbm>>, %arg9: memref<512xi32, #tpu.memory_space<hbm>>, %arg10: memref<32x10240xi32, #tpu.memory_space<hbm>>, %arg11: memref<250000x128xf32, #tpu.memory_space<hbm>>, %arg12: memref<7812x128xf32, #tpu.memory_space<hbm>>, %arg13: memref<128xf32, #tpu.memory_space<hbm>>, %arg14: memref<16000xf32, #tpu.memory_space<hbm>>, %arg15: memref<32x32x512xf32, #tpu.memory_space<hbm>>, %arg16: memref<32x16x512xf32, #tpu.memory_space<hbm>>, %arg17: memref<32x512xf32, #tpu.memory_space<hbm>>, %arg18: memref<4x128xi32, #tpu.memory_space<vmem>>, %arg19: memref<4x128xi32, #tpu.memory_space<vmem>>, %arg20: memref<512x128xf32, #tpu.memory_space<vmem>>, %arg21: memref<32x512xf32, #tpu.memory_space<vmem>>, %arg22: memref<16000xf32, #tpu.memory_space<vmem>>, %arg23: memref<10240xi32, #tpu.memory_space<vmem>>, %arg24: memref<16x512xf32, #tpu.memory_space<vmem>>, %arg25: memref<512xi32, #tpu.memory_space<vmem>>, %arg26: memref<512xi32, #tpu.memory_space<vmem>>, %arg27: memref<512xi32, #tpu.memory_space<vmem>>, %arg28: memref<512xf32, #tpu.memory_space<vmem>>, %arg29: memref<128xf32, #tpu.memory_space<vmem>>, %arg30: memref<512xi32, #tpu.memory_space<vmem>>, %arg31: memref<512xi32, #tpu.memory_space<vmem>>, %arg32: memref<512xf32, #tpu.memory_space<vmem>>, %arg33: memref<!tpu.dma_semaphore, #tpu.memory_space<semaphore_mem>>, %arg34: memref<!tpu.dma_semaphore, #tpu.memory_space<semaphore_mem>>) attributes {dimension_semantics = [#tpu.dimension_semantics<core_parallel>, #tpu.dimension_semantics<subcore_parallel>], iteration_bounds = array<i64: 2, 16>, scalar_prefetch = 0 : i64, scratch_operands = 17 : i64, tpu.core_type = #tpu.core_type<sc_vector_subcore>, window_params = [{transform_indices = #map}, {transform_indices = #map1}, {transform_indices = #map}, {transform_indices = #map1}, {transform_indices = #map1}, {transform_indices = #map1}, {transform_indices = #map2}, {transform_indices = #map2}, {transform_indices = #map1}, {transform_indices = #map1}, {transform_indices = #map1}, {transform_indices = #map2}, {transform_indices = #map2}, {transform_indices = #map}, {transform_indices = #map}, {transform_indices = #map1}]} {
    %mul3A = arith.constant 2 : i32
    %mul3A_0 = arith.muli %arg1, %mul3A : i32
    %add3A = arith.addi %mul3A_0, %arg0 : i32
    "tpu.region"() ({
      %run_scoped3A = tpu.sem_alloc : memref<!tpu.dma_semaphore, #tpu.memory_space<semaphore_mem>>
      %dma_start3A_176 = arith.constant 0 : i32
      %dma_start3A_177 = arith.constant 0 : i32
      %dma_start3A_178 = tpu.memref_slice %arg2[%add3A, %dma_start3A_176, %dma_start3A_177] : memref<32x4x128xi32, #tpu.memory_space<hbm>> -> memref<1x4x128xi32, #tpu.memory_space<hbm>>
      %dma_start3A_179 = tpu.memref_squeeze %dma_start3A_178 : memref<1x4x128xi32, #tpu.memory_space<hbm>> -> memref<4x128xi32, #tpu.memory_space<hbm>>
      %dma_start3A_180 = arith.constant 0 : i32
      %dma_start3A_181 = arith.constant 0 : i32
      %dma_start3A_182 = tpu.memref_slice %arg2[%add3A, %dma_start3A_180, %dma_start3A_181] : memref<32x4x128xi32, #tpu.memory_space<hbm>> -> memref<1x4x128xi32, #tpu.memory_space<hbm>>
      %dma_start3A_183 = tpu.memref_squeeze %dma_start3A_182 : memref<1x4x128xi32, #tpu.memory_space<hbm>> -> memref<4x128xi32, #tpu.memory_space<hbm>>
      tpu.enqueue_dma source(%dma_start3A_183 : memref<4x128xi32, #tpu.memory_space<hbm>>) target(%arg18 : memref<4x128xi32, #tpu.memory_space<vmem>>) target_semaphore(%run_scoped3A : memref<!tpu.dma_semaphore, #tpu.memory_space<semaphore_mem>>)
      %dma_wait3A_184 = arith.constant 0 : i32
      %dma_wait3A_185 = arith.constant 0 : i32
      %dma_wait3A_186 = tpu.memref_slice %arg2[%add3A, %dma_wait3A_184, %dma_wait3A_185] : memref<32x4x128xi32, #tpu.memory_space<hbm>> -> memref<1x4x128xi32, #tpu.memory_space<hbm>>
      %dma_wait3A_187 = tpu.memref_squeeze %dma_wait3A_186 : memref<1x4x128xi32, #tpu.memory_space<hbm>> -> memref<4x128xi32, #tpu.memory_space<hbm>>
      %dma_wait3A_188 = arith.constant 0 : i32
      %dma_wait3A_189 = arith.constant 0 : i32
      %dma_wait3A_190 = tpu.memref_slice %arg2[%add3A, %dma_wait3A_188, %dma_wait3A_189] : memref<32x4x128xi32, #tpu.memory_space<hbm>> -> memref<1x4x128xi32, #tpu.memory_space<hbm>>
      %dma_wait3A_191 = tpu.memref_squeeze %dma_wait3A_190 : memref<1x4x128xi32, #tpu.memory_space<hbm>> -> memref<4x128xi32, #tpu.memory_space<hbm>>
      tpu.wait_dma2 semaphore(%run_scoped3A : memref<!tpu.dma_semaphore, #tpu.memory_space<semaphore_mem>>) src(%dma_wait3A_191 : memref<4x128xi32, #tpu.memory_space<hbm>>) dst(%arg18 : memref<4x128xi32, #tpu.memory_space<vmem>>)
      tpu.yield
    }) : () -> ()
    %dma_start3A = arith.constant 0 : i32
    %dma_start3A_1 = arith.constant 0 : i32
    %dma_start3A_2 = arith.constant 0 : i32
    %dma_start3A_3 = tpu.memref_slice %arg20[%dma_start3A_1, %dma_start3A_2] : memref<512x128xf32, #tpu.memory_space<vmem>> -> memref<128x128xf32, #tpu.memory_space<vmem>>
    %dma_start3A_4 = arith.constant 0 : i32
    %dma_start3A_5 = tpu.memref_slice %arg18[%dma_start3A, %dma_start3A_4] : memref<4x128xi32, #tpu.memory_space<vmem>> -> memref<1x128xi32, #tpu.memory_space<vmem>>
    %dma_start3A_6 = tpu.memref_squeeze %dma_start3A_5 : memref<1x128xi32, #tpu.memory_space<vmem>> -> memref<128xi32, #tpu.memory_space<vmem>>
    %dma_start3A_7 = arith.constant 0 : i32
    %dma_start3A_8 = arith.constant 0 : i32
    %dma_start3A_9 = tpu.memref_slice %arg11[%dma_start3A_7, %dma_start3A_8] : memref<250000x128xf32, #tpu.memory_space<hbm>> -> memref<250000x128xf32, #tpu.memory_space<hbm>>
    tpu.enqueue_indirect_dma source(%dma_start3A_9 : memref<250000x128xf32, #tpu.memory_space<hbm>>) target(%dma_start3A_3 : memref<128x128xf32, #tpu.memory_space<vmem>>) offsets(%dma_start3A_6 : memref<128xi32, #tpu.memory_space<vmem>>) semaphore(%arg33 : memref<!tpu.dma_semaphore, #tpu.memory_space<semaphore_mem>>)
    %dma_start3A_10 = arith.constant 1 : i32
    %dma_start3A_11 = arith.constant 128 : i32
    %dma_start3A_12 = arith.constant 0 : i32
    %dma_start3A_13 = tpu.memref_slice %arg20[%dma_start3A_11, %dma_start3A_12] : memref<512x128xf32, #tpu.memory_space<vmem>> -> memref<128x128xf32, #tpu.memory_space<vmem>>
    %dma_start3A_14 = arith.constant 0 : i32
    %dma_start3A_15 = tpu.memref_slice %arg18[%dma_start3A_10, %dma_start3A_14] : memref<4x128xi32, #tpu.memory_space<vmem>> -> memref<1x128xi32, #tpu.memory_space<vmem>>
    %dma_start3A_16 = tpu.memref_squeeze %dma_start3A_15 : memref<1x128xi32, #tpu.memory_space<vmem>> -> memref<128xi32, #tpu.memory_space<vmem>>
    %dma_start3A_17 = arith.constant 0 : i32
    %dma_start3A_18 = arith.constant 0 : i32
    %dma_start3A_19 = tpu.memref_slice %arg11[%dma_start3A_17, %dma_start3A_18] : memref<250000x128xf32, #tpu.memory_space<hbm>> -> memref<250000x128xf32, #tpu.memory_space<hbm>>
    tpu.enqueue_indirect_dma source(%dma_start3A_19 : memref<250000x128xf32, #tpu.memory_space<hbm>>) target(%dma_start3A_13 : memref<128x128xf32, #tpu.memory_space<vmem>>) offsets(%dma_start3A_16 : memref<128xi32, #tpu.memory_space<vmem>>) semaphore(%arg33 : memref<!tpu.dma_semaphore, #tpu.memory_space<semaphore_mem>>)
    %dma_start3A_20 = arith.constant 2 : i32
    %dma_start3A_21 = arith.constant 256 : i32
    %dma_start3A_22 = arith.constant 0 : i32
    %dma_start3A_23 = tpu.memref_slice %arg20[%dma_start3A_21, %dma_start3A_22] : memref<512x128xf32, #tpu.memory_space<vmem>> -> memref<128x128xf32, #tpu.memory_space<vmem>>
    %dma_start3A_24 = arith.constant 0 : i32
    %dma_start3A_25 = tpu.memref_slice %arg18[%dma_start3A_20, %dma_start3A_24] : memref<4x128xi32, #tpu.memory_space<vmem>> -> memref<1x128xi32, #tpu.memory_space<vmem>>
    %dma_start3A_26 = tpu.memref_squeeze %dma_start3A_25 : memref<1x128xi32, #tpu.memory_space<vmem>> -> memref<128xi32, #tpu.memory_space<vmem>>
    %dma_start3A_27 = arith.constant 0 : i32
    %dma_start3A_28 = arith.constant 0 : i32
    %dma_start3A_29 = tpu.memref_slice %arg11[%dma_start3A_27, %dma_start3A_28] : memref<250000x128xf32, #tpu.memory_space<hbm>> -> memref<250000x128xf32, #tpu.memory_space<hbm>>
    tpu.enqueue_indirect_dma source(%dma_start3A_29 : memref<250000x128xf32, #tpu.memory_space<hbm>>) target(%dma_start3A_23 : memref<128x128xf32, #tpu.memory_space<vmem>>) offsets(%dma_start3A_26 : memref<128xi32, #tpu.memory_space<vmem>>) semaphore(%arg33 : memref<!tpu.dma_semaphore, #tpu.memory_space<semaphore_mem>>)
    %dma_start3A_30 = arith.constant 3 : i32
    %dma_start3A_31 = arith.constant 384 : i32
    %dma_start3A_32 = arith.constant 0 : i32
    %dma_start3A_33 = tpu.memref_slice %arg20[%dma_start3A_31, %dma_start3A_32] : memref<512x128xf32, #tpu.memory_space<vmem>> -> memref<128x128xf32, #tpu.memory_space<vmem>>
    %dma_start3A_34 = arith.constant 0 : i32
    %dma_start3A_35 = tpu.memref_slice %arg18[%dma_start3A_30, %dma_start3A_34] : memref<4x128xi32, #tpu.memory_space<vmem>> -> memref<1x128xi32, #tpu.memory_space<vmem>>
    %dma_start3A_36 = tpu.memref_squeeze %dma_start3A_35 : memref<1x128xi32, #tpu.memory_space<vmem>> -> memref<128xi32, #tpu.memory_space<vmem>>
    %dma_start3A_37 = arith.constant 0 : i32
    %dma_start3A_38 = arith.constant 0 : i32
    %dma_start3A_39 = tpu.memref_slice %arg11[%dma_start3A_37, %dma_start3A_38] : memref<250000x128xf32, #tpu.memory_space<hbm>> -> memref<250000x128xf32, #tpu.memory_space<hbm>>
    tpu.enqueue_indirect_dma source(%dma_start3A_39 : memref<250000x128xf32, #tpu.memory_space<hbm>>) target(%dma_start3A_33 : memref<128x128xf32, #tpu.memory_space<vmem>>) offsets(%dma_start3A_36 : memref<128xi32, #tpu.memory_space<vmem>>) semaphore(%arg33 : memref<!tpu.dma_semaphore, #tpu.memory_space<semaphore_mem>>)
    "tpu.region"() ({
      %run_scoped3A = tpu.sem_alloc : memref<!tpu.dma_semaphore, #tpu.memory_space<semaphore_mem>>
      tpu.enqueue_dma source(%arg14 : memref<16000xf32, #tpu.memory_space<hbm>>) target(%arg22 : memref<16000xf32, #tpu.memory_space<vmem>>) target_semaphore(%run_scoped3A : memref<!tpu.dma_semaphore, #tpu.memory_space<semaphore_mem>>)
      tpu.wait_dma2 semaphore(%run_scoped3A : memref<!tpu.dma_semaphore, #tpu.memory_space<semaphore_mem>>) src(%arg14 : memref<16000xf32, #tpu.memory_space<hbm>>) dst(%arg22 : memref<16000xf32, #tpu.memory_space<vmem>>)
      tpu.yield
    }) : () -> ()
    "tpu.region"() ({
      %run_scoped3A = tpu.sem_alloc : memref<!tpu.dma_semaphore, #tpu.memory_space<semaphore_mem>>
      %dma_start3A_176 = arith.constant 0 : i32
      %dma_start3A_177 = tpu.memref_slice %arg10[%add3A, %dma_start3A_176] : memref<32x10240xi32, #tpu.memory_space<hbm>> -> memref<1x10240xi32, #tpu.memory_space<hbm>>
      %dma_start3A_178 = tpu.memref_squeeze %dma_start3A_177 : memref<1x10240xi32, #tpu.memory_space<hbm>> -> memref<10240xi32, #tpu.memory_space<hbm>>
      %dma_start3A_179 = arith.constant 0 : i32
      %dma_start3A_180 = tpu.memref_slice %arg10[%add3A, %dma_start3A_179] : memref<32x10240xi32, #tpu.memory_space<hbm>> -> memref<1x10240xi32, #tpu.memory_space<hbm>>
      %dma_start3A_181 = tpu.memref_squeeze %dma_start3A_180 : memref<1x10240xi32, #tpu.memory_space<hbm>> -> memref<10240xi32, #tpu.memory_space<hbm>>
      tpu.enqueue_dma source(%dma_start3A_181 : memref<10240xi32, #tpu.memory_space<hbm>>) target(%arg23 : memref<10240xi32, #tpu.memory_space<vmem>>) target_semaphore(%run_scoped3A : memref<!tpu.dma_semaphore, #tpu.memory_space<semaphore_mem>>)
      %dma_wait3A_182 = arith.constant 0 : i32
      %dma_wait3A_183 = tpu.memref_slice %arg10[%add3A, %dma_wait3A_182] : memref<32x10240xi32, #tpu.memory_space<hbm>> -> memref<1x10240xi32, #tpu.memory_space<hbm>>
      %dma_wait3A_184 = tpu.memref_squeeze %dma_wait3A_183 : memref<1x10240xi32, #tpu.memory_space<hbm>> -> memref<10240xi32, #tpu.memory_space<hbm>>
      %dma_wait3A_185 = arith.constant 0 : i32
      %dma_wait3A_186 = tpu.memref_slice %arg10[%add3A, %dma_wait3A_185] : memref<32x10240xi32, #tpu.memory_space<hbm>> -> memref<1x10240xi32, #tpu.memory_space<hbm>>
      %dma_wait3A_187 = tpu.memref_squeeze %dma_wait3A_186 : memref<1x10240xi32, #tpu.memory_space<hbm>> -> memref<10240xi32, #tpu.memory_space<hbm>>
      tpu.wait_dma2 semaphore(%run_scoped3A : memref<!tpu.dma_semaphore, #tpu.memory_space<semaphore_mem>>) src(%dma_wait3A_187 : memref<10240xi32, #tpu.memory_space<hbm>>) dst(%arg23 : memref<10240xi32, #tpu.memory_space<vmem>>)
      tpu.yield
    }) : () -> ()
    "tpu.region"() ({
      %run_scoped3A = tpu.sem_alloc : memref<!tpu.dma_semaphore, #tpu.memory_space<semaphore_mem>>
      %dma_start3A_176 = arith.constant 0 : i32
      %dma_start3A_177 = tpu.memref_slice %arg3[%add3A, %dma_start3A_176] : memref<32x512xi32, #tpu.memory_space<hbm>> -> memref<1x512xi32, #tpu.memory_space<hbm>>
      %dma_start3A_178 = tpu.memref_squeeze %dma_start3A_177 : memref<1x512xi32, #tpu.memory_space<hbm>> -> memref<512xi32, #tpu.memory_space<hbm>>
      %dma_start3A_179 = arith.constant 0 : i32
      %dma_start3A_180 = tpu.memref_slice %arg3[%add3A, %dma_start3A_179] : memref<32x512xi32, #tpu.memory_space<hbm>> -> memref<1x512xi32, #tpu.memory_space<hbm>>
      %dma_start3A_181 = tpu.memref_squeeze %dma_start3A_180 : memref<1x512xi32, #tpu.memory_space<hbm>> -> memref<512xi32, #tpu.memory_space<hbm>>
      tpu.enqueue_dma source(%dma_start3A_181 : memref<512xi32, #tpu.memory_space<hbm>>) target(%arg25 : memref<512xi32, #tpu.memory_space<vmem>>) target_semaphore(%run_scoped3A : memref<!tpu.dma_semaphore, #tpu.memory_space<semaphore_mem>>)
      %dma_wait3A_182 = arith.constant 0 : i32
      %dma_wait3A_183 = tpu.memref_slice %arg3[%add3A, %dma_wait3A_182] : memref<32x512xi32, #tpu.memory_space<hbm>> -> memref<1x512xi32, #tpu.memory_space<hbm>>
      %dma_wait3A_184 = tpu.memref_squeeze %dma_wait3A_183 : memref<1x512xi32, #tpu.memory_space<hbm>> -> memref<512xi32, #tpu.memory_space<hbm>>
      %dma_wait3A_185 = arith.constant 0 : i32
      %dma_wait3A_186 = tpu.memref_slice %arg3[%add3A, %dma_wait3A_185] : memref<32x512xi32, #tpu.memory_space<hbm>> -> memref<1x512xi32, #tpu.memory_space<hbm>>
      %dma_wait3A_187 = tpu.memref_squeeze %dma_wait3A_186 : memref<1x512xi32, #tpu.memory_space<hbm>> -> memref<512xi32, #tpu.memory_space<hbm>>
      tpu.wait_dma2 semaphore(%run_scoped3A : memref<!tpu.dma_semaphore, #tpu.memory_space<semaphore_mem>>) src(%dma_wait3A_187 : memref<512xi32, #tpu.memory_space<hbm>>) dst(%arg25 : memref<512xi32, #tpu.memory_space<vmem>>)
      tpu.yield
    }) : () -> ()
    "tpu.region"() ({
      %run_scoped3A = tpu.sem_alloc : memref<!tpu.dma_semaphore, #tpu.memory_space<semaphore_mem>>
      tpu.enqueue_dma source(%arg8 : memref<512xi32, #tpu.memory_space<hbm>>) target(%arg30 : memref<512xi32, #tpu.memory_space<vmem>>) target_semaphore(%run_scoped3A : memref<!tpu.dma_semaphore, #tpu.memory_space<semaphore_mem>>)
      tpu.wait_dma2 semaphore(%run_scoped3A : memref<!tpu.dma_semaphore, #tpu.memory_space<semaphore_mem>>) src(%arg8 : memref<512xi32, #tpu.memory_space<hbm>>) dst(%arg30 : memref<512xi32, #tpu.memory_space<vmem>>)
      tpu.yield
    }) : () -> ()
    "tpu.region"() ({
      %run_scoped3A = tpu.sem_alloc : memref<!tpu.dma_semaphore, #tpu.memory_space<semaphore_mem>>
      tpu.enqueue_dma source(%arg9 : memref<512xi32, #tpu.memory_space<hbm>>) target(%arg31 : memref<512xi32, #tpu.memory_space<vmem>>) target_semaphore(%run_scoped3A : memref<!tpu.dma_semaphore, #tpu.memory_space<semaphore_mem>>)
      tpu.wait_dma2 semaphore(%run_scoped3A : memref<!tpu.dma_semaphore, #tpu.memory_space<semaphore_mem>>) src(%arg9 : memref<512xi32, #tpu.memory_space<hbm>>) dst(%arg31 : memref<512xi32, #tpu.memory_space<vmem>>)
      tpu.yield
    }) : () -> ()
    "tpu.region"() ({
      %run_scoped3A = tpu.sem_alloc : memref<!tpu.dma_semaphore, #tpu.memory_space<semaphore_mem>>
      %dma_start3A_176 = arith.constant 0 : i32
      %dma_start3A_177 = arith.constant 0 : i32
      %dma_start3A_178 = tpu.memref_slice %arg4[%add3A, %dma_start3A_176, %dma_start3A_177] : memref<32x4x128xi32, #tpu.memory_space<hbm>> -> memref<1x4x128xi32, #tpu.memory_space<hbm>>
      %dma_start3A_179 = tpu.memref_squeeze %dma_start3A_178 : memref<1x4x128xi32, #tpu.memory_space<hbm>> -> memref<4x128xi32, #tpu.memory_space<hbm>>
      %dma_start3A_180 = arith.constant 0 : i32
      %dma_start3A_181 = arith.constant 0 : i32
      %dma_start3A_182 = tpu.memref_slice %arg4[%add3A, %dma_start3A_180, %dma_start3A_181] : memref<32x4x128xi32, #tpu.memory_space<hbm>> -> memref<1x4x128xi32, #tpu.memory_space<hbm>>
      %dma_start3A_183 = tpu.memref_squeeze %dma_start3A_182 : memref<1x4x128xi32, #tpu.memory_space<hbm>> -> memref<4x128xi32, #tpu.memory_space<hbm>>
      tpu.enqueue_dma source(%dma_start3A_183 : memref<4x128xi32, #tpu.memory_space<hbm>>) target(%arg19 : memref<4x128xi32, #tpu.memory_space<vmem>>) target_semaphore(%run_scoped3A : memref<!tpu.dma_semaphore, #tpu.memory_space<semaphore_mem>>)
      %dma_wait3A_184 = arith.constant 0 : i32
      %dma_wait3A_185 = arith.constant 0 : i32
      %dma_wait3A_186 = tpu.memref_slice %arg4[%add3A, %dma_wait3A_184, %dma_wait3A_185] : memref<32x4x128xi32, #tpu.memory_space<hbm>> -> memref<1x4x128xi32, #tpu.memory_space<hbm>>
      %dma_wait3A_187 = tpu.memref_squeeze %dma_wait3A_186 : memref<1x4x128xi32, #tpu.memory_space<hbm>> -> memref<4x128xi32, #tpu.memory_space<hbm>>
      %dma_wait3A_188 = arith.constant 0 : i32
      %dma_wait3A_189 = arith.constant 0 : i32
      %dma_wait3A_190 = tpu.memref_slice %arg4[%add3A, %dma_wait3A_188, %dma_wait3A_189] : memref<32x4x128xi32, #tpu.memory_space<hbm>> -> memref<1x4x128xi32, #tpu.memory_space<hbm>>
      %dma_wait3A_191 = tpu.memref_squeeze %dma_wait3A_190 : memref<1x4x128xi32, #tpu.memory_space<hbm>> -> memref<4x128xi32, #tpu.memory_space<hbm>>
      tpu.wait_dma2 semaphore(%run_scoped3A : memref<!tpu.dma_semaphore, #tpu.memory_space<semaphore_mem>>) src(%dma_wait3A_191 : memref<4x128xi32, #tpu.memory_space<hbm>>) dst(%arg19 : memref<4x128xi32, #tpu.memory_space<vmem>>)
      tpu.yield
    }) : () -> ()
    "tpu.region"() ({
      %run_scoped3A = tpu.sem_alloc : memref<!tpu.dma_semaphore, #tpu.memory_space<semaphore_mem>>
      %dma_start3A_176 = arith.constant 0 : i32
      %dma_start3A_177 = tpu.memref_slice %arg5[%add3A, %dma_start3A_176] : memref<32x512xi32, #tpu.memory_space<hbm>> -> memref<1x512xi32, #tpu.memory_space<hbm>>
      %dma_start3A_178 = tpu.memref_squeeze %dma_start3A_177 : memref<1x512xi32, #tpu.memory_space<hbm>> -> memref<512xi32, #tpu.memory_space<hbm>>
      %dma_start3A_179 = arith.constant 0 : i32
      %dma_start3A_180 = tpu.memref_slice %arg5[%add3A, %dma_start3A_179] : memref<32x512xi32, #tpu.memory_space<hbm>> -> memref<1x512xi32, #tpu.memory_space<hbm>>
      %dma_start3A_181 = tpu.memref_squeeze %dma_start3A_180 : memref<1x512xi32, #tpu.memory_space<hbm>> -> memref<512xi32, #tpu.memory_space<hbm>>
      tpu.enqueue_dma source(%dma_start3A_181 : memref<512xi32, #tpu.memory_space<hbm>>) target(%arg26 : memref<512xi32, #tpu.memory_space<vmem>>) target_semaphore(%run_scoped3A : memref<!tpu.dma_semaphore, #tpu.memory_space<semaphore_mem>>)
      %dma_wait3A_182 = arith.constant 0 : i32
      %dma_wait3A_183 = tpu.memref_slice %arg5[%add3A, %dma_wait3A_182] : memref<32x512xi32, #tpu.memory_space<hbm>> -> memref<1x512xi32, #tpu.memory_space<hbm>>
      %dma_wait3A_184 = tpu.memref_squeeze %dma_wait3A_183 : memref<1x512xi32, #tpu.memory_space<hbm>> -> memref<512xi32, #tpu.memory_space<hbm>>
      %dma_wait3A_185 = arith.constant 0 : i32
      %dma_wait3A_186 = tpu.memref_slice %arg5[%add3A, %dma_wait3A_185] : memref<32x512xi32, #tpu.memory_space<hbm>> -> memref<1x512xi32, #tpu.memory_space<hbm>>
      %dma_wait3A_187 = tpu.memref_squeeze %dma_wait3A_186 : memref<1x512xi32, #tpu.memory_space<hbm>> -> memref<512xi32, #tpu.memory_space<hbm>>
      tpu.wait_dma2 semaphore(%run_scoped3A : memref<!tpu.dma_semaphore, #tpu.memory_space<semaphore_mem>>) src(%dma_wait3A_187 : memref<512xi32, #tpu.memory_space<hbm>>) dst(%arg26 : memref<512xi32, #tpu.memory_space<vmem>>)
      tpu.yield
    }) : () -> ()
    "tpu.region"() ({
      %run_scoped3A = tpu.sem_alloc : memref<!tpu.dma_semaphore, #tpu.memory_space<semaphore_mem>>
      %dma_start3A_176 = arith.constant 0 : i32
      %dma_start3A_177 = tpu.memref_slice %arg6[%add3A, %dma_start3A_176] : memref<32x512xi32, #tpu.memory_space<hbm>> -> memref<1x512xi32, #tpu.memory_space<hbm>>
      %dma_start3A_178 = tpu.memref_squeeze %dma_start3A_177 : memref<1x512xi32, #tpu.memory_space<hbm>> -> memref<512xi32, #tpu.memory_space<hbm>>
      %dma_start3A_179 = arith.constant 0 : i32
      %dma_start3A_180 = tpu.memref_slice %arg6[%add3A, %dma_start3A_179] : memref<32x512xi32, #tpu.memory_space<hbm>> -> memref<1x512xi32, #tpu.memory_space<hbm>>
      %dma_start3A_181 = tpu.memref_squeeze %dma_start3A_180 : memref<1x512xi32, #tpu.memory_space<hbm>> -> memref<512xi32, #tpu.memory_space<hbm>>
      tpu.enqueue_dma source(%dma_start3A_181 : memref<512xi32, #tpu.memory_space<hbm>>) target(%arg27 : memref<512xi32, #tpu.memory_space<vmem>>) target_semaphore(%run_scoped3A : memref<!tpu.dma_semaphore, #tpu.memory_space<semaphore_mem>>)
      %dma_wait3A_182 = arith.constant 0 : i32
      %dma_wait3A_183 = tpu.memref_slice %arg6[%add3A, %dma_wait3A_182] : memref<32x512xi32, #tpu.memory_space<hbm>> -> memref<1x512xi32, #tpu.memory_space<hbm>>
      %dma_wait3A_184 = tpu.memref_squeeze %dma_wait3A_183 : memref<1x512xi32, #tpu.memory_space<hbm>> -> memref<512xi32, #tpu.memory_space<hbm>>
      %dma_wait3A_185 = arith.constant 0 : i32
      %dma_wait3A_186 = tpu.memref_slice %arg6[%add3A, %dma_wait3A_185] : memref<32x512xi32, #tpu.memory_space<hbm>> -> memref<1x512xi32, #tpu.memory_space<hbm>>
      %dma_wait3A_187 = tpu.memref_squeeze %dma_wait3A_186 : memref<1x512xi32, #tpu.memory_space<hbm>> -> memref<512xi32, #tpu.memory_space<hbm>>
      tpu.wait_dma2 semaphore(%run_scoped3A : memref<!tpu.dma_semaphore, #tpu.memory_space<semaphore_mem>>) src(%dma_wait3A_187 : memref<512xi32, #tpu.memory_space<hbm>>) dst(%arg27 : memref<512xi32, #tpu.memory_space<vmem>>)
      tpu.yield
    }) : () -> ()
    "tpu.region"() ({
      %run_scoped3A = tpu.sem_alloc : memref<!tpu.dma_semaphore, #tpu.memory_space<semaphore_mem>>
      %dma_start3A_176 = arith.constant 0 : i32
      %dma_start3A_177 = tpu.memref_slice %arg7[%add3A, %dma_start3A_176] : memref<32x512xf32, #tpu.memory_space<hbm>> -> memref<1x512xf32, #tpu.memory_space<hbm>>
      %dma_start3A_178 = tpu.memref_squeeze %dma_start3A_177 : memref<1x512xf32, #tpu.memory_space<hbm>> -> memref<512xf32, #tpu.memory_space<hbm>>
      %dma_start3A_179 = arith.constant 0 : i32
      %dma_start3A_180 = tpu.memref_slice %arg7[%add3A, %dma_start3A_179] : memref<32x512xf32, #tpu.memory_space<hbm>> -> memref<1x512xf32, #tpu.memory_space<hbm>>
      %dma_start3A_181 = tpu.memref_squeeze %dma_start3A_180 : memref<1x512xf32, #tpu.memory_space<hbm>> -> memref<512xf32, #tpu.memory_space<hbm>>
      tpu.enqueue_dma source(%dma_start3A_181 : memref<512xf32, #tpu.memory_space<hbm>>) target(%arg28 : memref<512xf32, #tpu.memory_space<vmem>>) target_semaphore(%run_scoped3A : memref<!tpu.dma_semaphore, #tpu.memory_space<semaphore_mem>>)
      %dma_wait3A_182 = arith.constant 0 : i32
      %dma_wait3A_183 = tpu.memref_slice %arg7[%add3A, %dma_wait3A_182] : memref<32x512xf32, #tpu.memory_space<hbm>> -> memref<1x512xf32, #tpu.memory_space<hbm>>
      %dma_wait3A_184 = tpu.memref_squeeze %dma_wait3A_183 : memref<1x512xf32, #tpu.memory_space<hbm>> -> memref<512xf32, #tpu.memory_space<hbm>>
      %dma_wait3A_185 = arith.constant 0 : i32
      %dma_wait3A_186 = tpu.memref_slice %arg7[%add3A, %dma_wait3A_185] : memref<32x512xf32, #tpu.memory_space<hbm>> -> memref<1x512xf32, #tpu.memory_space<hbm>>
      %dma_wait3A_187 = tpu.memref_squeeze %dma_wait3A_186 : memref<1x512xf32, #tpu.memory_space<hbm>> -> memref<512xf32, #tpu.memory_space<hbm>>
      tpu.wait_dma2 semaphore(%run_scoped3A : memref<!tpu.dma_semaphore, #tpu.memory_space<semaphore_mem>>) src(%dma_wait3A_187 : memref<512xf32, #tpu.memory_space<hbm>>) dst(%arg28 : memref<512xf32, #tpu.memory_space<vmem>>)
      tpu.yield
    }) : () -> ()
    "tpu.region"() ({
      %run_scoped3A = tpu.sem_alloc : memref<!tpu.dma_semaphore, #tpu.memory_space<semaphore_mem>>
      tpu.enqueue_dma source(%arg13 : memref<128xf32, #tpu.memory_space<hbm>>) target(%arg29 : memref<128xf32, #tpu.memory_space<vmem>>) target_semaphore(%run_scoped3A : memref<!tpu.dma_semaphore, #tpu.memory_space<semaphore_mem>>)
      tpu.wait_dma2 semaphore(%run_scoped3A : memref<!tpu.dma_semaphore, #tpu.memory_space<semaphore_mem>>) src(%arg13 : memref<128xf32, #tpu.memory_space<hbm>>) dst(%arg29 : memref<128xf32, #tpu.memory_space<vmem>>)
      tpu.yield
    }) : () -> ()
    %scan3A = arith.constant 0 : i32
    %scan3A_40 = arith.constant 0 : i32
    %scan3A_41 = arith.constant 32 : i32
    %scan3A_42 = arith.addi %scan3A_40, %scan3A_41 : i32
    %scan3A_43 = arith.constant 1 : i32
    scf.for %scan3A_176 = %scan3A_40 to %scan3A_42 step %scan3A_43  : i32 {
      %mul3A_177 = arith.constant 16 : i32
      %mul3A_178 = arith.muli %scan3A_176, %mul3A_177 : i32
      %get3A = arith.index_cast %mul3A_178 : i32 to index
      %get3A_179 = tpu.vector_load %arg31[%get3A] {strides = array<i32>} : memref<512xi32, #tpu.memory_space<vmem>>, vector<16xi32>,
      %add3A_180 = arith.constant 0 : i32
      %add3A_181 = vector.broadcast %add3A_180 : i32 to vector<16xi32>
      %add3A_182 = arith.addi %get3A_179, %add3A_181 : vector<16xi32>
      %gather3A = tpu.vector_load_idx %arg23[%add3A_182] : memref<10240xi32, #tpu.memory_space<vmem>>[vector<16xi32>], vector<16xi32>,
      %add3A_183 = arith.constant 1 : i32
      %add3A_184 = vector.broadcast %add3A_183 : i32 to vector<16xi32>
      %add3A_185 = arith.addi %get3A_179, %add3A_184 : vector<16xi32>
      %gather3A_186 = tpu.vector_load_idx %arg23[%add3A_185] : memref<10240xi32, #tpu.memory_space<vmem>>[vector<16xi32>], vector<16xi32>,
      %add3A_187 = arith.constant 2 : i32
      %add3A_188 = vector.broadcast %add3A_187 : i32 to vector<16xi32>
      %add3A_189 = arith.addi %get3A_179, %add3A_188 : vector<16xi32>
      %gather3A_190 = tpu.vector_load_idx %arg23[%add3A_189] : memref<10240xi32, #tpu.memory_space<vmem>>[vector<16xi32>], vector<16xi32>,
      %add3A_191 = arith.constant 3 : i32
      %add3A_192 = vector.broadcast %add3A_191 : i32 to vector<16xi32>
      %add3A_193 = arith.addi %get3A_179, %add3A_192 : vector<16xi32>
      %gather3A_194 = tpu.vector_load_idx %arg23[%add3A_193] : memref<10240xi32, #tpu.memory_space<vmem>>[vector<16xi32>], vector<16xi32>,
      %add3A_195 = arith.constant 4 : i32
      %add3A_196 = vector.broadcast %add3A_195 : i32 to vector<16xi32>
      %add3A_197 = arith.addi %get3A_179, %add3A_196 : vector<16xi32>
      %gather3A_198 = tpu.vector_load_idx %arg23[%add3A_197] : memref<10240xi32, #tpu.memory_space<vmem>>[vector<16xi32>], vector<16xi32>,
      %add3A_199 = arith.constant 5 : i32
      %add3A_200 = vector.broadcast %add3A_199 : i32 to vector<16xi32>
      %add3A_201 = arith.addi %get3A_179, %add3A_200 : vector<16xi32>
      %gather3A_202 = tpu.vector_load_idx %arg23[%add3A_201] : memref<10240xi32, #tpu.memory_space<vmem>>[vector<16xi32>], vector<16xi32>,
      %add3A_203 = arith.constant 6 : i32
      %add3A_204 = vector.broadcast %add3A_203 : i32 to vector<16xi32>
      %add3A_205 = arith.addi %get3A_179, %add3A_204 : vector<16xi32>
      %gather3A_206 = tpu.vector_load_idx %arg23[%add3A_205] : memref<10240xi32, #tpu.memory_space<vmem>>[vector<16xi32>], vector<16xi32>,
      %add3A_207 = arith.constant 7 : i32
      %add3A_208 = vector.broadcast %add3A_207 : i32 to vector<16xi32>
      %add3A_209 = arith.addi %get3A_179, %add3A_208 : vector<16xi32>
      %gather3A_210 = tpu.vector_load_idx %arg23[%add3A_209] : memref<10240xi32, #tpu.memory_space<vmem>>[vector<16xi32>], vector<16xi32>,
      %add3A_211 = arith.constant 8 : i32
      %add3A_212 = vector.broadcast %add3A_211 : i32 to vector<16xi32>
      %add3A_213 = arith.addi %get3A_179, %add3A_212 : vector<16xi32>
      %gather3A_214 = tpu.vector_load_idx %arg23[%add3A_213] : memref<10240xi32, #tpu.memory_space<vmem>>[vector<16xi32>], vector<16xi32>,
      %add3A_215 = arith.constant 9 : i32
      %add3A_216 = vector.broadcast %add3A_215 : i32 to vector<16xi32>
      %add3A_217 = arith.addi %get3A_179, %add3A_216 : vector<16xi32>
      %gather3A_218 = tpu.vector_load_idx %arg23[%add3A_217] : memref<10240xi32, #tpu.memory_space<vmem>>[vector<16xi32>], vector<16xi32>,
      %add3A_219 = arith.constant 10 : i32
      %add3A_220 = vector.broadcast %add3A_219 : i32 to vector<16xi32>
      %add3A_221 = arith.addi %get3A_179, %add3A_220 : vector<16xi32>
      %gather3A_222 = tpu.vector_load_idx %arg23[%add3A_221] : memref<10240xi32, #tpu.memory_space<vmem>>[vector<16xi32>], vector<16xi32>,
      %add3A_223 = arith.constant 11 : i32
      %add3A_224 = vector.broadcast %add3A_223 : i32 to vector<16xi32>
      %add3A_225 = arith.addi %get3A_179, %add3A_224 : vector<16xi32>
      %gather3A_226 = tpu.vector_load_idx %arg23[%add3A_225] : memref<10240xi32, #tpu.memory_space<vmem>>[vector<16xi32>], vector<16xi32>,
      %add3A_227 = arith.constant 12 : i32
      %add3A_228 = vector.broadcast %add3A_227 : i32 to vector<16xi32>
      %add3A_229 = arith.addi %get3A_179, %add3A_228 : vector<16xi32>
      %gather3A_230 = tpu.vector_load_idx %arg23[%add3A_229] : memref<10240xi32, #tpu.memory_space<vmem>>[vector<16xi32>], vector<16xi32>,
      %add3A_231 = arith.constant 13 : i32
      %add3A_232 = vector.broadcast %add3A_231 : i32 to vector<16xi32>
      %add3A_233 = arith.addi %get3A_179, %add3A_232 : vector<16xi32>
      %gather3A_234 = tpu.vector_load_idx %arg23[%add3A_233] : memref<10240xi32, #tpu.memory_space<vmem>>[vector<16xi32>], vector<16xi32>,
      %add3A_235 = arith.constant 14 : i32
      %add3A_236 = vector.broadcast %add3A_235 : i32 to vector<16xi32>
      %add3A_237 = arith.addi %get3A_179, %add3A_236 : vector<16xi32>
      %gather3A_238 = tpu.vector_load_idx %arg23[%add3A_237] : memref<10240xi32, #tpu.memory_space<vmem>>[vector<16xi32>], vector<16xi32>,
      %add3A_239 = arith.constant 15 : i32
      %add3A_240 = vector.broadcast %add3A_239 : i32 to vector<16xi32>
      %add3A_241 = arith.addi %get3A_179, %add3A_240 : vector<16xi32>
      %gather3A_242 = tpu.vector_load_idx %arg23[%add3A_241] : memref<10240xi32, #tpu.memory_space<vmem>>[vector<16xi32>], vector<16xi32>,
      %add3A_243 = arith.constant 16 : i32
      %add3A_244 = vector.broadcast %add3A_243 : i32 to vector<16xi32>
      %add3A_245 = arith.addi %get3A_179, %add3A_244 : vector<16xi32>
      %gather3A_246 = tpu.vector_load_idx %arg23[%add3A_245] : memref<10240xi32, #tpu.memory_space<vmem>>[vector<16xi32>], vector<16xi32>,
      %add3A_247 = arith.constant 17 : i32
      %add3A_248 = vector.broadcast %add3A_247 : i32 to vector<16xi32>
      %add3A_249 = arith.addi %get3A_179, %add3A_248 : vector<16xi32>
      %gather3A_250 = tpu.vector_load_idx %arg23[%add3A_249] : memref<10240xi32, #tpu.memory_space<vmem>>[vector<16xi32>], vector<16xi32>,
      %add3A_251 = arith.constant 18 : i32
      %add3A_252 = vector.broadcast %add3A_251 : i32 to vector<16xi32>
      %add3A_253 = arith.addi %get3A_179, %add3A_252 : vector<16xi32>
      %gather3A_254 = tpu.vector_load_idx %arg23[%add3A_253] : memref<10240xi32, #tpu.memory_space<vmem>>[vector<16xi32>], vector<16xi32>,
      %add3A_255 = arith.constant 19 : i32
      %add3A_256 = vector.broadcast %add3A_255 : i32 to vector<16xi32>
      %add3A_257 = arith.addi %get3A_179, %add3A_256 : vector<16xi32>
      %gather3A_258 = tpu.vector_load_idx %arg23[%add3A_257] : memref<10240xi32, #tpu.memory_space<vmem>>[vector<16xi32>], vector<16xi32>,
      %add3A_259 = arith.constant 0 : i32
      %add3A_260 = vector.broadcast %add3A_259 : i32 to vector<16xi32>
      %add3A_261 = arith.addi %gather3A, %add3A_260 : vector<16xi32>
      %gather3A_262 = tpu.vector_load_idx %arg22[%add3A_261] : memref<16000xf32, #tpu.memory_space<vmem>>[vector<16xi32>], vector<16xf32>,
      %add3A_263 = arith.constant 0 : i32
      %add3A_264 = vector.broadcast %add3A_263 : i32 to vector<16xi32>
      %add3A_265 = arith.addi %gather3A_186, %add3A_264 : vector<16xi32>
      %gather3A_266 = tpu.vector_load_idx %arg22[%add3A_265] : memref<16000xf32, #tpu.memory_space<vmem>>[vector<16xi32>], vector<16xf32>,
      %add3A_267 = arith.addf %gather3A_262, %gather3A_266 : vector<16xf32>
      %add3A_268 = arith.constant 0 : i32
      %add3A_269 = vector.broadcast %add3A_268 : i32 to vector<16xi32>
      %add3A_270 = arith.addi %gather3A_190, %add3A_269 : vector<16xi32>
      %gather3A_271 = tpu.vector_load_idx %arg22[%add3A_270] : memref<16000xf32, #tpu.memory_space<vmem>>[vector<16xi32>], vector<16xf32>,
      %add3A_272 = arith.addf %add3A_267, %gather3A_271 : vector<16xf32>
      %add3A_273 = arith.constant 0 : i32
      %add3A_274 = vector.broadcast %add3A_273 : i32 to vector<16xi32>
      %add3A_275 = arith.addi %gather3A_194, %add3A_274 : vector<16xi32>
      %gather3A_276 = tpu.vector_load_idx %arg22[%add3A_275] : memref<16000xf32, #tpu.memory_space<vmem>>[vector<16xi32>], vector<16xf32>,
      %add3A_277 = arith.addf %add3A_272, %gather3A_276 : vector<16xf32>
      %add3A_278 = arith.constant 0 : i32
      %add3A_279 = vector.broadcast %add3A_278 : i32 to vector<16xi32>
      %add3A_280 = arith.addi %gather3A_198, %add3A_279 : vector<16xi32>
      %gather3A_281 = tpu.vector_load_idx %arg22[%add3A_280] : memref<16000xf32, #tpu.memory_space<vmem>>[vector<16xi32>], vector<16xf32>,
      %add3A_282 = arith.addf %add3A_277, %gather3A_281 : vector<16xf32>
      %add3A_283 = arith.constant 0 : i32
      %add3A_284 = vector.broadcast %add3A_283 : i32 to vector<16xi32>
      %add3A_285 = arith.addi %gather3A_202, %add3A_284 : vector<16xi32>
      %gather3A_286 = tpu.vector_load_idx %arg22[%add3A_285] : memref<16000xf32, #tpu.memory_space<vmem>>[vector<16xi32>], vector<16xf32>,
      %add3A_287 = arith.addf %add3A_282, %gather3A_286 : vector<16xf32>
      %add3A_288 = arith.constant 0 : i32
      %add3A_289 = vector.broadcast %add3A_288 : i32 to vector<16xi32>
      %add3A_290 = arith.addi %gather3A_206, %add3A_289 : vector<16xi32>
      %gather3A_291 = tpu.vector_load_idx %arg22[%add3A_290] : memref<16000xf32, #tpu.memory_space<vmem>>[vector<16xi32>], vector<16xf32>,
      %add3A_292 = arith.addf %add3A_287, %gather3A_291 : vector<16xf32>
      %add3A_293 = arith.constant 0 : i32
      %add3A_294 = vector.broadcast %add3A_293 : i32 to vector<16xi32>
      %add3A_295 = arith.addi %gather3A_210, %add3A_294 : vector<16xi32>
      %gather3A_296 = tpu.vector_load_idx %arg22[%add3A_295] : memref<16000xf32, #tpu.memory_space<vmem>>[vector<16xi32>], vector<16xf32>,
      %add3A_297 = arith.addf %add3A_292, %gather3A_296 : vector<16xf32>
      %add3A_298 = arith.constant 0 : i32
      %add3A_299 = vector.broadcast %add3A_298 : i32 to vector<16xi32>
      %add3A_300 = arith.addi %gather3A_214, %add3A_299 : vector<16xi32>
      %gather3A_301 = tpu.vector_load_idx %arg22[%add3A_300] : memref<16000xf32, #tpu.memory_space<vmem>>[vector<16xi32>], vector<16xf32>,
      %add3A_302 = arith.addf %add3A_297, %gather3A_301 : vector<16xf32>
      %add3A_303 = arith.constant 0 : i32
      %add3A_304 = vector.broadcast %add3A_303 : i32 to vector<16xi32>
      %add3A_305 = arith.addi %gather3A_218, %add3A_304 : vector<16xi32>
      %gather3A_306 = tpu.vector_load_idx %arg22[%add3A_305] : memref<16000xf32, #tpu.memory_space<vmem>>[vector<16xi32>], vector<16xf32>,
      %add3A_307 = arith.addf %add3A_302, %gather3A_306 : vector<16xf32>
      %add3A_308 = arith.constant 0 : i32
      %add3A_309 = vector.broadcast %add3A_308 : i32 to vector<16xi32>
      %add3A_310 = arith.addi %gather3A_222, %add3A_309 : vector<16xi32>
      %gather3A_311 = tpu.vector_load_idx %arg22[%add3A_310] : memref<16000xf32, #tpu.memory_space<vmem>>[vector<16xi32>], vector<16xf32>,
      %add3A_312 = arith.addf %add3A_307, %gather3A_311 : vector<16xf32>
      %add3A_313 = arith.constant 0 : i32
      %add3A_314 = vector.broadcast %add3A_313 : i32 to vector<16xi32>
      %add3A_315 = arith.addi %gather3A_226, %add3A_314 : vector<16xi32>
      %gather3A_316 = tpu.vector_load_idx %arg22[%add3A_315] : memref<16000xf32, #tpu.memory_space<vmem>>[vector<16xi32>], vector<16xf32>,
      %add3A_317 = arith.addf %add3A_312, %gather3A_316 : vector<16xf32>
      %add3A_318 = arith.constant 0 : i32
      %add3A_319 = vector.broadcast %add3A_318 : i32 to vector<16xi32>
      %add3A_320 = arith.addi %gather3A_230, %add3A_319 : vector<16xi32>
      %gather3A_321 = tpu.vector_load_idx %arg22[%add3A_320] : memref<16000xf32, #tpu.memory_space<vmem>>[vector<16xi32>], vector<16xf32>,
      %add3A_322 = arith.addf %add3A_317, %gather3A_321 : vector<16xf32>
      %add3A_323 = arith.constant 0 : i32
      %add3A_324 = vector.broadcast %add3A_323 : i32 to vector<16xi32>
      %add3A_325 = arith.addi %gather3A_234, %add3A_324 : vector<16xi32>
      %gather3A_326 = tpu.vector_load_idx %arg22[%add3A_325] : memref<16000xf32, #tpu.memory_space<vmem>>[vector<16xi32>], vector<16xf32>,
      %add3A_327 = arith.addf %add3A_322, %gather3A_326 : vector<16xf32>
      %add3A_328 = arith.constant 0 : i32
      %add3A_329 = vector.broadcast %add3A_328 : i32 to vector<16xi32>
      %add3A_330 = arith.addi %gather3A_238, %add3A_329 : vector<16xi32>
      %gather3A_331 = tpu.vector_load_idx %arg22[%add3A_330] : memref<16000xf32, #tpu.memory_space<vmem>>[vector<16xi32>], vector<16xf32>,
      %add3A_332 = arith.addf %add3A_327, %gather3A_331 : vector<16xf32>
      %add3A_333 = arith.constant 0 : i32
      %add3A_334 = vector.broadcast %add3A_333 : i32 to vector<16xi32>
      %add3A_335 = arith.addi %gather3A_242, %add3A_334 : vector<16xi32>
      %gather3A_336 = tpu.vector_load_idx %arg22[%add3A_335] : memref<16000xf32, #tpu.memory_space<vmem>>[vector<16xi32>], vector<16xf32>,
      %add3A_337 = arith.addf %add3A_332, %gather3A_336 : vector<16xf32>
      %add3A_338 = arith.constant 0 : i32
      %add3A_339 = vector.broadcast %add3A_338 : i32 to vector<16xi32>
      %add3A_340 = arith.addi %gather3A_246, %add3A_339 : vector<16xi32>
      %gather3A_341 = tpu.vector_load_idx %arg22[%add3A_340] : memref<16000xf32, #tpu.memory_space<vmem>>[vector<16xi32>], vector<16xf32>,
      %add3A_342 = arith.addf %add3A_337, %gather3A_341 : vector<16xf32>
      %add3A_343 = arith.constant 0 : i32
      %add3A_344 = vector.broadcast %add3A_343 : i32 to vector<16xi32>
      %add3A_345 = arith.addi %gather3A_250, %add3A_344 : vector<16xi32>
      %gather3A_346 = tpu.vector_load_idx %arg22[%add3A_345] : memref<16000xf32, #tpu.memory_space<vmem>>[vector<16xi32>], vector<16xf32>,
      %add3A_347 = arith.addf %add3A_342, %gather3A_346 : vector<16xf32>
      %add3A_348 = arith.constant 0 : i32
      %add3A_349 = vector.broadcast %add3A_348 : i32 to vector<16xi32>
      %add3A_350 = arith.addi %gather3A_254, %add3A_349 : vector<16xi32>
      %gather3A_351 = tpu.vector_load_idx %arg22[%add3A_350] : memref<16000xf32, #tpu.memory_space<vmem>>[vector<16xi32>], vector<16xf32>,
      %add3A_352 = arith.addf %add3A_347, %gather3A_351 : vector<16xf32>
      %add3A_353 = arith.constant 0 : i32
      %add3A_354 = vector.broadcast %add3A_353 : i32 to vector<16xi32>
      %add3A_355 = arith.addi %gather3A_258, %add3A_354 : vector<16xi32>
      %gather3A_356 = tpu.vector_load_idx %arg22[%add3A_355] : memref<16000xf32, #tpu.memory_space<vmem>>[vector<16xi32>], vector<16xf32>,
      %add3A_357 = arith.addf %add3A_352, %gather3A_356 : vector<16xf32>
      %swap3A = arith.constant 0 : i32
      %swap3A_358 = arith.index_cast %swap3A : i32 to index
      %swap3A_359 = arith.index_cast %mul3A_178 : i32 to index
      %swap3A_360 = tpu.vector_load %arg24[%swap3A_358, %swap3A_359] {strides = array<i32>} : memref<16x512xf32, #tpu.memory_space<vmem>>, vector<16xf32>,
      tpu.vector_store %arg24[%swap3A_358, %swap3A_359], %add3A_357 {strides = array<i32>} : memref<16x512xf32, #tpu.memory_space<vmem>>, vector<16xf32>,
      %add3A_361 = arith.constant 1 : i32
      %add3A_362 = vector.broadcast %add3A_361 : i32 to vector<16xi32>
      %add3A_363 = arith.addi %gather3A, %add3A_362 : vector<16xi32>
      %gather3A_364 = tpu.vector_load_idx %arg22[%add3A_363] : memref<16000xf32, #tpu.memory_space<vmem>>[vector<16xi32>], vector<16xf32>,
      %add3A_365 = arith.constant 1 : i32
      %add3A_366 = vector.broadcast %add3A_365 : i32 to vector<16xi32>
      %add3A_367 = arith.addi %gather3A_186, %add3A_366 : vector<16xi32>
      %gather3A_368 = tpu.vector_load_idx %arg22[%add3A_367] : memref<16000xf32, #tpu.memory_space<vmem>>[vector<16xi32>], vector<16xf32>,
      %add3A_369 = arith.addf %gather3A_364, %gather3A_368 : vector<16xf32>
      %add3A_370 = arith.constant 1 : i32
      %add3A_371 = vector.broadcast %add3A_370 : i32 to vector<16xi32>
      %add3A_372 = arith.addi %gather3A_190, %add3A_371 : vector<16xi32>
      %gather3A_373 = tpu.vector_load_idx %arg22[%add3A_372] : memref<16000xf32, #tpu.memory_space<vmem>>[vector<16xi32>], vector<16xf32>,
      %add3A_374 = arith.addf %add3A_369, %gather3A_373 : vector<16xf32>
      %add3A_375 = arith.constant 1 : i32
      %add3A_376 = vector.broadcast %add3A_375 : i32 to vector<16xi32>
      %add3A_377 = arith.addi %gather3A_194, %add3A_376 : vector<16xi32>
      %gather3A_378 = tpu.vector_load_idx %arg22[%add3A_377] : memref<16000xf32, #tpu.memory_space<vmem>>[vector<16xi32>], vector<16xf32>,
      %add3A_379 = arith.addf %add3A_374, %gather3A_378 : vector<16xf32>
      %add3A_380 = arith.constant 1 : i32
      %add3A_381 = vector.broadcast %add3A_380 : i32 to vector<16xi32>
      %add3A_382 = arith.addi %gather3A_198, %add3A_381 : vector<16xi32>
      %gather3A_383 = tpu.vector_load_idx %arg22[%add3A_382] : memref<16000xf32, #tpu.memory_space<vmem>>[vector<16xi32>], vector<16xf32>,
      %add3A_384 = arith.addf %add3A_379, %gather3A_383 : vector<16xf32>
      %add3A_385 = arith.constant 1 : i32
      %add3A_386 = vector.broadcast %add3A_385 : i32 to vector<16xi32>
      %add3A_387 = arith.addi %gather3A_202, %add3A_386 : vector<16xi32>
      %gather3A_388 = tpu.vector_load_idx %arg22[%add3A_387] : memref<16000xf32, #tpu.memory_space<vmem>>[vector<16xi32>], vector<16xf32>,
      %add3A_389 = arith.addf %add3A_384, %gather3A_388 : vector<16xf32>
      %add3A_390 = arith.constant 1 : i32
      %add3A_391 = vector.broadcast %add3A_390 : i32 to vector<16xi32>
      %add3A_392 = arith.addi %gather3A_206, %add3A_391 : vector<16xi32>
      %gather3A_393 = tpu.vector_load_idx %arg22[%add3A_392] : memref<16000xf32, #tpu.memory_space<vmem>>[vector<16xi32>], vector<16xf32>,
      %add3A_394 = arith.addf %add3A_389, %gather3A_393 : vector<16xf32>
      %add3A_395 = arith.constant 1 : i32
      %add3A_396 = vector.broadcast %add3A_395 : i32 to vector<16xi32>
      %add3A_397 = arith.addi %gather3A_210, %add3A_396 : vector<16xi32>
      %gather3A_398 = tpu.vector_load_idx %arg22[%add3A_397] : memref<16000xf32, #tpu.memory_space<vmem>>[vector<16xi32>], vector<16xf32>,
      %add3A_399 = arith.addf %add3A_394, %gather3A_398 : vector<16xf32>
      %add3A_400 = arith.constant 1 : i32
      %add3A_401 = vector.broadcast %add3A_400 : i32 to vector<16xi32>
      %add3A_402 = arith.addi %gather3A_214, %add3A_401 : vector<16xi32>
      %gather3A_403 = tpu.vector_load_idx %arg22[%add3A_402] : memref<16000xf32, #tpu.memory_space<vmem>>[vector<16xi32>], vector<16xf32>,
      %add3A_404 = arith.addf %add3A_399, %gather3A_403 : vector<16xf32>
      %add3A_405 = arith.constant 1 : i32
      %add3A_406 = vector.broadcast %add3A_405 : i32 to vector<16xi32>
      %add3A_407 = arith.addi %gather3A_218, %add3A_406 : vector<16xi32>
      %gather3A_408 = tpu.vector_load_idx %arg22[%add3A_407] : memref<16000xf32, #tpu.memory_space<vmem>>[vector<16xi32>], vector<16xf32>,
      %add3A_409 = arith.addf %add3A_404, %gather3A_408 : vector<16xf32>
      %add3A_410 = arith.constant 1 : i32
      %add3A_411 = vector.broadcast %add3A_410 : i32 to vector<16xi32>
      %add3A_412 = arith.addi %gather3A_222, %add3A_411 : vector<16xi32>
      %gather3A_413 = tpu.vector_load_idx %arg22[%add3A_412] : memref<16000xf32, #tpu.memory_space<vmem>>[vector<16xi32>], vector<16xf32>,
      %add3A_414 = arith.addf %add3A_409, %gather3A_413 : vector<16xf32>
      %add3A_415 = arith.constant 1 : i32
      %add3A_416 = vector.broadcast %add3A_415 : i32 to vector<16xi32>
      %add3A_417 = arith.addi %gather3A_226, %add3A_416 : vector<16xi32>
      %gather3A_418 = tpu.vector_load_idx %arg22[%add3A_417] : memref<16000xf32, #tpu.memory_space<vmem>>[vector<16xi32>], vector<16xf32>,
      %add3A_419 = arith.addf %add3A_414, %gather3A_418 : vector<16xf32>
      %add3A_420 = arith.constant 1 : i32
      %add3A_421 = vector.broadcast %add3A_420 : i32 to vector<16xi32>
      %add3A_422 = arith.addi %gather3A_230, %add3A_421 : vector<16xi32>
      %gather3A_423 = tpu.vector_load_idx %arg22[%add3A_422] : memref<16000xf32, #tpu.memory_space<vmem>>[vector<16xi32>], vector<16xf32>,
      %add3A_424 = arith.addf %add3A_419, %gather3A_423 : vector<16xf32>
      %add3A_425 = arith.constant 1 : i32
      %add3A_426 = vector.broadcast %add3A_425 : i32 to vector<16xi32>
      %add3A_427 = arith.addi %gather3A_234, %add3A_426 : vector<16xi32>
      %gather3A_428 = tpu.vector_load_idx %arg22[%add3A_427] : memref<16000xf32, #tpu.memory_space<vmem>>[vector<16xi32>], vector<16xf32>,
      %add3A_429 = arith.addf %add3A_424, %gather3A_428 : vector<16xf32>
      %add3A_430 = arith.constant 1 : i32
      %add3A_431 = vector.broadcast %add3A_430 : i32 to vector<16xi32>
      %add3A_432 = arith.addi %gather3A_238, %add3A_431 : vector<16xi32>
      %gather3A_433 = tpu.vector_load_idx %arg22[%add3A_432] : memref<16000xf32, #tpu.memory_space<vmem>>[vector<16xi32>], vector<16xf32>,
      %add3A_434 = arith.addf %add3A_429, %gather3A_433 : vector<16xf32>
      %add3A_435 = arith.constant 1 : i32
      %add3A_436 = vector.broadcast %add3A_435 : i32 to vector<16xi32>
      %add3A_437 = arith.addi %gather3A_242, %add3A_436 : vector<16xi32>
      %gather3A_438 = tpu.vector_load_idx %arg22[%add3A_437] : memref<16000xf32, #tpu.memory_space<vmem>>[vector<16xi32>], vector<16xf32>,
      %add3A_439 = arith.addf %add3A_434, %gather3A_438 : vector<16xf32>
      %add3A_440 = arith.constant 1 : i32
      %add3A_441 = vector.broadcast %add3A_440 : i32 to vector<16xi32>
      %add3A_442 = arith.addi %gather3A_246, %add3A_441 : vector<16xi32>
      %gather3A_443 = tpu.vector_load_idx %arg22[%add3A_442] : memref<16000xf32, #tpu.memory_space<vmem>>[vector<16xi32>], vector<16xf32>,
      %add3A_444 = arith.addf %add3A_439, %gather3A_443 : vector<16xf32>
      %add3A_445 = arith.constant 1 : i32
      %add3A_446 = vector.broadcast %add3A_445 : i32 to vector<16xi32>
      %add3A_447 = arith.addi %gather3A_250, %add3A_446 : vector<16xi32>
      %gather3A_448 = tpu.vector_load_idx %arg22[%add3A_447] : memref<16000xf32, #tpu.memory_space<vmem>>[vector<16xi32>], vector<16xf32>,
      %add3A_449 = arith.addf %add3A_444, %gather3A_448 : vector<16xf32>
      %add3A_450 = arith.constant 1 : i32
      %add3A_451 = vector.broadcast %add3A_450 : i32 to vector<16xi32>
      %add3A_452 = arith.addi %gather3A_254, %add3A_451 : vector<16xi32>
      %gather3A_453 = tpu.vector_load_idx %arg22[%add3A_452] : memref<16000xf32, #tpu.memory_space<vmem>>[vector<16xi32>], vector<16xf32>,
      %add3A_454 = arith.addf %add3A_449, %gather3A_453 : vector<16xf32>
      %add3A_455 = arith.constant 1 : i32
      %add3A_456 = vector.broadcast %add3A_455 : i32 to vector<16xi32>
      %add3A_457 = arith.addi %gather3A_258, %add3A_456 : vector<16xi32>
      %gather3A_458 = tpu.vector_load_idx %arg22[%add3A_457] : memref<16000xf32, #tpu.memory_space<vmem>>[vector<16xi32>], vector<16xf32>,
      %add3A_459 = arith.addf %add3A_454, %gather3A_458 : vector<16xf32>
      %swap3A_460 = arith.constant 1 : i32
      %swap3A_461 = arith.index_cast %swap3A_460 : i32 to index
      %swap3A_462 = arith.index_cast %mul3A_178 : i32 to index
      %swap3A_463 = tpu.vector_load %arg24[%swap3A_461, %swap3A_462] {strides = array<i32>} : memref<16x512xf32, #tpu.memory_space<vmem>>, vector<16xf32>,
      tpu.vector_store %arg24[%swap3A_461, %swap3A_462], %add3A_459 {strides = array<i32>} : memref<16x512xf32, #tpu.memory_space<vmem>>, vector<16xf32>,
      %add3A_464 = arith.constant 2 : i32
      %add3A_465 = vector.broadcast %add3A_464 : i32 to vector<16xi32>
      %add3A_466 = arith.addi %gather3A, %add3A_465 : vector<16xi32>
      %gather3A_467 = tpu.vector_load_idx %arg22[%add3A_466] : memref<16000xf32, #tpu.memory_space<vmem>>[vector<16xi32>], vector<16xf32>,
      %add3A_468 = arith.constant 2 : i32
      %add3A_469 = vector.broadcast %add3A_468 : i32 to vector<16xi32>
      %add3A_470 = arith.addi %gather3A_186, %add3A_469 : vector<16xi32>
      %gather3A_471 = tpu.vector_load_idx %arg22[%add3A_470] : memref<16000xf32, #tpu.memory_space<vmem>>[vector<16xi32>], vector<16xf32>,
      %add3A_472 = arith.addf %gather3A_467, %gather3A_471 : vector<16xf32>
      %add3A_473 = arith.constant 2 : i32
      %add3A_474 = vector.broadcast %add3A_473 : i32 to vector<16xi32>
      %add3A_475 = arith.addi %gather3A_190, %add3A_474 : vector<16xi32>
      %gather3A_476 = tpu.vector_load_idx %arg22[%add3A_475] : memref<16000xf32, #tpu.memory_space<vmem>>[vector<16xi32>], vector<16xf32>,
      %add3A_477 = arith.addf %add3A_472, %gather3A_476 : vector<16xf32>
      %add3A_478 = arith.constant 2 : i32
      %add3A_479 = vector.broadcast %add3A_478 : i32 to vector<16xi32>
      %add3A_480 = arith.addi %gather3A_194, %add3A_479 : vector<16xi32>
      %gather3A_481 = tpu.vector_load_idx %arg22[%add3A_480] : memref<16000xf32, #tpu.memory_space<vmem>>[vector<16xi32>], vector<16xf32>,
      %add3A_482 = arith.addf %add3A_477, %gather3A_481 : vector<16xf32>
      %add3A_483 = arith.constant 2 : i32
      %add3A_484 = vector.broadcast %add3A_483 : i32 to vector<16xi32>
      %add3A_485 = arith.addi %gather3A_198, %add3A_484 : vector<16xi32>
      %gather3A_486 = tpu.vector_load_idx %arg22[%add3A_485] : memref<16000xf32, #tpu.memory_space<vmem>>[vector<16xi32>], vector<16xf32>,
      %add3A_487 = arith.addf %add3A_482, %gather3A_486 : vector<16xf32>
      %add3A_488 = arith.constant 2 : i32
      %add3A_489 = vector.broadcast %add3A_488 : i32 to vector<16xi32>
      %add3A_490 = arith.addi %gather3A_202, %add3A_489 : vector<16xi32>
      %gather3A_491 = tpu.vector_load_idx %arg22[%add3A_490] : memref<16000xf32, #tpu.memory_space<vmem>>[vector<16xi32>], vector<16xf32>,
      %add3A_492 = arith.addf %add3A_487, %gather3A_491 : vector<16xf32>
      %add3A_493 = arith.constant 2 : i32
      %add3A_494 = vector.broadcast %add3A_493 : i32 to vector<16xi32>
      %add3A_495 = arith.addi %gather3A_206, %add3A_494 : vector<16xi32>
      %gather3A_496 = tpu.vector_load_idx %arg22[%add3A_495] : memref<16000xf32, #tpu.memory_space<vmem>>[vector<16xi32>], vector<16xf32>,
      %add3A_497 = arith.addf %add3A_492, %gather3A_496 : vector<16xf32>
      %add3A_498 = arith.constant 2 : i32
      %add3A_499 = vector.broadcast %add3A_498 : i32 to vector<16xi32>
      %add3A_500 = arith.addi %gather3A_210, %add3A_499 : vector<16xi32>
      %gather3A_501 = tpu.vector_load_idx %arg22[%add3A_500] : memref<16000xf32, #tpu.memory_space<vmem>>[vector<16xi32>], vector<16xf32>,
      %add3A_502 = arith.addf %add3A_497, %gather3A_501 : vector<16xf32>
      %add3A_503 = arith.constant 2 : i32
      %add3A_504 = vector.broadcast %add3A_503 : i32 to vector<16xi32>
      %add3A_505 = arith.addi %gather3A_214, %add3A_504 : vector<16xi32>
      %gather3A_506 = tpu.vector_load_idx %arg22[%add3A_505] : memref<16000xf32, #tpu.memory_space<vmem>>[vector<16xi32>], vector<16xf32>,
      %add3A_507 = arith.addf %add3A_502, %gather3A_506 : vector<16xf32>
      %add3A_508 = arith.constant 2 : i32
      %add3A_509 = vector.broadcast %add3A_508 : i32 to vector<16xi32>
      %add3A_510 = arith.addi %gather3A_218, %add3A_509 : vector<16xi32>
      %gather3A_511 = tpu.vector_load_idx %arg22[%add3A_510] : memref<16000xf32, #tpu.memory_space<vmem>>[vector<16xi32>], vector<16xf32>,
      %add3A_512 = arith.addf %add3A_507, %gather3A_511 : vector<16xf32>
      %add3A_513 = arith.constant 2 : i32
      %add3A_514 = vector.broadcast %add3A_513 : i32 to vector<16xi32>
      %add3A_515 = arith.addi %gather3A_222, %add3A_514 : vector<16xi32>
      %gather3A_516 = tpu.vector_load_idx %arg22[%add3A_515] : memref<16000xf32, #tpu.memory_space<vmem>>[vector<16xi32>], vector<16xf32>,
      %add3A_517 = arith.addf %add3A_512, %gather3A_516 : vector<16xf32>
      %add3A_518 = arith.constant 2 : i32
      %add3A_519 = vector.broadcast %add3A_518 : i32 to vector<16xi32>
      %add3A_520 = arith.addi %gather3A_226, %add3A_519 : vector<16xi32>
      %gather3A_521 = tpu.vector_load_idx %arg22[%add3A_520] : memref<16000xf32, #tpu.memory_space<vmem>>[vector<16xi32>], vector<16xf32>,
      %add3A_522 = arith.addf %add3A_517, %gather3A_521 : vector<16xf32>
      %add3A_523 = arith.constant 2 : i32
      %add3A_524 = vector.broadcast %add3A_523 : i32 to vector<16xi32>
      %add3A_525 = arith.addi %gather3A_230, %add3A_524 : vector<16xi32>
      %gather3A_526 = tpu.vector_load_idx %arg22[%add3A_525] : memref<16000xf32, #tpu.memory_space<vmem>>[vector<16xi32>], vector<16xf32>,
      %add3A_527 = arith.addf %add3A_522, %gather3A_526 : vector<16xf32>
      %add3A_528 = arith.constant 2 : i32
      %add3A_529 = vector.broadcast %add3A_528 : i32 to vector<16xi32>
      %add3A_530 = arith.addi %gather3A_234, %add3A_529 : vector<16xi32>
      %gather3A_531 = tpu.vector_load_idx %arg22[%add3A_530] : memref<16000xf32, #tpu.memory_space<vmem>>[vector<16xi32>], vector<16xf32>,
      %add3A_532 = arith.addf %add3A_527, %gather3A_531 : vector<16xf32>
      %add3A_533 = arith.constant 2 : i32
      %add3A_534 = vector.broadcast %add3A_533 : i32 to vector<16xi32>
      %add3A_535 = arith.addi %gather3A_238, %add3A_534 : vector<16xi32>
      %gather3A_536 = tpu.vector_load_idx %arg22[%add3A_535] : memref<16000xf32, #tpu.memory_space<vmem>>[vector<16xi32>], vector<16xf32>,
      %add3A_537 = arith.addf %add3A_532, %gather3A_536 : vector<16xf32>
      %add3A_538 = arith.constant 2 : i32
      %add3A_539 = vector.broadcast %add3A_538 : i32 to vector<16xi32>
      %add3A_540 = arith.addi %gather3A_242, %add3A_539 : vector<16xi32>
      %gather3A_541 = tpu.vector_load_idx %arg22[%add3A_540] : memref<16000xf32, #tpu.memory_space<vmem>>[vector<16xi32>], vector<16xf32>,
      %add3A_542 = arith.addf %add3A_537, %gather3A_541 : vector<16xf32>
      %add3A_543 = arith.constant 2 : i32
      %add3A_544 = vector.broadcast %add3A_543 : i32 to vector<16xi32>
      %add3A_545 = arith.addi %gather3A_246, %add3A_544 : vector<16xi32>
      %gather3A_546 = tpu.vector_load_idx %arg22[%add3A_545] : memref<16000xf32, #tpu.memory_space<vmem>>[vector<16xi32>], vector<16xf32>,
      %add3A_547 = arith.addf %add3A_542, %gather3A_546 : vector<16xf32>
      %add3A_548 = arith.constant 2 : i32
      %add3A_549 = vector.broadcast %add3A_548 : i32 to vector<16xi32>
      %add3A_550 = arith.addi %gather3A_250, %add3A_549 : vector<16xi32>
      %gather3A_551 = tpu.vector_load_idx %arg22[%add3A_550] : memref<16000xf32, #tpu.memory_space<vmem>>[vector<16xi32>], vector<16xf32>,
      %add3A_552 = arith.addf %add3A_547, %gather3A_551 : vector<16xf32>
      %add3A_553 = arith.constant 2 : i32
      %add3A_554 = vector.broadcast %add3A_553 : i32 to vector<16xi32>
      %add3A_555 = arith.addi %gather3A_254, %add3A_554 : vector<16xi32>
      %gather3A_556 = tpu.vector_load_idx %arg22[%add3A_555] : memref<16000xf32, #tpu.memory_space<vmem>>[vector<16xi32>], vector<16xf32>,
      %add3A_557 = arith.addf %add3A_552, %gather3A_556 : vector<16xf32>
      %add3A_558 = arith.constant 2 : i32
      %add3A_559 = vector.broadcast %add3A_558 : i32 to vector<16xi32>
      %add3A_560 = arith.addi %gather3A_258, %add3A_559 : vector<16xi32>
      %gather3A_561 = tpu.vector_load_idx %arg22[%add3A_560] : memref<16000xf32, #tpu.memory_space<vmem>>[vector<16xi32>], vector<16xf32>,
      %add3A_562 = arith.addf %add3A_557, %gather3A_561 : vector<16xf32>
      %swap3A_563 = arith.constant 2 : i32
      %swap3A_564 = arith.index_cast %swap3A_563 : i32 to index
      %swap3A_565 = arith.index_cast %mul3A_178 : i32 to index
      %swap3A_566 = tpu.vector_load %arg24[%swap3A_564, %swap3A_565] {strides = array<i32>} : memref<16x512xf32, #tpu.memory_space<vmem>>, vector<16xf32>,
      tpu.vector_store %arg24[%swap3A_564, %swap3A_565], %add3A_562 {strides = array<i32>} : memref<16x512xf32, #tpu.memory_space<vmem>>, vector<16xf32>,
      %add3A_567 = arith.constant 3 : i32
      %add3A_568 = vector.broadcast %add3A_567 : i32 to vector<16xi32>
      %add3A_569 = arith.addi %gather3A, %add3A_568 : vector<16xi32>
      %gather3A_570 = tpu.vector_load_idx %arg22[%add3A_569] : memref<16000xf32, #tpu.memory_space<vmem>>[vector<16xi32>], vector<16xf32>,
      %add3A_571 = arith.constant 3 : i32
      %add3A_572 = vector.broadcast %add3A_571 : i32 to vector<16xi32>
      %add3A_573 = arith.addi %gather3A_186, %add3A_572 : vector<16xi32>
      %gather3A_574 = tpu.vector_load_idx %arg22[%add3A_573] : memref<16000xf32, #tpu.memory_space<vmem>>[vector<16xi32>], vector<16xf32>,
      %add3A_575 = arith.addf %gather3A_570, %gather3A_574 : vector<16xf32>
      %add3A_576 = arith.constant 3 : i32
      %add3A_577 = vector.broadcast %add3A_576 : i32 to vector<16xi32>
      %add3A_578 = arith.addi %gather3A_190, %add3A_577 : vector<16xi32>
      %gather3A_579 = tpu.vector_load_idx %arg22[%add3A_578] : memref<16000xf32, #tpu.memory_space<vmem>>[vector<16xi32>], vector<16xf32>,
      %add3A_580 = arith.addf %add3A_575, %gather3A_579 : vector<16xf32>
      %add3A_581 = arith.constant 3 : i32
      %add3A_582 = vector.broadcast %add3A_581 : i32 to vector<16xi32>
      %add3A_583 = arith.addi %gather3A_194, %add3A_582 : vector<16xi32>
      %gather3A_584 = tpu.vector_load_idx %arg22[%add3A_583] : memref<16000xf32, #tpu.memory_space<vmem>>[vector<16xi32>], vector<16xf32>,
      %add3A_585 = arith.addf %add3A_580, %gather3A_584 : vector<16xf32>
      %add3A_586 = arith.constant 3 : i32
      %add3A_587 = vector.broadcast %add3A_586 : i32 to vector<16xi32>
      %add3A_588 = arith.addi %gather3A_198, %add3A_587 : vector<16xi32>
      %gather3A_589 = tpu.vector_load_idx %arg22[%add3A_588] : memref<16000xf32, #tpu.memory_space<vmem>>[vector<16xi32>], vector<16xf32>,
      %add3A_590 = arith.addf %add3A_585, %gather3A_589 : vector<16xf32>
      %add3A_591 = arith.constant 3 : i32
      %add3A_592 = vector.broadcast %add3A_591 : i32 to vector<16xi32>
      %add3A_593 = arith.addi %gather3A_202, %add3A_592 : vector<16xi32>
      %gather3A_594 = tpu.vector_load_idx %arg22[%add3A_593] : memref<16000xf32, #tpu.memory_space<vmem>>[vector<16xi32>], vector<16xf32>,
      %add3A_595 = arith.addf %add3A_590, %gather3A_594 : vector<16xf32>
      %add3A_596 = arith.constant 3 : i32
      %add3A_597 = vector.broadcast %add3A_596 : i32 to vector<16xi32>
      %add3A_598 = arith.addi %gather3A_206, %add3A_597 : vector<16xi32>
      %gather3A_599 = tpu.vector_load_idx %arg22[%add3A_598] : memref<16000xf32, #tpu.memory_space<vmem>>[vector<16xi32>], vector<16xf32>,
      %add3A_600 = arith.addf %add3A_595, %gather3A_599 : vector<16xf32>
      %add3A_601 = arith.constant 3 : i32
      %add3A_602 = vector.broadcast %add3A_601 : i32 to vector<16xi32>
      %add3A_603 = arith.addi %gather3A_210, %add3A_602 : vector<16xi32>
      %gather3A_604 = tpu.vector_load_idx %arg22[%add3A_603] : memref<16000xf32, #tpu.memory_space<vmem>>[vector<16xi32>], vector<16xf32>,
      %add3A_605 = arith.addf %add3A_600, %gather3A_604 : vector<16xf32>
      %add3A_606 = arith.constant 3 : i32
      %add3A_607 = vector.broadcast %add3A_606 : i32 to vector<16xi32>
      %add3A_608 = arith.addi %gather3A_214, %add3A_607 : vector<16xi32>
      %gather3A_609 = tpu.vector_load_idx %arg22[%add3A_608] : memref<16000xf32, #tpu.memory_space<vmem>>[vector<16xi32>], vector<16xf32>,
      %add3A_610 = arith.addf %add3A_605, %gather3A_609 : vector<16xf32>
      %add3A_611 = arith.constant 3 : i32
      %add3A_612 = vector.broadcast %add3A_611 : i32 to vector<16xi32>
      %add3A_613 = arith.addi %gather3A_218, %add3A_612 : vector<16xi32>
      %gather3A_614 = tpu.vector_load_idx %arg22[%add3A_613] : memref<16000xf32, #tpu.memory_space<vmem>>[vector<16xi32>], vector<16xf32>,
      %add3A_615 = arith.addf %add3A_610, %gather3A_614 : vector<16xf32>
      %add3A_616 = arith.constant 3 : i32
      %add3A_617 = vector.broadcast %add3A_616 : i32 to vector<16xi32>
      %add3A_618 = arith.addi %gather3A_222, %add3A_617 : vector<16xi32>
      %gather3A_619 = tpu.vector_load_idx %arg22[%add3A_618] : memref<16000xf32, #tpu.memory_space<vmem>>[vector<16xi32>], vector<16xf32>,
      %add3A_620 = arith.addf %add3A_615, %gather3A_619 : vector<16xf32>
      %add3A_621 = arith.constant 3 : i32
      %add3A_622 = vector.broadcast %add3A_621 : i32 to vector<16xi32>
      %add3A_623 = arith.addi %gather3A_226, %add3A_622 : vector<16xi32>
      %gather3A_624 = tpu.vector_load_idx %arg22[%add3A_623] : memref<16000xf32, #tpu.memory_space<vmem>>[vector<16xi32>], vector<16xf32>,
      %add3A_625 = arith.addf %add3A_620, %gather3A_624 : vector<16xf32>
      %add3A_626 = arith.constant 3 : i32
      %add3A_627 = vector.broadcast %add3A_626 : i32 to vector<16xi32>
      %add3A_628 = arith.addi %gather3A_230, %add3A_627 : vector<16xi32>
      %gather3A_629 = tpu.vector_load_idx %arg22[%add3A_628] : memref<16000xf32, #tpu.memory_space<vmem>>[vector<16xi32>], vector<16xf32>,
      %add3A_630 = arith.addf %add3A_625, %gather3A_629 : vector<16xf32>
      %add3A_631 = arith.constant 3 : i32
      %add3A_632 = vector.broadcast %add3A_631 : i32 to vector<16xi32>
      %add3A_633 = arith.addi %gather3A_234, %add3A_632 : vector<16xi32>
      %gather3A_634 = tpu.vector_load_idx %arg22[%add3A_633] : memref<16000xf32, #tpu.memory_space<vmem>>[vector<16xi32>], vector<16xf32>,
      %add3A_635 = arith.addf %add3A_630, %gather3A_634 : vector<16xf32>
      %add3A_636 = arith.constant 3 : i32
      %add3A_637 = vector.broadcast %add3A_636 : i32 to vector<16xi32>
      %add3A_638 = arith.addi %gather3A_238, %add3A_637 : vector<16xi32>
      %gather3A_639 = tpu.vector_load_idx %arg22[%add3A_638] : memref<16000xf32, #tpu.memory_space<vmem>>[vector<16xi32>], vector<16xf32>,
      %add3A_640 = arith.addf %add3A_635, %gather3A_639 : vector<16xf32>
      %add3A_641 = arith.constant 3 : i32
      %add3A_642 = vector.broadcast %add3A_641 : i32 to vector<16xi32>
      %add3A_643 = arith.addi %gather3A_242, %add3A_642 : vector<16xi32>
      %gather3A_644 = tpu.vector_load_idx %arg22[%add3A_643] : memref<16000xf32, #tpu.memory_space<vmem>>[vector<16xi32>], vector<16xf32>,
      %add3A_645 = arith.addf %add3A_640, %gather3A_644 : vector<16xf32>
      %add3A_646 = arith.constant 3 : i32
      %add3A_647 = vector.broadcast %add3A_646 : i32 to vector<16xi32>
      %add3A_648 = arith.addi %gather3A_246, %add3A_647 : vector<16xi32>
      %gather3A_649 = tpu.vector_load_idx %arg22[%add3A_648] : memref<16000xf32, #tpu.memory_space<vmem>>[vector<16xi32>], vector<16xf32>,
      %add3A_650 = arith.addf %add3A_645, %gather3A_649 : vector<16xf32>
      %add3A_651 = arith.constant 3 : i32
      %add3A_652 = vector.broadcast %add3A_651 : i32 to vector<16xi32>
      %add3A_653 = arith.addi %gather3A_250, %add3A_652 : vector<16xi32>
      %gather3A_654 = tpu.vector_load_idx %arg22[%add3A_653] : memref<16000xf32, #tpu.memory_space<vmem>>[vector<16xi32>], vector<16xf32>,
      %add3A_655 = arith.addf %add3A_650, %gather3A_654 : vector<16xf32>
      %add3A_656 = arith.constant 3 : i32
      %add3A_657 = vector.broadcast %add3A_656 : i32 to vector<16xi32>
      %add3A_658 = arith.addi %gather3A_254, %add3A_657 : vector<16xi32>
      %gather3A_659 = tpu.vector_load_idx %arg22[%add3A_658] : memref<16000xf32, #tpu.memory_space<vmem>>[vector<16xi32>], vector<16xf32>,
      %add3A_660 = arith.addf %add3A_655, %gather3A_659 : vector<16xf32>
      %add3A_661 = arith.constant 3 : i32
      %add3A_662 = vector.broadcast %add3A_661 : i32 to vector<16xi32>
      %add3A_663 = arith.addi %gather3A_258, %add3A_662 : vector<16xi32>
      %gather3A_664 = tpu.vector_load_idx %arg22[%add3A_663] : memref<16000xf32, #tpu.memory_space<vmem>>[vector<16xi32>], vector<16xf32>,
      %add3A_665 = arith.addf %add3A_660, %gather3A_664 : vector<16xf32>
      %swap3A_666 = arith.constant 3 : i32
      %swap3A_667 = arith.index_cast %swap3A_666 : i32 to index
      %swap3A_668 = arith.index_cast %mul3A_178 : i32 to index
      %swap3A_669 = tpu.vector_load %arg24[%swap3A_667, %swap3A_668] {strides = array<i32>} : memref<16x512xf32, #tpu.memory_space<vmem>>, vector<16xf32>,
      tpu.vector_store %arg24[%swap3A_667, %swap3A_668], %add3A_665 {strides = array<i32>} : memref<16x512xf32, #tpu.memory_space<vmem>>, vector<16xf32>,
      %add3A_670 = arith.constant 4 : i32
      %add3A_671 = vector.broadcast %add3A_670 : i32 to vector<16xi32>
      %add3A_672 = arith.addi %gather3A, %add3A_671 : vector<16xi32>
      %gather3A_673 = tpu.vector_load_idx %arg22[%add3A_672] : memref<16000xf32, #tpu.memory_space<vmem>>[vector<16xi32>], vector<16xf32>,
      %add3A_674 = arith.constant 4 : i32
      %add3A_675 = vector.broadcast %add3A_674 : i32 to vector<16xi32>
      %add3A_676 = arith.addi %gather3A_186, %add3A_675 : vector<16xi32>
      %gather3A_677 = tpu.vector_load_idx %arg22[%add3A_676] : memref<16000xf32, #tpu.memory_space<vmem>>[vector<16xi32>], vector<16xf32>,
      %add3A_678 = arith.addf %gather3A_673, %gather3A_677 : vector<16xf32>
      %add3A_679 = arith.constant 4 : i32
      %add3A_680 = vector.broadcast %add3A_679 : i32 to vector<16xi32>
      %add3A_681 = arith.addi %gather3A_190, %add3A_680 : vector<16xi32>
      %gather3A_682 = tpu.vector_load_idx %arg22[%add3A_681] : memref<16000xf32, #tpu.memory_space<vmem>>[vector<16xi32>], vector<16xf32>,
      %add3A_683 = arith.addf %add3A_678, %gather3A_682 : vector<16xf32>
      %add3A_684 = arith.constant 4 : i32
      %add3A_685 = vector.broadcast %add3A_684 : i32 to vector<16xi32>
      %add3A_686 = arith.addi %gather3A_194, %add3A_685 : vector<16xi32>
      %gather3A_687 = tpu.vector_load_idx %arg22[%add3A_686] : memref<16000xf32, #tpu.memory_space<vmem>>[vector<16xi32>], vector<16xf32>,
      %add3A_688 = arith.addf %add3A_683, %gather3A_687 : vector<16xf32>
      %add3A_689 = arith.constant 4 : i32
      %add3A_690 = vector.broadcast %add3A_689 : i32 to vector<16xi32>
      %add3A_691 = arith.addi %gather3A_198, %add3A_690 : vector<16xi32>
      %gather3A_692 = tpu.vector_load_idx %arg22[%add3A_691] : memref<16000xf32, #tpu.memory_space<vmem>>[vector<16xi32>], vector<16xf32>,
      %add3A_693 = arith.addf %add3A_688, %gather3A_692 : vector<16xf32>
      %add3A_694 = arith.constant 4 : i32
      %add3A_695 = vector.broadcast %add3A_694 : i32 to vector<16xi32>
      %add3A_696 = arith.addi %gather3A_202, %add3A_695 : vector<16xi32>
      %gather3A_697 = tpu.vector_load_idx %arg22[%add3A_696] : memref<16000xf32, #tpu.memory_space<vmem>>[vector<16xi32>], vector<16xf32>,
      %add3A_698 = arith.addf %add3A_693, %gather3A_697 : vector<16xf32>
      %add3A_699 = arith.constant 4 : i32
      %add3A_700 = vector.broadcast %add3A_699 : i32 to vector<16xi32>
      %add3A_701 = arith.addi %gather3A_206, %add3A_700 : vector<16xi32>
      %gather3A_702 = tpu.vector_load_idx %arg22[%add3A_701] : memref<16000xf32, #tpu.memory_space<vmem>>[vector<16xi32>], vector<16xf32>,
      %add3A_703 = arith.addf %add3A_698, %gather3A_702 : vector<16xf32>
      %add3A_704 = arith.constant 4 : i32
      %add3A_705 = vector.broadcast %add3A_704 : i32 to vector<16xi32>
      %add3A_706 = arith.addi %gather3A_210, %add3A_705 : vector<16xi32>
      %gather3A_707 = tpu.vector_load_idx %arg22[%add3A_706] : memref<16000xf32, #tpu.memory_space<vmem>>[vector<16xi32>], vector<16xf32>,
      %add3A_708 = arith.addf %add3A_703, %gather3A_707 : vector<16xf32>
      %add3A_709 = arith.constant 4 : i32
      %add3A_710 = vector.broadcast %add3A_709 : i32 to vector<16xi32>
      %add3A_711 = arith.addi %gather3A_214, %add3A_710 : vector<16xi32>
      %gather3A_712 = tpu.vector_load_idx %arg22[%add3A_711] : memref<16000xf32, #tpu.memory_space<vmem>>[vector<16xi32>], vector<16xf32>,
      %add3A_713 = arith.addf %add3A_708, %gather3A_712 : vector<16xf32>
      %add3A_714 = arith.constant 4 : i32
      %add3A_715 = vector.broadcast %add3A_714 : i32 to vector<16xi32>
      %add3A_716 = arith.addi %gather3A_218, %add3A_715 : vector<16xi32>
      %gather3A_717 = tpu.vector_load_idx %arg22[%add3A_716] : memref<16000xf32, #tpu.memory_space<vmem>>[vector<16xi32>], vector<16xf32>,
      %add3A_718 = arith.addf %add3A_713, %gather3A_717 : vector<16xf32>
      %add3A_719 = arith.constant 4 : i32
      %add3A_720 = vector.broadcast %add3A_719 : i32 to vector<16xi32>
      %add3A_721 = arith.addi %gather3A_222, %add3A_720 : vector<16xi32>
      %gather3A_722 = tpu.vector_load_idx %arg22[%add3A_721] : memref<16000xf32, #tpu.memory_space<vmem>>[vector<16xi32>], vector<16xf32>,
      %add3A_723 = arith.addf %add3A_718, %gather3A_722 : vector<16xf32>
      %add3A_724 = arith.constant 4 : i32
      %add3A_725 = vector.broadcast %add3A_724 : i32 to vector<16xi32>
      %add3A_726 = arith.addi %gather3A_226, %add3A_725 : vector<16xi32>
      %gather3A_727 = tpu.vector_load_idx %arg22[%add3A_726] : memref<16000xf32, #tpu.memory_space<vmem>>[vector<16xi32>], vector<16xf32>,
      %add3A_728 = arith.addf %add3A_723, %gather3A_727 : vector<16xf32>
      %add3A_729 = arith.constant 4 : i32
      %add3A_730 = vector.broadcast %add3A_729 : i32 to vector<16xi32>
      %add3A_731 = arith.addi %gather3A_230, %add3A_730 : vector<16xi32>
      %gather3A_732 = tpu.vector_load_idx %arg22[%add3A_731] : memref<16000xf32, #tpu.memory_space<vmem>>[vector<16xi32>], vector<16xf32>,
      %add3A_733 = arith.addf %add3A_728, %gather3A_732 : vector<16xf32>
      %add3A_734 = arith.constant 4 : i32
      %add3A_735 = vector.broadcast %add3A_734 : i32 to vector<16xi32>
      %add3A_736 = arith.addi %gather3A_234, %add3A_735 : vector<16xi32>
      %gather3A_737 = tpu.vector_load_idx %arg22[%add3A_736] : memref<16000xf32, #tpu.memory_space<vmem>>[vector<16xi32>], vector<16xf32>,
      %add3A_738 = arith.addf %add3A_733, %gather3A_737 : vector<16xf32>
      %add3A_739 = arith.constant 4 : i32
      %add3A_740 = vector.broadcast %add3A_739 : i32 to vector<16xi32>
      %add3A_741 = arith.addi %gather3A_238, %add3A_740 : vector<16xi32>
      %gather3A_742 = tpu.vector_load_idx %arg22[%add3A_741] : memref<16000xf32, #tpu.memory_space<vmem>>[vector<16xi32>], vector<16xf32>,
      %add3A_743 = arith.addf %add3A_738, %gather3A_742 : vector<16xf32>
      %add3A_744 = arith.constant 4 : i32
      %add3A_745 = vector.broadcast %add3A_744 : i32 to vector<16xi32>
      %add3A_746 = arith.addi %gather3A_242, %add3A_745 : vector<16xi32>
      %gather3A_747 = tpu.vector_load_idx %arg22[%add3A_746] : memref<16000xf32, #tpu.memory_space<vmem>>[vector<16xi32>], vector<16xf32>,
      %add3A_748 = arith.addf %add3A_743, %gather3A_747 : vector<16xf32>
      %add3A_749 = arith.constant 4 : i32
      %add3A_750 = vector.broadcast %add3A_749 : i32 to vector<16xi32>
      %add3A_751 = arith.addi %gather3A_246, %add3A_750 : vector<16xi32>
      %gather3A_752 = tpu.vector_load_idx %arg22[%add3A_751] : memref<16000xf32, #tpu.memory_space<vmem>>[vector<16xi32>], vector<16xf32>,
      %add3A_753 = arith.addf %add3A_748, %gather3A_752 : vector<16xf32>
      %add3A_754 = arith.constant 4 : i32
      %add3A_755 = vector.broadcast %add3A_754 : i32 to vector<16xi32>
      %add3A_756 = arith.addi %gather3A_250, %add3A_755 : vector<16xi32>
      %gather3A_757 = tpu.vector_load_idx %arg22[%add3A_756] : memref<16000xf32, #tpu.memory_space<vmem>>[vector<16xi32>], vector<16xf32>,
      %add3A_758 = arith.addf %add3A_753, %gather3A_757 : vector<16xf32>
      %add3A_759 = arith.constant 4 : i32
      %add3A_760 = vector.broadcast %add3A_759 : i32 to vector<16xi32>
      %add3A_761 = arith.addi %gather3A_254, %add3A_760 : vector<16xi32>
      %gather3A_762 = tpu.vector_load_idx %arg22[%add3A_761] : memref<16000xf32, #tpu.memory_space<vmem>>[vector<16xi32>], vector<16xf32>,
      %add3A_763 = arith.addf %add3A_758, %gather3A_762 : vector<16xf32>
      %add3A_764 = arith.constant 4 : i32
      %add3A_765 = vector.broadcast %add3A_764 : i32 to vector<16xi32>
      %add3A_766 = arith.addi %gather3A_258, %add3A_765 : vector<16xi32>
      %gather3A_767 = tpu.vector_load_idx %arg22[%add3A_766] : memref<16000xf32, #tpu.memory_space<vmem>>[vector<16xi32>], vector<16xf32>,
      %add3A_768 = arith.addf %add3A_763, %gather3A_767 : vector<16xf32>
      %swap3A_769 = arith.constant 4 : i32
      %swap3A_770 = arith.index_cast %swap3A_769 : i32 to index
      %swap3A_771 = arith.index_cast %mul3A_178 : i32 to index
      %swap3A_772 = tpu.vector_load %arg24[%swap3A_770, %swap3A_771] {strides = array<i32>} : memref<16x512xf32, #tpu.memory_space<vmem>>, vector<16xf32>,
      tpu.vector_store %arg24[%swap3A_770, %swap3A_771], %add3A_768 {strides = array<i32>} : memref<16x512xf32, #tpu.memory_space<vmem>>, vector<16xf32>,
      %add3A_773 = arith.constant 5 : i32
      %add3A_774 = vector.broadcast %add3A_773 : i32 to vector<16xi32>
      %add3A_775 = arith.addi %gather3A, %add3A_774 : vector<16xi32>
      %gather3A_776 = tpu.vector_load_idx %arg22[%add3A_775] : memref<16000xf32, #tpu.memory_space<vmem>>[vector<16xi32>], vector<16xf32>,
      %add3A_777 = arith.constant 5 : i32
      %add3A_778 = vector.broadcast %add3A_777 : i32 to vector<16xi32>
      %add3A_779 = arith.addi %gather3A_186, %add3A_778 : vector<16xi32>
      %gather3A_780 = tpu.vector_load_idx %arg22[%add3A_779] : memref<16000xf32, #tpu.memory_space<vmem>>[vector<16xi32>], vector<16xf32>,
      %add3A_781 = arith.addf %gather3A_776, %gather3A_780 : vector<16xf32>
      %add3A_782 = arith.constant 5 : i32
      %add3A_783 = vector.broadcast %add3A_782 : i32 to vector<16xi32>
      %add3A_784 = arith.addi %gather3A_190, %add3A_783 : vector<16xi32>
      %gather3A_785 = tpu.vector_load_idx %arg22[%add3A_784] : memref<16000xf32, #tpu.memory_space<vmem>>[vector<16xi32>], vector<16xf32>,
      %add3A_786 = arith.addf %add3A_781, %gather3A_785 : vector<16xf32>
      %add3A_787 = arith.constant 5 : i32
      %add3A_788 = vector.broadcast %add3A_787 : i32 to vector<16xi32>
      %add3A_789 = arith.addi %gather3A_194, %add3A_788 : vector<16xi32>
      %gather3A_790 = tpu.vector_load_idx %arg22[%add3A_789] : memref<16000xf32, #tpu.memory_space<vmem>>[vector<16xi32>], vector<16xf32>,
      %add3A_791 = arith.addf %add3A_786, %gather3A_790 : vector<16xf32>
      %add3A_792 = arith.constant 5 : i32
      %add3A_793 = vector.broadcast %add3A_792 : i32 to vector<16xi32>
      %add3A_794 = arith.addi %gather3A_198, %add3A_793 : vector<16xi32>
      %gather3A_795 = tpu.vector_load_idx %arg22[%add3A_794] : memref<16000xf32, #tpu.memory_space<vmem>>[vector<16xi32>], vector<16xf32>,
      %add3A_796 = arith.addf %add3A_791, %gather3A_795 : vector<16xf32>
      %add3A_797 = arith.constant 5 : i32
      %add3A_798 = vector.broadcast %add3A_797 : i32 to vector<16xi32>
      %add3A_799 = arith.addi %gather3A_202, %add3A_798 : vector<16xi32>
      %gather3A_800 = tpu.vector_load_idx %arg22[%add3A_799] : memref<16000xf32, #tpu.memory_space<vmem>>[vector<16xi32>], vector<16xf32>,
      %add3A_801 = arith.addf %add3A_796, %gather3A_800 : vector<16xf32>
      %add3A_802 = arith.constant 5 : i32
      %add3A_803 = vector.broadcast %add3A_802 : i32 to vector<16xi32>
      %add3A_804 = arith.addi %gather3A_206, %add3A_803 : vector<16xi32>
      %gather3A_805 = tpu.vector_load_idx %arg22[%add3A_804] : memref<16000xf32, #tpu.memory_space<vmem>>[vector<16xi32>], vector<16xf32>,
      %add3A_806 = arith.addf %add3A_801, %gather3A_805 : vector<16xf32>
      %add3A_807 = arith.constant 5 : i32
      %add3A_808 = vector.broadcast %add3A_807 : i32 to vector<16xi32>
      %add3A_809 = arith.addi %gather3A_210, %add3A_808 : vector<16xi32>
      %gather3A_810 = tpu.vector_load_idx %arg22[%add3A_809] : memref<16000xf32, #tpu.memory_space<vmem>>[vector<16xi32>], vector<16xf32>,
      %add3A_811 = arith.addf %add3A_806, %gather3A_810 : vector<16xf32>
      %add3A_812 = arith.constant 5 : i32
      %add3A_813 = vector.broadcast %add3A_812 : i32 to vector<16xi32>
      %add3A_814 = arith.addi %gather3A_214, %add3A_813 : vector<16xi32>
      %gather3A_815 = tpu.vector_load_idx %arg22[%add3A_814] : memref<16000xf32, #tpu.memory_space<vmem>>[vector<16xi32>], vector<16xf32>,
      %add3A_816 = arith.addf %add3A_811, %gather3A_815 : vector<16xf32>
      %add3A_817 = arith.constant 5 : i32
      %add3A_818 = vector.broadcast %add3A_817 : i32 to vector<16xi32>
      %add3A_819 = arith.addi %gather3A_218, %add3A_818 : vector<16xi32>
      %gather3A_820 = tpu.vector_load_idx %arg22[%add3A_819] : memref<16000xf32, #tpu.memory_space<vmem>>[vector<16xi32>], vector<16xf32>,
      %add3A_821 = arith.addf %add3A_816, %gather3A_820 : vector<16xf32>
      %add3A_822 = arith.constant 5 : i32
      %add3A_823 = vector.broadcast %add3A_822 : i32 to vector<16xi32>
      %add3A_824 = arith.addi %gather3A_222, %add3A_823 : vector<16xi32>
      %gather3A_825 = tpu.vector_load_idx %arg22[%add3A_824] : memref<16000xf32, #tpu.memory_space<vmem>>[vector<16xi32>], vector<16xf32>,
      %add3A_826 = arith.addf %add3A_821, %gather3A_825 : vector<16xf32>
      %add3A_827 = arith.constant 5 : i32
      %add3A_828 = vector.broadcast %add3A_827 : i32 to vector<16xi32>
      %add3A_829 = arith.addi %gather3A_226, %add3A_828 : vector<16xi32>
      %gather3A_830 = tpu.vector_load_idx %arg22[%add3A_829] : memref<16000xf32, #tpu.memory_space<vmem>>[vector<16xi32>], vector<16xf32>,
      %add3A_831 = arith.addf %add3A_826, %gather3A_830 : vector<16xf32>
      %add3A_832 = arith.constant 5 : i32
      %add3A_833 = vector.broadcast %add3A_832 : i32 to vector<16xi32>
      %add3A_834 = arith.addi %gather3A_230, %add3A_833 : vector<16xi32>
      %gather3A_835 = tpu.vector_load_idx %arg22[%add3A_834] : memref<16000xf32, #tpu.memory_space<vmem>>[vector<16xi32>], vector<16xf32>,
      %add3A_836 = arith.addf %add3A_831, %gather3A_835 : vector<16xf32>
      %add3A_837 = arith.constant 5 : i32
      %add3A_838 = vector.broadcast %add3A_837 : i32 to vector<16xi32>
      %add3A_839 = arith.addi %gather3A_234, %add3A_838 : vector<16xi32>
      %gather3A_840 = tpu.vector_load_idx %arg22[%add3A_839] : memref<16000xf32, #tpu.memory_space<vmem>>[vector<16xi32>], vector<16xf32>,
      %add3A_841 = arith.addf %add3A_836, %gather3A_840 : vector<16xf32>
      %add3A_842 = arith.constant 5 : i32
      %add3A_843 = vector.broadcast %add3A_842 : i32 to vector<16xi32>
      %add3A_844 = arith.addi %gather3A_238, %add3A_843 : vector<16xi32>
      %gather3A_845 = tpu.vector_load_idx %arg22[%add3A_844] : memref<16000xf32, #tpu.memory_space<vmem>>[vector<16xi32>], vector<16xf32>,
      %add3A_846 = arith.addf %add3A_841, %gather3A_845 : vector<16xf32>
      %add3A_847 = arith.constant 5 : i32
      %add3A_848 = vector.broadcast %add3A_847 : i32 to vector<16xi32>
      %add3A_849 = arith.addi %gather3A_242, %add3A_848 : vector<16xi32>
      %gather3A_850 = tpu.vector_load_idx %arg22[%add3A_849] : memref<16000xf32, #tpu.memory_space<vmem>>[vector<16xi32>], vector<16xf32>,
      %add3A_851 = arith.addf %add3A_846, %gather3A_850 : vector<16xf32>
      %add3A_852 = arith.constant 5 : i32
      %add3A_853 = vector.broadcast %add3A_852 : i32 to vector<16xi32>
      %add3A_854 = arith.addi %gather3A_246, %add3A_853 : vector<16xi32>
      %gather3A_855 = tpu.vector_load_idx %arg22[%add3A_854] : memref<16000xf32, #tpu.memory_space<vmem>>[vector<16xi32>], vector<16xf32>,
      %add3A_856 = arith.addf %add3A_851, %gather3A_855 : vector<16xf32>
      %add3A_857 = arith.constant 5 : i32
      %add3A_858 = vector.broadcast %add3A_857 : i32 to vector<16xi32>
      %add3A_859 = arith.addi %gather3A_250, %add3A_858 : vector<16xi32>
      %gather3A_860 = tpu.vector_load_idx %arg22[%add3A_859] : memref<16000xf32, #tpu.memory_space<vmem>>[vector<16xi32>], vector<16xf32>,
      %add3A_861 = arith.addf %add3A_856, %gather3A_860 : vector<16xf32>
      %add3A_862 = arith.constant 5 : i32
      %add3A_863 = vector.broadcast %add3A_862 : i32 to vector<16xi32>
      %add3A_864 = arith.addi %gather3A_254, %add3A_863 : vector<16xi32>
      %gather3A_865 = tpu.vector_load_idx %arg22[%add3A_864] : memref<16000xf32, #tpu.memory_space<vmem>>[vector<16xi32>], vector<16xf32>,
      %add3A_866 = arith.addf %add3A_861, %gather3A_865 : vector<16xf32>
      %add3A_867 = arith.constant 5 : i32
      %add3A_868 = vector.broadcast %add3A_867 : i32 to vector<16xi32>
      %add3A_869 = arith.addi %gather3A_258, %add3A_868 : vector<16xi32>
      %gather3A_870 = tpu.vector_load_idx %arg22[%add3A_869] : memref<16000xf32, #tpu.memory_space<vmem>>[vector<16xi32>], vector<16xf32>,
      %add3A_871 = arith.addf %add3A_866, %gather3A_870 : vector<16xf32>
      %swap3A_872 = arith.constant 5 : i32
      %swap3A_873 = arith.index_cast %swap3A_872 : i32 to index
      %swap3A_874 = arith.index_cast %mul3A_178 : i32 to index
      %swap3A_875 = tpu.vector_load %arg24[%swap3A_873, %swap3A_874] {strides = array<i32>} : memref<16x512xf32, #tpu.memory_space<vmem>>, vector<16xf32>,
      tpu.vector_store %arg24[%swap3A_873, %swap3A_874], %add3A_871 {strides = array<i32>} : memref<16x512xf32, #tpu.memory_space<vmem>>, vector<16xf32>,
      %add3A_876 = arith.constant 6 : i32
      %add3A_877 = vector.broadcast %add3A_876 : i32 to vector<16xi32>
      %add3A_878 = arith.addi %gather3A, %add3A_877 : vector<16xi32>
      %gather3A_879 = tpu.vector_load_idx %arg22[%add3A_878] : memref<16000xf32, #tpu.memory_space<vmem>>[vector<16xi32>], vector<16xf32>,
      %add3A_880 = arith.constant 6 : i32
      %add3A_881 = vector.broadcast %add3A_880 : i32 to vector<16xi32>
      %add3A_882 = arith.addi %gather3A_186, %add3A_881 : vector<16xi32>
      %gather3A_883 = tpu.vector_load_idx %arg22[%add3A_882] : memref<16000xf32, #tpu.memory_space<vmem>>[vector<16xi32>], vector<16xf32>,
      %add3A_884 = arith.addf %gather3A_879, %gather3A_883 : vector<16xf32>
      %add3A_885 = arith.constant 6 : i32
      %add3A_886 = vector.broadcast %add3A_885 : i32 to vector<16xi32>
      %add3A_887 = arith.addi %gather3A_190, %add3A_886 : vector<16xi32>
      %gather3A_888 = tpu.vector_load_idx %arg22[%add3A_887] : memref<16000xf32, #tpu.memory_space<vmem>>[vector<16xi32>], vector<16xf32>,
      %add3A_889 = arith.addf %add3A_884, %gather3A_888 : vector<16xf32>
      %add3A_890 = arith.constant 6 : i32
      %add3A_891 = vector.broadcast %add3A_890 : i32 to vector<16xi32>
      %add3A_892 = arith.addi %gather3A_194, %add3A_891 : vector<16xi32>
      %gather3A_893 = tpu.vector_load_idx %arg22[%add3A_892] : memref<16000xf32, #tpu.memory_space<vmem>>[vector<16xi32>], vector<16xf32>,
      %add3A_894 = arith.addf %add3A_889, %gather3A_893 : vector<16xf32>
      %add3A_895 = arith.constant 6 : i32
      %add3A_896 = vector.broadcast %add3A_895 : i32 to vector<16xi32>
      %add3A_897 = arith.addi %gather3A_198, %add3A_896 : vector<16xi32>
      %gather3A_898 = tpu.vector_load_idx %arg22[%add3A_897] : memref<16000xf32, #tpu.memory_space<vmem>>[vector<16xi32>], vector<16xf32>,
      %add3A_899 = arith.addf %add3A_894, %gather3A_898 : vector<16xf32>
      %add3A_900 = arith.constant 6 : i32
      %add3A_901 = vector.broadcast %add3A_900 : i32 to vector<16xi32>
      %add3A_902 = arith.addi %gather3A_202, %add3A_901 : vector<16xi32>
      %gather3A_903 = tpu.vector_load_idx %arg22[%add3A_902] : memref<16000xf32, #tpu.memory_space<vmem>>[vector<16xi32>], vector<16xf32>,
      %add3A_904 = arith.addf %add3A_899, %gather3A_903 : vector<16xf32>
      %add3A_905 = arith.constant 6 : i32
      %add3A_906 = vector.broadcast %add3A_905 : i32 to vector<16xi32>
      %add3A_907 = arith.addi %gather3A_206, %add3A_906 : vector<16xi32>
      %gather3A_908 = tpu.vector_load_idx %arg22[%add3A_907] : memref<16000xf32, #tpu.memory_space<vmem>>[vector<16xi32>], vector<16xf32>,
      %add3A_909 = arith.addf %add3A_904, %gather3A_908 : vector<16xf32>
      %add3A_910 = arith.constant 6 : i32
      %add3A_911 = vector.broadcast %add3A_910 : i32 to vector<16xi32>
      %add3A_912 = arith.addi %gather3A_210, %add3A_911 : vector<16xi32>
      %gather3A_913 = tpu.vector_load_idx %arg22[%add3A_912] : memref<16000xf32, #tpu.memory_space<vmem>>[vector<16xi32>], vector<16xf32>,
      %add3A_914 = arith.addf %add3A_909, %gather3A_913 : vector<16xf32>
      %add3A_915 = arith.constant 6 : i32
      %add3A_916 = vector.broadcast %add3A_915 : i32 to vector<16xi32>
      %add3A_917 = arith.addi %gather3A_214, %add3A_916 : vector<16xi32>
      %gather3A_918 = tpu.vector_load_idx %arg22[%add3A_917] : memref<16000xf32, #tpu.memory_space<vmem>>[vector<16xi32>], vector<16xf32>,
      %add3A_919 = arith.addf %add3A_914, %gather3A_918 : vector<16xf32>
      %add3A_920 = arith.constant 6 : i32
      %add3A_921 = vector.broadcast %add3A_920 : i32 to vector<16xi32>
      %add3A_922 = arith.addi %gather3A_218, %add3A_921 : vector<16xi32>
      %gather3A_923 = tpu.vector_load_idx %arg22[%add3A_922] : memref<16000xf32, #tpu.memory_space<vmem>>[vector<16xi32>], vector<16xf32>,
      %add3A_924 = arith.addf %add3A_919, %gather3A_923 : vector<16xf32>
      %add3A_925 = arith.constant 6 : i32
      %add3A_926 = vector.broadcast %add3A_925 : i32 to vector<16xi32>
      %add3A_927 = arith.addi %gather3A_222, %add3A_926 : vector<16xi32>
      %gather3A_928 = tpu.vector_load_idx %arg22[%add3A_927] : memref<16000xf32, #tpu.memory_space<vmem>>[vector<16xi32>], vector<16xf32>,
      %add3A_929 = arith.addf %add3A_924, %gather3A_928 : vector<16xf32>
      %add3A_930 = arith.constant 6 : i32
      %add3A_931 = vector.broadcast %add3A_930 : i32 to vector<16xi32>
      %add3A_932 = arith.addi %gather3A_226, %add3A_931 : vector<16xi32>
      %gather3A_933 = tpu.vector_load_idx %arg22[%add3A_932] : memref<16000xf32, #tpu.memory_space<vmem>>[vector<16xi32>], vector<16xf32>,
      %add3A_934 = arith.addf %add3A_929, %gather3A_933 : vector<16xf32>
      %add3A_935 = arith.constant 6 : i32
      %add3A_936 = vector.broadcast %add3A_935 : i32 to vector<16xi32>
      %add3A_937 = arith.addi %gather3A_230, %add3A_936 : vector<16xi32>
      %gather3A_938 = tpu.vector_load_idx %arg22[%add3A_937] : memref<16000xf32, #tpu.memory_space<vmem>>[vector<16xi32>], vector<16xf32>,
      %add3A_939 = arith.addf %add3A_934, %gather3A_938 : vector<16xf32>
      %add3A_940 = arith.constant 6 : i32
      %add3A_941 = vector.broadcast %add3A_940 : i32 to vector<16xi32>
      %add3A_942 = arith.addi %gather3A_234, %add3A_941 : vector<16xi32>
      %gather3A_943 = tpu.vector_load_idx %arg22[%add3A_942] : memref<16000xf32, #tpu.memory_space<vmem>>[vector<16xi32>], vector<16xf32>,
      %add3A_944 = arith.addf %add3A_939, %gather3A_943 : vector<16xf32>
      %add3A_945 = arith.constant 6 : i32
      %add3A_946 = vector.broadcast %add3A_945 : i32 to vector<16xi32>
      %add3A_947 = arith.addi %gather3A_238, %add3A_946 : vector<16xi32>
      %gather3A_948 = tpu.vector_load_idx %arg22[%add3A_947] : memref<16000xf32, #tpu.memory_space<vmem>>[vector<16xi32>], vector<16xf32>,
      %add3A_949 = arith.addf %add3A_944, %gather3A_948 : vector<16xf32>
      %add3A_950 = arith.constant 6 : i32
      %add3A_951 = vector.broadcast %add3A_950 : i32 to vector<16xi32>
      %add3A_952 = arith.addi %gather3A_242, %add3A_951 : vector<16xi32>
      %gather3A_953 = tpu.vector_load_idx %arg22[%add3A_952] : memref<16000xf32, #tpu.memory_space<vmem>>[vector<16xi32>], vector<16xf32>,
      %add3A_954 = arith.addf %add3A_949, %gather3A_953 : vector<16xf32>
      %add3A_955 = arith.constant 6 : i32
      %add3A_956 = vector.broadcast %add3A_955 : i32 to vector<16xi32>
      %add3A_957 = arith.addi %gather3A_246, %add3A_956 : vector<16xi32>
      %gather3A_958 = tpu.vector_load_idx %arg22[%add3A_957] : memref<16000xf32, #tpu.memory_space<vmem>>[vector<16xi32>], vector<16xf32>,
      %add3A_959 = arith.addf %add3A_954, %gather3A_958 : vector<16xf32>
      %add3A_960 = arith.constant 6 : i32
      %add3A_961 = vector.broadcast %add3A_960 : i32 to vector<16xi32>
      %add3A_962 = arith.addi %gather3A_250, %add3A_961 : vector<16xi32>
      %gather3A_963 = tpu.vector_load_idx %arg22[%add3A_962] : memref<16000xf32, #tpu.memory_space<vmem>>[vector<16xi32>], vector<16xf32>,
      %add3A_964 = arith.addf %add3A_959, %gather3A_963 : vector<16xf32>
      %add3A_965 = arith.constant 6 : i32
      %add3A_966 = vector.broadcast %add3A_965 : i32 to vector<16xi32>
      %add3A_967 = arith.addi %gather3A_254, %add3A_966 : vector<16xi32>
      %gather3A_968 = tpu.vector_load_idx %arg22[%add3A_967] : memref<16000xf32, #tpu.memory_space<vmem>>[vector<16xi32>], vector<16xf32>,
      %add3A_969 = arith.addf %add3A_964, %gather3A_968 : vector<16xf32>
      %add3A_970 = arith.constant 6 : i32
      %add3A_971 = vector.broadcast %add3A_970 : i32 to vector<16xi32>
      %add3A_972 = arith.addi %gather3A_258, %add3A_971 : vector<16xi32>
      %gather3A_973 = tpu.vector_load_idx %arg22[%add3A_972] : memref<16000xf32, #tpu.memory_space<vmem>>[vector<16xi32>], vector<16xf32>,
      %add3A_974 = arith.addf %add3A_969, %gather3A_973 : vector<16xf32>
      %swap3A_975 = arith.constant 6 : i32
      %swap3A_976 = arith.index_cast %swap3A_975 : i32 to index
      %swap3A_977 = arith.index_cast %mul3A_178 : i32 to index
      %swap3A_978 = tpu.vector_load %arg24[%swap3A_976, %swap3A_977] {strides = array<i32>} : memref<16x512xf32, #tpu.memory_space<vmem>>, vector<16xf32>,
      tpu.vector_store %arg24[%swap3A_976, %swap3A_977], %add3A_974 {strides = array<i32>} : memref<16x512xf32, #tpu.memory_space<vmem>>, vector<16xf32>,
      %add3A_979 = arith.constant 7 : i32
      %add3A_980 = vector.broadcast %add3A_979 : i32 to vector<16xi32>
      %add3A_981 = arith.addi %gather3A, %add3A_980 : vector<16xi32>
      %gather3A_982 = tpu.vector_load_idx %arg22[%add3A_981] : memref<16000xf32, #tpu.memory_space<vmem>>[vector<16xi32>], vector<16xf32>,
      %add3A_983 = arith.constant 7 : i32
      %add3A_984 = vector.broadcast %add3A_983 : i32 to vector<16xi32>
      %add3A_985 = arith.addi %gather3A_186, %add3A_984 : vector<16xi32>
      %gather3A_986 = tpu.vector_load_idx %arg22[%add3A_985] : memref<16000xf32, #tpu.memory_space<vmem>>[vector<16xi32>], vector<16xf32>,
      %add3A_987 = arith.addf %gather3A_982, %gather3A_986 : vector<16xf32>
      %add3A_988 = arith.constant 7 : i32
      %add3A_989 = vector.broadcast %add3A_988 : i32 to vector<16xi32>
      %add3A_990 = arith.addi %gather3A_190, %add3A_989 : vector<16xi32>
      %gather3A_991 = tpu.vector_load_idx %arg22[%add3A_990] : memref<16000xf32, #tpu.memory_space<vmem>>[vector<16xi32>], vector<16xf32>,
      %add3A_992 = arith.addf %add3A_987, %gather3A_991 : vector<16xf32>
      %add3A_993 = arith.constant 7 : i32
      %add3A_994 = vector.broadcast %add3A_993 : i32 to vector<16xi32>
      %add3A_995 = arith.addi %gather3A_194, %add3A_994 : vector<16xi32>
      %gather3A_996 = tpu.vector_load_idx %arg22[%add3A_995] : memref<16000xf32, #tpu.memory_space<vmem>>[vector<16xi32>], vector<16xf32>,
      %add3A_997 = arith.addf %add3A_992, %gather3A_996 : vector<16xf32>
      %add3A_998 = arith.constant 7 : i32
      %add3A_999 = vector.broadcast %add3A_998 : i32 to vector<16xi32>
      %add3A_1000 = arith.addi %gather3A_198, %add3A_999 : vector<16xi32>
      %gather3A_1001 = tpu.vector_load_idx %arg22[%add3A_1000] : memref<16000xf32, #tpu.memory_space<vmem>>[vector<16xi32>], vector<16xf32>,
      %add3A_1002 = arith.addf %add3A_997, %gather3A_1001 : vector<16xf32>
      %add3A_1003 = arith.constant 7 : i32
      %add3A_1004 = vector.broadcast %add3A_1003 : i32 to vector<16xi32>
      %add3A_1005 = arith.addi %gather3A_202, %add3A_1004 : vector<16xi32>
      %gather3A_1006 = tpu.vector_load_idx %arg22[%add3A_1005] : memref<16000xf32, #tpu.memory_space<vmem>>[vector<16xi32>], vector<16xf32>,
      %add3A_1007 = arith.addf %add3A_1002, %gather3A_1006 : vector<16xf32>
      %add3A_1008 = arith.constant 7 : i32
      %add3A_1009 = vector.broadcast %add3A_1008 : i32 to vector<16xi32>
      %add3A_1010 = arith.addi %gather3A_206, %add3A_1009 : vector<16xi32>
      %gather3A_1011 = tpu.vector_load_idx %arg22[%add3A_1010] : memref<16000xf32, #tpu.memory_space<vmem>>[vector<16xi32>], vector<16xf32>,
      %add3A_1012 = arith.addf %add3A_1007, %gather3A_1011 : vector<16xf32>
      %add3A_1013 = arith.constant 7 : i32
      %add3A_1014 = vector.broadcast %add3A_1013 : i32 to vector<16xi32>
      %add3A_1015 = arith.addi %gather3A_210, %add3A_1014 : vector<16xi32>
      %gather3A_1016 = tpu.vector_load_idx %arg22[%add3A_1015] : memref<16000xf32, #tpu.memory_space<vmem>>[vector<16xi32>], vector<16xf32>,
      %add3A_1017 = arith.addf %add3A_1012, %gather3A_1016 : vector<16xf32>
      %add3A_1018 = arith.constant 7 : i32
      %add3A_1019 = vector.broadcast %add3A_1018 : i32 to vector<16xi32>
      %add3A_1020 = arith.addi %gather3A_214, %add3A_1019 : vector<16xi32>
      %gather3A_1021 = tpu.vector_load_idx %arg22[%add3A_1020] : memref<16000xf32, #tpu.memory_space<vmem>>[vector<16xi32>], vector<16xf32>,
      %add3A_1022 = arith.addf %add3A_1017, %gather3A_1021 : vector<16xf32>
      %add3A_1023 = arith.constant 7 : i32
      %add3A_1024 = vector.broadcast %add3A_1023 : i32 to vector<16xi32>
      %add3A_1025 = arith.addi %gather3A_218, %add3A_1024 : vector<16xi32>
      %gather3A_1026 = tpu.vector_load_idx %arg22[%add3A_1025] : memref<16000xf32, #tpu.memory_space<vmem>>[vector<16xi32>], vector<16xf32>,
      %add3A_1027 = arith.addf %add3A_1022, %gather3A_1026 : vector<16xf32>
      %add3A_1028 = arith.constant 7 : i32
      %add3A_1029 = vector.broadcast %add3A_1028 : i32 to vector<16xi32>
      %add3A_1030 = arith.addi %gather3A_222, %add3A_1029 : vector<16xi32>
      %gather3A_1031 = tpu.vector_load_idx %arg22[%add3A_1030] : memref<16000xf32, #tpu.memory_space<vmem>>[vector<16xi32>], vector<16xf32>,
      %add3A_1032 = arith.addf %add3A_1027, %gather3A_1031 : vector<16xf32>
      %add3A_1033 = arith.constant 7 : i32
      %add3A_1034 = vector.broadcast %add3A_1033 : i32 to vector<16xi32>
      %add3A_1035 = arith.addi %gather3A_226, %add3A_1034 : vector<16xi32>
      %gather3A_1036 = tpu.vector_load_idx %arg22[%add3A_1035] : memref<16000xf32, #tpu.memory_space<vmem>>[vector<16xi32>], vector<16xf32>,
      %add3A_1037 = arith.addf %add3A_1032, %gather3A_1036 : vector<16xf32>
      %add3A_1038 = arith.constant 7 : i32
      %add3A_1039 = vector.broadcast %add3A_1038 : i32 to vector<16xi32>
      %add3A_1040 = arith.addi %gather3A_230, %add3A_1039 : vector<16xi32>
      %gather3A_1041 = tpu.vector_load_idx %arg22[%add3A_1040] : memref<16000xf32, #tpu.memory_space<vmem>>[vector<16xi32>], vector<16xf32>,
      %add3A_1042 = arith.addf %add3A_1037, %gather3A_1041 : vector<16xf32>
      %add3A_1043 = arith.constant 7 : i32
      %add3A_1044 = vector.broadcast %add3A_1043 : i32 to vector<16xi32>
      %add3A_1045 = arith.addi %gather3A_234, %add3A_1044 : vector<16xi32>
      %gather3A_1046 = tpu.vector_load_idx %arg22[%add3A_1045] : memref<16000xf32, #tpu.memory_space<vmem>>[vector<16xi32>], vector<16xf32>,
      %add3A_1047 = arith.addf %add3A_1042, %gather3A_1046 : vector<16xf32>
      %add3A_1048 = arith.constant 7 : i32
      %add3A_1049 = vector.broadcast %add3A_1048 : i32 to vector<16xi32>
      %add3A_1050 = arith.addi %gather3A_238, %add3A_1049 : vector<16xi32>
      %gather3A_1051 = tpu.vector_load_idx %arg22[%add3A_1050] : memref<16000xf32, #tpu.memory_space<vmem>>[vector<16xi32>], vector<16xf32>,
      %add3A_1052 = arith.addf %add3A_1047, %gather3A_1051 : vector<16xf32>
      %add3A_1053 = arith.constant 7 : i32
      %add3A_1054 = vector.broadcast %add3A_1053 : i32 to vector<16xi32>
      %add3A_1055 = arith.addi %gather3A_242, %add3A_1054 : vector<16xi32>
      %gather3A_1056 = tpu.vector_load_idx %arg22[%add3A_1055] : memref<16000xf32, #tpu.memory_space<vmem>>[vector<16xi32>], vector<16xf32>,
      %add3A_1057 = arith.addf %add3A_1052, %gather3A_1056 : vector<16xf32>
      %add3A_1058 = arith.constant 7 : i32
      %add3A_1059 = vector.broadcast %add3A_1058 : i32 to vector<16xi32>
      %add3A_1060 = arith.addi %gather3A_246, %add3A_1059 : vector<16xi32>
      %gather3A_1061 = tpu.vector_load_idx %arg22[%add3A_1060] : memref<16000xf32, #tpu.memory_space<vmem>>[vector<16xi32>], vector<16xf32>,
      %add3A_1062 = arith.addf %add3A_1057, %gather3A_1061 : vector<16xf32>
      %add3A_1063 = arith.constant 7 : i32
      %add3A_1064 = vector.broadcast %add3A_1063 : i32 to vector<16xi32>
      %add3A_1065 = arith.addi %gather3A_250, %add3A_1064 : vector<16xi32>
      %gather3A_1066 = tpu.vector_load_idx %arg22[%add3A_1065] : memref<16000xf32, #tpu.memory_space<vmem>>[vector<16xi32>], vector<16xf32>,
      %add3A_1067 = arith.addf %add3A_1062, %gather3A_1066 : vector<16xf32>
      %add3A_1068 = arith.constant 7 : i32
      %add3A_1069 = vector.broadcast %add3A_1068 : i32 to vector<16xi32>
      %add3A_1070 = arith.addi %gather3A_254, %add3A_1069 : vector<16xi32>
      %gather3A_1071 = tpu.vector_load_idx %arg22[%add3A_1070] : memref<16000xf32, #tpu.memory_space<vmem>>[vector<16xi32>], vector<16xf32>,
      %add3A_1072 = arith.addf %add3A_1067, %gather3A_1071 : vector<16xf32>
      %add3A_1073 = arith.constant 7 : i32
      %add3A_1074 = vector.broadcast %add3A_1073 : i32 to vector<16xi32>
      %add3A_1075 = arith.addi %gather3A_258, %add3A_1074 : vector<16xi32>
      %gather3A_1076 = tpu.vector_load_idx %arg22[%add3A_1075] : memref<16000xf32, #tpu.memory_space<vmem>>[vector<16xi32>], vector<16xf32>,
      %add3A_1077 = arith.addf %add3A_1072, %gather3A_1076 : vector<16xf32>
      %swap3A_1078 = arith.constant 7 : i32
      %swap3A_1079 = arith.index_cast %swap3A_1078 : i32 to index
      %swap3A_1080 = arith.index_cast %mul3A_178 : i32 to index
      %swap3A_1081 = tpu.vector_load %arg24[%swap3A_1079, %swap3A_1080] {strides = array<i32>} : memref<16x512xf32, #tpu.memory_space<vmem>>, vector<16xf32>,
      tpu.vector_store %arg24[%swap3A_1079, %swap3A_1080], %add3A_1077 {strides = array<i32>} : memref<16x512xf32, #tpu.memory_space<vmem>>, vector<16xf32>,
      %add3A_1082 = arith.constant 8 : i32
      %add3A_1083 = vector.broadcast %add3A_1082 : i32 to vector<16xi32>
      %add3A_1084 = arith.addi %gather3A, %add3A_1083 : vector<16xi32>
      %gather3A_1085 = tpu.vector_load_idx %arg22[%add3A_1084] : memref<16000xf32, #tpu.memory_space<vmem>>[vector<16xi32>], vector<16xf32>,
      %add3A_1086 = arith.constant 8 : i32
      %add3A_1087 = vector.broadcast %add3A_1086 : i32 to vector<16xi32>
      %add3A_1088 = arith.addi %gather3A_186, %add3A_1087 : vector<16xi32>
      %gather3A_1089 = tpu.vector_load_idx %arg22[%add3A_1088] : memref<16000xf32, #tpu.memory_space<vmem>>[vector<16xi32>], vector<16xf32>,
      %add3A_1090 = arith.addf %gather3A_1085, %gather3A_1089 : vector<16xf32>
      %add3A_1091 = arith.constant 8 : i32
      %add3A_1092 = vector.broadcast %add3A_1091 : i32 to vector<16xi32>
      %add3A_1093 = arith.addi %gather3A_190, %add3A_1092 : vector<16xi32>
      %gather3A_1094 = tpu.vector_load_idx %arg22[%add3A_1093] : memref<16000xf32, #tpu.memory_space<vmem>>[vector<16xi32>], vector<16xf32>,
      %add3A_1095 = arith.addf %add3A_1090, %gather3A_1094 : vector<16xf32>
      %add3A_1096 = arith.constant 8 : i32
      %add3A_1097 = vector.broadcast %add3A_1096 : i32 to vector<16xi32>
      %add3A_1098 = arith.addi %gather3A_194, %add3A_1097 : vector<16xi32>
      %gather3A_1099 = tpu.vector_load_idx %arg22[%add3A_1098] : memref<16000xf32, #tpu.memory_space<vmem>>[vector<16xi32>], vector<16xf32>,
      %add3A_1100 = arith.addf %add3A_1095, %gather3A_1099 : vector<16xf32>
      %add3A_1101 = arith.constant 8 : i32
      %add3A_1102 = vector.broadcast %add3A_1101 : i32 to vector<16xi32>
      %add3A_1103 = arith.addi %gather3A_198, %add3A_1102 : vector<16xi32>
      %gather3A_1104 = tpu.vector_load_idx %arg22[%add3A_1103] : memref<16000xf32, #tpu.memory_space<vmem>>[vector<16xi32>], vector<16xf32>,
      %add3A_1105 = arith.addf %add3A_1100, %gather3A_1104 : vector<16xf32>
      %add3A_1106 = arith.constant 8 : i32
      %add3A_1107 = vector.broadcast %add3A_1106 : i32 to vector<16xi32>
      %add3A_1108 = arith.addi %gather3A_202, %add3A_1107 : vector<16xi32>
      %gather3A_1109 = tpu.vector_load_idx %arg22[%add3A_1108] : memref<16000xf32, #tpu.memory_space<vmem>>[vector<16xi32>], vector<16xf32>,
      %add3A_1110 = arith.addf %add3A_1105, %gather3A_1109 : vector<16xf32>
      %add3A_1111 = arith.constant 8 : i32
      %add3A_1112 = vector.broadcast %add3A_1111 : i32 to vector<16xi32>
      %add3A_1113 = arith.addi %gather3A_206, %add3A_1112 : vector<16xi32>
      %gather3A_1114 = tpu.vector_load_idx %arg22[%add3A_1113] : memref<16000xf32, #tpu.memory_space<vmem>>[vector<16xi32>], vector<16xf32>,
      %add3A_1115 = arith.addf %add3A_1110, %gather3A_1114 : vector<16xf32>
      %add3A_1116 = arith.constant 8 : i32
      %add3A_1117 = vector.broadcast %add3A_1116 : i32 to vector<16xi32>
      %add3A_1118 = arith.addi %gather3A_210, %add3A_1117 : vector<16xi32>
      %gather3A_1119 = tpu.vector_load_idx %arg22[%add3A_1118] : memref<16000xf32, #tpu.memory_space<vmem>>[vector<16xi32>], vector<16xf32>,
      %add3A_1120 = arith.addf %add3A_1115, %gather3A_1119 : vector<16xf32>
      %add3A_1121 = arith.constant 8 : i32
      %add3A_1122 = vector.broadcast %add3A_1121 : i32 to vector<16xi32>
      %add3A_1123 = arith.addi %gather3A_214, %add3A_1122 : vector<16xi32>
      %gather3A_1124 = tpu.vector_load_idx %arg22[%add3A_1123] : memref<16000xf32, #tpu.memory_space<vmem>>[vector<16xi32>], vector<16xf32>,
      %add3A_1125 = arith.addf %add3A_1120, %gather3A_1124 : vector<16xf32>
      %add3A_1126 = arith.constant 8 : i32
      %add3A_1127 = vector.broadcast %add3A_1126 : i32 to vector<16xi32>
      %add3A_1128 = arith.addi %gather3A_218, %add3A_1127 : vector<16xi32>
      %gather3A_1129 = tpu.vector_load_idx %arg22[%add3A_1128] : memref<16000xf32, #tpu.memory_space<vmem>>[vector<16xi32>], vector<16xf32>,
      %add3A_1130 = arith.addf %add3A_1125, %gather3A_1129 : vector<16xf32>
      %add3A_1131 = arith.constant 8 : i32
      %add3A_1132 = vector.broadcast %add3A_1131 : i32 to vector<16xi32>
      %add3A_1133 = arith.addi %gather3A_222, %add3A_1132 : vector<16xi32>
      %gather3A_1134 = tpu.vector_load_idx %arg22[%add3A_1133] : memref<16000xf32, #tpu.memory_space<vmem>>[vector<16xi32>], vector<16xf32>,
      %add3A_1135 = arith.addf %add3A_1130, %gather3A_1134 : vector<16xf32>
      %add3A_1136 = arith.constant 8 : i32
      %add3A_1137 = vector.broadcast %add3A_1136 : i32 to vector<16xi32>
      %add3A_1138 = arith.addi %gather3A_226, %add3A_1137 : vector<16xi32>
      %gather3A_1139 = tpu.vector_load_idx %arg22[%add3A_1138] : memref<16000xf32, #tpu.memory_space<vmem>>[vector<16xi32>], vector<16xf32>,
      %add3A_1140 = arith.addf %add3A_1135, %gather3A_1139 : vector<16xf32>
      %add3A_1141 = arith.constant 8 : i32
      %add3A_1142 = vector.broadcast %add3A_1141 : i32 to vector<16xi32>
      %add3A_1143 = arith.addi %gather3A_230, %add3A_1142 : vector<16xi32>
      %gather3A_1144 = tpu.vector_load_idx %arg22[%add3A_1143] : memref<16000xf32, #tpu.memory_space<vmem>>[vector<16xi32>], vector<16xf32>,
      %add3A_1145 = arith.addf %add3A_1140, %gather3A_1144 : vector<16xf32>
      %add3A_1146 = arith.constant 8 : i32
      %add3A_1147 = vector.broadcast %add3A_1146 : i32 to vector<16xi32>
      %add3A_1148 = arith.addi %gather3A_234, %add3A_1147 : vector<16xi32>
      %gather3A_1149 = tpu.vector_load_idx %arg22[%add3A_1148] : memref<16000xf32, #tpu.memory_space<vmem>>[vector<16xi32>], vector<16xf32>,
      %add3A_1150 = arith.addf %add3A_1145, %gather3A_1149 : vector<16xf32>
      %add3A_1151 = arith.constant 8 : i32
      %add3A_1152 = vector.broadcast %add3A_1151 : i32 to vector<16xi32>
      %add3A_1153 = arith.addi %gather3A_238, %add3A_1152 : vector<16xi32>
      %gather3A_1154 = tpu.vector_load_idx %arg22[%add3A_1153] : memref<16000xf32, #tpu.memory_space<vmem>>[vector<16xi32>], vector<16xf32>,
      %add3A_1155 = arith.addf %add3A_1150, %gather3A_1154 : vector<16xf32>
      %add3A_1156 = arith.constant 8 : i32
      %add3A_1157 = vector.broadcast %add3A_1156 : i32 to vector<16xi32>
      %add3A_1158 = arith.addi %gather3A_242, %add3A_1157 : vector<16xi32>
      %gather3A_1159 = tpu.vector_load_idx %arg22[%add3A_1158] : memref<16000xf32, #tpu.memory_space<vmem>>[vector<16xi32>], vector<16xf32>,
      %add3A_1160 = arith.addf %add3A_1155, %gather3A_1159 : vector<16xf32>
      %add3A_1161 = arith.constant 8 : i32
      %add3A_1162 = vector.broadcast %add3A_1161 : i32 to vector<16xi32>
      %add3A_1163 = arith.addi %gather3A_246, %add3A_1162 : vector<16xi32>
      %gather3A_1164 = tpu.vector_load_idx %arg22[%add3A_1163] : memref<16000xf32, #tpu.memory_space<vmem>>[vector<16xi32>], vector<16xf32>,
      %add3A_1165 = arith.addf %add3A_1160, %gather3A_1164 : vector<16xf32>
      %add3A_1166 = arith.constant 8 : i32
      %add3A_1167 = vector.broadcast %add3A_1166 : i32 to vector<16xi32>
      %add3A_1168 = arith.addi %gather3A_250, %add3A_1167 : vector<16xi32>
      %gather3A_1169 = tpu.vector_load_idx %arg22[%add3A_1168] : memref<16000xf32, #tpu.memory_space<vmem>>[vector<16xi32>], vector<16xf32>,
      %add3A_1170 = arith.addf %add3A_1165, %gather3A_1169 : vector<16xf32>
      %add3A_1171 = arith.constant 8 : i32
      %add3A_1172 = vector.broadcast %add3A_1171 : i32 to vector<16xi32>
      %add3A_1173 = arith.addi %gather3A_254, %add3A_1172 : vector<16xi32>
      %gather3A_1174 = tpu.vector_load_idx %arg22[%add3A_1173] : memref<16000xf32, #tpu.memory_space<vmem>>[vector<16xi32>], vector<16xf32>,
      %add3A_1175 = arith.addf %add3A_1170, %gather3A_1174 : vector<16xf32>
      %add3A_1176 = arith.constant 8 : i32
      %add3A_1177 = vector.broadcast %add3A_1176 : i32 to vector<16xi32>
      %add3A_1178 = arith.addi %gather3A_258, %add3A_1177 : vector<16xi32>
      %gather3A_1179 = tpu.vector_load_idx %arg22[%add3A_1178] : memref<16000xf32, #tpu.memory_space<vmem>>[vector<16xi32>], vector<16xf32>,
      %add3A_1180 = arith.addf %add3A_1175, %gather3A_1179 : vector<16xf32>
      %swap3A_1181 = arith.constant 8 : i32
      %swap3A_1182 = arith.index_cast %swap3A_1181 : i32 to index
      %swap3A_1183 = arith.index_cast %mul3A_178 : i32 to index
      %swap3A_1184 = tpu.vector_load %arg24[%swap3A_1182, %swap3A_1183] {strides = array<i32>} : memref<16x512xf32, #tpu.memory_space<vmem>>, vector<16xf32>,
      tpu.vector_store %arg24[%swap3A_1182, %swap3A_1183], %add3A_1180 {strides = array<i32>} : memref<16x512xf32, #tpu.memory_space<vmem>>, vector<16xf32>,
      %add3A_1185 = arith.constant 9 : i32
      %add3A_1186 = vector.broadcast %add3A_1185 : i32 to vector<16xi32>
      %add3A_1187 = arith.addi %gather3A, %add3A_1186 : vector<16xi32>
      %gather3A_1188 = tpu.vector_load_idx %arg22[%add3A_1187] : memref<16000xf32, #tpu.memory_space<vmem>>[vector<16xi32>], vector<16xf32>,
      %add3A_1189 = arith.constant 9 : i32
      %add3A_1190 = vector.broadcast %add3A_1189 : i32 to vector<16xi32>
      %add3A_1191 = arith.addi %gather3A_186, %add3A_1190 : vector<16xi32>
      %gather3A_1192 = tpu.vector_load_idx %arg22[%add3A_1191] : memref<16000xf32, #tpu.memory_space<vmem>>[vector<16xi32>], vector<16xf32>,
      %add3A_1193 = arith.addf %gather3A_1188, %gather3A_1192 : vector<16xf32>
      %add3A_1194 = arith.constant 9 : i32
      %add3A_1195 = vector.broadcast %add3A_1194 : i32 to vector<16xi32>
      %add3A_1196 = arith.addi %gather3A_190, %add3A_1195 : vector<16xi32>
      %gather3A_1197 = tpu.vector_load_idx %arg22[%add3A_1196] : memref<16000xf32, #tpu.memory_space<vmem>>[vector<16xi32>], vector<16xf32>,
      %add3A_1198 = arith.addf %add3A_1193, %gather3A_1197 : vector<16xf32>
      %add3A_1199 = arith.constant 9 : i32
      %add3A_1200 = vector.broadcast %add3A_1199 : i32 to vector<16xi32>
      %add3A_1201 = arith.addi %gather3A_194, %add3A_1200 : vector<16xi32>
      %gather3A_1202 = tpu.vector_load_idx %arg22[%add3A_1201] : memref<16000xf32, #tpu.memory_space<vmem>>[vector<16xi32>], vector<16xf32>,
      %add3A_1203 = arith.addf %add3A_1198, %gather3A_1202 : vector<16xf32>
      %add3A_1204 = arith.constant 9 : i32
      %add3A_1205 = vector.broadcast %add3A_1204 : i32 to vector<16xi32>
      %add3A_1206 = arith.addi %gather3A_198, %add3A_1205 : vector<16xi32>
      %gather3A_1207 = tpu.vector_load_idx %arg22[%add3A_1206] : memref<16000xf32, #tpu.memory_space<vmem>>[vector<16xi32>], vector<16xf32>,
      %add3A_1208 = arith.addf %add3A_1203, %gather3A_1207 : vector<16xf32>
      %add3A_1209 = arith.constant 9 : i32
      %add3A_1210 = vector.broadcast %add3A_1209 : i32 to vector<16xi32>
      %add3A_1211 = arith.addi %gather3A_202, %add3A_1210 : vector<16xi32>
      %gather3A_1212 = tpu.vector_load_idx %arg22[%add3A_1211] : memref<16000xf32, #tpu.memory_space<vmem>>[vector<16xi32>], vector<16xf32>,
      %add3A_1213 = arith.addf %add3A_1208, %gather3A_1212 : vector<16xf32>
      %add3A_1214 = arith.constant 9 : i32
      %add3A_1215 = vector.broadcast %add3A_1214 : i32 to vector<16xi32>
      %add3A_1216 = arith.addi %gather3A_206, %add3A_1215 : vector<16xi32>
      %gather3A_1217 = tpu.vector_load_idx %arg22[%add3A_1216] : memref<16000xf32, #tpu.memory_space<vmem>>[vector<16xi32>], vector<16xf32>,
      %add3A_1218 = arith.addf %add3A_1213, %gather3A_1217 : vector<16xf32>
      %add3A_1219 = arith.constant 9 : i32
      %add3A_1220 = vector.broadcast %add3A_1219 : i32 to vector<16xi32>
      %add3A_1221 = arith.addi %gather3A_210, %add3A_1220 : vector<16xi32>
      %gather3A_1222 = tpu.vector_load_idx %arg22[%add3A_1221] : memref<16000xf32, #tpu.memory_space<vmem>>[vector<16xi32>], vector<16xf32>,
      %add3A_1223 = arith.addf %add3A_1218, %gather3A_1222 : vector<16xf32>
      %add3A_1224 = arith.constant 9 : i32
      %add3A_1225 = vector.broadcast %add3A_1224 : i32 to vector<16xi32>
      %add3A_1226 = arith.addi %gather3A_214, %add3A_1225 : vector<16xi32>
      %gather3A_1227 = tpu.vector_load_idx %arg22[%add3A_1226] : memref<16000xf32, #tpu.memory_space<vmem>>[vector<16xi32>], vector<16xf32>,
      %add3A_1228 = arith.addf %add3A_1223, %gather3A_1227 : vector<16xf32>
      %add3A_1229 = arith.constant 9 : i32
      %add3A_1230 = vector.broadcast %add3A_1229 : i32 to vector<16xi32>
      %add3A_1231 = arith.addi %gather3A_218, %add3A_1230 : vector<16xi32>
      %gather3A_1232 = tpu.vector_load_idx %arg22[%add3A_1231] : memref<16000xf32, #tpu.memory_space<vmem>>[vector<16xi32>], vector<16xf32>,
      %add3A_1233 = arith.addf %add3A_1228, %gather3A_1232 : vector<16xf32>
      %add3A_1234 = arith.constant 9 : i32
      %add3A_1235 = vector.broadcast %add3A_1234 : i32 to vector<16xi32>
      %add3A_1236 = arith.addi %gather3A_222, %add3A_1235 : vector<16xi32>
      %gather3A_1237 = tpu.vector_load_idx %arg22[%add3A_1236] : memref<16000xf32, #tpu.memory_space<vmem>>[vector<16xi32>], vector<16xf32>,
      %add3A_1238 = arith.addf %add3A_1233, %gather3A_1237 : vector<16xf32>
      %add3A_1239 = arith.constant 9 : i32
      %add3A_1240 = vector.broadcast %add3A_1239 : i32 to vector<16xi32>
      %add3A_1241 = arith.addi %gather3A_226, %add3A_1240 : vector<16xi32>
      %gather3A_1242 = tpu.vector_load_idx %arg22[%add3A_1241] : memref<16000xf32, #tpu.memory_space<vmem>>[vector<16xi32>], vector<16xf32>,
      %add3A_1243 = arith.addf %add3A_1238, %gather3A_1242 : vector<16xf32>
      %add3A_1244 = arith.constant 9 : i32
      %add3A_1245 = vector.broadcast %add3A_1244 : i32 to vector<16xi32>
      %add3A_1246 = arith.addi %gather3A_230, %add3A_1245 : vector<16xi32>
      %gather3A_1247 = tpu.vector_load_idx %arg22[%add3A_1246] : memref<16000xf32, #tpu.memory_space<vmem>>[vector<16xi32>], vector<16xf32>,
      %add3A_1248 = arith.addf %add3A_1243, %gather3A_1247 : vector<16xf32>
      %add3A_1249 = arith.constant 9 : i32
      %add3A_1250 = vector.broadcast %add3A_1249 : i32 to vector<16xi32>
      %add3A_1251 = arith.addi %gather3A_234, %add3A_1250 : vector<16xi32>
      %gather3A_1252 = tpu.vector_load_idx %arg22[%add3A_1251] : memref<16000xf32, #tpu.memory_space<vmem>>[vector<16xi32>], vector<16xf32>,
      %add3A_1253 = arith.addf %add3A_1248, %gather3A_1252 : vector<16xf32>
      %add3A_1254 = arith.constant 9 : i32
      %add3A_1255 = vector.broadcast %add3A_1254 : i32 to vector<16xi32>
      %add3A_1256 = arith.addi %gather3A_238, %add3A_1255 : vector<16xi32>
      %gather3A_1257 = tpu.vector_load_idx %arg22[%add3A_1256] : memref<16000xf32, #tpu.memory_space<vmem>>[vector<16xi32>], vector<16xf32>,
      %add3A_1258 = arith.addf %add3A_1253, %gather3A_1257 : vector<16xf32>
      %add3A_1259 = arith.constant 9 : i32
      %add3A_1260 = vector.broadcast %add3A_1259 : i32 to vector<16xi32>
      %add3A_1261 = arith.addi %gather3A_242, %add3A_1260 : vector<16xi32>
      %gather3A_1262 = tpu.vector_load_idx %arg22[%add3A_1261] : memref<16000xf32, #tpu.memory_space<vmem>>[vector<16xi32>], vector<16xf32>,
      %add3A_1263 = arith.addf %add3A_1258, %gather3A_1262 : vector<16xf32>
      %add3A_1264 = arith.constant 9 : i32
      %add3A_1265 = vector.broadcast %add3A_1264 : i32 to vector<16xi32>
      %add3A_1266 = arith.addi %gather3A_246, %add3A_1265 : vector<16xi32>
      %gather3A_1267 = tpu.vector_load_idx %arg22[%add3A_1266] : memref<16000xf32, #tpu.memory_space<vmem>>[vector<16xi32>], vector<16xf32>,
      %add3A_1268 = arith.addf %add3A_1263, %gather3A_1267 : vector<16xf32>
      %add3A_1269 = arith.constant 9 : i32
      %add3A_1270 = vector.broadcast %add3A_1269 : i32 to vector<16xi32>
      %add3A_1271 = arith.addi %gather3A_250, %add3A_1270 : vector<16xi32>
      %gather3A_1272 = tpu.vector_load_idx %arg22[%add3A_1271] : memref<16000xf32, #tpu.memory_space<vmem>>[vector<16xi32>], vector<16xf32>,
      %add3A_1273 = arith.addf %add3A_1268, %gather3A_1272 : vector<16xf32>
      %add3A_1274 = arith.constant 9 : i32
      %add3A_1275 = vector.broadcast %add3A_1274 : i32 to vector<16xi32>
      %add3A_1276 = arith.addi %gather3A_254, %add3A_1275 : vector<16xi32>
      %gather3A_1277 = tpu.vector_load_idx %arg22[%add3A_1276] : memref<16000xf32, #tpu.memory_space<vmem>>[vector<16xi32>], vector<16xf32>,
      %add3A_1278 = arith.addf %add3A_1273, %gather3A_1277 : vector<16xf32>
      %add3A_1279 = arith.constant 9 : i32
      %add3A_1280 = vector.broadcast %add3A_1279 : i32 to vector<16xi32>
      %add3A_1281 = arith.addi %gather3A_258, %add3A_1280 : vector<16xi32>
      %gather3A_1282 = tpu.vector_load_idx %arg22[%add3A_1281] : memref<16000xf32, #tpu.memory_space<vmem>>[vector<16xi32>], vector<16xf32>,
      %add3A_1283 = arith.addf %add3A_1278, %gather3A_1282 : vector<16xf32>
      %swap3A_1284 = arith.constant 9 : i32
      %swap3A_1285 = arith.index_cast %swap3A_1284 : i32 to index
      %swap3A_1286 = arith.index_cast %mul3A_178 : i32 to index
      %swap3A_1287 = tpu.vector_load %arg24[%swap3A_1285, %swap3A_1286] {strides = array<i32>} : memref<16x512xf32, #tpu.memory_space<vmem>>, vector<16xf32>,
      tpu.vector_store %arg24[%swap3A_1285, %swap3A_1286], %add3A_1283 {strides = array<i32>} : memref<16x512xf32, #tpu.memory_space<vmem>>, vector<16xf32>,
      %add3A_1288 = arith.constant 10 : i32
      %add3A_1289 = vector.broadcast %add3A_1288 : i32 to vector<16xi32>
      %add3A_1290 = arith.addi %gather3A, %add3A_1289 : vector<16xi32>
      %gather3A_1291 = tpu.vector_load_idx %arg22[%add3A_1290] : memref<16000xf32, #tpu.memory_space<vmem>>[vector<16xi32>], vector<16xf32>,
      %add3A_1292 = arith.constant 10 : i32
      %add3A_1293 = vector.broadcast %add3A_1292 : i32 to vector<16xi32>
      %add3A_1294 = arith.addi %gather3A_186, %add3A_1293 : vector<16xi32>
      %gather3A_1295 = tpu.vector_load_idx %arg22[%add3A_1294] : memref<16000xf32, #tpu.memory_space<vmem>>[vector<16xi32>], vector<16xf32>,
      %add3A_1296 = arith.addf %gather3A_1291, %gather3A_1295 : vector<16xf32>
      %add3A_1297 = arith.constant 10 : i32
      %add3A_1298 = vector.broadcast %add3A_1297 : i32 to vector<16xi32>
      %add3A_1299 = arith.addi %gather3A_190, %add3A_1298 : vector<16xi32>
      %gather3A_1300 = tpu.vector_load_idx %arg22[%add3A_1299] : memref<16000xf32, #tpu.memory_space<vmem>>[vector<16xi32>], vector<16xf32>,
      %add3A_1301 = arith.addf %add3A_1296, %gather3A_1300 : vector<16xf32>
      %add3A_1302 = arith.constant 10 : i32
      %add3A_1303 = vector.broadcast %add3A_1302 : i32 to vector<16xi32>
      %add3A_1304 = arith.addi %gather3A_194, %add3A_1303 : vector<16xi32>
      %gather3A_1305 = tpu.vector_load_idx %arg22[%add3A_1304] : memref<16000xf32, #tpu.memory_space<vmem>>[vector<16xi32>], vector<16xf32>,
      %add3A_1306 = arith.addf %add3A_1301, %gather3A_1305 : vector<16xf32>
      %add3A_1307 = arith.constant 10 : i32
      %add3A_1308 = vector.broadcast %add3A_1307 : i32 to vector<16xi32>
      %add3A_1309 = arith.addi %gather3A_198, %add3A_1308 : vector<16xi32>
      %gather3A_1310 = tpu.vector_load_idx %arg22[%add3A_1309] : memref<16000xf32, #tpu.memory_space<vmem>>[vector<16xi32>], vector<16xf32>,
      %add3A_1311 = arith.addf %add3A_1306, %gather3A_1310 : vector<16xf32>
      %add3A_1312 = arith.constant 10 : i32
      %add3A_1313 = vector.broadcast %add3A_1312 : i32 to vector<16xi32>
      %add3A_1314 = arith.addi %gather3A_202, %add3A_1313 : vector<16xi32>
      %gather3A_1315 = tpu.vector_load_idx %arg22[%add3A_1314] : memref<16000xf32, #tpu.memory_space<vmem>>[vector<16xi32>], vector<16xf32>,
      %add3A_1316 = arith.addf %add3A_1311, %gather3A_1315 : vector<16xf32>
      %add3A_1317 = arith.constant 10 : i32
      %add3A_1318 = vector.broadcast %add3A_1317 : i32 to vector<16xi32>
      %add3A_1319 = arith.addi %gather3A_206, %add3A_1318 : vector<16xi32>
      %gather3A_1320 = tpu.vector_load_idx %arg22[%add3A_1319] : memref<16000xf32, #tpu.memory_space<vmem>>[vector<16xi32>], vector<16xf32>,
      %add3A_1321 = arith.addf %add3A_1316, %gather3A_1320 : vector<16xf32>
      %add3A_1322 = arith.constant 10 : i32
      %add3A_1323 = vector.broadcast %add3A_1322 : i32 to vector<16xi32>
      %add3A_1324 = arith.addi %gather3A_210, %add3A_1323 : vector<16xi32>
      %gather3A_1325 = tpu.vector_load_idx %arg22[%add3A_1324] : memref<16000xf32, #tpu.memory_space<vmem>>[vector<16xi32>], vector<16xf32>,
      %add3A_1326 = arith.addf %add3A_1321, %gather3A_1325 : vector<16xf32>
      %add3A_1327 = arith.constant 10 : i32
      %add3A_1328 = vector.broadcast %add3A_1327 : i32 to vector<16xi32>
      %add3A_1329 = arith.addi %gather3A_214, %add3A_1328 : vector<16xi32>
      %gather3A_1330 = tpu.vector_load_idx %arg22[%add3A_1329] : memref<16000xf32, #tpu.memory_space<vmem>>[vector<16xi32>], vector<16xf32>,
      %add3A_1331 = arith.addf %add3A_1326, %gather3A_1330 : vector<16xf32>
      %add3A_1332 = arith.constant 10 : i32
      %add3A_1333 = vector.broadcast %add3A_1332 : i32 to vector<16xi32>
      %add3A_1334 = arith.addi %gather3A_218, %add3A_1333 : vector<16xi32>
      %gather3A_1335 = tpu.vector_load_idx %arg22[%add3A_1334] : memref<16000xf32, #tpu.memory_space<vmem>>[vector<16xi32>], vector<16xf32>,
      %add3A_1336 = arith.addf %add3A_1331, %gather3A_1335 : vector<16xf32>
      %add3A_1337 = arith.constant 10 : i32
      %add3A_1338 = vector.broadcast %add3A_1337 : i32 to vector<16xi32>
      %add3A_1339 = arith.addi %gather3A_222, %add3A_1338 : vector<16xi32>
      %gather3A_1340 = tpu.vector_load_idx %arg22[%add3A_1339] : memref<16000xf32, #tpu.memory_space<vmem>>[vector<16xi32>], vector<16xf32>,
      %add3A_1341 = arith.addf %add3A_1336, %gather3A_1340 : vector<16xf32>
      %add3A_1342 = arith.constant 10 : i32
      %add3A_1343 = vector.broadcast %add3A_1342 : i32 to vector<16xi32>
      %add3A_1344 = arith.addi %gather3A_226, %add3A_1343 : vector<16xi32>
      %gather3A_1345 = tpu.vector_load_idx %arg22[%add3A_1344] : memref<16000xf32, #tpu.memory_space<vmem>>[vector<16xi32>], vector<16xf32>,
      %add3A_1346 = arith.addf %add3A_1341, %gather3A_1345 : vector<16xf32>
      %add3A_1347 = arith.constant 10 : i32
      %add3A_1348 = vector.broadcast %add3A_1347 : i32 to vector<16xi32>
      %add3A_1349 = arith.addi %gather3A_230, %add3A_1348 : vector<16xi32>
      %gather3A_1350 = tpu.vector_load_idx %arg22[%add3A_1349] : memref<16000xf32, #tpu.memory_space<vmem>>[vector<16xi32>], vector<16xf32>,
      %add3A_1351 = arith.addf %add3A_1346, %gather3A_1350 : vector<16xf32>
      %add3A_1352 = arith.constant 10 : i32
      %add3A_1353 = vector.broadcast %add3A_1352 : i32 to vector<16xi32>
      %add3A_1354 = arith.addi %gather3A_234, %add3A_1353 : vector<16xi32>
      %gather3A_1355 = tpu.vector_load_idx %arg22[%add3A_1354] : memref<16000xf32, #tpu.memory_space<vmem>>[vector<16xi32>], vector<16xf32>,
      %add3A_1356 = arith.addf %add3A_1351, %gather3A_1355 : vector<16xf32>
      %add3A_1357 = arith.constant 10 : i32
      %add3A_1358 = vector.broadcast %add3A_1357 : i32 to vector<16xi32>
      %add3A_1359 = arith.addi %gather3A_238, %add3A_1358 : vector<16xi32>
      %gather3A_1360 = tpu.vector_load_idx %arg22[%add3A_1359] : memref<16000xf32, #tpu.memory_space<vmem>>[vector<16xi32>], vector<16xf32>,
      %add3A_1361 = arith.addf %add3A_1356, %gather3A_1360 : vector<16xf32>
      %add3A_1362 = arith.constant 10 : i32
      %add3A_1363 = vector.broadcast %add3A_1362 : i32 to vector<16xi32>
      %add3A_1364 = arith.addi %gather3A_242, %add3A_1363 : vector<16xi32>
      %gather3A_1365 = tpu.vector_load_idx %arg22[%add3A_1364] : memref<16000xf32, #tpu.memory_space<vmem>>[vector<16xi32>], vector<16xf32>,
      %add3A_1366 = arith.addf %add3A_1361, %gather3A_1365 : vector<16xf32>
      %add3A_1367 = arith.constant 10 : i32
      %add3A_1368 = vector.broadcast %add3A_1367 : i32 to vector<16xi32>
      %add3A_1369 = arith.addi %gather3A_246, %add3A_1368 : vector<16xi32>
      %gather3A_1370 = tpu.vector_load_idx %arg22[%add3A_1369] : memref<16000xf32, #tpu.memory_space<vmem>>[vector<16xi32>], vector<16xf32>,
      %add3A_1371 = arith.addf %add3A_1366, %gather3A_1370 : vector<16xf32>
      %add3A_1372 = arith.constant 10 : i32
      %add3A_1373 = vector.broadcast %add3A_1372 : i32 to vector<16xi32>
      %add3A_1374 = arith.addi %gather3A_250, %add3A_1373 : vector<16xi32>
      %gather3A_1375 = tpu.vector_load_idx %arg22[%add3A_1374] : memref<16000xf32, #tpu.memory_space<vmem>>[vector<16xi32>], vector<16xf32>,
      %add3A_1376 = arith.addf %add3A_1371, %gather3A_1375 : vector<16xf32>
      %add3A_1377 = arith.constant 10 : i32
      %add3A_1378 = vector.broadcast %add3A_1377 : i32 to vector<16xi32>
      %add3A_1379 = arith.addi %gather3A_254, %add3A_1378 : vector<16xi32>
      %gather3A_1380 = tpu.vector_load_idx %arg22[%add3A_1379] : memref<16000xf32, #tpu.memory_space<vmem>>[vector<16xi32>], vector<16xf32>,
      %add3A_1381 = arith.addf %add3A_1376, %gather3A_1380 : vector<16xf32>
      %add3A_1382 = arith.constant 10 : i32
      %add3A_1383 = vector.broadcast %add3A_1382 : i32 to vector<16xi32>
      %add3A_1384 = arith.addi %gather3A_258, %add3A_1383 : vector<16xi32>
      %gather3A_1385 = tpu.vector_load_idx %arg22[%add3A_1384] : memref<16000xf32, #tpu.memory_space<vmem>>[vector<16xi32>], vector<16xf32>,
      %add3A_1386 = arith.addf %add3A_1381, %gather3A_1385 : vector<16xf32>
      %swap3A_1387 = arith.constant 10 : i32
      %swap3A_1388 = arith.index_cast %swap3A_1387 : i32 to index
      %swap3A_1389 = arith.index_cast %mul3A_178 : i32 to index
      %swap3A_1390 = tpu.vector_load %arg24[%swap3A_1388, %swap3A_1389] {strides = array<i32>} : memref<16x512xf32, #tpu.memory_space<vmem>>, vector<16xf32>,
      tpu.vector_store %arg24[%swap3A_1388, %swap3A_1389], %add3A_1386 {strides = array<i32>} : memref<16x512xf32, #tpu.memory_space<vmem>>, vector<16xf32>,
      %add3A_1391 = arith.constant 11 : i32
      %add3A_1392 = vector.broadcast %add3A_1391 : i32 to vector<16xi32>
      %add3A_1393 = arith.addi %gather3A, %add3A_1392 : vector<16xi32>
      %gather3A_1394 = tpu.vector_load_idx %arg22[%add3A_1393] : memref<16000xf32, #tpu.memory_space<vmem>>[vector<16xi32>], vector<16xf32>,
      %add3A_1395 = arith.constant 11 : i32
      %add3A_1396 = vector.broadcast %add3A_1395 : i32 to vector<16xi32>
      %add3A_1397 = arith.addi %gather3A_186, %add3A_1396 : vector<16xi32>
      %gather3A_1398 = tpu.vector_load_idx %arg22[%add3A_1397] : memref<16000xf32, #tpu.memory_space<vmem>>[vector<16xi32>], vector<16xf32>,
      %add3A_1399 = arith.addf %gather3A_1394, %gather3A_1398 : vector<16xf32>
      %add3A_1400 = arith.constant 11 : i32
      %add3A_1401 = vector.broadcast %add3A_1400 : i32 to vector<16xi32>
      %add3A_1402 = arith.addi %gather3A_190, %add3A_1401 : vector<16xi32>
      %gather3A_1403 = tpu.vector_load_idx %arg22[%add3A_1402] : memref<16000xf32, #tpu.memory_space<vmem>>[vector<16xi32>], vector<16xf32>,
      %add3A_1404 = arith.addf %add3A_1399, %gather3A_1403 : vector<16xf32>
      %add3A_1405 = arith.constant 11 : i32
      %add3A_1406 = vector.broadcast %add3A_1405 : i32 to vector<16xi32>
      %add3A_1407 = arith.addi %gather3A_194, %add3A_1406 : vector<16xi32>
      %gather3A_1408 = tpu.vector_load_idx %arg22[%add3A_1407] : memref<16000xf32, #tpu.memory_space<vmem>>[vector<16xi32>], vector<16xf32>,
      %add3A_1409 = arith.addf %add3A_1404, %gather3A_1408 : vector<16xf32>
      %add3A_1410 = arith.constant 11 : i32
      %add3A_1411 = vector.broadcast %add3A_1410 : i32 to vector<16xi32>
      %add3A_1412 = arith.addi %gather3A_198, %add3A_1411 : vector<16xi32>
      %gather3A_1413 = tpu.vector_load_idx %arg22[%add3A_1412] : memref<16000xf32, #tpu.memory_space<vmem>>[vector<16xi32>], vector<16xf32>,
      %add3A_1414 = arith.addf %add3A_1409, %gather3A_1413 : vector<16xf32>
      %add3A_1415 = arith.constant 11 : i32
      %add3A_1416 = vector.broadcast %add3A_1415 : i32 to vector<16xi32>
      %add3A_1417 = arith.addi %gather3A_202, %add3A_1416 : vector<16xi32>
      %gather3A_1418 = tpu.vector_load_idx %arg22[%add3A_1417] : memref<16000xf32, #tpu.memory_space<vmem>>[vector<16xi32>], vector<16xf32>,
      %add3A_1419 = arith.addf %add3A_1414, %gather3A_1418 : vector<16xf32>
      %add3A_1420 = arith.constant 11 : i32
      %add3A_1421 = vector.broadcast %add3A_1420 : i32 to vector<16xi32>
      %add3A_1422 = arith.addi %gather3A_206, %add3A_1421 : vector<16xi32>
      %gather3A_1423 = tpu.vector_load_idx %arg22[%add3A_1422] : memref<16000xf32, #tpu.memory_space<vmem>>[vector<16xi32>], vector<16xf32>,
      %add3A_1424 = arith.addf %add3A_1419, %gather3A_1423 : vector<16xf32>
      %add3A_1425 = arith.constant 11 : i32
      %add3A_1426 = vector.broadcast %add3A_1425 : i32 to vector<16xi32>
      %add3A_1427 = arith.addi %gather3A_210, %add3A_1426 : vector<16xi32>
      %gather3A_1428 = tpu.vector_load_idx %arg22[%add3A_1427] : memref<16000xf32, #tpu.memory_space<vmem>>[vector<16xi32>], vector<16xf32>,
      %add3A_1429 = arith.addf %add3A_1424, %gather3A_1428 : vector<16xf32>
      %add3A_1430 = arith.constant 11 : i32
      %add3A_1431 = vector.broadcast %add3A_1430 : i32 to vector<16xi32>
      %add3A_1432 = arith.addi %gather3A_214, %add3A_1431 : vector<16xi32>
      %gather3A_1433 = tpu.vector_load_idx %arg22[%add3A_1432] : memref<16000xf32, #tpu.memory_space<vmem>>[vector<16xi32>], vector<16xf32>,
      %add3A_1434 = arith.addf %add3A_1429, %gather3A_1433 : vector<16xf32>
      %add3A_1435 = arith.constant 11 : i32
      %add3A_1436 = vector.broadcast %add3A_1435 : i32 to vector<16xi32>
      %add3A_1437 = arith.addi %gather3A_218, %add3A_1436 : vector<16xi32>
      %gather3A_1438 = tpu.vector_load_idx %arg22[%add3A_1437] : memref<16000xf32, #tpu.memory_space<vmem>>[vector<16xi32>], vector<16xf32>,
      %add3A_1439 = arith.addf %add3A_1434, %gather3A_1438 : vector<16xf32>
      %add3A_1440 = arith.constant 11 : i32
      %add3A_1441 = vector.broadcast %add3A_1440 : i32 to vector<16xi32>
      %add3A_1442 = arith.addi %gather3A_222, %add3A_1441 : vector<16xi32>
      %gather3A_1443 = tpu.vector_load_idx %arg22[%add3A_1442] : memref<16000xf32, #tpu.memory_space<vmem>>[vector<16xi32>], vector<16xf32>,
      %add3A_1444 = arith.addf %add3A_1439, %gather3A_1443 : vector<16xf32>
      %add3A_1445 = arith.constant 11 : i32
      %add3A_1446 = vector.broadcast %add3A_1445 : i32 to vector<16xi32>
      %add3A_1447 = arith.addi %gather3A_226, %add3A_1446 : vector<16xi32>
      %gather3A_1448 = tpu.vector_load_idx %arg22[%add3A_1447] : memref<16000xf32, #tpu.memory_space<vmem>>[vector<16xi32>], vector<16xf32>,
      %add3A_1449 = arith.addf %add3A_1444, %gather3A_1448 : vector<16xf32>
      %add3A_1450 = arith.constant 11 : i32
      %add3A_1451 = vector.broadcast %add3A_1450 : i32 to vector<16xi32>
      %add3A_1452 = arith.addi %gather3A_230, %add3A_1451 : vector<16xi32>
      %gather3A_1453 = tpu.vector_load_idx %arg22[%add3A_1452] : memref<16000xf32, #tpu.memory_space<vmem>>[vector<16xi32>], vector<16xf32>,
      %add3A_1454 = arith.addf %add3A_1449, %gather3A_1453 : vector<16xf32>
      %add3A_1455 = arith.constant 11 : i32
      %add3A_1456 = vector.broadcast %add3A_1455 : i32 to vector<16xi32>
      %add3A_1457 = arith.addi %gather3A_234, %add3A_1456 : vector<16xi32>
      %gather3A_1458 = tpu.vector_load_idx %arg22[%add3A_1457] : memref<16000xf32, #tpu.memory_space<vmem>>[vector<16xi32>], vector<16xf32>,
      %add3A_1459 = arith.addf %add3A_1454, %gather3A_1458 : vector<16xf32>
      %add3A_1460 = arith.constant 11 : i32
      %add3A_1461 = vector.broadcast %add3A_1460 : i32 to vector<16xi32>
      %add3A_1462 = arith.addi %gather3A_238, %add3A_1461 : vector<16xi32>
      %gather3A_1463 = tpu.vector_load_idx %arg22[%add3A_1462] : memref<16000xf32, #tpu.memory_space<vmem>>[vector<16xi32>], vector<16xf32>,
      %add3A_1464 = arith.addf %add3A_1459, %gather3A_1463 : vector<16xf32>
      %add3A_1465 = arith.constant 11 : i32
      %add3A_1466 = vector.broadcast %add3A_1465 : i32 to vector<16xi32>
      %add3A_1467 = arith.addi %gather3A_242, %add3A_1466 : vector<16xi32>
      %gather3A_1468 = tpu.vector_load_idx %arg22[%add3A_1467] : memref<16000xf32, #tpu.memory_space<vmem>>[vector<16xi32>], vector<16xf32>,
      %add3A_1469 = arith.addf %add3A_1464, %gather3A_1468 : vector<16xf32>
      %add3A_1470 = arith.constant 11 : i32
      %add3A_1471 = vector.broadcast %add3A_1470 : i32 to vector<16xi32>
      %add3A_1472 = arith.addi %gather3A_246, %add3A_1471 : vector<16xi32>
      %gather3A_1473 = tpu.vector_load_idx %arg22[%add3A_1472] : memref<16000xf32, #tpu.memory_space<vmem>>[vector<16xi32>], vector<16xf32>,
      %add3A_1474 = arith.addf %add3A_1469, %gather3A_1473 : vector<16xf32>
      %add3A_1475 = arith.constant 11 : i32
      %add3A_1476 = vector.broadcast %add3A_1475 : i32 to vector<16xi32>
      %add3A_1477 = arith.addi %gather3A_250, %add3A_1476 : vector<16xi32>
      %gather3A_1478 = tpu.vector_load_idx %arg22[%add3A_1477] : memref<16000xf32, #tpu.memory_space<vmem>>[vector<16xi32>], vector<16xf32>,
      %add3A_1479 = arith.addf %add3A_1474, %gather3A_1478 : vector<16xf32>
      %add3A_1480 = arith.constant 11 : i32
      %add3A_1481 = vector.broadcast %add3A_1480 : i32 to vector<16xi32>
      %add3A_1482 = arith.addi %gather3A_254, %add3A_1481 : vector<16xi32>
      %gather3A_1483 = tpu.vector_load_idx %arg22[%add3A_1482] : memref<16000xf32, #tpu.memory_space<vmem>>[vector<16xi32>], vector<16xf32>,
      %add3A_1484 = arith.addf %add3A_1479, %gather3A_1483 : vector<16xf32>
      %add3A_1485 = arith.constant 11 : i32
      %add3A_1486 = vector.broadcast %add3A_1485 : i32 to vector<16xi32>
      %add3A_1487 = arith.addi %gather3A_258, %add3A_1486 : vector<16xi32>
      %gather3A_1488 = tpu.vector_load_idx %arg22[%add3A_1487] : memref<16000xf32, #tpu.memory_space<vmem>>[vector<16xi32>], vector<16xf32>,
      %add3A_1489 = arith.addf %add3A_1484, %gather3A_1488 : vector<16xf32>
      %swap3A_1490 = arith.constant 11 : i32
      %swap3A_1491 = arith.index_cast %swap3A_1490 : i32 to index
      %swap3A_1492 = arith.index_cast %mul3A_178 : i32 to index
      %swap3A_1493 = tpu.vector_load %arg24[%swap3A_1491, %swap3A_1492] {strides = array<i32>} : memref<16x512xf32, #tpu.memory_space<vmem>>, vector<16xf32>,
      tpu.vector_store %arg24[%swap3A_1491, %swap3A_1492], %add3A_1489 {strides = array<i32>} : memref<16x512xf32, #tpu.memory_space<vmem>>, vector<16xf32>,
      %add3A_1494 = arith.constant 12 : i32
      %add3A_1495 = vector.broadcast %add3A_1494 : i32 to vector<16xi32>
      %add3A_1496 = arith.addi %gather3A, %add3A_1495 : vector<16xi32>
      %gather3A_1497 = tpu.vector_load_idx %arg22[%add3A_1496] : memref<16000xf32, #tpu.memory_space<vmem>>[vector<16xi32>], vector<16xf32>,
      %add3A_1498 = arith.constant 12 : i32
      %add3A_1499 = vector.broadcast %add3A_1498 : i32 to vector<16xi32>
      %add3A_1500 = arith.addi %gather3A_186, %add3A_1499 : vector<16xi32>
      %gather3A_1501 = tpu.vector_load_idx %arg22[%add3A_1500] : memref<16000xf32, #tpu.memory_space<vmem>>[vector<16xi32>], vector<16xf32>,
      %add3A_1502 = arith.addf %gather3A_1497, %gather3A_1501 : vector<16xf32>
      %add3A_1503 = arith.constant 12 : i32
      %add3A_1504 = vector.broadcast %add3A_1503 : i32 to vector<16xi32>
      %add3A_1505 = arith.addi %gather3A_190, %add3A_1504 : vector<16xi32>
      %gather3A_1506 = tpu.vector_load_idx %arg22[%add3A_1505] : memref<16000xf32, #tpu.memory_space<vmem>>[vector<16xi32>], vector<16xf32>,
      %add3A_1507 = arith.addf %add3A_1502, %gather3A_1506 : vector<16xf32>
      %add3A_1508 = arith.constant 12 : i32
      %add3A_1509 = vector.broadcast %add3A_1508 : i32 to vector<16xi32>
      %add3A_1510 = arith.addi %gather3A_194, %add3A_1509 : vector<16xi32>
      %gather3A_1511 = tpu.vector_load_idx %arg22[%add3A_1510] : memref<16000xf32, #tpu.memory_space<vmem>>[vector<16xi32>], vector<16xf32>,
      %add3A_1512 = arith.addf %add3A_1507, %gather3A_1511 : vector<16xf32>
      %add3A_1513 = arith.constant 12 : i32
      %add3A_1514 = vector.broadcast %add3A_1513 : i32 to vector<16xi32>
      %add3A_1515 = arith.addi %gather3A_198, %add3A_1514 : vector<16xi32>
      %gather3A_1516 = tpu.vector_load_idx %arg22[%add3A_1515] : memref<16000xf32, #tpu.memory_space<vmem>>[vector<16xi32>], vector<16xf32>,
      %add3A_1517 = arith.addf %add3A_1512, %gather3A_1516 : vector<16xf32>
      %add3A_1518 = arith.constant 12 : i32
      %add3A_1519 = vector.broadcast %add3A_1518 : i32 to vector<16xi32>
      %add3A_1520 = arith.addi %gather3A_202, %add3A_1519 : vector<16xi32>
      %gather3A_1521 = tpu.vector_load_idx %arg22[%add3A_1520] : memref<16000xf32, #tpu.memory_space<vmem>>[vector<16xi32>], vector<16xf32>,
      %add3A_1522 = arith.addf %add3A_1517, %gather3A_1521 : vector<16xf32>
      %add3A_1523 = arith.constant 12 : i32
      %add3A_1524 = vector.broadcast %add3A_1523 : i32 to vector<16xi32>
      %add3A_1525 = arith.addi %gather3A_206, %add3A_1524 : vector<16xi32>
      %gather3A_1526 = tpu.vector_load_idx %arg22[%add3A_1525] : memref<16000xf32, #tpu.memory_space<vmem>>[vector<16xi32>], vector<16xf32>,
      %add3A_1527 = arith.addf %add3A_1522, %gather3A_1526 : vector<16xf32>
      %add3A_1528 = arith.constant 12 : i32
      %add3A_1529 = vector.broadcast %add3A_1528 : i32 to vector<16xi32>
      %add3A_1530 = arith.addi %gather3A_210, %add3A_1529 : vector<16xi32>
      %gather3A_1531 = tpu.vector_load_idx %arg22[%add3A_1530] : memref<16000xf32, #tpu.memory_space<vmem>>[vector<16xi32>], vector<16xf32>,
      %add3A_1532 = arith.addf %add3A_1527, %gather3A_1531 : vector<16xf32>
      %add3A_1533 = arith.constant 12 : i32
      %add3A_1534 = vector.broadcast %add3A_1533 : i32 to vector<16xi32>
      %add3A_1535 = arith.addi %gather3A_214, %add3A_1534 : vector<16xi32>
      %gather3A_1536 = tpu.vector_load_idx %arg22[%add3A_1535] : memref<16000xf32, #tpu.memory_space<vmem>>[vector<16xi32>], vector<16xf32>,
      %add3A_1537 = arith.addf %add3A_1532, %gather3A_1536 : vector<16xf32>
      %add3A_1538 = arith.constant 12 : i32
      %add3A_1539 = vector.broadcast %add3A_1538 : i32 to vector<16xi32>
      %add3A_1540 = arith.addi %gather3A_218, %add3A_1539 : vector<16xi32>
      %gather3A_1541 = tpu.vector_load_idx %arg22[%add3A_1540] : memref<16000xf32, #tpu.memory_space<vmem>>[vector<16xi32>], vector<16xf32>,
      %add3A_1542 = arith.addf %add3A_1537, %gather3A_1541 : vector<16xf32>
      %add3A_1543 = arith.constant 12 : i32
      %add3A_1544 = vector.broadcast %add3A_1543 : i32 to vector<16xi32>
      %add3A_1545 = arith.addi %gather3A_222, %add3A_1544 : vector<16xi32>
      %gather3A_1546 = tpu.vector_load_idx %arg22[%add3A_1545] : memref<16000xf32, #tpu.memory_space<vmem>>[vector<16xi32>], vector<16xf32>,
      %add3A_1547 = arith.addf %add3A_1542, %gather3A_1546 : vector<16xf32>
      %add3A_1548 = arith.constant 12 : i32
      %add3A_1549 = vector.broadcast %add3A_1548 : i32 to vector<16xi32>
      %add3A_1550 = arith.addi %gather3A_226, %add3A_1549 : vector<16xi32>
      %gather3A_1551 = tpu.vector_load_idx %arg22[%add3A_1550] : memref<16000xf32, #tpu.memory_space<vmem>>[vector<16xi32>], vector<16xf32>,
      %add3A_1552 = arith.addf %add3A_1547, %gather3A_1551 : vector<16xf32>
      %add3A_1553 = arith.constant 12 : i32
      %add3A_1554 = vector.broadcast %add3A_1553 : i32 to vector<16xi32>
      %add3A_1555 = arith.addi %gather3A_230, %add3A_1554 : vector<16xi32>
      %gather3A_1556 = tpu.vector_load_idx %arg22[%add3A_1555] : memref<16000xf32, #tpu.memory_space<vmem>>[vector<16xi32>], vector<16xf32>,
      %add3A_1557 = arith.addf %add3A_1552, %gather3A_1556 : vector<16xf32>
      %add3A_1558 = arith.constant 12 : i32
      %add3A_1559 = vector.broadcast %add3A_1558 : i32 to vector<16xi32>
      %add3A_1560 = arith.addi %gather3A_234, %add3A_1559 : vector<16xi32>
      %gather3A_1561 = tpu.vector_load_idx %arg22[%add3A_1560] : memref<16000xf32, #tpu.memory_space<vmem>>[vector<16xi32>], vector<16xf32>,
      %add3A_1562 = arith.addf %add3A_1557, %gather3A_1561 : vector<16xf32>
      %add3A_1563 = arith.constant 12 : i32
      %add3A_1564 = vector.broadcast %add3A_1563 : i32 to vector<16xi32>
      %add3A_1565 = arith.addi %gather3A_238, %add3A_1564 : vector<16xi32>
      %gather3A_1566 = tpu.vector_load_idx %arg22[%add3A_1565] : memref<16000xf32, #tpu.memory_space<vmem>>[vector<16xi32>], vector<16xf32>,
      %add3A_1567 = arith.addf %add3A_1562, %gather3A_1566 : vector<16xf32>
      %add3A_1568 = arith.constant 12 : i32
      %add3A_1569 = vector.broadcast %add3A_1568 : i32 to vector<16xi32>
      %add3A_1570 = arith.addi %gather3A_242, %add3A_1569 : vector<16xi32>
      %gather3A_1571 = tpu.vector_load_idx %arg22[%add3A_1570] : memref<16000xf32, #tpu.memory_space<vmem>>[vector<16xi32>], vector<16xf32>,
      %add3A_1572 = arith.addf %add3A_1567, %gather3A_1571 : vector<16xf32>
      %add3A_1573 = arith.constant 12 : i32
      %add3A_1574 = vector.broadcast %add3A_1573 : i32 to vector<16xi32>
      %add3A_1575 = arith.addi %gather3A_246, %add3A_1574 : vector<16xi32>
      %gather3A_1576 = tpu.vector_load_idx %arg22[%add3A_1575] : memref<16000xf32, #tpu.memory_space<vmem>>[vector<16xi32>], vector<16xf32>,
      %add3A_1577 = arith.addf %add3A_1572, %gather3A_1576 : vector<16xf32>
      %add3A_1578 = arith.constant 12 : i32
      %add3A_1579 = vector.broadcast %add3A_1578 : i32 to vector<16xi32>
      %add3A_1580 = arith.addi %gather3A_250, %add3A_1579 : vector<16xi32>
      %gather3A_1581 = tpu.vector_load_idx %arg22[%add3A_1580] : memref<16000xf32, #tpu.memory_space<vmem>>[vector<16xi32>], vector<16xf32>,
      %add3A_1582 = arith.addf %add3A_1577, %gather3A_1581 : vector<16xf32>
      %add3A_1583 = arith.constant 12 : i32
      %add3A_1584 = vector.broadcast %add3A_1583 : i32 to vector<16xi32>
      %add3A_1585 = arith.addi %gather3A_254, %add3A_1584 : vector<16xi32>
      %gather3A_1586 = tpu.vector_load_idx %arg22[%add3A_1585] : memref<16000xf32, #tpu.memory_space<vmem>>[vector<16xi32>], vector<16xf32>,
      %add3A_1587 = arith.addf %add3A_1582, %gather3A_1586 : vector<16xf32>
      %add3A_1588 = arith.constant 12 : i32
      %add3A_1589 = vector.broadcast %add3A_1588 : i32 to vector<16xi32>
      %add3A_1590 = arith.addi %gather3A_258, %add3A_1589 : vector<16xi32>
      %gather3A_1591 = tpu.vector_load_idx %arg22[%add3A_1590] : memref<16000xf32, #tpu.memory_space<vmem>>[vector<16xi32>], vector<16xf32>,
      %add3A_1592 = arith.addf %add3A_1587, %gather3A_1591 : vector<16xf32>
      %swap3A_1593 = arith.constant 12 : i32
      %swap3A_1594 = arith.index_cast %swap3A_1593 : i32 to index
      %swap3A_1595 = arith.index_cast %mul3A_178 : i32 to index
      %swap3A_1596 = tpu.vector_load %arg24[%swap3A_1594, %swap3A_1595] {strides = array<i32>} : memref<16x512xf32, #tpu.memory_space<vmem>>, vector<16xf32>,
      tpu.vector_store %arg24[%swap3A_1594, %swap3A_1595], %add3A_1592 {strides = array<i32>} : memref<16x512xf32, #tpu.memory_space<vmem>>, vector<16xf32>,
      %add3A_1597 = arith.constant 13 : i32
      %add3A_1598 = vector.broadcast %add3A_1597 : i32 to vector<16xi32>
      %add3A_1599 = arith.addi %gather3A, %add3A_1598 : vector<16xi32>
      %gather3A_1600 = tpu.vector_load_idx %arg22[%add3A_1599] : memref<16000xf32, #tpu.memory_space<vmem>>[vector<16xi32>], vector<16xf32>,
      %add3A_1601 = arith.constant 13 : i32
      %add3A_1602 = vector.broadcast %add3A_1601 : i32 to vector<16xi32>
      %add3A_1603 = arith.addi %gather3A_186, %add3A_1602 : vector<16xi32>
      %gather3A_1604 = tpu.vector_load_idx %arg22[%add3A_1603] : memref<16000xf32, #tpu.memory_space<vmem>>[vector<16xi32>], vector<16xf32>,
      %add3A_1605 = arith.addf %gather3A_1600, %gather3A_1604 : vector<16xf32>
      %add3A_1606 = arith.constant 13 : i32
      %add3A_1607 = vector.broadcast %add3A_1606 : i32 to vector<16xi32>
      %add3A_1608 = arith.addi %gather3A_190, %add3A_1607 : vector<16xi32>
      %gather3A_1609 = tpu.vector_load_idx %arg22[%add3A_1608] : memref<16000xf32, #tpu.memory_space<vmem>>[vector<16xi32>], vector<16xf32>,
      %add3A_1610 = arith.addf %add3A_1605, %gather3A_1609 : vector<16xf32>
      %add3A_1611 = arith.constant 13 : i32
      %add3A_1612 = vector.broadcast %add3A_1611 : i32 to vector<16xi32>
      %add3A_1613 = arith.addi %gather3A_194, %add3A_1612 : vector<16xi32>
      %gather3A_1614 = tpu.vector_load_idx %arg22[%add3A_1613] : memref<16000xf32, #tpu.memory_space<vmem>>[vector<16xi32>], vector<16xf32>,
      %add3A_1615 = arith.addf %add3A_1610, %gather3A_1614 : vector<16xf32>
      %add3A_1616 = arith.constant 13 : i32
      %add3A_1617 = vector.broadcast %add3A_1616 : i32 to vector<16xi32>
      %add3A_1618 = arith.addi %gather3A_198, %add3A_1617 : vector<16xi32>
      %gather3A_1619 = tpu.vector_load_idx %arg22[%add3A_1618] : memref<16000xf32, #tpu.memory_space<vmem>>[vector<16xi32>], vector<16xf32>,
      %add3A_1620 = arith.addf %add3A_1615, %gather3A_1619 : vector<16xf32>
      %add3A_1621 = arith.constant 13 : i32
      %add3A_1622 = vector.broadcast %add3A_1621 : i32 to vector<16xi32>
      %add3A_1623 = arith.addi %gather3A_202, %add3A_1622 : vector<16xi32>
      %gather3A_1624 = tpu.vector_load_idx %arg22[%add3A_1623] : memref<16000xf32, #tpu.memory_space<vmem>>[vector<16xi32>], vector<16xf32>,
      %add3A_1625 = arith.addf %add3A_1620, %gather3A_1624 : vector<16xf32>
      %add3A_1626 = arith.constant 13 : i32
      %add3A_1627 = vector.broadcast %add3A_1626 : i32 to vector<16xi32>
      %add3A_1628 = arith.addi %gather3A_206, %add3A_1627 : vector<16xi32>
      %gather3A_1629 = tpu.vector_load_idx %arg22[%add3A_1628] : memref<16000xf32, #tpu.memory_space<vmem>>[vector<16xi32>], vector<16xf32>,
      %add3A_1630 = arith.addf %add3A_1625, %gather3A_1629 : vector<16xf32>
      %add3A_1631 = arith.constant 13 : i32
      %add3A_1632 = vector.broadcast %add3A_1631 : i32 to vector<16xi32>
      %add3A_1633 = arith.addi %gather3A_210, %add3A_1632 : vector<16xi32>
      %gather3A_1634 = tpu.vector_load_idx %arg22[%add3A_1633] : memref<16000xf32, #tpu.memory_space<vmem>>[vector<16xi32>], vector<16xf32>,
      %add3A_1635 = arith.addf %add3A_1630, %gather3A_1634 : vector<16xf32>
      %add3A_1636 = arith.constant 13 : i32
      %add3A_1637 = vector.broadcast %add3A_1636 : i32 to vector<16xi32>
      %add3A_1638 = arith.addi %gather3A_214, %add3A_1637 : vector<16xi32>
      %gather3A_1639 = tpu.vector_load_idx %arg22[%add3A_1638] : memref<16000xf32, #tpu.memory_space<vmem>>[vector<16xi32>], vector<16xf32>,
      %add3A_1640 = arith.addf %add3A_1635, %gather3A_1639 : vector<16xf32>
      %add3A_1641 = arith.constant 13 : i32
      %add3A_1642 = vector.broadcast %add3A_1641 : i32 to vector<16xi32>
      %add3A_1643 = arith.addi %gather3A_218, %add3A_1642 : vector<16xi32>
      %gather3A_1644 = tpu.vector_load_idx %arg22[%add3A_1643] : memref<16000xf32, #tpu.memory_space<vmem>>[vector<16xi32>], vector<16xf32>,
      %add3A_1645 = arith.addf %add3A_1640, %gather3A_1644 : vector<16xf32>
      %add3A_1646 = arith.constant 13 : i32
      %add3A_1647 = vector.broadcast %add3A_1646 : i32 to vector<16xi32>
      %add3A_1648 = arith.addi %gather3A_222, %add3A_1647 : vector<16xi32>
      %gather3A_1649 = tpu.vector_load_idx %arg22[%add3A_1648] : memref<16000xf32, #tpu.memory_space<vmem>>[vector<16xi32>], vector<16xf32>,
      %add3A_1650 = arith.addf %add3A_1645, %gather3A_1649 : vector<16xf32>
      %add3A_1651 = arith.constant 13 : i32
      %add3A_1652 = vector.broadcast %add3A_1651 : i32 to vector<16xi32>
      %add3A_1653 = arith.addi %gather3A_226, %add3A_1652 : vector<16xi32>
      %gather3A_1654 = tpu.vector_load_idx %arg22[%add3A_1653] : memref<16000xf32, #tpu.memory_space<vmem>>[vector<16xi32>], vector<16xf32>,
      %add3A_1655 = arith.addf %add3A_1650, %gather3A_1654 : vector<16xf32>
      %add3A_1656 = arith.constant 13 : i32
      %add3A_1657 = vector.broadcast %add3A_1656 : i32 to vector<16xi32>
      %add3A_1658 = arith.addi %gather3A_230, %add3A_1657 : vector<16xi32>
      %gather3A_1659 = tpu.vector_load_idx %arg22[%add3A_1658] : memref<16000xf32, #tpu.memory_space<vmem>>[vector<16xi32>], vector<16xf32>,
      %add3A_1660 = arith.addf %add3A_1655, %gather3A_1659 : vector<16xf32>
      %add3A_1661 = arith.constant 13 : i32
      %add3A_1662 = vector.broadcast %add3A_1661 : i32 to vector<16xi32>
      %add3A_1663 = arith.addi %gather3A_234, %add3A_1662 : vector<16xi32>
      %gather3A_1664 = tpu.vector_load_idx %arg22[%add3A_1663] : memref<16000xf32, #tpu.memory_space<vmem>>[vector<16xi32>], vector<16xf32>,
      %add3A_1665 = arith.addf %add3A_1660, %gather3A_1664 : vector<16xf32>
      %add3A_1666 = arith.constant 13 : i32
      %add3A_1667 = vector.broadcast %add3A_1666 : i32 to vector<16xi32>
      %add3A_1668 = arith.addi %gather3A_238, %add3A_1667 : vector<16xi32>
      %gather3A_1669 = tpu.vector_load_idx %arg22[%add3A_1668] : memref<16000xf32, #tpu.memory_space<vmem>>[vector<16xi32>], vector<16xf32>,
      %add3A_1670 = arith.addf %add3A_1665, %gather3A_1669 : vector<16xf32>
      %add3A_1671 = arith.constant 13 : i32
      %add3A_1672 = vector.broadcast %add3A_1671 : i32 to vector<16xi32>
      %add3A_1673 = arith.addi %gather3A_242, %add3A_1672 : vector<16xi32>
      %gather3A_1674 = tpu.vector_load_idx %arg22[%add3A_1673] : memref<16000xf32, #tpu.memory_space<vmem>>[vector<16xi32>], vector<16xf32>,
      %add3A_1675 = arith.addf %add3A_1670, %gather3A_1674 : vector<16xf32>
      %add3A_1676 = arith.constant 13 : i32
      %add3A_1677 = vector.broadcast %add3A_1676 : i32 to vector<16xi32>
      %add3A_1678 = arith.addi %gather3A_246, %add3A_1677 : vector<16xi32>
      %gather3A_1679 = tpu.vector_load_idx %arg22[%add3A_1678] : memref<16000xf32, #tpu.memory_space<vmem>>[vector<16xi32>], vector<16xf32>,
      %add3A_1680 = arith.addf %add3A_1675, %gather3A_1679 : vector<16xf32>
      %add3A_1681 = arith.constant 13 : i32
      %add3A_1682 = vector.broadcast %add3A_1681 : i32 to vector<16xi32>
      %add3A_1683 = arith.addi %gather3A_250, %add3A_1682 : vector<16xi32>
      %gather3A_1684 = tpu.vector_load_idx %arg22[%add3A_1683] : memref<16000xf32, #tpu.memory_space<vmem>>[vector<16xi32>], vector<16xf32>,
      %add3A_1685 = arith.addf %add3A_1680, %gather3A_1684 : vector<16xf32>
      %add3A_1686 = arith.constant 13 : i32
      %add3A_1687 = vector.broadcast %add3A_1686 : i32 to vector<16xi32>
      %add3A_1688 = arith.addi %gather3A_254, %add3A_1687 : vector<16xi32>
      %gather3A_1689 = tpu.vector_load_idx %arg22[%add3A_1688] : memref<16000xf32, #tpu.memory_space<vmem>>[vector<16xi32>], vector<16xf32>,
      %add3A_1690 = arith.addf %add3A_1685, %gather3A_1689 : vector<16xf32>
      %add3A_1691 = arith.constant 13 : i32
      %add3A_1692 = vector.broadcast %add3A_1691 : i32 to vector<16xi32>
      %add3A_1693 = arith.addi %gather3A_258, %add3A_1692 : vector<16xi32>
      %gather3A_1694 = tpu.vector_load_idx %arg22[%add3A_1693] : memref<16000xf32, #tpu.memory_space<vmem>>[vector<16xi32>], vector<16xf32>,
      %add3A_1695 = arith.addf %add3A_1690, %gather3A_1694 : vector<16xf32>
      %swap3A_1696 = arith.constant 13 : i32
      %swap3A_1697 = arith.index_cast %swap3A_1696 : i32 to index
      %swap3A_1698 = arith.index_cast %mul3A_178 : i32 to index
      %swap3A_1699 = tpu.vector_load %arg24[%swap3A_1697, %swap3A_1698] {strides = array<i32>} : memref<16x512xf32, #tpu.memory_space<vmem>>, vector<16xf32>,
      tpu.vector_store %arg24[%swap3A_1697, %swap3A_1698], %add3A_1695 {strides = array<i32>} : memref<16x512xf32, #tpu.memory_space<vmem>>, vector<16xf32>,
      %add3A_1700 = arith.constant 14 : i32
      %add3A_1701 = vector.broadcast %add3A_1700 : i32 to vector<16xi32>
      %add3A_1702 = arith.addi %gather3A, %add3A_1701 : vector<16xi32>
      %gather3A_1703 = tpu.vector_load_idx %arg22[%add3A_1702] : memref<16000xf32, #tpu.memory_space<vmem>>[vector<16xi32>], vector<16xf32>,
      %add3A_1704 = arith.constant 14 : i32
      %add3A_1705 = vector.broadcast %add3A_1704 : i32 to vector<16xi32>
      %add3A_1706 = arith.addi %gather3A_186, %add3A_1705 : vector<16xi32>
      %gather3A_1707 = tpu.vector_load_idx %arg22[%add3A_1706] : memref<16000xf32, #tpu.memory_space<vmem>>[vector<16xi32>], vector<16xf32>,
      %add3A_1708 = arith.addf %gather3A_1703, %gather3A_1707 : vector<16xf32>
      %add3A_1709 = arith.constant 14 : i32
      %add3A_1710 = vector.broadcast %add3A_1709 : i32 to vector<16xi32>
      %add3A_1711 = arith.addi %gather3A_190, %add3A_1710 : vector<16xi32>
      %gather3A_1712 = tpu.vector_load_idx %arg22[%add3A_1711] : memref<16000xf32, #tpu.memory_space<vmem>>[vector<16xi32>], vector<16xf32>,
      %add3A_1713 = arith.addf %add3A_1708, %gather3A_1712 : vector<16xf32>
      %add3A_1714 = arith.constant 14 : i32
      %add3A_1715 = vector.broadcast %add3A_1714 : i32 to vector<16xi32>
      %add3A_1716 = arith.addi %gather3A_194, %add3A_1715 : vector<16xi32>
      %gather3A_1717 = tpu.vector_load_idx %arg22[%add3A_1716] : memref<16000xf32, #tpu.memory_space<vmem>>[vector<16xi32>], vector<16xf32>,
      %add3A_1718 = arith.addf %add3A_1713, %gather3A_1717 : vector<16xf32>
      %add3A_1719 = arith.constant 14 : i32
      %add3A_1720 = vector.broadcast %add3A_1719 : i32 to vector<16xi32>
      %add3A_1721 = arith.addi %gather3A_198, %add3A_1720 : vector<16xi32>
      %gather3A_1722 = tpu.vector_load_idx %arg22[%add3A_1721] : memref<16000xf32, #tpu.memory_space<vmem>>[vector<16xi32>], vector<16xf32>,
      %add3A_1723 = arith.addf %add3A_1718, %gather3A_1722 : vector<16xf32>
      %add3A_1724 = arith.constant 14 : i32
      %add3A_1725 = vector.broadcast %add3A_1724 : i32 to vector<16xi32>
      %add3A_1726 = arith.addi %gather3A_202, %add3A_1725 : vector<16xi32>
      %gather3A_1727 = tpu.vector_load_idx %arg22[%add3A_1726] : memref<16000xf32, #tpu.memory_space<vmem>>[vector<16xi32>], vector<16xf32>,
      %add3A_1728 = arith.addf %add3A_1723, %gather3A_1727 : vector<16xf32>
      %add3A_1729 = arith.constant 14 : i32
      %add3A_1730 = vector.broadcast %add3A_1729 : i32 to vector<16xi32>
      %add3A_1731 = arith.addi %gather3A_206, %add3A_1730 : vector<16xi32>
      %gather3A_1732 = tpu.vector_load_idx %arg22[%add3A_1731] : memref<16000xf32, #tpu.memory_space<vmem>>[vector<16xi32>], vector<16xf32>,
      %add3A_1733 = arith.addf %add3A_1728, %gather3A_1732 : vector<16xf32>
      %add3A_1734 = arith.constant 14 : i32
      %add3A_1735 = vector.broadcast %add3A_1734 : i32 to vector<16xi32>
      %add3A_1736 = arith.addi %gather3A_210, %add3A_1735 : vector<16xi32>
      %gather3A_1737 = tpu.vector_load_idx %arg22[%add3A_1736] : memref<16000xf32, #tpu.memory_space<vmem>>[vector<16xi32>], vector<16xf32>,
      %add3A_1738 = arith.addf %add3A_1733, %gather3A_1737 : vector<16xf32>
      %add3A_1739 = arith.constant 14 : i32
      %add3A_1740 = vector.broadcast %add3A_1739 : i32 to vector<16xi32>
      %add3A_1741 = arith.addi %gather3A_214, %add3A_1740 : vector<16xi32>
      %gather3A_1742 = tpu.vector_load_idx %arg22[%add3A_1741] : memref<16000xf32, #tpu.memory_space<vmem>>[vector<16xi32>], vector<16xf32>,
      %add3A_1743 = arith.addf %add3A_1738, %gather3A_1742 : vector<16xf32>
      %add3A_1744 = arith.constant 14 : i32
      %add3A_1745 = vector.broadcast %add3A_1744 : i32 to vector<16xi32>
      %add3A_1746 = arith.addi %gather3A_218, %add3A_1745 : vector<16xi32>
      %gather3A_1747 = tpu.vector_load_idx %arg22[%add3A_1746] : memref<16000xf32, #tpu.memory_space<vmem>>[vector<16xi32>], vector<16xf32>,
      %add3A_1748 = arith.addf %add3A_1743, %gather3A_1747 : vector<16xf32>
      %add3A_1749 = arith.constant 14 : i32
      %add3A_1750 = vector.broadcast %add3A_1749 : i32 to vector<16xi32>
      %add3A_1751 = arith.addi %gather3A_222, %add3A_1750 : vector<16xi32>
      %gather3A_1752 = tpu.vector_load_idx %arg22[%add3A_1751] : memref<16000xf32, #tpu.memory_space<vmem>>[vector<16xi32>], vector<16xf32>,
      %add3A_1753 = arith.addf %add3A_1748, %gather3A_1752 : vector<16xf32>
      %add3A_1754 = arith.constant 14 : i32
      %add3A_1755 = vector.broadcast %add3A_1754 : i32 to vector<16xi32>
      %add3A_1756 = arith.addi %gather3A_226, %add3A_1755 : vector<16xi32>
      %gather3A_1757 = tpu.vector_load_idx %arg22[%add3A_1756] : memref<16000xf32, #tpu.memory_space<vmem>>[vector<16xi32>], vector<16xf32>,
      %add3A_1758 = arith.addf %add3A_1753, %gather3A_1757 : vector<16xf32>
      %add3A_1759 = arith.constant 14 : i32
      %add3A_1760 = vector.broadcast %add3A_1759 : i32 to vector<16xi32>
      %add3A_1761 = arith.addi %gather3A_230, %add3A_1760 : vector<16xi32>
      %gather3A_1762 = tpu.vector_load_idx %arg22[%add3A_1761] : memref<16000xf32, #tpu.memory_space<vmem>>[vector<16xi32>], vector<16xf32>,
      %add3A_1763 = arith.addf %add3A_1758, %gather3A_1762 : vector<16xf32>
      %add3A_1764 = arith.constant 14 : i32
      %add3A_1765 = vector.broadcast %add3A_1764 : i32 to vector<16xi32>
      %add3A_1766 = arith.addi %gather3A_234, %add3A_1765 : vector<16xi32>
      %gather3A_1767 = tpu.vector_load_idx %arg22[%add3A_1766] : memref<16000xf32, #tpu.memory_space<vmem>>[vector<16xi32>], vector<16xf32>,
      %add3A_1768 = arith.addf %add3A_1763, %gather3A_1767 : vector<16xf32>
      %add3A_1769 = arith.constant 14 : i32
      %add3A_1770 = vector.broadcast %add3A_1769 : i32 to vector<16xi32>
      %add3A_1771 = arith.addi %gather3A_238, %add3A_1770 : vector<16xi32>
      %gather3A_1772 = tpu.vector_load_idx %arg22[%add3A_1771] : memref<16000xf32, #tpu.memory_space<vmem>>[vector<16xi32>], vector<16xf32>,
      %add3A_1773 = arith.addf %add3A_1768, %gather3A_1772 : vector<16xf32>
      %add3A_1774 = arith.constant 14 : i32
      %add3A_1775 = vector.broadcast %add3A_1774 : i32 to vector<16xi32>
      %add3A_1776 = arith.addi %gather3A_242, %add3A_1775 : vector<16xi32>
      %gather3A_1777 = tpu.vector_load_idx %arg22[%add3A_1776] : memref<16000xf32, #tpu.memory_space<vmem>>[vector<16xi32>], vector<16xf32>,
      %add3A_1778 = arith.addf %add3A_1773, %gather3A_1777 : vector<16xf32>
      %add3A_1779 = arith.constant 14 : i32
      %add3A_1780 = vector.broadcast %add3A_1779 : i32 to vector<16xi32>
      %add3A_1781 = arith.addi %gather3A_246, %add3A_1780 : vector<16xi32>
      %gather3A_1782 = tpu.vector_load_idx %arg22[%add3A_1781] : memref<16000xf32, #tpu.memory_space<vmem>>[vector<16xi32>], vector<16xf32>,
      %add3A_1783 = arith.addf %add3A_1778, %gather3A_1782 : vector<16xf32>
      %add3A_1784 = arith.constant 14 : i32
      %add3A_1785 = vector.broadcast %add3A_1784 : i32 to vector<16xi32>
      %add3A_1786 = arith.addi %gather3A_250, %add3A_1785 : vector<16xi32>
      %gather3A_1787 = tpu.vector_load_idx %arg22[%add3A_1786] : memref<16000xf32, #tpu.memory_space<vmem>>[vector<16xi32>], vector<16xf32>,
      %add3A_1788 = arith.addf %add3A_1783, %gather3A_1787 : vector<16xf32>
      %add3A_1789 = arith.constant 14 : i32
      %add3A_1790 = vector.broadcast %add3A_1789 : i32 to vector<16xi32>
      %add3A_1791 = arith.addi %gather3A_254, %add3A_1790 : vector<16xi32>
      %gather3A_1792 = tpu.vector_load_idx %arg22[%add3A_1791] : memref<16000xf32, #tpu.memory_space<vmem>>[vector<16xi32>], vector<16xf32>,
      %add3A_1793 = arith.addf %add3A_1788, %gather3A_1792 : vector<16xf32>
      %add3A_1794 = arith.constant 14 : i32
      %add3A_1795 = vector.broadcast %add3A_1794 : i32 to vector<16xi32>
      %add3A_1796 = arith.addi %gather3A_258, %add3A_1795 : vector<16xi32>
      %gather3A_1797 = tpu.vector_load_idx %arg22[%add3A_1796] : memref<16000xf32, #tpu.memory_space<vmem>>[vector<16xi32>], vector<16xf32>,
      %add3A_1798 = arith.addf %add3A_1793, %gather3A_1797 : vector<16xf32>
      %swap3A_1799 = arith.constant 14 : i32
      %swap3A_1800 = arith.index_cast %swap3A_1799 : i32 to index
      %swap3A_1801 = arith.index_cast %mul3A_178 : i32 to index
      %swap3A_1802 = tpu.vector_load %arg24[%swap3A_1800, %swap3A_1801] {strides = array<i32>} : memref<16x512xf32, #tpu.memory_space<vmem>>, vector<16xf32>,
      tpu.vector_store %arg24[%swap3A_1800, %swap3A_1801], %add3A_1798 {strides = array<i32>} : memref<16x512xf32, #tpu.memory_space<vmem>>, vector<16xf32>,
      %add3A_1803 = arith.constant 15 : i32
      %add3A_1804 = vector.broadcast %add3A_1803 : i32 to vector<16xi32>
      %add3A_1805 = arith.addi %gather3A, %add3A_1804 : vector<16xi32>
      %gather3A_1806 = tpu.vector_load_idx %arg22[%add3A_1805] : memref<16000xf32, #tpu.memory_space<vmem>>[vector<16xi32>], vector<16xf32>,
      %add3A_1807 = arith.constant 15 : i32
      %add3A_1808 = vector.broadcast %add3A_1807 : i32 to vector<16xi32>
      %add3A_1809 = arith.addi %gather3A_186, %add3A_1808 : vector<16xi32>
      %gather3A_1810 = tpu.vector_load_idx %arg22[%add3A_1809] : memref<16000xf32, #tpu.memory_space<vmem>>[vector<16xi32>], vector<16xf32>,
      %add3A_1811 = arith.addf %gather3A_1806, %gather3A_1810 : vector<16xf32>
      %add3A_1812 = arith.constant 15 : i32
      %add3A_1813 = vector.broadcast %add3A_1812 : i32 to vector<16xi32>
      %add3A_1814 = arith.addi %gather3A_190, %add3A_1813 : vector<16xi32>
      %gather3A_1815 = tpu.vector_load_idx %arg22[%add3A_1814] : memref<16000xf32, #tpu.memory_space<vmem>>[vector<16xi32>], vector<16xf32>,
      %add3A_1816 = arith.addf %add3A_1811, %gather3A_1815 : vector<16xf32>
      %add3A_1817 = arith.constant 15 : i32
      %add3A_1818 = vector.broadcast %add3A_1817 : i32 to vector<16xi32>
      %add3A_1819 = arith.addi %gather3A_194, %add3A_1818 : vector<16xi32>
      %gather3A_1820 = tpu.vector_load_idx %arg22[%add3A_1819] : memref<16000xf32, #tpu.memory_space<vmem>>[vector<16xi32>], vector<16xf32>,
      %add3A_1821 = arith.addf %add3A_1816, %gather3A_1820 : vector<16xf32>
      %add3A_1822 = arith.constant 15 : i32
      %add3A_1823 = vector.broadcast %add3A_1822 : i32 to vector<16xi32>
      %add3A_1824 = arith.addi %gather3A_198, %add3A_1823 : vector<16xi32>
      %gather3A_1825 = tpu.vector_load_idx %arg22[%add3A_1824] : memref<16000xf32, #tpu.memory_space<vmem>>[vector<16xi32>], vector<16xf32>,
      %add3A_1826 = arith.addf %add3A_1821, %gather3A_1825 : vector<16xf32>
      %add3A_1827 = arith.constant 15 : i32
      %add3A_1828 = vector.broadcast %add3A_1827 : i32 to vector<16xi32>
      %add3A_1829 = arith.addi %gather3A_202, %add3A_1828 : vector<16xi32>
      %gather3A_1830 = tpu.vector_load_idx %arg22[%add3A_1829] : memref<16000xf32, #tpu.memory_space<vmem>>[vector<16xi32>], vector<16xf32>,
      %add3A_1831 = arith.addf %add3A_1826, %gather3A_1830 : vector<16xf32>
      %add3A_1832 = arith.constant 15 : i32
      %add3A_1833 = vector.broadcast %add3A_1832 : i32 to vector<16xi32>
      %add3A_1834 = arith.addi %gather3A_206, %add3A_1833 : vector<16xi32>
      %gather3A_1835 = tpu.vector_load_idx %arg22[%add3A_1834] : memref<16000xf32, #tpu.memory_space<vmem>>[vector<16xi32>], vector<16xf32>,
      %add3A_1836 = arith.addf %add3A_1831, %gather3A_1835 : vector<16xf32>
      %add3A_1837 = arith.constant 15 : i32
      %add3A_1838 = vector.broadcast %add3A_1837 : i32 to vector<16xi32>
      %add3A_1839 = arith.addi %gather3A_210, %add3A_1838 : vector<16xi32>
      %gather3A_1840 = tpu.vector_load_idx %arg22[%add3A_1839] : memref<16000xf32, #tpu.memory_space<vmem>>[vector<16xi32>], vector<16xf32>,
      %add3A_1841 = arith.addf %add3A_1836, %gather3A_1840 : vector<16xf32>
      %add3A_1842 = arith.constant 15 : i32
      %add3A_1843 = vector.broadcast %add3A_1842 : i32 to vector<16xi32>
      %add3A_1844 = arith.addi %gather3A_214, %add3A_1843 : vector<16xi32>
      %gather3A_1845 = tpu.vector_load_idx %arg22[%add3A_1844] : memref<16000xf32, #tpu.memory_space<vmem>>[vector<16xi32>], vector<16xf32>,
      %add3A_1846 = arith.addf %add3A_1841, %gather3A_1845 : vector<16xf32>
      %add3A_1847 = arith.constant 15 : i32
      %add3A_1848 = vector.broadcast %add3A_1847 : i32 to vector<16xi32>
      %add3A_1849 = arith.addi %gather3A_218, %add3A_1848 : vector<16xi32>
      %gather3A_1850 = tpu.vector_load_idx %arg22[%add3A_1849] : memref<16000xf32, #tpu.memory_space<vmem>>[vector<16xi32>], vector<16xf32>,
      %add3A_1851 = arith.addf %add3A_1846, %gather3A_1850 : vector<16xf32>
      %add3A_1852 = arith.constant 15 : i32
      %add3A_1853 = vector.broadcast %add3A_1852 : i32 to vector<16xi32>
      %add3A_1854 = arith.addi %gather3A_222, %add3A_1853 : vector<16xi32>
      %gather3A_1855 = tpu.vector_load_idx %arg22[%add3A_1854] : memref<16000xf32, #tpu.memory_space<vmem>>[vector<16xi32>], vector<16xf32>,
      %add3A_1856 = arith.addf %add3A_1851, %gather3A_1855 : vector<16xf32>
      %add3A_1857 = arith.constant 15 : i32
      %add3A_1858 = vector.broadcast %add3A_1857 : i32 to vector<16xi32>
      %add3A_1859 = arith.addi %gather3A_226, %add3A_1858 : vector<16xi32>
      %gather3A_1860 = tpu.vector_load_idx %arg22[%add3A_1859] : memref<16000xf32, #tpu.memory_space<vmem>>[vector<16xi32>], vector<16xf32>,
      %add3A_1861 = arith.addf %add3A_1856, %gather3A_1860 : vector<16xf32>
      %add3A_1862 = arith.constant 15 : i32
      %add3A_1863 = vector.broadcast %add3A_1862 : i32 to vector<16xi32>
      %add3A_1864 = arith.addi %gather3A_230, %add3A_1863 : vector<16xi32>
      %gather3A_1865 = tpu.vector_load_idx %arg22[%add3A_1864] : memref<16000xf32, #tpu.memory_space<vmem>>[vector<16xi32>], vector<16xf32>,
      %add3A_1866 = arith.addf %add3A_1861, %gather3A_1865 : vector<16xf32>
      %add3A_1867 = arith.constant 15 : i32
      %add3A_1868 = vector.broadcast %add3A_1867 : i32 to vector<16xi32>
      %add3A_1869 = arith.addi %gather3A_234, %add3A_1868 : vector<16xi32>
      %gather3A_1870 = tpu.vector_load_idx %arg22[%add3A_1869] : memref<16000xf32, #tpu.memory_space<vmem>>[vector<16xi32>], vector<16xf32>,
      %add3A_1871 = arith.addf %add3A_1866, %gather3A_1870 : vector<16xf32>
      %add3A_1872 = arith.constant 15 : i32
      %add3A_1873 = vector.broadcast %add3A_1872 : i32 to vector<16xi32>
      %add3A_1874 = arith.addi %gather3A_238, %add3A_1873 : vector<16xi32>
      %gather3A_1875 = tpu.vector_load_idx %arg22[%add3A_1874] : memref<16000xf32, #tpu.memory_space<vmem>>[vector<16xi32>], vector<16xf32>,
      %add3A_1876 = arith.addf %add3A_1871, %gather3A_1875 : vector<16xf32>
      %add3A_1877 = arith.constant 15 : i32
      %add3A_1878 = vector.broadcast %add3A_1877 : i32 to vector<16xi32>
      %add3A_1879 = arith.addi %gather3A_242, %add3A_1878 : vector<16xi32>
      %gather3A_1880 = tpu.vector_load_idx %arg22[%add3A_1879] : memref<16000xf32, #tpu.memory_space<vmem>>[vector<16xi32>], vector<16xf32>,
      %add3A_1881 = arith.addf %add3A_1876, %gather3A_1880 : vector<16xf32>
      %add3A_1882 = arith.constant 15 : i32
      %add3A_1883 = vector.broadcast %add3A_1882 : i32 to vector<16xi32>
      %add3A_1884 = arith.addi %gather3A_246, %add3A_1883 : vector<16xi32>
      %gather3A_1885 = tpu.vector_load_idx %arg22[%add3A_1884] : memref<16000xf32, #tpu.memory_space<vmem>>[vector<16xi32>], vector<16xf32>,
      %add3A_1886 = arith.addf %add3A_1881, %gather3A_1885 : vector<16xf32>
      %add3A_1887 = arith.constant 15 : i32
      %add3A_1888 = vector.broadcast %add3A_1887 : i32 to vector<16xi32>
      %add3A_1889 = arith.addi %gather3A_250, %add3A_1888 : vector<16xi32>
      %gather3A_1890 = tpu.vector_load_idx %arg22[%add3A_1889] : memref<16000xf32, #tpu.memory_space<vmem>>[vector<16xi32>], vector<16xf32>,
      %add3A_1891 = arith.addf %add3A_1886, %gather3A_1890 : vector<16xf32>
      %add3A_1892 = arith.constant 15 : i32
      %add3A_1893 = vector.broadcast %add3A_1892 : i32 to vector<16xi32>
      %add3A_1894 = arith.addi %gather3A_254, %add3A_1893 : vector<16xi32>
      %gather3A_1895 = tpu.vector_load_idx %arg22[%add3A_1894] : memref<16000xf32, #tpu.memory_space<vmem>>[vector<16xi32>], vector<16xf32>,
      %add3A_1896 = arith.addf %add3A_1891, %gather3A_1895 : vector<16xf32>
      %add3A_1897 = arith.constant 15 : i32
      %add3A_1898 = vector.broadcast %add3A_1897 : i32 to vector<16xi32>
      %add3A_1899 = arith.addi %gather3A_258, %add3A_1898 : vector<16xi32>
      %gather3A_1900 = tpu.vector_load_idx %arg22[%add3A_1899] : memref<16000xf32, #tpu.memory_space<vmem>>[vector<16xi32>], vector<16xf32>,
      %add3A_1901 = arith.addf %add3A_1896, %gather3A_1900 : vector<16xf32>
      %swap3A_1902 = arith.constant 15 : i32
      %swap3A_1903 = arith.index_cast %swap3A_1902 : i32 to index
      %swap3A_1904 = arith.index_cast %mul3A_178 : i32 to index
      %swap3A_1905 = tpu.vector_load %arg24[%swap3A_1903, %swap3A_1904] {strides = array<i32>} : memref<16x512xf32, #tpu.memory_space<vmem>>, vector<16xf32>,
      tpu.vector_store %arg24[%swap3A_1903, %swap3A_1904], %add3A_1901 {strides = array<i32>} : memref<16x512xf32, #tpu.memory_space<vmem>>, vector<16xf32>,
    }
    %scan3A_44 = arith.constant 32 : i32
    %dma_wait3A = arith.constant 0 : i32
    %dma_wait3A_45 = arith.constant 0 : i32
    %dma_wait3A_46 = arith.constant 0 : i32
    %dma_wait3A_47 = tpu.memref_slice %arg20[%dma_wait3A_45, %dma_wait3A_46] : memref<512x128xf32, #tpu.memory_space<vmem>> -> memref<128x128xf32, #tpu.memory_space<vmem>>
    %dma_wait3A_48 = arith.constant 0 : i32
    %dma_wait3A_49 = tpu.memref_slice %arg18[%dma_wait3A, %dma_wait3A_48] : memref<4x128xi32, #tpu.memory_space<vmem>> -> memref<1x128xi32, #tpu.memory_space<vmem>>
    %dma_wait3A_50 = tpu.memref_squeeze %dma_wait3A_49 : memref<1x128xi32, #tpu.memory_space<vmem>> -> memref<128xi32, #tpu.memory_space<vmem>>
    %dma_wait3A_51 = arith.constant 0 : i32
    %dma_wait3A_52 = arith.constant 0 : i32
    %dma_wait3A_53 = tpu.memref_slice %arg11[%dma_wait3A_51, %dma_wait3A_52] : memref<250000x128xf32, #tpu.memory_space<hbm>> -> memref<250000x128xf32, #tpu.memory_space<hbm>>
    tpu.wait_indirect_dma semaphore(%arg33 : memref<!tpu.dma_semaphore, #tpu.memory_space<semaphore_mem>>) src(%dma_wait3A_53 : memref<250000x128xf32, #tpu.memory_space<hbm>>) dst(%dma_wait3A_47 : memref<128x128xf32, #tpu.memory_space<vmem>>)
    %dma_wait3A_54 = arith.constant 1 : i32
    %dma_wait3A_55 = arith.constant 128 : i32
    %dma_wait3A_56 = arith.constant 0 : i32
    %dma_wait3A_57 = tpu.memref_slice %arg20[%dma_wait3A_55, %dma_wait3A_56] : memref<512x128xf32, #tpu.memory_space<vmem>> -> memref<128x128xf32, #tpu.memory_space<vmem>>
    %dma_wait3A_58 = arith.constant 0 : i32
    %dma_wait3A_59 = tpu.memref_slice %arg18[%dma_wait3A_54, %dma_wait3A_58] : memref<4x128xi32, #tpu.memory_space<vmem>> -> memref<1x128xi32, #tpu.memory_space<vmem>>
    %dma_wait3A_60 = tpu.memref_squeeze %dma_wait3A_59 : memref<1x128xi32, #tpu.memory_space<vmem>> -> memref<128xi32, #tpu.memory_space<vmem>>
    %dma_wait3A_61 = arith.constant 0 : i32
    %dma_wait3A_62 = arith.constant 0 : i32
    %dma_wait3A_63 = tpu.memref_slice %arg11[%dma_wait3A_61, %dma_wait3A_62] : memref<250000x128xf32, #tpu.memory_space<hbm>> -> memref<250000x128xf32, #tpu.memory_space<hbm>>
    tpu.wait_indirect_dma semaphore(%arg33 : memref<!tpu.dma_semaphore, #tpu.memory_space<semaphore_mem>>) src(%dma_wait3A_63 : memref<250000x128xf32, #tpu.memory_space<hbm>>) dst(%dma_wait3A_57 : memref<128x128xf32, #tpu.memory_space<vmem>>)
    %dma_wait3A_64 = arith.constant 2 : i32
    %dma_wait3A_65 = arith.constant 256 : i32
    %dma_wait3A_66 = arith.constant 0 : i32
    %dma_wait3A_67 = tpu.memref_slice %arg20[%dma_wait3A_65, %dma_wait3A_66] : memref<512x128xf32, #tpu.memory_space<vmem>> -> memref<128x128xf32, #tpu.memory_space<vmem>>
    %dma_wait3A_68 = arith.constant 0 : i32
    %dma_wait3A_69 = tpu.memref_slice %arg18[%dma_wait3A_64, %dma_wait3A_68] : memref<4x128xi32, #tpu.memory_space<vmem>> -> memref<1x128xi32, #tpu.memory_space<vmem>>
    %dma_wait3A_70 = tpu.memref_squeeze %dma_wait3A_69 : memref<1x128xi32, #tpu.memory_space<vmem>> -> memref<128xi32, #tpu.memory_space<vmem>>
    %dma_wait3A_71 = arith.constant 0 : i32
    %dma_wait3A_72 = arith.constant 0 : i32
    %dma_wait3A_73 = tpu.memref_slice %arg11[%dma_wait3A_71, %dma_wait3A_72] : memref<250000x128xf32, #tpu.memory_space<hbm>> -> memref<250000x128xf32, #tpu.memory_space<hbm>>
    tpu.wait_indirect_dma semaphore(%arg33 : memref<!tpu.dma_semaphore, #tpu.memory_space<semaphore_mem>>) src(%dma_wait3A_73 : memref<250000x128xf32, #tpu.memory_space<hbm>>) dst(%dma_wait3A_67 : memref<128x128xf32, #tpu.memory_space<vmem>>)
    %dma_wait3A_74 = arith.constant 3 : i32
    %dma_wait3A_75 = arith.constant 384 : i32
    %dma_wait3A_76 = arith.constant 0 : i32
    %dma_wait3A_77 = tpu.memref_slice %arg20[%dma_wait3A_75, %dma_wait3A_76] : memref<512x128xf32, #tpu.memory_space<vmem>> -> memref<128x128xf32, #tpu.memory_space<vmem>>
    %dma_wait3A_78 = arith.constant 0 : i32
    %dma_wait3A_79 = tpu.memref_slice %arg18[%dma_wait3A_74, %dma_wait3A_78] : memref<4x128xi32, #tpu.memory_space<vmem>> -> memref<1x128xi32, #tpu.memory_space<vmem>>
    %dma_wait3A_80 = tpu.memref_squeeze %dma_wait3A_79 : memref<1x128xi32, #tpu.memory_space<vmem>> -> memref<128xi32, #tpu.memory_space<vmem>>
    %dma_wait3A_81 = arith.constant 0 : i32
    %dma_wait3A_82 = arith.constant 0 : i32
    %dma_wait3A_83 = tpu.memref_slice %arg11[%dma_wait3A_81, %dma_wait3A_82] : memref<250000x128xf32, #tpu.memory_space<hbm>> -> memref<250000x128xf32, #tpu.memory_space<hbm>>
    tpu.wait_indirect_dma semaphore(%arg33 : memref<!tpu.dma_semaphore, #tpu.memory_space<semaphore_mem>>) src(%dma_wait3A_83 : memref<250000x128xf32, #tpu.memory_space<hbm>>) dst(%dma_wait3A_77 : memref<128x128xf32, #tpu.memory_space<vmem>>)
    %scan3A_84 = arith.constant 0 : i32
    %scan3A_85 = arith.constant 0 : i32
    %scan3A_86 = arith.constant 32 : i32
    %scan3A_87 = arith.addi %scan3A_85, %scan3A_86 : i32
    %scan3A_88 = arith.constant 1 : i32
    scf.for %scan3A_176 = %scan3A_85 to %scan3A_87 step %scan3A_88  : i32 {
      %mul3A_177 = arith.constant 16 : i32
      %mul3A_178 = arith.muli %scan3A_176, %mul3A_177 : i32
      %get3A = arith.index_cast %mul3A_178 : i32 to index
      %get3A_179 = tpu.vector_load %arg30[%get3A] {strides = array<i32>} : memref<512xi32, #tpu.memory_space<vmem>>, vector<16xi32>,
      %get3A_180 = arith.index_cast %mul3A_178 : i32 to index
      %get3A_181 = tpu.vector_load %arg25[%get3A_180] {strides = array<i32>} : memref<512xi32, #tpu.memory_space<vmem>>, vector<16xi32>,
      %add3A_182 = arith.constant 0 : i32
      %add3A_183 = vector.broadcast %add3A_182 : i32 to vector<16xi32>
      %add3A_184 = arith.addi %get3A_181, %add3A_183 : vector<16xi32>
      %gather3A = tpu.vector_load_idx %arg20[%get3A_179, %add3A_184] : memref<512x128xf32, #tpu.memory_space<vmem>>[vector<16xi32>, vector<16xi32>], vector<16xf32>,
      %swap3A = arith.constant 0 : i32
      %swap3A_185 = arith.index_cast %swap3A : i32 to index
      %swap3A_186 = arith.index_cast %mul3A_178 : i32 to index
      %swap3A_187 = tpu.vector_load %arg21[%swap3A_185, %swap3A_186] {strides = array<i32>} : memref<32x512xf32, #tpu.memory_space<vmem>>, vector<16xf32>,
      tpu.vector_store %arg21[%swap3A_185, %swap3A_186], %gather3A {strides = array<i32>} : memref<32x512xf32, #tpu.memory_space<vmem>>, vector<16xf32>,
      %add3A_188 = arith.constant 1 : i32
      %add3A_189 = vector.broadcast %add3A_188 : i32 to vector<16xi32>
      %add3A_190 = arith.addi %get3A_181, %add3A_189 : vector<16xi32>
      %gather3A_191 = tpu.vector_load_idx %arg20[%get3A_179, %add3A_190] : memref<512x128xf32, #tpu.memory_space<vmem>>[vector<16xi32>, vector<16xi32>], vector<16xf32>,
      %swap3A_192 = arith.constant 1 : i32
      %swap3A_193 = arith.index_cast %swap3A_192 : i32 to index
      %swap3A_194 = arith.index_cast %mul3A_178 : i32 to index
      %swap3A_195 = tpu.vector_load %arg21[%swap3A_193, %swap3A_194] {strides = array<i32>} : memref<32x512xf32, #tpu.memory_space<vmem>>, vector<16xf32>,
      tpu.vector_store %arg21[%swap3A_193, %swap3A_194], %gather3A_191 {strides = array<i32>} : memref<32x512xf32, #tpu.memory_space<vmem>>, vector<16xf32>,
      %add3A_196 = arith.constant 2 : i32
      %add3A_197 = vector.broadcast %add3A_196 : i32 to vector<16xi32>
      %add3A_198 = arith.addi %get3A_181, %add3A_197 : vector<16xi32>
      %gather3A_199 = tpu.vector_load_idx %arg20[%get3A_179, %add3A_198] : memref<512x128xf32, #tpu.memory_space<vmem>>[vector<16xi32>, vector<16xi32>], vector<16xf32>,
      %swap3A_200 = arith.constant 2 : i32
      %swap3A_201 = arith.index_cast %swap3A_200 : i32 to index
      %swap3A_202 = arith.index_cast %mul3A_178 : i32 to index
      %swap3A_203 = tpu.vector_load %arg21[%swap3A_201, %swap3A_202] {strides = array<i32>} : memref<32x512xf32, #tpu.memory_space<vmem>>, vector<16xf32>,
      tpu.vector_store %arg21[%swap3A_201, %swap3A_202], %gather3A_199 {strides = array<i32>} : memref<32x512xf32, #tpu.memory_space<vmem>>, vector<16xf32>,
      %add3A_204 = arith.constant 3 : i32
      %add3A_205 = vector.broadcast %add3A_204 : i32 to vector<16xi32>
      %add3A_206 = arith.addi %get3A_181, %add3A_205 : vector<16xi32>
      %gather3A_207 = tpu.vector_load_idx %arg20[%get3A_179, %add3A_206] : memref<512x128xf32, #tpu.memory_space<vmem>>[vector<16xi32>, vector<16xi32>], vector<16xf32>,
      %swap3A_208 = arith.constant 3 : i32
      %swap3A_209 = arith.index_cast %swap3A_208 : i32 to index
      %swap3A_210 = arith.index_cast %mul3A_178 : i32 to index
      %swap3A_211 = tpu.vector_load %arg21[%swap3A_209, %swap3A_210] {strides = array<i32>} : memref<32x512xf32, #tpu.memory_space<vmem>>, vector<16xf32>,
      tpu.vector_store %arg21[%swap3A_209, %swap3A_210], %gather3A_207 {strides = array<i32>} : memref<32x512xf32, #tpu.memory_space<vmem>>, vector<16xf32>,
      %add3A_212 = arith.constant 4 : i32
      %add3A_213 = vector.broadcast %add3A_212 : i32 to vector<16xi32>
      %add3A_214 = arith.addi %get3A_181, %add3A_213 : vector<16xi32>
      %gather3A_215 = tpu.vector_load_idx %arg20[%get3A_179, %add3A_214] : memref<512x128xf32, #tpu.memory_space<vmem>>[vector<16xi32>, vector<16xi32>], vector<16xf32>,
      %swap3A_216 = arith.constant 4 : i32
      %swap3A_217 = arith.index_cast %swap3A_216 : i32 to index
      %swap3A_218 = arith.index_cast %mul3A_178 : i32 to index
      %swap3A_219 = tpu.vector_load %arg21[%swap3A_217, %swap3A_218] {strides = array<i32>} : memref<32x512xf32, #tpu.memory_space<vmem>>, vector<16xf32>,
      tpu.vector_store %arg21[%swap3A_217, %swap3A_218], %gather3A_215 {strides = array<i32>} : memref<32x512xf32, #tpu.memory_space<vmem>>, vector<16xf32>,
      %add3A_220 = arith.constant 5 : i32
      %add3A_221 = vector.broadcast %add3A_220 : i32 to vector<16xi32>
      %add3A_222 = arith.addi %get3A_181, %add3A_221 : vector<16xi32>
      %gather3A_223 = tpu.vector_load_idx %arg20[%get3A_179, %add3A_222] : memref<512x128xf32, #tpu.memory_space<vmem>>[vector<16xi32>, vector<16xi32>], vector<16xf32>,
      %swap3A_224 = arith.constant 5 : i32
      %swap3A_225 = arith.index_cast %swap3A_224 : i32 to index
      %swap3A_226 = arith.index_cast %mul3A_178 : i32 to index
      %swap3A_227 = tpu.vector_load %arg21[%swap3A_225, %swap3A_226] {strides = array<i32>} : memref<32x512xf32, #tpu.memory_space<vmem>>, vector<16xf32>,
      tpu.vector_store %arg21[%swap3A_225, %swap3A_226], %gather3A_223 {strides = array<i32>} : memref<32x512xf32, #tpu.memory_space<vmem>>, vector<16xf32>,
      %add3A_228 = arith.constant 6 : i32
      %add3A_229 = vector.broadcast %add3A_228 : i32 to vector<16xi32>
      %add3A_230 = arith.addi %get3A_181, %add3A_229 : vector<16xi32>
      %gather3A_231 = tpu.vector_load_idx %arg20[%get3A_179, %add3A_230] : memref<512x128xf32, #tpu.memory_space<vmem>>[vector<16xi32>, vector<16xi32>], vector<16xf32>,
      %swap3A_232 = arith.constant 6 : i32
      %swap3A_233 = arith.index_cast %swap3A_232 : i32 to index
      %swap3A_234 = arith.index_cast %mul3A_178 : i32 to index
      %swap3A_235 = tpu.vector_load %arg21[%swap3A_233, %swap3A_234] {strides = array<i32>} : memref<32x512xf32, #tpu.memory_space<vmem>>, vector<16xf32>,
      tpu.vector_store %arg21[%swap3A_233, %swap3A_234], %gather3A_231 {strides = array<i32>} : memref<32x512xf32, #tpu.memory_space<vmem>>, vector<16xf32>,
      %add3A_236 = arith.constant 7 : i32
      %add3A_237 = vector.broadcast %add3A_236 : i32 to vector<16xi32>
      %add3A_238 = arith.addi %get3A_181, %add3A_237 : vector<16xi32>
      %gather3A_239 = tpu.vector_load_idx %arg20[%get3A_179, %add3A_238] : memref<512x128xf32, #tpu.memory_space<vmem>>[vector<16xi32>, vector<16xi32>], vector<16xf32>,
      %swap3A_240 = arith.constant 7 : i32
      %swap3A_241 = arith.index_cast %swap3A_240 : i32 to index
      %swap3A_242 = arith.index_cast %mul3A_178 : i32 to index
      %swap3A_243 = tpu.vector_load %arg21[%swap3A_241, %swap3A_242] {strides = array<i32>} : memref<32x512xf32, #tpu.memory_space<vmem>>, vector<16xf32>,
      tpu.vector_store %arg21[%swap3A_241, %swap3A_242], %gather3A_239 {strides = array<i32>} : memref<32x512xf32, #tpu.memory_space<vmem>>, vector<16xf32>,
      %add3A_244 = arith.constant 8 : i32
      %add3A_245 = vector.broadcast %add3A_244 : i32 to vector<16xi32>
      %add3A_246 = arith.addi %get3A_181, %add3A_245 : vector<16xi32>
      %gather3A_247 = tpu.vector_load_idx %arg20[%get3A_179, %add3A_246] : memref<512x128xf32, #tpu.memory_space<vmem>>[vector<16xi32>, vector<16xi32>], vector<16xf32>,
      %swap3A_248 = arith.constant 8 : i32
      %swap3A_249 = arith.index_cast %swap3A_248 : i32 to index
      %swap3A_250 = arith.index_cast %mul3A_178 : i32 to index
      %swap3A_251 = tpu.vector_load %arg21[%swap3A_249, %swap3A_250] {strides = array<i32>} : memref<32x512xf32, #tpu.memory_space<vmem>>, vector<16xf32>,
      tpu.vector_store %arg21[%swap3A_249, %swap3A_250], %gather3A_247 {strides = array<i32>} : memref<32x512xf32, #tpu.memory_space<vmem>>, vector<16xf32>,
      %add3A_252 = arith.constant 9 : i32
      %add3A_253 = vector.broadcast %add3A_252 : i32 to vector<16xi32>
      %add3A_254 = arith.addi %get3A_181, %add3A_253 : vector<16xi32>
      %gather3A_255 = tpu.vector_load_idx %arg20[%get3A_179, %add3A_254] : memref<512x128xf32, #tpu.memory_space<vmem>>[vector<16xi32>, vector<16xi32>], vector<16xf32>,
      %swap3A_256 = arith.constant 9 : i32
      %swap3A_257 = arith.index_cast %swap3A_256 : i32 to index
      %swap3A_258 = arith.index_cast %mul3A_178 : i32 to index
      %swap3A_259 = tpu.vector_load %arg21[%swap3A_257, %swap3A_258] {strides = array<i32>} : memref<32x512xf32, #tpu.memory_space<vmem>>, vector<16xf32>,
      tpu.vector_store %arg21[%swap3A_257, %swap3A_258], %gather3A_255 {strides = array<i32>} : memref<32x512xf32, #tpu.memory_space<vmem>>, vector<16xf32>,
      %add3A_260 = arith.constant 10 : i32
      %add3A_261 = vector.broadcast %add3A_260 : i32 to vector<16xi32>
      %add3A_262 = arith.addi %get3A_181, %add3A_261 : vector<16xi32>
      %gather3A_263 = tpu.vector_load_idx %arg20[%get3A_179, %add3A_262] : memref<512x128xf32, #tpu.memory_space<vmem>>[vector<16xi32>, vector<16xi32>], vector<16xf32>,
      %swap3A_264 = arith.constant 10 : i32
      %swap3A_265 = arith.index_cast %swap3A_264 : i32 to index
      %swap3A_266 = arith.index_cast %mul3A_178 : i32 to index
      %swap3A_267 = tpu.vector_load %arg21[%swap3A_265, %swap3A_266] {strides = array<i32>} : memref<32x512xf32, #tpu.memory_space<vmem>>, vector<16xf32>,
      tpu.vector_store %arg21[%swap3A_265, %swap3A_266], %gather3A_263 {strides = array<i32>} : memref<32x512xf32, #tpu.memory_space<vmem>>, vector<16xf32>,
      %add3A_268 = arith.constant 11 : i32
      %add3A_269 = vector.broadcast %add3A_268 : i32 to vector<16xi32>
      %add3A_270 = arith.addi %get3A_181, %add3A_269 : vector<16xi32>
      %gather3A_271 = tpu.vector_load_idx %arg20[%get3A_179, %add3A_270] : memref<512x128xf32, #tpu.memory_space<vmem>>[vector<16xi32>, vector<16xi32>], vector<16xf32>,
      %swap3A_272 = arith.constant 11 : i32
      %swap3A_273 = arith.index_cast %swap3A_272 : i32 to index
      %swap3A_274 = arith.index_cast %mul3A_178 : i32 to index
      %swap3A_275 = tpu.vector_load %arg21[%swap3A_273, %swap3A_274] {strides = array<i32>} : memref<32x512xf32, #tpu.memory_space<vmem>>, vector<16xf32>,
      tpu.vector_store %arg21[%swap3A_273, %swap3A_274], %gather3A_271 {strides = array<i32>} : memref<32x512xf32, #tpu.memory_space<vmem>>, vector<16xf32>,
      %add3A_276 = arith.constant 12 : i32
      %add3A_277 = vector.broadcast %add3A_276 : i32 to vector<16xi32>
      %add3A_278 = arith.addi %get3A_181, %add3A_277 : vector<16xi32>
      %gather3A_279 = tpu.vector_load_idx %arg20[%get3A_179, %add3A_278] : memref<512x128xf32, #tpu.memory_space<vmem>>[vector<16xi32>, vector<16xi32>], vector<16xf32>,
      %swap3A_280 = arith.constant 12 : i32
      %swap3A_281 = arith.index_cast %swap3A_280 : i32 to index
      %swap3A_282 = arith.index_cast %mul3A_178 : i32 to index
      %swap3A_283 = tpu.vector_load %arg21[%swap3A_281, %swap3A_282] {strides = array<i32>} : memref<32x512xf32, #tpu.memory_space<vmem>>, vector<16xf32>,
      tpu.vector_store %arg21[%swap3A_281, %swap3A_282], %gather3A_279 {strides = array<i32>} : memref<32x512xf32, #tpu.memory_space<vmem>>, vector<16xf32>,
      %add3A_284 = arith.constant 13 : i32
      %add3A_285 = vector.broadcast %add3A_284 : i32 to vector<16xi32>
      %add3A_286 = arith.addi %get3A_181, %add3A_285 : vector<16xi32>
      %gather3A_287 = tpu.vector_load_idx %arg20[%get3A_179, %add3A_286] : memref<512x128xf32, #tpu.memory_space<vmem>>[vector<16xi32>, vector<16xi32>], vector<16xf32>,
      %swap3A_288 = arith.constant 13 : i32
      %swap3A_289 = arith.index_cast %swap3A_288 : i32 to index
      %swap3A_290 = arith.index_cast %mul3A_178 : i32 to index
      %swap3A_291 = tpu.vector_load %arg21[%swap3A_289, %swap3A_290] {strides = array<i32>} : memref<32x512xf32, #tpu.memory_space<vmem>>, vector<16xf32>,
      tpu.vector_store %arg21[%swap3A_289, %swap3A_290], %gather3A_287 {strides = array<i32>} : memref<32x512xf32, #tpu.memory_space<vmem>>, vector<16xf32>,
      %add3A_292 = arith.constant 14 : i32
      %add3A_293 = vector.broadcast %add3A_292 : i32 to vector<16xi32>
      %add3A_294 = arith.addi %get3A_181, %add3A_293 : vector<16xi32>
      %gather3A_295 = tpu.vector_load_idx %arg20[%get3A_179, %add3A_294] : memref<512x128xf32, #tpu.memory_space<vmem>>[vector<16xi32>, vector<16xi32>], vector<16xf32>,
      %swap3A_296 = arith.constant 14 : i32
      %swap3A_297 = arith.index_cast %swap3A_296 : i32 to index
      %swap3A_298 = arith.index_cast %mul3A_178 : i32 to index
      %swap3A_299 = tpu.vector_load %arg21[%swap3A_297, %swap3A_298] {strides = array<i32>} : memref<32x512xf32, #tpu.memory_space<vmem>>, vector<16xf32>,
      tpu.vector_store %arg21[%swap3A_297, %swap3A_298], %gather3A_295 {strides = array<i32>} : memref<32x512xf32, #tpu.memory_space<vmem>>, vector<16xf32>,
      %add3A_300 = arith.constant 15 : i32
      %add3A_301 = vector.broadcast %add3A_300 : i32 to vector<16xi32>
      %add3A_302 = arith.addi %get3A_181, %add3A_301 : vector<16xi32>
      %gather3A_303 = tpu.vector_load_idx %arg20[%get3A_179, %add3A_302] : memref<512x128xf32, #tpu.memory_space<vmem>>[vector<16xi32>, vector<16xi32>], vector<16xf32>,
      %swap3A_304 = arith.constant 15 : i32
      %swap3A_305 = arith.index_cast %swap3A_304 : i32 to index
      %swap3A_306 = arith.index_cast %mul3A_178 : i32 to index
      %swap3A_307 = tpu.vector_load %arg21[%swap3A_305, %swap3A_306] {strides = array<i32>} : memref<32x512xf32, #tpu.memory_space<vmem>>, vector<16xf32>,
      tpu.vector_store %arg21[%swap3A_305, %swap3A_306], %gather3A_303 {strides = array<i32>} : memref<32x512xf32, #tpu.memory_space<vmem>>, vector<16xf32>,
      %add3A_308 = arith.constant 16 : i32
      %add3A_309 = vector.broadcast %add3A_308 : i32 to vector<16xi32>
      %add3A_310 = arith.addi %get3A_181, %add3A_309 : vector<16xi32>
      %gather3A_311 = tpu.vector_load_idx %arg20[%get3A_179, %add3A_310] : memref<512x128xf32, #tpu.memory_space<vmem>>[vector<16xi32>, vector<16xi32>], vector<16xf32>,
      %swap3A_312 = arith.constant 16 : i32
      %swap3A_313 = arith.index_cast %swap3A_312 : i32 to index
      %swap3A_314 = arith.index_cast %mul3A_178 : i32 to index
      %swap3A_315 = tpu.vector_load %arg21[%swap3A_313, %swap3A_314] {strides = array<i32>} : memref<32x512xf32, #tpu.memory_space<vmem>>, vector<16xf32>,
      tpu.vector_store %arg21[%swap3A_313, %swap3A_314], %gather3A_311 {strides = array<i32>} : memref<32x512xf32, #tpu.memory_space<vmem>>, vector<16xf32>,
      %add3A_316 = arith.constant 17 : i32
      %add3A_317 = vector.broadcast %add3A_316 : i32 to vector<16xi32>
      %add3A_318 = arith.addi %get3A_181, %add3A_317 : vector<16xi32>
      %gather3A_319 = tpu.vector_load_idx %arg20[%get3A_179, %add3A_318] : memref<512x128xf32, #tpu.memory_space<vmem>>[vector<16xi32>, vector<16xi32>], vector<16xf32>,
      %swap3A_320 = arith.constant 17 : i32
      %swap3A_321 = arith.index_cast %swap3A_320 : i32 to index
      %swap3A_322 = arith.index_cast %mul3A_178 : i32 to index
      %swap3A_323 = tpu.vector_load %arg21[%swap3A_321, %swap3A_322] {strides = array<i32>} : memref<32x512xf32, #tpu.memory_space<vmem>>, vector<16xf32>,
      tpu.vector_store %arg21[%swap3A_321, %swap3A_322], %gather3A_319 {strides = array<i32>} : memref<32x512xf32, #tpu.memory_space<vmem>>, vector<16xf32>,
      %add3A_324 = arith.constant 18 : i32
      %add3A_325 = vector.broadcast %add3A_324 : i32 to vector<16xi32>
      %add3A_326 = arith.addi %get3A_181, %add3A_325 : vector<16xi32>
      %gather3A_327 = tpu.vector_load_idx %arg20[%get3A_179, %add3A_326] : memref<512x128xf32, #tpu.memory_space<vmem>>[vector<16xi32>, vector<16xi32>], vector<16xf32>,
      %swap3A_328 = arith.constant 18 : i32
      %swap3A_329 = arith.index_cast %swap3A_328 : i32 to index
      %swap3A_330 = arith.index_cast %mul3A_178 : i32 to index
      %swap3A_331 = tpu.vector_load %arg21[%swap3A_329, %swap3A_330] {strides = array<i32>} : memref<32x512xf32, #tpu.memory_space<vmem>>, vector<16xf32>,
      tpu.vector_store %arg21[%swap3A_329, %swap3A_330], %gather3A_327 {strides = array<i32>} : memref<32x512xf32, #tpu.memory_space<vmem>>, vector<16xf32>,
      %add3A_332 = arith.constant 19 : i32
      %add3A_333 = vector.broadcast %add3A_332 : i32 to vector<16xi32>
      %add3A_334 = arith.addi %get3A_181, %add3A_333 : vector<16xi32>
      %gather3A_335 = tpu.vector_load_idx %arg20[%get3A_179, %add3A_334] : memref<512x128xf32, #tpu.memory_space<vmem>>[vector<16xi32>, vector<16xi32>], vector<16xf32>,
      %swap3A_336 = arith.constant 19 : i32
      %swap3A_337 = arith.index_cast %swap3A_336 : i32 to index
      %swap3A_338 = arith.index_cast %mul3A_178 : i32 to index
      %swap3A_339 = tpu.vector_load %arg21[%swap3A_337, %swap3A_338] {strides = array<i32>} : memref<32x512xf32, #tpu.memory_space<vmem>>, vector<16xf32>,
      tpu.vector_store %arg21[%swap3A_337, %swap3A_338], %gather3A_335 {strides = array<i32>} : memref<32x512xf32, #tpu.memory_space<vmem>>, vector<16xf32>,
      %add3A_340 = arith.constant 20 : i32
      %add3A_341 = vector.broadcast %add3A_340 : i32 to vector<16xi32>
      %add3A_342 = arith.addi %get3A_181, %add3A_341 : vector<16xi32>
      %gather3A_343 = tpu.vector_load_idx %arg20[%get3A_179, %add3A_342] : memref<512x128xf32, #tpu.memory_space<vmem>>[vector<16xi32>, vector<16xi32>], vector<16xf32>,
      %swap3A_344 = arith.constant 20 : i32
      %swap3A_345 = arith.index_cast %swap3A_344 : i32 to index
      %swap3A_346 = arith.index_cast %mul3A_178 : i32 to index
      %swap3A_347 = tpu.vector_load %arg21[%swap3A_345, %swap3A_346] {strides = array<i32>} : memref<32x512xf32, #tpu.memory_space<vmem>>, vector<16xf32>,
      tpu.vector_store %arg21[%swap3A_345, %swap3A_346], %gather3A_343 {strides = array<i32>} : memref<32x512xf32, #tpu.memory_space<vmem>>, vector<16xf32>,
      %add3A_348 = arith.constant 21 : i32
      %add3A_349 = vector.broadcast %add3A_348 : i32 to vector<16xi32>
      %add3A_350 = arith.addi %get3A_181, %add3A_349 : vector<16xi32>
      %gather3A_351 = tpu.vector_load_idx %arg20[%get3A_179, %add3A_350] : memref<512x128xf32, #tpu.memory_space<vmem>>[vector<16xi32>, vector<16xi32>], vector<16xf32>,
      %swap3A_352 = arith.constant 21 : i32
      %swap3A_353 = arith.index_cast %swap3A_352 : i32 to index
      %swap3A_354 = arith.index_cast %mul3A_178 : i32 to index
      %swap3A_355 = tpu.vector_load %arg21[%swap3A_353, %swap3A_354] {strides = array<i32>} : memref<32x512xf32, #tpu.memory_space<vmem>>, vector<16xf32>,
      tpu.vector_store %arg21[%swap3A_353, %swap3A_354], %gather3A_351 {strides = array<i32>} : memref<32x512xf32, #tpu.memory_space<vmem>>, vector<16xf32>,
      %add3A_356 = arith.constant 22 : i32
      %add3A_357 = vector.broadcast %add3A_356 : i32 to vector<16xi32>
      %add3A_358 = arith.addi %get3A_181, %add3A_357 : vector<16xi32>
      %gather3A_359 = tpu.vector_load_idx %arg20[%get3A_179, %add3A_358] : memref<512x128xf32, #tpu.memory_space<vmem>>[vector<16xi32>, vector<16xi32>], vector<16xf32>,
      %swap3A_360 = arith.constant 22 : i32
      %swap3A_361 = arith.index_cast %swap3A_360 : i32 to index
      %swap3A_362 = arith.index_cast %mul3A_178 : i32 to index
      %swap3A_363 = tpu.vector_load %arg21[%swap3A_361, %swap3A_362] {strides = array<i32>} : memref<32x512xf32, #tpu.memory_space<vmem>>, vector<16xf32>,
      tpu.vector_store %arg21[%swap3A_361, %swap3A_362], %gather3A_359 {strides = array<i32>} : memref<32x512xf32, #tpu.memory_space<vmem>>, vector<16xf32>,
      %add3A_364 = arith.constant 23 : i32
      %add3A_365 = vector.broadcast %add3A_364 : i32 to vector<16xi32>
      %add3A_366 = arith.addi %get3A_181, %add3A_365 : vector<16xi32>
      %gather3A_367 = tpu.vector_load_idx %arg20[%get3A_179, %add3A_366] : memref<512x128xf32, #tpu.memory_space<vmem>>[vector<16xi32>, vector<16xi32>], vector<16xf32>,
      %swap3A_368 = arith.constant 23 : i32
      %swap3A_369 = arith.index_cast %swap3A_368 : i32 to index
      %swap3A_370 = arith.index_cast %mul3A_178 : i32 to index
      %swap3A_371 = tpu.vector_load %arg21[%swap3A_369, %swap3A_370] {strides = array<i32>} : memref<32x512xf32, #tpu.memory_space<vmem>>, vector<16xf32>,
      tpu.vector_store %arg21[%swap3A_369, %swap3A_370], %gather3A_367 {strides = array<i32>} : memref<32x512xf32, #tpu.memory_space<vmem>>, vector<16xf32>,
      %add3A_372 = arith.constant 24 : i32
      %add3A_373 = vector.broadcast %add3A_372 : i32 to vector<16xi32>
      %add3A_374 = arith.addi %get3A_181, %add3A_373 : vector<16xi32>
      %gather3A_375 = tpu.vector_load_idx %arg20[%get3A_179, %add3A_374] : memref<512x128xf32, #tpu.memory_space<vmem>>[vector<16xi32>, vector<16xi32>], vector<16xf32>,
      %swap3A_376 = arith.constant 24 : i32
      %swap3A_377 = arith.index_cast %swap3A_376 : i32 to index
      %swap3A_378 = arith.index_cast %mul3A_178 : i32 to index
      %swap3A_379 = tpu.vector_load %arg21[%swap3A_377, %swap3A_378] {strides = array<i32>} : memref<32x512xf32, #tpu.memory_space<vmem>>, vector<16xf32>,
      tpu.vector_store %arg21[%swap3A_377, %swap3A_378], %gather3A_375 {strides = array<i32>} : memref<32x512xf32, #tpu.memory_space<vmem>>, vector<16xf32>,
      %add3A_380 = arith.constant 25 : i32
      %add3A_381 = vector.broadcast %add3A_380 : i32 to vector<16xi32>
      %add3A_382 = arith.addi %get3A_181, %add3A_381 : vector<16xi32>
      %gather3A_383 = tpu.vector_load_idx %arg20[%get3A_179, %add3A_382] : memref<512x128xf32, #tpu.memory_space<vmem>>[vector<16xi32>, vector<16xi32>], vector<16xf32>,
      %swap3A_384 = arith.constant 25 : i32
      %swap3A_385 = arith.index_cast %swap3A_384 : i32 to index
      %swap3A_386 = arith.index_cast %mul3A_178 : i32 to index
      %swap3A_387 = tpu.vector_load %arg21[%swap3A_385, %swap3A_386] {strides = array<i32>} : memref<32x512xf32, #tpu.memory_space<vmem>>, vector<16xf32>,
      tpu.vector_store %arg21[%swap3A_385, %swap3A_386], %gather3A_383 {strides = array<i32>} : memref<32x512xf32, #tpu.memory_space<vmem>>, vector<16xf32>,
      %add3A_388 = arith.constant 26 : i32
      %add3A_389 = vector.broadcast %add3A_388 : i32 to vector<16xi32>
      %add3A_390 = arith.addi %get3A_181, %add3A_389 : vector<16xi32>
      %gather3A_391 = tpu.vector_load_idx %arg20[%get3A_179, %add3A_390] : memref<512x128xf32, #tpu.memory_space<vmem>>[vector<16xi32>, vector<16xi32>], vector<16xf32>,
      %swap3A_392 = arith.constant 26 : i32
      %swap3A_393 = arith.index_cast %swap3A_392 : i32 to index
      %swap3A_394 = arith.index_cast %mul3A_178 : i32 to index
      %swap3A_395 = tpu.vector_load %arg21[%swap3A_393, %swap3A_394] {strides = array<i32>} : memref<32x512xf32, #tpu.memory_space<vmem>>, vector<16xf32>,
      tpu.vector_store %arg21[%swap3A_393, %swap3A_394], %gather3A_391 {strides = array<i32>} : memref<32x512xf32, #tpu.memory_space<vmem>>, vector<16xf32>,
      %add3A_396 = arith.constant 27 : i32
      %add3A_397 = vector.broadcast %add3A_396 : i32 to vector<16xi32>
      %add3A_398 = arith.addi %get3A_181, %add3A_397 : vector<16xi32>
      %gather3A_399 = tpu.vector_load_idx %arg20[%get3A_179, %add3A_398] : memref<512x128xf32, #tpu.memory_space<vmem>>[vector<16xi32>, vector<16xi32>], vector<16xf32>,
      %swap3A_400 = arith.constant 27 : i32
      %swap3A_401 = arith.index_cast %swap3A_400 : i32 to index
      %swap3A_402 = arith.index_cast %mul3A_178 : i32 to index
      %swap3A_403 = tpu.vector_load %arg21[%swap3A_401, %swap3A_402] {strides = array<i32>} : memref<32x512xf32, #tpu.memory_space<vmem>>, vector<16xf32>,
      tpu.vector_store %arg21[%swap3A_401, %swap3A_402], %gather3A_399 {strides = array<i32>} : memref<32x512xf32, #tpu.memory_space<vmem>>, vector<16xf32>,
      %add3A_404 = arith.constant 28 : i32
      %add3A_405 = vector.broadcast %add3A_404 : i32 to vector<16xi32>
      %add3A_406 = arith.addi %get3A_181, %add3A_405 : vector<16xi32>
      %gather3A_407 = tpu.vector_load_idx %arg20[%get3A_179, %add3A_406] : memref<512x128xf32, #tpu.memory_space<vmem>>[vector<16xi32>, vector<16xi32>], vector<16xf32>,
      %swap3A_408 = arith.constant 28 : i32
      %swap3A_409 = arith.index_cast %swap3A_408 : i32 to index
      %swap3A_410 = arith.index_cast %mul3A_178 : i32 to index
      %swap3A_411 = tpu.vector_load %arg21[%swap3A_409, %swap3A_410] {strides = array<i32>} : memref<32x512xf32, #tpu.memory_space<vmem>>, vector<16xf32>,
      tpu.vector_store %arg21[%swap3A_409, %swap3A_410], %gather3A_407 {strides = array<i32>} : memref<32x512xf32, #tpu.memory_space<vmem>>, vector<16xf32>,
      %add3A_412 = arith.constant 29 : i32
      %add3A_413 = vector.broadcast %add3A_412 : i32 to vector<16xi32>
      %add3A_414 = arith.addi %get3A_181, %add3A_413 : vector<16xi32>
      %gather3A_415 = tpu.vector_load_idx %arg20[%get3A_179, %add3A_414] : memref<512x128xf32, #tpu.memory_space<vmem>>[vector<16xi32>, vector<16xi32>], vector<16xf32>,
      %swap3A_416 = arith.constant 29 : i32
      %swap3A_417 = arith.index_cast %swap3A_416 : i32 to index
      %swap3A_418 = arith.index_cast %mul3A_178 : i32 to index
      %swap3A_419 = tpu.vector_load %arg21[%swap3A_417, %swap3A_418] {strides = array<i32>} : memref<32x512xf32, #tpu.memory_space<vmem>>, vector<16xf32>,
      tpu.vector_store %arg21[%swap3A_417, %swap3A_418], %gather3A_415 {strides = array<i32>} : memref<32x512xf32, #tpu.memory_space<vmem>>, vector<16xf32>,
      %add3A_420 = arith.constant 30 : i32
      %add3A_421 = vector.broadcast %add3A_420 : i32 to vector<16xi32>
      %add3A_422 = arith.addi %get3A_181, %add3A_421 : vector<16xi32>
      %gather3A_423 = tpu.vector_load_idx %arg20[%get3A_179, %add3A_422] : memref<512x128xf32, #tpu.memory_space<vmem>>[vector<16xi32>, vector<16xi32>], vector<16xf32>,
      %swap3A_424 = arith.constant 30 : i32
      %swap3A_425 = arith.index_cast %swap3A_424 : i32 to index
      %swap3A_426 = arith.index_cast %mul3A_178 : i32 to index
      %swap3A_427 = tpu.vector_load %arg21[%swap3A_425, %swap3A_426] {strides = array<i32>} : memref<32x512xf32, #tpu.memory_space<vmem>>, vector<16xf32>,
      tpu.vector_store %arg21[%swap3A_425, %swap3A_426], %gather3A_423 {strides = array<i32>} : memref<32x512xf32, #tpu.memory_space<vmem>>, vector<16xf32>,
      %add3A_428 = arith.constant 31 : i32
      %add3A_429 = vector.broadcast %add3A_428 : i32 to vector<16xi32>
      %add3A_430 = arith.addi %get3A_181, %add3A_429 : vector<16xi32>
      %gather3A_431 = tpu.vector_load_idx %arg20[%get3A_179, %add3A_430] : memref<512x128xf32, #tpu.memory_space<vmem>>[vector<16xi32>, vector<16xi32>], vector<16xf32>,
      %swap3A_432 = arith.constant 31 : i32
      %swap3A_433 = arith.index_cast %swap3A_432 : i32 to index
      %swap3A_434 = arith.index_cast %mul3A_178 : i32 to index
      %swap3A_435 = tpu.vector_load %arg21[%swap3A_433, %swap3A_434] {strides = array<i32>} : memref<32x512xf32, #tpu.memory_space<vmem>>, vector<16xf32>,
      tpu.vector_store %arg21[%swap3A_433, %swap3A_434], %gather3A_431 {strides = array<i32>} : memref<32x512xf32, #tpu.memory_space<vmem>>, vector<16xf32>,
    }
    %scan3A_89 = arith.constant 32 : i32
    "tpu.region"() ({
      %run_scoped3A = tpu.sem_alloc : memref<!tpu.dma_semaphore, #tpu.memory_space<semaphore_mem>>
      %dma_start3A_176 = arith.constant 0 : i32
      %dma_start3A_177 = arith.constant 0 : i32
      %dma_start3A_178 = tpu.memref_slice %arg15[%add3A, %dma_start3A_176, %dma_start3A_177] : memref<32x32x512xf32, #tpu.memory_space<hbm>> -> memref<1x32x512xf32, #tpu.memory_space<hbm>>
      %dma_start3A_179 = tpu.memref_squeeze %dma_start3A_178 : memref<1x32x512xf32, #tpu.memory_space<hbm>> -> memref<32x512xf32, #tpu.memory_space<hbm>>
      %dma_start3A_180 = arith.constant 0 : i32
      %dma_start3A_181 = arith.constant 0 : i32
      %dma_start3A_182 = tpu.memref_slice %arg15[%add3A, %dma_start3A_180, %dma_start3A_181] : memref<32x32x512xf32, #tpu.memory_space<hbm>> -> memref<1x32x512xf32, #tpu.memory_space<hbm>>
      %dma_start3A_183 = tpu.memref_squeeze %dma_start3A_182 : memref<1x32x512xf32, #tpu.memory_space<hbm>> -> memref<32x512xf32, #tpu.memory_space<hbm>>
      tpu.enqueue_dma source(%arg21 : memref<32x512xf32, #tpu.memory_space<vmem>>) target(%dma_start3A_183 : memref<32x512xf32, #tpu.memory_space<hbm>>) target_semaphore(%run_scoped3A : memref<!tpu.dma_semaphore, #tpu.memory_space<semaphore_mem>>)
      %dma_wait3A_184 = arith.constant 0 : i32
      %dma_wait3A_185 = arith.constant 0 : i32
      %dma_wait3A_186 = tpu.memref_slice %arg15[%add3A, %dma_wait3A_184, %dma_wait3A_185] : memref<32x32x512xf32, #tpu.memory_space<hbm>> -> memref<1x32x512xf32, #tpu.memory_space<hbm>>
      %dma_wait3A_187 = tpu.memref_squeeze %dma_wait3A_186 : memref<1x32x512xf32, #tpu.memory_space<hbm>> -> memref<32x512xf32, #tpu.memory_space<hbm>>
      %dma_wait3A_188 = arith.constant 0 : i32
      %dma_wait3A_189 = arith.constant 0 : i32
      %dma_wait3A_190 = tpu.memref_slice %arg15[%add3A, %dma_wait3A_188, %dma_wait3A_189] : memref<32x32x512xf32, #tpu.memory_space<hbm>> -> memref<1x32x512xf32, #tpu.memory_space<hbm>>
      %dma_wait3A_191 = tpu.memref_squeeze %dma_wait3A_190 : memref<1x32x512xf32, #tpu.memory_space<hbm>> -> memref<32x512xf32, #tpu.memory_space<hbm>>
      tpu.wait_dma2 semaphore(%run_scoped3A : memref<!tpu.dma_semaphore, #tpu.memory_space<semaphore_mem>>) src(%arg21 : memref<32x512xf32, #tpu.memory_space<vmem>>) dst(%dma_wait3A_191 : memref<32x512xf32, #tpu.memory_space<hbm>>)
      tpu.yield
    }) : () -> ()
    "tpu.region"() ({
      %run_scoped3A = tpu.sem_alloc : memref<!tpu.dma_semaphore, #tpu.memory_space<semaphore_mem>>
      %dma_start3A_176 = arith.constant 0 : i32
      %dma_start3A_177 = arith.constant 0 : i32
      %dma_start3A_178 = tpu.memref_slice %arg16[%add3A, %dma_start3A_176, %dma_start3A_177] : memref<32x16x512xf32, #tpu.memory_space<hbm>> -> memref<1x16x512xf32, #tpu.memory_space<hbm>>
      %dma_start3A_179 = tpu.memref_squeeze %dma_start3A_178 : memref<1x16x512xf32, #tpu.memory_space<hbm>> -> memref<16x512xf32, #tpu.memory_space<hbm>>
      %dma_start3A_180 = arith.constant 0 : i32
      %dma_start3A_181 = arith.constant 0 : i32
      %dma_start3A_182 = tpu.memref_slice %arg16[%add3A, %dma_start3A_180, %dma_start3A_181] : memref<32x16x512xf32, #tpu.memory_space<hbm>> -> memref<1x16x512xf32, #tpu.memory_space<hbm>>
      %dma_start3A_183 = tpu.memref_squeeze %dma_start3A_182 : memref<1x16x512xf32, #tpu.memory_space<hbm>> -> memref<16x512xf32, #tpu.memory_space<hbm>>
      tpu.enqueue_dma source(%arg24 : memref<16x512xf32, #tpu.memory_space<vmem>>) target(%dma_start3A_183 : memref<16x512xf32, #tpu.memory_space<hbm>>) target_semaphore(%run_scoped3A : memref<!tpu.dma_semaphore, #tpu.memory_space<semaphore_mem>>)
      %dma_wait3A_184 = arith.constant 0 : i32
      %dma_wait3A_185 = arith.constant 0 : i32
      %dma_wait3A_186 = tpu.memref_slice %arg16[%add3A, %dma_wait3A_184, %dma_wait3A_185] : memref<32x16x512xf32, #tpu.memory_space<hbm>> -> memref<1x16x512xf32, #tpu.memory_space<hbm>>
      %dma_wait3A_187 = tpu.memref_squeeze %dma_wait3A_186 : memref<1x16x512xf32, #tpu.memory_space<hbm>> -> memref<16x512xf32, #tpu.memory_space<hbm>>
      %dma_wait3A_188 = arith.constant 0 : i32
      %dma_wait3A_189 = arith.constant 0 : i32
      %dma_wait3A_190 = tpu.memref_slice %arg16[%add3A, %dma_wait3A_188, %dma_wait3A_189] : memref<32x16x512xf32, #tpu.memory_space<hbm>> -> memref<1x16x512xf32, #tpu.memory_space<hbm>>
      %dma_wait3A_191 = tpu.memref_squeeze %dma_wait3A_190 : memref<1x16x512xf32, #tpu.memory_space<hbm>> -> memref<16x512xf32, #tpu.memory_space<hbm>>
      tpu.wait_dma2 semaphore(%run_scoped3A : memref<!tpu.dma_semaphore, #tpu.memory_space<semaphore_mem>>) src(%arg24 : memref<16x512xf32, #tpu.memory_space<vmem>>) dst(%dma_wait3A_191 : memref<16x512xf32, #tpu.memory_space<hbm>>)
      tpu.yield
    }) : () -> ()
    %dma_start3A_90 = arith.constant 0 : i32
    %dma_start3A_91 = arith.constant 0 : i32
    %dma_start3A_92 = arith.constant 0 : i32
    %dma_start3A_93 = tpu.memref_slice %arg20[%dma_start3A_91, %dma_start3A_92] : memref<512x128xf32, #tpu.memory_space<vmem>> -> memref<128x128xf32, #tpu.memory_space<vmem>>
    %dma_start3A_94 = arith.constant 0 : i32
    %dma_start3A_95 = tpu.memref_slice %arg19[%dma_start3A_90, %dma_start3A_94] : memref<4x128xi32, #tpu.memory_space<vmem>> -> memref<1x128xi32, #tpu.memory_space<vmem>>
    %dma_start3A_96 = tpu.memref_squeeze %dma_start3A_95 : memref<1x128xi32, #tpu.memory_space<vmem>> -> memref<128xi32, #tpu.memory_space<vmem>>
    %dma_start3A_97 = arith.constant 0 : i32
    %dma_start3A_98 = arith.constant 0 : i32
    %dma_start3A_99 = tpu.memref_slice %arg12[%dma_start3A_97, %dma_start3A_98] : memref<7812x128xf32, #tpu.memory_space<hbm>> -> memref<7812x128xf32, #tpu.memory_space<hbm>>
    tpu.enqueue_indirect_dma source(%dma_start3A_99 : memref<7812x128xf32, #tpu.memory_space<hbm>>) target(%dma_start3A_93 : memref<128x128xf32, #tpu.memory_space<vmem>>) offsets(%dma_start3A_96 : memref<128xi32, #tpu.memory_space<vmem>>) semaphore(%arg34 : memref<!tpu.dma_semaphore, #tpu.memory_space<semaphore_mem>>)
    %dma_start3A_100 = arith.constant 1 : i32
    %dma_start3A_101 = arith.constant 128 : i32
    %dma_start3A_102 = arith.constant 0 : i32
    %dma_start3A_103 = tpu.memref_slice %arg20[%dma_start3A_101, %dma_start3A_102] : memref<512x128xf32, #tpu.memory_space<vmem>> -> memref<128x128xf32, #tpu.memory_space<vmem>>
    %dma_start3A_104 = arith.constant 0 : i32
    %dma_start3A_105 = tpu.memref_slice %arg19[%dma_start3A_100, %dma_start3A_104] : memref<4x128xi32, #tpu.memory_space<vmem>> -> memref<1x128xi32, #tpu.memory_space<vmem>>
    %dma_start3A_106 = tpu.memref_squeeze %dma_start3A_105 : memref<1x128xi32, #tpu.memory_space<vmem>> -> memref<128xi32, #tpu.memory_space<vmem>>
    %dma_start3A_107 = arith.constant 0 : i32
    %dma_start3A_108 = arith.constant 0 : i32
    %dma_start3A_109 = tpu.memref_slice %arg12[%dma_start3A_107, %dma_start3A_108] : memref<7812x128xf32, #tpu.memory_space<hbm>> -> memref<7812x128xf32, #tpu.memory_space<hbm>>
    tpu.enqueue_indirect_dma source(%dma_start3A_109 : memref<7812x128xf32, #tpu.memory_space<hbm>>) target(%dma_start3A_103 : memref<128x128xf32, #tpu.memory_space<vmem>>) offsets(%dma_start3A_106 : memref<128xi32, #tpu.memory_space<vmem>>) semaphore(%arg34 : memref<!tpu.dma_semaphore, #tpu.memory_space<semaphore_mem>>)
    %dma_start3A_110 = arith.constant 2 : i32
    %dma_start3A_111 = arith.constant 256 : i32
    %dma_start3A_112 = arith.constant 0 : i32
    %dma_start3A_113 = tpu.memref_slice %arg20[%dma_start3A_111, %dma_start3A_112] : memref<512x128xf32, #tpu.memory_space<vmem>> -> memref<128x128xf32, #tpu.memory_space<vmem>>
    %dma_start3A_114 = arith.constant 0 : i32
    %dma_start3A_115 = tpu.memref_slice %arg19[%dma_start3A_110, %dma_start3A_114] : memref<4x128xi32, #tpu.memory_space<vmem>> -> memref<1x128xi32, #tpu.memory_space<vmem>>
    %dma_start3A_116 = tpu.memref_squeeze %dma_start3A_115 : memref<1x128xi32, #tpu.memory_space<vmem>> -> memref<128xi32, #tpu.memory_space<vmem>>
    %dma_start3A_117 = arith.constant 0 : i32
    %dma_start3A_118 = arith.constant 0 : i32
    %dma_start3A_119 = tpu.memref_slice %arg12[%dma_start3A_117, %dma_start3A_118] : memref<7812x128xf32, #tpu.memory_space<hbm>> -> memref<7812x128xf32, #tpu.memory_space<hbm>>
    tpu.enqueue_indirect_dma source(%dma_start3A_119 : memref<7812x128xf32, #tpu.memory_space<hbm>>) target(%dma_start3A_113 : memref<128x128xf32, #tpu.memory_space<vmem>>) offsets(%dma_start3A_116 : memref<128xi32, #tpu.memory_space<vmem>>) semaphore(%arg34 : memref<!tpu.dma_semaphore, #tpu.memory_space<semaphore_mem>>)
    %dma_start3A_120 = arith.constant 3 : i32
    %dma_start3A_121 = arith.constant 384 : i32
    %dma_start3A_122 = arith.constant 0 : i32
    %dma_start3A_123 = tpu.memref_slice %arg20[%dma_start3A_121, %dma_start3A_122] : memref<512x128xf32, #tpu.memory_space<vmem>> -> memref<128x128xf32, #tpu.memory_space<vmem>>
    %dma_start3A_124 = arith.constant 0 : i32
    %dma_start3A_125 = tpu.memref_slice %arg19[%dma_start3A_120, %dma_start3A_124] : memref<4x128xi32, #tpu.memory_space<vmem>> -> memref<1x128xi32, #tpu.memory_space<vmem>>
    %dma_start3A_126 = tpu.memref_squeeze %dma_start3A_125 : memref<1x128xi32, #tpu.memory_space<vmem>> -> memref<128xi32, #tpu.memory_space<vmem>>
    %dma_start3A_127 = arith.constant 0 : i32
    %dma_start3A_128 = arith.constant 0 : i32
    %dma_start3A_129 = tpu.memref_slice %arg12[%dma_start3A_127, %dma_start3A_128] : memref<7812x128xf32, #tpu.memory_space<hbm>> -> memref<7812x128xf32, #tpu.memory_space<hbm>>
    tpu.enqueue_indirect_dma source(%dma_start3A_129 : memref<7812x128xf32, #tpu.memory_space<hbm>>) target(%dma_start3A_123 : memref<128x128xf32, #tpu.memory_space<vmem>>) offsets(%dma_start3A_126 : memref<128xi32, #tpu.memory_space<vmem>>) semaphore(%arg34 : memref<!tpu.dma_semaphore, #tpu.memory_space<semaphore_mem>>)
    %dma_wait3A_130 = arith.constant 0 : i32
    %dma_wait3A_131 = arith.constant 0 : i32
    %dma_wait3A_132 = arith.constant 0 : i32
    %dma_wait3A_133 = tpu.memref_slice %arg20[%dma_wait3A_131, %dma_wait3A_132] : memref<512x128xf32, #tpu.memory_space<vmem>> -> memref<128x128xf32, #tpu.memory_space<vmem>>
    %dma_wait3A_134 = arith.constant 0 : i32
    %dma_wait3A_135 = tpu.memref_slice %arg19[%dma_wait3A_130, %dma_wait3A_134] : memref<4x128xi32, #tpu.memory_space<vmem>> -> memref<1x128xi32, #tpu.memory_space<vmem>>
    %dma_wait3A_136 = tpu.memref_squeeze %dma_wait3A_135 : memref<1x128xi32, #tpu.memory_space<vmem>> -> memref<128xi32, #tpu.memory_space<vmem>>
    %dma_wait3A_137 = arith.constant 0 : i32
    %dma_wait3A_138 = arith.constant 0 : i32
    %dma_wait3A_139 = tpu.memref_slice %arg12[%dma_wait3A_137, %dma_wait3A_138] : memref<7812x128xf32, #tpu.memory_space<hbm>> -> memref<7812x128xf32, #tpu.memory_space<hbm>>
    tpu.wait_indirect_dma semaphore(%arg34 : memref<!tpu.dma_semaphore, #tpu.memory_space<semaphore_mem>>) src(%dma_wait3A_139 : memref<7812x128xf32, #tpu.memory_space<hbm>>) dst(%dma_wait3A_133 : memref<128x128xf32, #tpu.memory_space<vmem>>)
    %dma_wait3A_140 = arith.constant 1 : i32
    %dma_wait3A_141 = arith.constant 128 : i32
    %dma_wait3A_142 = arith.constant 0 : i32
    %dma_wait3A_143 = tpu.memref_slice %arg20[%dma_wait3A_141, %dma_wait3A_142] : memref<512x128xf32, #tpu.memory_space<vmem>> -> memref<128x128xf32, #tpu.memory_space<vmem>>
    %dma_wait3A_144 = arith.constant 0 : i32
    %dma_wait3A_145 = tpu.memref_slice %arg19[%dma_wait3A_140, %dma_wait3A_144] : memref<4x128xi32, #tpu.memory_space<vmem>> -> memref<1x128xi32, #tpu.memory_space<vmem>>
    %dma_wait3A_146 = tpu.memref_squeeze %dma_wait3A_145 : memref<1x128xi32, #tpu.memory_space<vmem>> -> memref<128xi32, #tpu.memory_space<vmem>>
    %dma_wait3A_147 = arith.constant 0 : i32
    %dma_wait3A_148 = arith.constant 0 : i32
    %dma_wait3A_149 = tpu.memref_slice %arg12[%dma_wait3A_147, %dma_wait3A_148] : memref<7812x128xf32, #tpu.memory_space<hbm>> -> memref<7812x128xf32, #tpu.memory_space<hbm>>
    tpu.wait_indirect_dma semaphore(%arg34 : memref<!tpu.dma_semaphore, #tpu.memory_space<semaphore_mem>>) src(%dma_wait3A_149 : memref<7812x128xf32, #tpu.memory_space<hbm>>) dst(%dma_wait3A_143 : memref<128x128xf32, #tpu.memory_space<vmem>>)
    %dma_wait3A_150 = arith.constant 2 : i32
    %dma_wait3A_151 = arith.constant 256 : i32
    %dma_wait3A_152 = arith.constant 0 : i32
    %dma_wait3A_153 = tpu.memref_slice %arg20[%dma_wait3A_151, %dma_wait3A_152] : memref<512x128xf32, #tpu.memory_space<vmem>> -> memref<128x128xf32, #tpu.memory_space<vmem>>
    %dma_wait3A_154 = arith.constant 0 : i32
    %dma_wait3A_155 = tpu.memref_slice %arg19[%dma_wait3A_150, %dma_wait3A_154] : memref<4x128xi32, #tpu.memory_space<vmem>> -> memref<1x128xi32, #tpu.memory_space<vmem>>
    %dma_wait3A_156 = tpu.memref_squeeze %dma_wait3A_155 : memref<1x128xi32, #tpu.memory_space<vmem>> -> memref<128xi32, #tpu.memory_space<vmem>>
    %dma_wait3A_157 = arith.constant 0 : i32
    %dma_wait3A_158 = arith.constant 0 : i32
    %dma_wait3A_159 = tpu.memref_slice %arg12[%dma_wait3A_157, %dma_wait3A_158] : memref<7812x128xf32, #tpu.memory_space<hbm>> -> memref<7812x128xf32, #tpu.memory_space<hbm>>
    tpu.wait_indirect_dma semaphore(%arg34 : memref<!tpu.dma_semaphore, #tpu.memory_space<semaphore_mem>>) src(%dma_wait3A_159 : memref<7812x128xf32, #tpu.memory_space<hbm>>) dst(%dma_wait3A_153 : memref<128x128xf32, #tpu.memory_space<vmem>>)
    %dma_wait3A_160 = arith.constant 3 : i32
    %dma_wait3A_161 = arith.constant 384 : i32
    %dma_wait3A_162 = arith.constant 0 : i32
    %dma_wait3A_163 = tpu.memref_slice %arg20[%dma_wait3A_161, %dma_wait3A_162] : memref<512x128xf32, #tpu.memory_space<vmem>> -> memref<128x128xf32, #tpu.memory_space<vmem>>
    %dma_wait3A_164 = arith.constant 0 : i32
    %dma_wait3A_165 = tpu.memref_slice %arg19[%dma_wait3A_160, %dma_wait3A_164] : memref<4x128xi32, #tpu.memory_space<vmem>> -> memref<1x128xi32, #tpu.memory_space<vmem>>
    %dma_wait3A_166 = tpu.memref_squeeze %dma_wait3A_165 : memref<1x128xi32, #tpu.memory_space<vmem>> -> memref<128xi32, #tpu.memory_space<vmem>>
    %dma_wait3A_167 = arith.constant 0 : i32
    %dma_wait3A_168 = arith.constant 0 : i32
    %dma_wait3A_169 = tpu.memref_slice %arg12[%dma_wait3A_167, %dma_wait3A_168] : memref<7812x128xf32, #tpu.memory_space<hbm>> -> memref<7812x128xf32, #tpu.memory_space<hbm>>
    tpu.wait_indirect_dma semaphore(%arg34 : memref<!tpu.dma_semaphore, #tpu.memory_space<semaphore_mem>>) src(%dma_wait3A_169 : memref<7812x128xf32, #tpu.memory_space<hbm>>) dst(%dma_wait3A_163 : memref<128x128xf32, #tpu.memory_space<vmem>>)
    %scan3A_170 = arith.constant 0 : i32
    %scan3A_171 = arith.constant 0 : i32
    %scan3A_172 = arith.constant 32 : i32
    %scan3A_173 = arith.addi %scan3A_171, %scan3A_172 : i32
    %scan3A_174 = arith.constant 1 : i32
    scf.for %scan3A_176 = %scan3A_171 to %scan3A_173 step %scan3A_174  : i32 {
      %mul3A_177 = arith.constant 16 : i32
      %mul3A_178 = arith.muli %scan3A_176, %mul3A_177 : i32
      %get3A = arith.index_cast %mul3A_178 : i32 to index
      %get3A_179 = tpu.vector_load %arg30[%get3A] {strides = array<i32>} : memref<512xi32, #tpu.memory_space<vmem>>, vector<16xi32>,
      %get3A_180 = arith.index_cast %mul3A_178 : i32 to index
      %get3A_181 = tpu.vector_load %arg26[%get3A_180] {strides = array<i32>} : memref<512xi32, #tpu.memory_space<vmem>>, vector<16xi32>,
      %gather3A = tpu.vector_load_idx %arg20[%get3A_179, %get3A_181] : memref<512x128xf32, #tpu.memory_space<vmem>>[vector<16xi32>, vector<16xi32>], vector<16xf32>,
      %get3A_182 = arith.index_cast %mul3A_178 : i32 to index
      %get3A_183 = tpu.vector_load %arg27[%get3A_182] {strides = array<i32>} : memref<512xi32, #tpu.memory_space<vmem>>, vector<16xi32>,
      %gather3A_184 = tpu.vector_load_idx %arg29[%get3A_183] : memref<128xf32, #tpu.memory_space<vmem>>[vector<16xi32>], vector<16xf32>,
      %get3A_185 = arith.index_cast %mul3A_178 : i32 to index
      %get3A_186 = tpu.vector_load %arg28[%get3A_185] {strides = array<i32>} : memref<512xf32, #tpu.memory_space<vmem>>, vector<16xf32>,
      %sub3A = arith.subf %gather3A_184, %gather3A : vector<16xf32>
      %mul3A_187 = arith.mulf %get3A_186, %sub3A : vector<16xf32>
      %add3A_188 = arith.addf %gather3A, %mul3A_187 : vector<16xf32>
      %swap3A = arith.index_cast %mul3A_178 : i32 to index
      %swap3A_189 = tpu.vector_load %arg32[%swap3A] {strides = array<i32>} : memref<512xf32, #tpu.memory_space<vmem>>, vector<16xf32>,
      tpu.vector_store %arg32[%swap3A], %add3A_188 {strides = array<i32>} : memref<512xf32, #tpu.memory_space<vmem>>, vector<16xf32>,
    }
    %scan3A_175 = arith.constant 32 : i32
    "tpu.region"() ({
      %run_scoped3A = tpu.sem_alloc : memref<!tpu.dma_semaphore, #tpu.memory_space<semaphore_mem>>
      %dma_start3A_176 = arith.constant 0 : i32
      %dma_start3A_177 = tpu.memref_slice %arg17[%add3A, %dma_start3A_176] : memref<32x512xf32, #tpu.memory_space<hbm>> -> memref<1x512xf32, #tpu.memory_space<hbm>>
      %dma_start3A_178 = tpu.memref_squeeze %dma_start3A_177 : memref<1x512xf32, #tpu.memory_space<hbm>> -> memref<512xf32, #tpu.memory_space<hbm>>
      %dma_start3A_179 = arith.constant 0 : i32
      %dma_start3A_180 = tpu.memref_slice %arg17[%add3A, %dma_start3A_179] : memref<32x512xf32, #tpu.memory_space<hbm>> -> memref<1x512xf32, #tpu.memory_space<hbm>>
      %dma_start3A_181 = tpu.memref_squeeze %dma_start3A_180 : memref<1x512xf32, #tpu.memory_space<hbm>> -> memref<512xf32, #tpu.memory_space<hbm>>
      tpu.enqueue_dma source(%arg32 : memref<512xf32, #tpu.memory_space<vmem>>) target(%dma_start3A_181 : memref<512xf32, #tpu.memory_space<hbm>>) target_semaphore(%run_scoped3A : memref<!tpu.dma_semaphore, #tpu.memory_space<semaphore_mem>>)
      %dma_wait3A_182 = arith.constant 0 : i32
      %dma_wait3A_183 = tpu.memref_slice %arg17[%add3A, %dma_wait3A_182] : memref<32x512xf32, #tpu.memory_space<hbm>> -> memref<1x512xf32, #tpu.memory_space<hbm>>
      %dma_wait3A_184 = tpu.memref_squeeze %dma_wait3A_183 : memref<1x512xf32, #tpu.memory_space<hbm>> -> memref<512xf32, #tpu.memory_space<hbm>>
      %dma_wait3A_185 = arith.constant 0 : i32
      %dma_wait3A_186 = tpu.memref_slice %arg17[%add3A, %dma_wait3A_185] : memref<32x512xf32, #tpu.memory_space<hbm>> -> memref<1x512xf32, #tpu.memory_space<hbm>>
      %dma_wait3A_187 = tpu.memref_squeeze %dma_wait3A_186 : memref<1x512xf32, #tpu.memory_space<hbm>> -> memref<512xf32, #tpu.memory_space<hbm>>
      tpu.wait_dma2 semaphore(%run_scoped3A : memref<!tpu.dma_semaphore, #tpu.memory_space<semaphore_mem>>) src(%arg32 : memref<512xf32, #tpu.memory_space<vmem>>) dst(%dma_wait3A_187 : memref<512xf32, #tpu.memory_space<hbm>>)
      tpu.yield
    }) : () -> ()
    return
  }
}

module attributes {stable_mosaic.version = 14 : i64} {
  func.func @_tc_body(%arg0: i32, %arg1: memref<4x32x512xf32, #tpu.memory_space<vmem>>, %arg2: memref<4x16x512xf32, #tpu.memory_space<vmem>>, %arg3: memref<4x1x512xf32, #tpu.memory_space<vmem>>, %arg4: memref<32x20xf32, #tpu.memory_space<vmem>>, %arg5: memref<16x20xf32, #tpu.memory_space<vmem>>, %arg6: memref<1x20xf32, #tpu.memory_space<vmem>>, %arg7: memref<4x512x20xf32, #tpu.memory_space<vmem>>) attributes {dimension_semantics = [#tpu.dimension_semantics<arbitrary>], iteration_bounds = array<i64: 8>, scalar_prefetch = 0 : i64, scratch_operands = 0 : i64, tpu.core_type = #tpu.core_type<tc>, window_params = [{transform_indices = @transform_0, window_bounds = array<i64: 4, 32, 512>}, {transform_indices = @transform_1, window_bounds = array<i64: 4, 16, 512>}, {transform_indices = @transform_2, window_bounds = array<i64: 4, 1, 512>}, {pipeline_mode = #tpu.pipeline_mode<synchronous>, transform_indices = @transform_3, window_bounds = array<i64: 32, 20>}, {pipeline_mode = #tpu.pipeline_mode<synchronous>, transform_indices = @transform_4, window_bounds = array<i64: 16, 20>}, {pipeline_mode = #tpu.pipeline_mode<synchronous>, transform_indices = @transform_5, window_bounds = array<i64: 1, 20>}, {transform_indices = @transform_6, window_bounds = array<i64: 4, 512, 20>}]} {
    %get3A = arith.constant 0 : index
    %get3A_0 = arith.constant 0 : index
    %get3A_1 = arith.constant 0 : index
    %get3A_2 = vector.load %arg3[%get3A, %get3A_0, %get3A_1] : memref<4x1x512xf32, #tpu.memory_space<vmem>>, vector<4x1x512xf32>
    %gt3A = arith.constant 0.000000e+00 : f32
    %gt3A_3 = vector.broadcast %gt3A : f32 to vector<4x1x512xf32>
    %gt3A_4 = arith.cmpf ogt, %get3A_2, %gt3A_3 : vector<4x1x512xf32>
    %max3A = arith.constant 1.000000e+00 : f32
    %max3A_5 = vector.broadcast %max3A : f32 to vector<4x1x512xf32>
    %max3A_6 = arith.maximumf %get3A_2, %max3A_5 : vector<4x1x512xf32>
    %div3A = arith.constant 1.000000e+00 : f32
    %div3A_7 = vector.broadcast %div3A : f32 to vector<4x1x512xf32>
    %div3A_8 = arith.divf %div3A_7, %max3A_6 : vector<4x1x512xf32>
    %jit3A = arith.constant 0.000000e+00 : f32
    %broadcast_in_dim3A = vector.broadcast %jit3A : f32 to vector<4x1x512xf32>
    %select_n3A = arith.select %gt3A_4, %div3A_8, %broadcast_in_dim3A : vector<4x1x512xi1>, vector<4x1x512xf32>
    %get3A_9 = arith.constant 0 : index
    %get3A_10 = arith.constant 0 : index
    %get3A_11 = arith.constant 0 : index
    %get3A_12 = vector.load %arg2[%get3A_9, %get3A_10, %get3A_11] : memref<4x16x512xf32, #tpu.memory_space<vmem>>, vector<4x16x512xf32>
    %mul3A = vector.broadcast %select_n3A : vector<4x1x512xf32> to vector<4x16x512xf32>
    %mul3A_13 = arith.mulf %get3A_12, %mul3A : vector<4x16x512xf32>
    %get3A_14 = arith.constant 0 : index
    %get3A_15 = arith.constant 0 : index
    %get3A_16 = arith.constant 0 : index
    %get3A_17 = vector.load %arg1[%get3A_14, %get3A_15, %get3A_16] : memref<4x32x512xf32, #tpu.memory_space<vmem>>, vector<1x32x512xf32>
    %get3A_18 = vector.shape_cast %get3A_17 : vector<1x32x512xf32> to vector<32x512xf32>
    %get3A_19 = arith.constant 0 : index
    %get3A_20 = arith.constant 0 : index
    %get3A_21 = vector.load %arg4[%get3A_19, %get3A_20] : memref<32x20xf32, #tpu.memory_space<vmem>>, vector<32x20xf32>
    %dot_general3A = arith.constant dense<0.000000e+00> : vector<512x20xf32>
    %dot_general3A_22 = tpu.matmul %get3A_18, %get3A_21, %dot_general3A {dimension_numbers = #tpu.dot_dimension_numbers<[0], [0], [1], [1], [0, 1, 1, 1], [], []>, transpose_lhs_hint = false} : vector<32x512xf32>, vector<32x20xf32>, vector<512x20xf32> -> vector<512x20xf32>
    %get3A_23 = arith.constant 1 : index
    %get3A_24 = arith.constant 0 : index
    %get3A_25 = arith.constant 0 : index
    %get3A_26 = vector.load %arg1[%get3A_23, %get3A_24, %get3A_25] : memref<4x32x512xf32, #tpu.memory_space<vmem>>, vector<1x32x512xf32>
    %get3A_27 = vector.shape_cast %get3A_26 : vector<1x32x512xf32> to vector<32x512xf32>
    %get3A_28 = arith.constant 0 : index
    %get3A_29 = arith.constant 0 : index
    %get3A_30 = vector.load %arg4[%get3A_28, %get3A_29] : memref<32x20xf32, #tpu.memory_space<vmem>>, vector<32x20xf32>
    %dot_general3A_31 = arith.constant dense<0.000000e+00> : vector<512x20xf32>
    %dot_general3A_32 = tpu.matmul %get3A_27, %get3A_30, %dot_general3A_31 {dimension_numbers = #tpu.dot_dimension_numbers<[0], [0], [1], [1], [0, 1, 1, 1], [], []>, transpose_lhs_hint = false} : vector<32x512xf32>, vector<32x20xf32>, vector<512x20xf32> -> vector<512x20xf32>
    %get3A_33 = arith.constant 2 : index
    %get3A_34 = arith.constant 0 : index
    %get3A_35 = arith.constant 0 : index
    %get3A_36 = vector.load %arg1[%get3A_33, %get3A_34, %get3A_35] : memref<4x32x512xf32, #tpu.memory_space<vmem>>, vector<1x32x512xf32>
    %get3A_37 = vector.shape_cast %get3A_36 : vector<1x32x512xf32> to vector<32x512xf32>
    %get3A_38 = arith.constant 0 : index
    %get3A_39 = arith.constant 0 : index
    %get3A_40 = vector.load %arg4[%get3A_38, %get3A_39] : memref<32x20xf32, #tpu.memory_space<vmem>>, vector<32x20xf32>
    %dot_general3A_41 = arith.constant dense<0.000000e+00> : vector<512x20xf32>
    %dot_general3A_42 = tpu.matmul %get3A_37, %get3A_40, %dot_general3A_41 {dimension_numbers = #tpu.dot_dimension_numbers<[0], [0], [1], [1], [0, 1, 1, 1], [], []>, transpose_lhs_hint = false} : vector<32x512xf32>, vector<32x20xf32>, vector<512x20xf32> -> vector<512x20xf32>
    %get3A_43 = arith.constant 3 : index
    %get3A_44 = arith.constant 0 : index
    %get3A_45 = arith.constant 0 : index
    %get3A_46 = vector.load %arg1[%get3A_43, %get3A_44, %get3A_45] : memref<4x32x512xf32, #tpu.memory_space<vmem>>, vector<1x32x512xf32>
    %get3A_47 = vector.shape_cast %get3A_46 : vector<1x32x512xf32> to vector<32x512xf32>
    %get3A_48 = arith.constant 0 : index
    %get3A_49 = arith.constant 0 : index
    %get3A_50 = vector.load %arg4[%get3A_48, %get3A_49] : memref<32x20xf32, #tpu.memory_space<vmem>>, vector<32x20xf32>
    %dot_general3A_51 = arith.constant dense<0.000000e+00> : vector<512x20xf32>
    %dot_general3A_52 = tpu.matmul %get3A_47, %get3A_50, %dot_general3A_51 {dimension_numbers = #tpu.dot_dimension_numbers<[0], [0], [1], [1], [0, 1, 1, 1], [], []>, transpose_lhs_hint = false} : vector<32x512xf32>, vector<32x20xf32>, vector<512x20xf32> -> vector<512x20xf32>
    %slice3A = vector.extract_strided_slice %mul3A_13 {offsets = [0, 0, 0], sizes = [1, 16, 512], strides = [1, 1, 1]} : vector<4x16x512xf32> to vector<1x16x512xf32>
    %squeeze3A = vector.shape_cast %slice3A : vector<1x16x512xf32> to vector<16x512xf32>
    %get3A_53 = arith.constant 0 : index
    %get3A_54 = arith.constant 0 : index
    %get3A_55 = vector.load %arg5[%get3A_53, %get3A_54] : memref<16x20xf32, #tpu.memory_space<vmem>>, vector<16x20xf32>
    %dot_general3A_56 = arith.constant dense<0.000000e+00> : vector<512x20xf32>
    %dot_general3A_57 = tpu.matmul %squeeze3A, %get3A_55, %dot_general3A_56 {dimension_numbers = #tpu.dot_dimension_numbers<[0], [0], [1], [1], [0, 1, 1, 1], [], []>, transpose_lhs_hint = false} : vector<16x512xf32>, vector<16x20xf32>, vector<512x20xf32> -> vector<512x20xf32>
    %slice3A_58 = vector.extract_strided_slice %mul3A_13 {offsets = [1, 0, 0], sizes = [1, 16, 512], strides = [1, 1, 1]} : vector<4x16x512xf32> to vector<1x16x512xf32>
    %squeeze3A_59 = vector.shape_cast %slice3A_58 : vector<1x16x512xf32> to vector<16x512xf32>
    %get3A_60 = arith.constant 0 : index
    %get3A_61 = arith.constant 0 : index
    %get3A_62 = vector.load %arg5[%get3A_60, %get3A_61] : memref<16x20xf32, #tpu.memory_space<vmem>>, vector<16x20xf32>
    %dot_general3A_63 = arith.constant dense<0.000000e+00> : vector<512x20xf32>
    %dot_general3A_64 = tpu.matmul %squeeze3A_59, %get3A_62, %dot_general3A_63 {dimension_numbers = #tpu.dot_dimension_numbers<[0], [0], [1], [1], [0, 1, 1, 1], [], []>, transpose_lhs_hint = false} : vector<16x512xf32>, vector<16x20xf32>, vector<512x20xf32> -> vector<512x20xf32>
    %slice3A_65 = vector.extract_strided_slice %mul3A_13 {offsets = [2, 0, 0], sizes = [1, 16, 512], strides = [1, 1, 1]} : vector<4x16x512xf32> to vector<1x16x512xf32>
    %squeeze3A_66 = vector.shape_cast %slice3A_65 : vector<1x16x512xf32> to vector<16x512xf32>
    %get3A_67 = arith.constant 0 : index
    %get3A_68 = arith.constant 0 : index
    %get3A_69 = vector.load %arg5[%get3A_67, %get3A_68] : memref<16x20xf32, #tpu.memory_space<vmem>>, vector<16x20xf32>
    %dot_general3A_70 = arith.constant dense<0.000000e+00> : vector<512x20xf32>
    %dot_general3A_71 = tpu.matmul %squeeze3A_66, %get3A_69, %dot_general3A_70 {dimension_numbers = #tpu.dot_dimension_numbers<[0], [0], [1], [1], [0, 1, 1, 1], [], []>, transpose_lhs_hint = false} : vector<16x512xf32>, vector<16x20xf32>, vector<512x20xf32> -> vector<512x20xf32>
    %slice3A_72 = vector.extract_strided_slice %mul3A_13 {offsets = [3, 0, 0], sizes = [1, 16, 512], strides = [1, 1, 1]} : vector<4x16x512xf32> to vector<1x16x512xf32>
    %squeeze3A_73 = vector.shape_cast %slice3A_72 : vector<1x16x512xf32> to vector<16x512xf32>
    %get3A_74 = arith.constant 0 : index
    %get3A_75 = arith.constant 0 : index
    %get3A_76 = vector.load %arg5[%get3A_74, %get3A_75] : memref<16x20xf32, #tpu.memory_space<vmem>>, vector<16x20xf32>
    %dot_general3A_77 = arith.constant dense<0.000000e+00> : vector<512x20xf32>
    %dot_general3A_78 = tpu.matmul %squeeze3A_73, %get3A_76, %dot_general3A_77 {dimension_numbers = #tpu.dot_dimension_numbers<[0], [0], [1], [1], [0, 1, 1, 1], [], []>, transpose_lhs_hint = false} : vector<16x512xf32>, vector<16x20xf32>, vector<512x20xf32> -> vector<512x20xf32>
    %stack3A = vector.shape_cast %dot_general3A_22 : vector<512x20xf32> to vector<1x512x20xf32>
    %stack3A_79 = vector.shape_cast %dot_general3A_32 : vector<512x20xf32> to vector<1x512x20xf32>
    %stack3A_80 = vector.shape_cast %dot_general3A_42 : vector<512x20xf32> to vector<1x512x20xf32>
    %stack3A_81 = vector.shape_cast %dot_general3A_52 : vector<512x20xf32> to vector<1x512x20xf32>
    %stack3A_82 = tpu.concatenate %stack3A, %stack3A_79, %stack3A_80, %stack3A_81 in 0 : vector<1x512x20xf32>, vector<1x512x20xf32>, vector<1x512x20xf32>, vector<1x512x20xf32> -> vector<4x512x20xf32>
    %stack3A_83 = vector.shape_cast %dot_general3A_57 : vector<512x20xf32> to vector<1x512x20xf32>
    %stack3A_84 = vector.shape_cast %dot_general3A_64 : vector<512x20xf32> to vector<1x512x20xf32>
    %stack3A_85 = vector.shape_cast %dot_general3A_71 : vector<512x20xf32> to vector<1x512x20xf32>
    %stack3A_86 = vector.shape_cast %dot_general3A_78 : vector<512x20xf32> to vector<1x512x20xf32>
    %stack3A_87 = tpu.concatenate %stack3A_83, %stack3A_84, %stack3A_85, %stack3A_86 in 0 : vector<1x512x20xf32>, vector<1x512x20xf32>, vector<1x512x20xf32>, vector<1x512x20xf32> -> vector<4x512x20xf32>
    %add3A = arith.addf %stack3A_82, %stack3A_87 : vector<4x512x20xf32>
    %get3A_88 = arith.constant 0 : index
    %get3A_89 = arith.constant 0 : index
    %get3A_90 = vector.load %arg6[%get3A_88, %get3A_89] : memref<1x20xf32, #tpu.memory_space<vmem>>, vector<1x20xf32>
    %reshape3A = vector.shape_cast %get3A_90 : vector<1x20xf32> to vector<1x1x20xf32>
    %add3A_91 = vector.broadcast %reshape3A : vector<1x1x20xf32> to vector<4x512x20xf32>
    %add3A_92 = arith.addf %add3A, %add3A_91 : vector<4x512x20xf32>
    %swap3A = arith.constant 0 : index
    %swap3A_93 = arith.constant 0 : index
    %swap3A_94 = arith.constant 0 : index
    %swap3A_95 = vector.load %arg7[%swap3A, %swap3A_93, %swap3A_94] : memref<4x512x20xf32, #tpu.memory_space<vmem>>, vector<4x512x20xf32>
    tpu.vector_store %arg7[%swap3A, %swap3A_93, %swap3A_94], %add3A_92 {strides = array<i32>} : memref<4x512x20xf32, #tpu.memory_space<vmem>>, vector<4x512x20xf32>,
    return
  }
  func.func @transform_0(%arg0: i32) -> (i32, i32, i32) {
    %c0_i32 = arith.constant 0 : i32
    %c0_i32_0 = arith.constant 0 : i32
    %c0_i32_1 = arith.constant 0 : i32
    return %arg0, %c0_i32, %c0_i32_0 : i32, i32, i32
  }
  func.func @transform_1(%arg0: i32) -> (i32, i32, i32) {
    %c0_i32 = arith.constant 0 : i32
    %c0_i32_0 = arith.constant 0 : i32
    %c0_i32_1 = arith.constant 0 : i32
    return %arg0, %c0_i32, %c0_i32_0 : i32, i32, i32
  }
  func.func @transform_2(%arg0: i32) -> (i32, i32, i32) {
    %c0_i32 = arith.constant 0 : i32
    %c0_i32_0 = arith.constant 0 : i32
    %c0_i32_1 = arith.constant 0 : i32
    return %arg0, %c0_i32, %c0_i32_0 : i32, i32, i32
  }
  func.func @transform_3(%arg0: i32) -> (i32, i32) {
    %c0_i32 = arith.constant 0 : i32
    %c0_i32_0 = arith.constant 0 : i32
    %c0_i32_1 = arith.constant 0 : i32
    return %c0_i32, %c0_i32_0 : i32, i32
  }
  func.func @transform_4(%arg0: i32) -> (i32, i32) {
    %c0_i32 = arith.constant 0 : i32
    %c0_i32_0 = arith.constant 0 : i32
    %c0_i32_1 = arith.constant 0 : i32
    return %c0_i32, %c0_i32_0 : i32, i32
  }
  func.func @transform_5(%arg0: i32) -> (i32, i32) {
    %c0_i32 = arith.constant 0 : i32
    %c0_i32_0 = arith.constant 0 : i32
    %c0_i32_1 = arith.constant 0 : i32
    return %c0_i32, %c0_i32_0 : i32, i32
  }
  func.func @transform_6(%arg0: i32) -> (i32, i32, i32) {
    %c0_i32 = arith.constant 0 : i32
    %c0_i32_0 = arith.constant 0 : i32
    %c0_i32_1 = arith.constant 0 : i32
    return %arg0, %c0_i32, %c0_i32_0 : i32, i32, i32
  }
}

</mosaic_0001>

<sc_bundles>
// kernel: kernel.4.cloned.1.call-start
scs
__scs_entry_jumppad:
0x0: {  	(pc) =	sbr.rel $0x88, $3  }
0x1: {  	(tag) =	ssettag $0x0;
	lr =	simm.s32 $0x1  }
0x2: {  	[smem:$0x3F9A] =	sst lr;
	_ =	strace $0xD0000000  }
0x3: {  	_ = 	snop  }
0x4: {  	_ = 	snop  }
0x5: {  	_ = 	snop  }
0x6: {  	_ = 	snop  }
0x7: {  	_ = 	snop  }
__scs_overlays_trampoline_lowered:
0x8: {  	[smem:$0x3FA9] =	sst s0  }
0x9: {  	[smem:$0x3FAA] =	sst s1  }
0xa: {  	[smem:$0x3FAB] =	sst s2  }
0xb: {  	[smem:$0x3FAC] =	sst s3  }
0xc: {  	[smem:$0x3FAD] =	sst s4  }
0xd: {  	[smem:$0x3FAE] =	sst s5  }
0xe: {  	[smem:$0x3FAF] =	sst s6  }
0xf: {  	[smem:$0x3FB0] =	sst s7  }
0x10: {  	[smem:$0x3FB1] =	sst s8  }
0x11: {  	[smem:$0x3FB2] =	sst s9;
	s0 =	simm.s32 @!p0 $0x0  }
0x12: {  	s1 =	sld [smem:$0x3F98];
	s0 =	simm.s32 @p0 $0x1  }
0x13: {  	[smem:$0x3FB3] =	sst s0;
	s0 =	simm.s32 @!p1 $0x0  }
0x14: {  	s2 =	sld [smem:$0x3F97];
	s0 =	simm.s32 @p1 $0x1  }
0x15: {  	[smem:$0x3FB4] =	sst s0;
	s0 =	simm.s32 @!p2 $0x0  }
0x16: {  	s3 =	sld [smem:$0x3FDB];
	s0 =	simm.s32 @p2 $0x1  }
0x17: {  	s4 =	simm.s32 $0x1BF5;
	[smem:$0x3FB6] =	sst s0  }
0x18: {  	s0 =	sld [smem:$0x3F99];
	_ =	swait.ge [sflag:s4], $0x0  }
0x19: {  	s7 =	sld [smem:$0x3F9A]  }
0x1a: {  	s8 =	sadd.s32 $0xFFFFE003, lr  }
0x1b: {  	s9 =	sadd.s32 $0xFFFFFEF7, lr;
	s5 =	simm.s32 $0xFFFFFFFF;
	p2 =	slt.u32 s8, $0xFFFFF086  }
0x1c: {  	p1 =	slt.u32 s9, $0xF7A;
	s5 =	simm.s32 @!p2 $0x0  }
0x1d: {  	s5 =	simm.s32 @p1 $0x1;
	p0 =	seq.s32 s7, s2  }
0x1e: {  	s7 =	smul.u32 @!p0 $0xF7A, s2;
	p2 =	seq.s32 @!p0 s5, $0x0  }
0x1f: {  	s9 =	smul.u32 $0xF7A, s1;
	s8 =	simm.s32 @!p0 $0x1BF5;
	p2 =	por !p2, p0  }
0x20: {  	[sflag:s8] =	ssyncset.s32 @!p0 $0xFFFFF086;
	s6 =	sadd.s32 @!p0 s3, s7;
	s7 =	simm.s32 @!p0 $0x108  }
0x21: {  	s3 =	sadd.s32 s3, s9;
	s6 =	sadd.s32 @!p0 $0x88, s6;
	s7 =	simm.s32 @p2 $0x1082  }
0x22: {  	[simem:s7], [sflag:s8] =	dma.local @!p0 [hbm:s6], $0xF7A  }
0x23: {  	s9 =	sor.u32 $0xD0000000, s2;
	s6 =	simm.s32 $0x108;
	_ =	swait.ge @!p0 [sflag:s8], $0x0  }
0x24: {  	s3 =	sadd.s32 $0x88, s3;
	s6 =	simm.s32 @!p1 $0x1082;
	[sflag:s4] =	ssyncset.s32 $0xFFFFF086  }
0x25: {  	[simem:s6], [sflag:s4] =	dma.local [hbm:s3], $0xF7A  }
0x26: {  	[smem:$0x3F9A] =	sst s1;
	(tag) =	ssettag s2;
	_ =	strace s9  }
0x27: {  	s1 =	sld [smem:$0x3FAA]  }
0x28: {  	s2 =	sld [smem:$0x3FAB]  }
0x29: {  	s4 =	sld [smem:$0x3FAD]  }
0x2a: {  	p0 =	seq.s32 s5, $0x0;
	s5 =	sld [smem:$0x3FAE]  }
0x2b: {  	s6 =	sld [smem:$0x3FAF]  }
0x2c: {  	s7 =	sld [smem:$0x3FB0]  }
0x2d: {  	s3 =	simm.s32 $0x108;
	s8 =	sld [smem:$0x3FB1]  }
0x2e: {  	s3 =	simm.s32 @!p0 $0x1082;
	s9 =	sld [smem:$0x3FB2]  }
0x2f: {  	lr =	sadd.s32 s0, s3;
	s0 =	sld [smem:$0x3FA9]  }
0x30: {  	s3 =	sld [smem:$0x3FAC]  }
0x31: {  	[smem:$0x3FB5] =	sst s10  }
0x32: {  	s10 =	sld [smem:$0x3FB3];
	_ =	sdelay $0x3  }
0x33: {  	p0 =	seq.s32 s10, $0x1;
	s10 =	sld [smem:$0x3FB5];
	_ =	sdelay $0x3  }
0x34: {  	[smem:$0x3FB5] =	sst s10  }
0x35: {  	s10 =	sld [smem:$0x3FB4];
	_ =	sdelay $0x3  }
0x36: {  	p1 =	seq.s32 s10, $0x1;
	s10 =	sld [smem:$0x3FB5];
	_ =	sdelay $0x3  }
0x37: {  	[smem:$0x3FB5] =	sst s10  }
0x38: {  	s10 =	sld [smem:$0x3FB6]  }
0x39: {  	_ = 	snop;
	(pc) =	sbr.ind lr, $3  }
0x3a: {  	_ = 	snop  }
0x3b: {  	_ = 	snop  }
0x3c: {  	p2 =	seq.s32 s10, $0x1;
	s10 =	sld [smem:$0x3FB5]  }
0x3d: {  	_ =	shalt  }
0x3e: {  	_ =	shalt  }
0x3f: {  	_ =	shalt  }
0x40: {  	_ =	shalt  }
0x41: {  	_ =	shalt  }
0x42: {  	_ =	shalt  }
0x43: {  	_ =	shalt  }
0x44: {  	_ =	shalt  }
0x45: {  	_ =	shalt  }
0x46: {  	_ =	shalt  }
0x47: {  	_ =	shalt  }
0x48: {  	_ =	shalt  }
0x49: {  	_ =	shalt  }
0x4a: {  	_ =	shalt  }
0x4b: {  	_ =	shalt  }
0x4c: {  	_ =	shalt  }
0x4d: {  	_ =	shalt  }
0x4e: {  	_ =	shalt  }
0x4f: {  	_ =	shalt  }
0x50: {  	_ =	shalt  }
0x51: {  	_ =	shalt  }
0x52: {  	_ =	shalt  }
0x53: {  	_ =	shalt  }
0x54: {  	_ =	shalt  }
0x55: {  	_ =	shalt  }
0x56: {  	_ =	shalt  }
0x57: {  	_ =	shalt  }
0x58: {  	_ =	shalt  }
0x59: {  	_ =	shalt  }
0x5a: {  	_ =	shalt  }
0x5b: {  	_ =	shalt  }
0x5c: {  	_ =	shalt  }
0x5d: {  	_ =	shalt  }
0x5e: {  	_ =	shalt  }
0x5f: {  	_ =	shalt  }
0x60: {  	_ =	shalt  }
0x61: {  	_ =	shalt  }
0x62: {  	_ =	shalt  }
0x63: {  	_ =	shalt  }
0x64: {  	_ =	shalt  }
0x65: {  	_ =	shalt  }
0x66: {  	_ =	shalt  }
0x67: {  	_ =	shalt  }
0x68: {  	_ =	shalt  }
0x69: {  	_ =	shalt  }
0x6a: {  	_ =	shalt  }
0x6b: {  	_ =	shalt  }
0x6c: {  	_ =	shalt  }
0x6d: {  	_ =	shalt  }
0x6e: {  	_ =	shalt  }
0x6f: {  	_ =	shalt  }
0x70: {  	_ =	shalt  }
0x71: {  	_ =	shalt  }
0x72: {  	_ =	shalt  }
0x73: {  	_ =	shalt  }
0x74: {  	_ =	shalt  }
0x75: {  	_ =	shalt  }
0x76: {  	_ =	shalt  }
0x77: {  	_ =	shalt  }
0x78: {  	_ =	shalt  }
0x79: {  	_ =	shalt  }
0x7a: {  	_ =	shalt  }
0x7b: {  	_ =	shalt  }
0x7c: {  	_ =	shalt  }
0x7d: {  	_ =	shalt  }
0x7e: {  	_ =	shalt  }
0x7f: {  	_ =	shalt  }
0x80: {  	_ =	shalt  }
0x81: {  	_ =	shalt  }
0x82: {  	_ =	shalt  }
0x83: {  	_ =	shalt  }
0x84: {  	_ =	shalt  }
0x85: {  	_ =	shalt  }
0x86: {  	_ =	shalt  }
0x87: {  	_ =	shalt  }
.Lfunc_end0:
.L_simem_size_0:
called_computation_lowered:
.L_overlay_start_0:
0x88: {  	s2 =	sld [smem:$0x3FD9]  }
0x89: {  	s3 =	sld [smem:$0x3FFE];
	_ =	sdelay $0x1  }
0x8a: {  	s1 =	srdreg.scid  }
0x8b: {  	s0 =	sand.u32 $0x1, s1  }
0x8c: {  	s14 =	sshll.u32 s0, $0xA;
	s2 =	sadd.s32 s3, s2  }
0x8d: {  	s2 =	sadd.s32 s2, s14  }
0x8e: {  	[smem:$0x3FC1] =	sst s2  }
0x8f: {  	_ = 	snop  }
0x90: {  	s2 =	sld [smem:$0x3FD0];
	_ =	sdelay $0x2  }
0x91: {  	s15 =	simm.s32 $0xA;
	s4 =	simm.s32 $0x10  }
0x92: {  	[smem:s4], [sflag:s15] =	dma.local [hbm:s2], $0x1  }
0x93: {  	_ =	swait.eq [sflag:s15], $0x1  }
0x94: {  	[sflag:s15] =	ssyncset.done $0x0  }
0x95: {  	s16 =	sld [smem:$0x10];
	[sflag:s15] =	ssyncadd.s32 $0xFFFFFFFF  }
0x96: {  	s17 =	sld [smem:$0x11];
	(tm) =	ssettm $0x1  }
0x97: {  	s18 =	sld [smem:$0x3FFB];
	_ =	sdelay $0x3  }
0x98: {  	_ =	strace s18  }
0x99: {  	s4 =	sld [smem:$0x3FFC];
	_ =	sdelay $0x3  }
0x9a: {  	_ =	strace s4  }
0x9b: {  	s4 =	sld [smem:$0x3FFD];
	_ =	sdelay $0x3  }
0x9c: {  	_ =	strace s4  }
0x9d: {  	_ =	strace $0x8FFFFFFF  }
0x9e: {  	s19 =	sld [smem:$0x3FDB];
	_ =	sdelay $0x1  }
0x9f: {  	s5 =	simm.s32 $_scs_section_size  }
0xa0: {  	s6 =	simm.s32 $_size__tile_overlayer_lowered;
	s7 =	simm.s32 $_tile_overlayer_lowered  }
0xa1: {  	s22 =	simm.s32 $0x1BFF;
	s21 =	sshll.u32 s7, $0x1;
	s4 =	sadd.s32 s5, s19  }
0xa2: {  	s8 =	simm.s32 $0x0;
	s20 =	sshll.u32 s6, $0x1;
	s6 =	sadd.s32 s21, s4  }
0xa3: {  	[timem:s8], [sflag:s22] =	dma.local [hbm:s6], s20  }
0xa4: {  	_ =	swait.ge [sflag:s22], s20  }
0xa5: {  	s5 =	ssub.s32 $0x0, s20;
	[sflag:s22] =	ssyncset.done $0x0  }
0xa6: {  	[sflag:s22] =	ssyncadd.s32 s5;
	_ =	sdelay $0x1  }
0xa7: {  	s23 =	simm.s32 $0x1B8B  }
0xa8: {  	_ =	swait.ge [sflag:s23], $0x1  }
0xa9: {  	[sflag:s23] =	ssyncset.done $0x0  }
0xaa: {  	s25 =	simm.s32 $0x1B8E;
	s24 =	sld [smem:$0x3FFE];
	[sflag:s23] =	ssyncadd.s32 $0xFFFFFFFF  }
0xab: {  	s26 =	simm.s32 $execute0_lowered;
	[smem:$0x3FD2] =	sst s25  }
0xac: {  	s6 =	sshll.u32 s26, $0x1;
	_ =	strace $0x80000046;
	[dreg:$0x1] =	wrdreg $0xFFFFFFFF  }
0xad: {  	s28 =	simm.s32 $_size_execute0_lowered;
	s4 =	sadd.s32 s4, s6;
	[dreg:$0x0] =	wrdreg $0x0  }
0xae: {  	s6 =	sshll.u32 s28, $0x1;
	[dreg:$0x2] =	wrdreg s4  }
0xaf: {  	[dreg:$0x3] =	wrdreg s6  }
0xb0: {  	[dreg:$0x4] =	wrdreg $0xC0  }
0xb1: {  	_ =	task [dreg:s8], $0x5FFFF  }
0xb2: {  	[dreg:$0x1] =	wrdreg $0xFFFFFFFF  }
0xb3: {  	[dreg:$0x0] =	wrdreg $0x60  }
0xb4: {  	[dreg:$0x2] =	wrdreg s24  }
0xb5: {  	[dreg:$0x3] =	wrdreg s16  }
0xb6: {  	[dreg:$0x4] =	wrdreg s17  }
0xb7: {  	[dreg:$0x5] =	wrdreg $0x9  }
0xb8: {  	_ =	task.clear_ibuf [dreg:s8], $0x6FFFF;
	_ =	strace $0x90000046  }
0xb9: {  	s29 =	simm.s32 $0x9;
	_ =	strace $0x80000048  }
0xba: {  	_ =	swait.ge [sflag:s29], $0x1  }
0xbb: {  	[sflag:s29] =	ssyncadd.s32 $0xFFFFFFFF  }
0xbc: {  	_ =	strace $0x90000048  }
0xbd: {  	_ =	sfence  }
0xbe: {  	s30 =	sld [smem:$0x0];
	_ =	sdelay $0x2  }
0xbf: {  	s31 =	sshll.u32 s1, $0xD;
	s1 =	sshrl.u32 s1, $0x2  }
0xc0: {  	s3 =	sand.u32 $0x4000, s31;
	s1 =	sadd.s32 s1, s30  }
0xc1: {  	s0 =	sor.u32 s3, s0;
	s1 =	sshll.u32 s1, $0x11  }
0xc2: {  	s0 =	sor.u32 s1, s0  }
0xc3: {  	s0 =	sadd.s32 $0x8F2B, s0  }
0xc4: {  	[sflag:s0] =	ssyncadd.remote.s32 $0x1  }
0xc5: {  	_ =	sfence.sel $0xFFFF  }
0xc6: {  	[dreg:$0x0] =	wrdreg $0xFFFFFFFF;
	(pc) =	sbr.abs _section_cstart, $3  }
0xc7: {  	[dreg:$0x1] =	wrdreg $0xFFFFFFFF  }
0xc8: {  	_ =	task.clear_ibuf [dreg:s8], $0x2FFFF;
	_ =	strace $0x9FFFFFFF  }
0xc9: {  	(tm) =	ssettm $0x7FFFFFFF  }
tec
execute0_lowered:
.L_overlay_start_1:
0x0: {  	(tag) =	ssettag $0x1  }
0x1: {  	s0 =	rddreg [dreg:$0x0]  }
0x2: {  	s1 =	rddreg [dreg:$0x1];
	s2 =	srdreg.scid  }
0x3: {  	s4 =	stileid.u32;
	s3 =	rddreg [dreg:$0x2]  }
0x4: {  	s20 =	simm.s32 $0x3;
	s21 =	simm.s32 $0x80;
	s22 =	simm.s32 $0x400  }
0x5: {  	s28 =	simm.s32 $0xC400;
	s29 =	simm.s32 $0x14400;
	s30 =	simm.s32 $0x18280  }
0x6: {  	s24 =	simm.s32 $0x200;
	s31 =	simm.s32 $0x0;
	s9 =	sand.u32 $0x1, s2  }
0x7: {  	s4 =	sshll.u32 s4, $0x1;
	s2 =	simm.s32 $0x0;
	s25 =	sadd.s32 $0x22C00, s0  }
0x8: {  	s5 =	sadd.s32 $0xF45C00, s0;
	s6 =	sadd.s32 $0x3800, s0;
	s7 =	sadd.s32 $0x22200, s0  }
0x9: {  	s8 =	sadd.s32 $0x22400, s0;
	s10 =	sor.u32 s9, s4;
	[smem:$0x7FF] =	sst s2  }
0xa: {  	s4 =	sadd.s32 $0x3600, s0;
	s9 =	ssub.s32 $0x2, s9;
	s18 =	sshll.u32 s10, $0x6  }
0xb: {  	_ =	strace $0x80000047;
	[dreg:$0x4] =	wrdreg s25;
	s11 =	sshll.u32 s10, $0xB  }
0xc: {  	s12 =	sshll.u32 s10, $0xA;
	s10 =	smul.u32 $0x500, s10;
	s26 =	sshrl.u32 s9, $0x1  }
0xd: {  	s15 =	sadd.s32 s18, s0;
	s16 =	sadd.s32 s11, s0;
	s0 =	sadd.s32 s12, s0  }
0xe: {  	s19 =	ssub.s32 s9, s26;
	s18 =	sadd.s32 s3, s18;
	s26 =	simm.s32 $0x1  }
0xf: {  	s9 =	sadd.s32 $0x2600, s15;
	s10 =	sadd.s32 s1, s10;
	s11 =	sadd.s32 $0x1600, s15  }
0x10: {  	s12 =	sadd.s32 $0xE00, s15;
	s13 =	sadd.s32 $0x1E00, s15;
	s14 =	sadd.s32 $0x600, s15  }
0x11: {  	s15 =	sadd.s32 $0x2E00, s15;
	s16 =	sadd.s32 $0x22E00, s16;
	s17 =	sadd.s32 $0x32E00, s0  }
0x12: {  	s19 =	smax.u32 s19, $0x1;
	s0 =	simm.s32 $0x1D280;
	s1 =	simm.s32 $0x2  }
.LBB2_1:
0x13: {  	[tilespmem:s2], [sflag:$0x3] =	stream.linear.gather [hbm4b:s9+s2], $0x200, $0x38;
	[tilespmem:$0x1D900] =	vst v63  }
0x14: {  	_ =	swait.ge [sflag:s20], $0x200  }
0x15: {  	[sflag:s20] =	ssyncset.done $0x0  }
0x16: {  	[sflag:s20] =	ssyncadd.s32 $0xFFFFFE00  }
0x17: {  	[tilespmem:s22], [sflag:$0x1] =	stream.indirect.gather [hbm4b:s5+s21], $0x80, s2, s21, $0xb8;
	[tilespmem:$0x1D900] =	vst v63  }
0x18: {  	s3 =	simm.s32 $0x4400  }
0x19: {  	[tilespmem:s3], [sflag:$0x1] =	stream.indirect.gather [hbm4b:s5+s21], $0x80, s21, s21, $0xb8;
	[tilespmem:$0x1D900] =	vst v63  }
0x1a: {  	s25 =	simm.s32 $0x100;
	s23 =	simm.s32 $0x8400  }
0x1b: {  	[tilespmem:s23], [sflag:$0x1] =	stream.indirect.gather [hbm4b:s5+s21], $0x80, s25, s21, $0xb8;
	[tilespmem:$0x1D900] =	vst v63  }
0x1c: {  	s23 =	simm.s32 $0x180  }
0x1d: {  	[tilespmem:s28], [sflag:$0x1] =	stream.indirect.gather [hbm4b:s5+s21], $0x80, s23, s21, $0xb8;
	[tilespmem:$0x1D900] =	vst v63  }
0x1e: {  	_ = 	snop  }
0x1f: {  	[tilespmem:s29], [sflag:$0x3] =	stream.linear.gather [hbm4b:s8+s2], $0x3E80, $0x38;
	[tilespmem:$0x1D900] =	vst v63  }
0x20: {  	_ =	swait.ge [sflag:s20], $0x3E80  }
0x21: {  	[sflag:s20] =	ssyncset.done $0x0  }
0x22: {  	[sflag:s20] =	ssyncadd.s32 $0xFFFFC180  }
0x23: {  	[tilespmem:s30], [sflag:$0x3] =	stream.linear.gather [hbm4b:s10+s2], $0x2800, $0x38;
	[tilespmem:$0x1D900] =	vst v63  }
0x24: {  	_ =	swait.ge [sflag:s20], $0x2800  }
0x25: {  	[sflag:s20] =	ssyncset.done $0x0  }
0x26: {  	s25 =	simm.s32 $0x1CA80;
	[sflag:s20] =	ssyncadd.s32 $0xFFFFD800  }
0x27: {  	[tilespmem:s25], [sflag:$0x3] =	stream.linear.gather [hbm4b:s11+s2], $0x200, $0x38;
	[tilespmem:$0x1D900] =	vst v63  }
0x28: {  	_ =	swait.ge [sflag:s20], $0x200  }
0x29: {  	[sflag:s20] =	ssyncset.done $0x0  }
0x2a: {  	s25 =	simm.s32 $0x1D300;
	s23 =	rddreg [dreg:$0x4];
	[sflag:s20] =	ssyncadd.s32 $0xFFFFFE00  }
0x2b: {  	[tilespmem:s25], [sflag:$0x3] =	stream.linear.gather [hbm4b:s23+s2], $0x200, $0x38;
	[tilespmem:$0x1D900] =	vst v63  }
0x2c: {  	_ =	swait.ge [sflag:s20], $0x200  }
0x2d: {  	[sflag:s20] =	ssyncset.done $0x0  }
0x2e: {  	s23 =	simm.s32 $0x1D500;
	[sflag:s20] =	ssyncadd.s32 $0xFFFFFE00  }
0x2f: {  	[tilespmem:s23], [sflag:$0x3] =	stream.linear.gather [hbm4b:s4+s2], $0x200, $0x38;
	[tilespmem:$0x1D900] =	vst v63  }
0x30: {  	_ =	swait.ge [sflag:s20], $0x200  }
0x31: {  	[sflag:s20] =	ssyncset.done $0x0  }
0x32: {  	[sflag:s20] =	ssyncadd.s32 $0xFFFFFE00  }
0x33: {  	[tilespmem:s24], [sflag:$0x3] =	stream.linear.gather [hbm4b:s12+s2], $0x200, $0x38;
	[tilespmem:$0x1D900] =	vst v63  }
0x34: {  	_ =	swait.ge [sflag:s20], $0x200  }
0x35: {  	[sflag:s20] =	ssyncset.done $0x0  }
0x36: {  	s25 =	simm.s32 $0x1CC80;
	[sflag:s20] =	ssyncadd.s32 $0xFFFFFE00  }
0x37: {  	[tilespmem:s25], [sflag:$0x3] =	stream.linear.gather [hbm4b:s13+s2], $0x200, $0x38;
	[tilespmem:$0x1D900] =	vst v63  }
0x38: {  	_ =	swait.ge [sflag:s20], $0x200  }
0x39: {  	[sflag:s20] =	ssyncset.done $0x0  }
0x3a: {  	s23 =	simm.s32 $0x1CE80;
	[sflag:s20] =	ssyncadd.s32 $0xFFFFFE00  }
0x3b: {  	[tilespmem:s23], [sflag:$0x3] =	stream.linear.gather [hbm4b:s14+s2], $0x200, $0x38;
	[tilespmem:$0x1D900] =	vst v63  }
0x3c: {  	_ =	swait.ge [sflag:s20], $0x200  }
0x3d: {  	[sflag:s20] =	ssyncset.done $0x0  }
0x3e: {  	s25 =	simm.s32 $0x1D080;
	[sflag:s20] =	ssyncadd.s32 $0xFFFFFE00  }
0x3f: {  	[tilespmem:s25], [sflag:$0x3] =	stream.linear.gather [hbm4b:s15+s2], $0x200, $0x38;
	[tilespmem:$0x1D900] =	vst v63  }
0x40: {  	_ =	swait.ge [sflag:s20], $0x200  }
0x41: {  	[sflag:s20] =	ssyncset.done $0x0  }
0x42: {  	[sflag:s20] =	ssyncadd.s32 $0xFFFFFE00  }
0x43: {  	[tilespmem:s0], [sflag:$0x3] =	stream.linear.gather [hbm4b:s7+s2], $0x80, $0x38;
	[tilespmem:$0x1D900] =	vst v63  }
0x44: {  	_ =	swait.ge [sflag:s20], $0x80  }
0x45: {  	[sflag:s20] =	ssyncset.done $0x0  }
0x46: {  	s23 =	simm.s32 $0x0;
	[sflag:s20] =	ssyncadd.s32 $0xFFFFFF80  }
.LBB2_2:
0x47: {  	s25 =	sshra.s32 s23, $0x2  }
0x48: {  	v17 =	vld [tilespmem:s25+$0x1D500];
	_ =	sdelay $0x4  }
0x49: {  	v0 =	vadd.s32 $0x1, v17;
	_ =	sdelay $0x1  }
0x4a: {  	v2 =	vadd.s32 $0x2, v17;
	_ =	sdelay $0x1  }
0x4b: {  	v3 =	vadd.s32 $0x3, v17;
	v1 =	vld.idx.msk [tilespmem:v17+s30+$0x0], $0xffff  }
0x4c: {  	v25 =	vadd.s32 $0x4, v17;
	v4 =	vld.idx.msk [tilespmem:v0+s30+$0x0], $0xffff  }
0x4d: {  	v5 =	vadd.s32 $0x5, v17  }
0x4e: {  	v8 =	vld.idx.msk [tilespmem:v2+s30+$0x0], $0xffff;
	_ =	sdelay $0x1  }
0x4f: {  	v6 =	vadd.s32 $0x6, v17;
	v2 =	vld.idx.msk [tilespmem:v3+s30+$0x0], $0xffff  }
0x50: {  	v3 =	vld.idx.msk [tilespmem:v25+s30+$0x0], $0xffff  }
0x51: {  	v7 =	vadd.s32 $0x7, v17;
	v0 =	vld.idx.msk [tilespmem:v5+s30+$0x0], $0xffff  }
0x52: {  	v9 =	vld.idx.msk [tilespmem:v1+s29+$0x0], $0xffff  }
0x53: {  	v10 =	vadd.s32 $0x8, v17;
	v11 =	vld.idx.msk [tilespmem:v4+s29+$0x0], $0xffff  }
0x54: {  	v5 =	vld.idx.msk [tilespmem:v6+s30+$0x0], $0xffff  }
0x55: {  	v13 =	vld.idx.msk [tilespmem:v8+s29+$0x0], $0xffff  }
0x56: {  	v12 =	vadd.s32 $0x9, v17;
	v6 =	vld.idx.msk [tilespmem:v7+s30+$0x0], $0xffff  }
0x57: {  	v14 =	vadd.s32 $0xA, v17;
	v15 =	vld.idx.msk [tilespmem:v2+s29+$0x0], $0xffff  }
0x58: {  	v7 =	vld.idx.msk [tilespmem:v10+s30+$0x0], $0xffff;
	v26 =	vadd.f32 v11, v9  }
0x59: {  	v27 =	vadd.s32 $0xB, v17;
	v16 =	vld.idx.msk [tilespmem:v3+s29+$0x0], $0xffff  }
0x5a: {  	v18 =	vld.idx.msk [tilespmem:v0+s29+$0x0], $0xffff;
	v28 =	vadd.f32 v13, v26  }
0x5b: {  	v9 =	vld.idx.msk [tilespmem:v12+s30+$0x0], $0xffff  }
0x5c: {  	v29 =	vadd.s32 $0xC, v17;
	v10 =	vld.idx.msk [tilespmem:v14+s30+$0x0], $0xffff;
	v12 =	vadd.f32 v15, v28  }
0x5d: {  	v30 =	vadd.s32 $0xD, v17;
	v31 =	vld.idx.msk [tilespmem:v5+s29+$0x0], $0xffff  }
0x5e: {  	v11 =	vld.idx.msk [tilespmem:v27+s30+$0x0], $0xffff;
	v16 =	vadd.f32 v16, v12  }
0x5f: {  	v19 =	vadd.s32 $0xE, v17;
	v20 =	vld.idx.msk [tilespmem:v6+s29+$0x0], $0xffff  }
0x60: {  	v21 =	vld.idx.msk [tilespmem:v7+s29+$0x0], $0xffff;
	v16 =	vadd.f32 v18, v16  }
0x61: {  	v12 =	vld.idx.msk [tilespmem:v29+s30+$0x0], $0xffff  }
0x62: {  	v32 =	vadd.s32 $0xF, v17;
	v13 =	vld.idx.msk [tilespmem:v30+s30+$0x0], $0xffff;
	v15 =	vadd.f32 v31, v16  }
0x63: {  	v33 =	vadd.s32 $0x10, v17;
	v22 =	vld.idx.msk [tilespmem:v9+s29+$0x0], $0xffff  }
0x64: {  	v14 =	vld.idx.msk [tilespmem:v19+s30+$0x0], $0xffff;
	v34 =	vadd.f32 v20, v15  }
0x65: {  	v35 =	vadd.s32 $0x11, v17;
	v23 =	vld.idx.msk [tilespmem:v10+s29+$0x0], $0xffff  }
0x66: {  	v38 =	vld.idx.msk [tilespmem:v11+s29+$0x0], $0xffff;
	v36 =	vadd.f32 v21, v34  }
0x67: {  	v15 =	vld.idx.msk [tilespmem:v32+s30+$0x0], $0xffff  }
0x68: {  	v37 =	vadd.s32 $0x12, v17;
	v16 =	vld.idx.msk [tilespmem:v33+s30+$0x0], $0xffff;
	v18 =	vadd.f32 v22, v36  }
0x69: {  	v39 =	vadd.s32 $0x13, v17;
	v24 =	vld.idx.msk [tilespmem:v12+s29+$0x0], $0xffff  }
0x6a: {  	v17 =	vld.idx.msk [tilespmem:v35+s30+$0x0], $0xffff;
	v40 =	vadd.f32 v23, v18  }
0x6b: {  	v41 =	vld.idx.msk [tilespmem:v13+s29+$0x0], $0xffff  }
0x6c: {  	v42 =	vld.idx.msk [tilespmem:v14+s29+$0x0], $0xffff;
	v20 =	vadd.f32 v38, v40  }
0x6d: {  	v18 =	vld.idx.msk [tilespmem:v37+s30+$0x0], $0xffff  }
0x6e: {  	v19 =	vld.idx.msk [tilespmem:v39+s30+$0x0], $0xffff;
	v20 =	vadd.f32 v24, v20  }
0x6f: {  	v43 =	vld.idx.msk [tilespmem:v15+s29+$0x0], $0xffff  }
0x70: {  	v20 =	vadd.f32 v41, v20  }
0x71: {  	v44 =	vld.idx.msk [tilespmem:v16+s29+$0x0], $0xffff  }
0x72: {  	v20 =	vadd.f32 v42, v20  }
0x73: {  	v45 =	vld.idx.msk [tilespmem:v17+s29+$0x0], $0xffff  }
0x74: {  	v20 =	vadd.f32 v43, v20  }
0x75: {  	v46 =	vld.idx.msk [tilespmem:v18+s29+$0x0], $0xffff  }
0x76: {  	v20 =	vadd.f32 v44, v20  }
0x77: {  	v47 =	vld.idx.msk [tilespmem:v19+s29+$0x0], $0xffff  }
0x78: {  	v20 =	vadd.f32 v45, v20;
	_ =	sdelay $0x1  }
0x79: {  	v48 =	vadd.s32 $0x1, v1;
	v20 =	vadd.f32 v46, v20  }
0x7a: {  	v49 =	vadd.s32 $0x1, v4  }
0x7b: {  	v20 =	vadd.f32 v47, v20  }
0x7c: {  	v50 =	vadd.s32 $0x1, v8  }
0x7d: {  	[tilespmem:s25+$0x1AA80] =	vst v20  }
0x7e: {  	v51 =	vadd.s32 $0x1, v2;
	v20 =	vld.idx.msk [tilespmem:v48+s29+$0x0], $0xffff  }
0x7f: {  	v22 =	vld.idx.msk [tilespmem:v49+s29+$0x0], $0xffff  }
0x80: {  	v52 =	vadd.s32 $0x1, v3  }
0x81: {  	v23 =	vld.idx.msk [tilespmem:v50+s29+$0x0], $0xffff  }
0x82: {  	v25 =	vadd.s32 $0x1, v0  }
0x83: {  	v21 =	vld.idx.msk [tilespmem:v51+s29+$0x0], $0xffff  }
0x84: {  	v53 =	vadd.s32 $0x1, v5;
	v20 =	vadd.f32 v22, v20  }
0x85: {  	v24 =	vld.idx.msk [tilespmem:v52+s29+$0x0], $0xffff  }
0x86: {  	v54 =	vadd.s32 $0x1, v6;
	v20 =	vadd.f32 v23, v20  }
0x87: {  	v25 =	vld.idx.msk [tilespmem:v25+s29+$0x0], $0xffff  }
0x88: {  	v55 =	vadd.s32 $0x1, v7;
	v20 =	vadd.f32 v21, v20  }
0x89: {  	v22 =	vld.idx.msk [tilespmem:v53+s29+$0x0], $0xffff  }
0x8a: {  	v56 =	vadd.s32 $0x1, v9;
	v20 =	vadd.f32 v24, v20  }
0x8b: {  	v23 =	vld.idx.msk [tilespmem:v54+s29+$0x0], $0xffff  }
0x8c: {  	v57 =	vadd.s32 $0x1, v10;
	v20 =	vadd.f32 v25, v20  }
0x8d: {  	v21 =	vld.idx.msk [tilespmem:v55+s29+$0x0], $0xffff  }
0x8e: {  	v58 =	vadd.s32 $0x1, v11;
	v20 =	vadd.f32 v22, v20  }
0x8f: {  	v24 =	vld.idx.msk [tilespmem:v56+s29+$0x0], $0xffff  }
0x90: {  	v59 =	vadd.s32 $0x1, v12;
	v20 =	vadd.f32 v23, v20  }
0x91: {  	v25 =	vld.idx.msk [tilespmem:v57+s29+$0x0], $0xffff  }
0x92: {  	v60 =	vadd.s32 $0x1, v13;
	v20 =	vadd.f32 v21, v20  }
0x93: {  	v22 =	vld.idx.msk [tilespmem:v58+s29+$0x0], $0xffff  }
0x94: {  	v61 =	vadd.s32 $0x1, v14;
	v20 =	vadd.f32 v24, v20  }
0x95: {  	v23 =	vld.idx.msk [tilespmem:v59+s29+$0x0], $0xffff  }
0x96: {  	v62 =	vadd.s32 $0x1, v15;
	v20 =	vadd.f32 v25, v20  }
0x97: {  	v21 =	vld.idx.msk [tilespmem:v60+s29+$0x0], $0xffff  }
0x98: {  	v63 =	vadd.s32 $0x1, v16;
	v20 =	vadd.f32 v22, v20  }
0x99: {  	v24 =	vld.idx.msk [tilespmem:v61+s29+$0x0], $0xffff  }
0x9a: {  	v28 =	vadd.s32 $0x1, v17;
	v20 =	vadd.f32 v23, v20  }
0x9b: {  	v25 =	vld.idx.msk [tilespmem:v62+s29+$0x0], $0xffff  }
0x9c: {  	v29 =	vadd.s32 $0x1, v18;
	v20 =	vadd.f32 v21, v20  }
0x9d: {  	v22 =	vld.idx.msk [tilespmem:v63+s29+$0x0], $0xffff  }
0x9e: {  	v30 =	vadd.s32 $0x1, v19;
	v20 =	vadd.f32 v24, v20  }
0x9f: {  	v23 =	vld.idx.msk [tilespmem:v28+s29+$0x0], $0xffff  }
0xa0: {  	v20 =	vadd.f32 v25, v20  }
0xa1: {  	v21 =	vld.idx.msk [tilespmem:v29+s29+$0x0], $0xffff  }
0xa2: {  	v20 =	vadd.f32 v22, v20  }
0xa3: {  	v31 =	vld.idx.msk [tilespmem:v30+s29+$0x0], $0xffff  }
0xa4: {  	v20 =	vadd.f32 v23, v20;
	_ =	sdelay $0x1  }
0xa5: {  	v32 =	vadd.s32 $0x2, v1;
	v20 =	vadd.f32 v21, v20  }
0xa6: {  	v33 =	vadd.s32 $0x2, v4  }
0xa7: {  	v20 =	vadd.f32 v31, v20  }
0xa8: {  	v34 =	vadd.s32 $0x2, v8  }
0xa9: {  	[tilespmem:s25+$0x1AC80] =	vst v20  }
0xaa: {  	v35 =	vadd.s32 $0x2, v2;
	v20 =	vld.idx.msk [tilespmem:v32+s29+$0x0], $0xffff  }
0xab: {  	v23 =	vld.idx.msk [tilespmem:v33+s29+$0x0], $0xffff  }
0xac: {  	v36 =	vadd.s32 $0x2, v3  }
0xad: {  	v22 =	vld.idx.msk [tilespmem:v34+s29+$0x0], $0xffff  }
0xae: {  	v37 =	vadd.s32 $0x2, v0  }
0xaf: {  	v21 =	vld.idx.msk [tilespmem:v35+s29+$0x0], $0xffff  }
0xb0: {  	v38 =	vadd.s32 $0x2, v5;
	v20 =	vadd.f32 v23, v20  }
0xb1: {  	v24 =	vld.idx.msk [tilespmem:v36+s29+$0x0], $0xffff  }
0xb2: {  	v39 =	vadd.s32 $0x2, v6;
	v20 =	vadd.f32 v22, v20  }
0xb3: {  	v25 =	vld.idx.msk [tilespmem:v37+s29+$0x0], $0xffff  }
0xb4: {  	v40 =	vadd.s32 $0x2, v7;
	v20 =	vadd.f32 v21, v20  }
0xb5: {  	v23 =	vld.idx.msk [tilespmem:v38+s29+$0x0], $0xffff  }
0xb6: {  	v41 =	vadd.s32 $0x2, v9;
	v20 =	vadd.f32 v24, v20  }
0xb7: {  	v22 =	vld.idx.msk [tilespmem:v39+s29+$0x0], $0xffff  }
0xb8: {  	v42 =	vadd.s32 $0x2, v10;
	v20 =	vadd.f32 v25, v20  }
0xb9: {  	v21 =	vld.idx.msk [tilespmem:v40+s29+$0x0], $0xffff  }
0xba: {  	v43 =	vadd.s32 $0x2, v11;
	v20 =	vadd.f32 v23, v20  }
0xbb: {  	v24 =	vld.idx.msk [tilespmem:v41+s29+$0x0], $0xffff  }
0xbc: {  	v44 =	vadd.s32 $0x2, v12;
	v20 =	vadd.f32 v22, v20  }
0xbd: {  	v25 =	vld.idx.msk [tilespmem:v42+s29+$0x0], $0xffff  }
0xbe: {  	v45 =	vadd.s32 $0x2, v13;
	v20 =	vadd.f32 v21, v20  }
0xbf: {  	v23 =	vld.idx.msk [tilespmem:v43+s29+$0x0], $0xffff  }
0xc0: {  	v46 =	vadd.s32 $0x2, v14;
	v20 =	vadd.f32 v24, v20  }
0xc1: {  	v22 =	vld.idx.msk [tilespmem:v44+s29+$0x0], $0xffff  }
0xc2: {  	v47 =	vadd.s32 $0x2, v15;
	v20 =	vadd.f32 v25, v20  }
0xc3: {  	v21 =	vld.idx.msk [tilespmem:v45+s29+$0x0], $0xffff  }
0xc4: {  	v48 =	vadd.s32 $0x2, v16;
	v20 =	vadd.f32 v23, v20  }
0xc5: {  	v24 =	vld.idx.msk [tilespmem:v46+s29+$0x0], $0xffff  }
0xc6: {  	v49 =	vadd.s32 $0x2, v17;
	v20 =	vadd.f32 v22, v20  }
0xc7: {  	v25 =	vld.idx.msk [tilespmem:v47+s29+$0x0], $0xffff  }
0xc8: {  	v50 =	vadd.s32 $0x2, v18;
	v20 =	vadd.f32 v21, v20  }
0xc9: {  	v23 =	vld.idx.msk [tilespmem:v48+s29+$0x0], $0xffff  }
0xca: {  	v51 =	vadd.s32 $0x2, v19;
	v20 =	vadd.f32 v24, v20  }
0xcb: {  	v22 =	vld.idx.msk [tilespmem:v49+s29+$0x0], $0xffff  }
0xcc: {  	v20 =	vadd.f32 v25, v20  }
0xcd: {  	v21 =	vld.idx.msk [tilespmem:v50+s29+$0x0], $0xffff  }
0xce: {  	v20 =	vadd.f32 v23, v20  }
0xcf: {  	v52 =	vld.idx.msk [tilespmem:v51+s29+$0x0], $0xffff  }
0xd0: {  	v20 =	vadd.f32 v22, v20;
	_ =	sdelay $0x1  }
0xd1: {  	v53 =	vadd.s32 $0x3, v1;
	v20 =	vadd.f32 v21, v20  }
0xd2: {  	v54 =	vadd.s32 $0x3, v4  }
0xd3: {  	v20 =	vadd.f32 v52, v20  }
0xd4: {  	v55 =	vadd.s32 $0x3, v8  }
0xd5: {  	[tilespmem:s25+$0x1AE80] =	vst v20  }
0xd6: {  	v56 =	vadd.s32 $0x3, v2;
	v20 =	vld.idx.msk [tilespmem:v53+s29+$0x0], $0xffff  }
0xd7: {  	v22 =	vld.idx.msk [tilespmem:v54+s29+$0x0], $0xffff  }
0xd8: {  	v57 =	vadd.s32 $0x3, v3  }
0xd9: {  	v23 =	vld.idx.msk [tilespmem:v55+s29+$0x0], $0xffff  }
0xda: {  	v58 =	vadd.s32 $0x3, v0  }
0xdb: {  	v21 =	vld.idx.msk [tilespmem:v56+s29+$0x0], $0xffff  }
0xdc: {  	v59 =	vadd.s32 $0x3, v5;
	v20 =	vadd.f32 v22, v20  }
0xdd: {  	v24 =	vld.idx.msk [tilespmem:v57+s29+$0x0], $0xffff  }
0xde: {  	v60 =	vadd.s32 $0x3, v6;
	v20 =	vadd.f32 v23, v20  }
0xdf: {  	v25 =	vld.idx.msk [tilespmem:v58+s29+$0x0], $0xffff  }
0xe0: {  	v61 =	vadd.s32 $0x3, v7;
	v20 =	vadd.f32 v21, v20  }
0xe1: {  	v22 =	vld.idx.msk [tilespmem:v59+s29+$0x0], $0xffff  }
0xe2: {  	v62 =	vadd.s32 $0x3, v9;
	v20 =	vadd.f32 v24, v20  }
0xe3: {  	v23 =	vld.idx.msk [tilespmem:v60+s29+$0x0], $0xffff  }
0xe4: {  	v63 =	vadd.s32 $0x3, v10;
	v20 =	vadd.f32 v25, v20  }
0xe5: {  	v21 =	vld.idx.msk [tilespmem:v61+s29+$0x0], $0xffff  }
0xe6: {  	v28 =	vadd.s32 $0x3, v11;
	v20 =	vadd.f32 v22, v20  }
0xe7: {  	v24 =	vld.idx.msk [tilespmem:v62+s29+$0x0], $0xffff  }
0xe8: {  	v29 =	vadd.s32 $0x3, v12;
	v20 =	vadd.f32 v23, v20  }
0xe9: {  	v25 =	vld.idx.msk [tilespmem:v63+s29+$0x0], $0xffff  }
0xea: {  	v30 =	vadd.s32 $0x3, v13;
	v20 =	vadd.f32 v21, v20  }
0xeb: {  	v22 =	vld.idx.msk [tilespmem:v28+s29+$0x0], $0xffff  }
0xec: {  	v31 =	vadd.s32 $0x3, v14;
	v20 =	vadd.f32 v24, v20  }
0xed: {  	v23 =	vld.idx.msk [tilespmem:v29+s29+$0x0], $0xffff  }
0xee: {  	v32 =	vadd.s32 $0x3, v15;
	v20 =	vadd.f32 v25, v20  }
0xef: {  	v21 =	vld.idx.msk [tilespmem:v30+s29+$0x0], $0xffff  }
0xf0: {  	v33 =	vadd.s32 $0x3, v16;
	v20 =	vadd.f32 v22, v20  }
0xf1: {  	v24 =	vld.idx.msk [tilespmem:v31+s29+$0x0], $0xffff  }
0xf2: {  	v34 =	vadd.s32 $0x3, v17;
	v20 =	vadd.f32 v23, v20  }
0xf3: {  	v25 =	vld.idx.msk [tilespmem:v32+s29+$0x0], $0xffff  }
0xf4: {  	v35 =	vadd.s32 $0x3, v18;
	v20 =	vadd.f32 v21, v20  }
0xf5: {  	v22 =	vld.idx.msk [tilespmem:v33+s29+$0x0], $0xffff  }
0xf6: {  	v36 =	vadd.s32 $0x3, v19;
	v20 =	vadd.f32 v24, v20  }
0xf7: {  	v23 =	vld.idx.msk [tilespmem:v34+s29+$0x0], $0xffff  }
0xf8: {  	v20 =	vadd.f32 v25, v20  }
0xf9: {  	v21 =	vld.idx.msk [tilespmem:v35+s29+$0x0], $0xffff  }
0xfa: {  	v20 =	vadd.f32 v22, v20  }
0xfb: {  	v37 =	vld.idx.msk [tilespmem:v36+s29+$0x0], $0xffff  }
0xfc: {  	v20 =	vadd.f32 v23, v20;
	_ =	sdelay $0x1  }
0xfd: {  	v38 =	vadd.s32 $0x4, v1;
	v20 =	vadd.f32 v21, v20  }
0xfe: {  	v39 =	vadd.s32 $0x4, v4  }
0xff: {  	v20 =	vadd.f32 v37, v20  }
0x100: {  	v40 =	vadd.s32 $0x4, v8  }
0x101: {  	[tilespmem:s25+$0x1B080] =	vst v20  }
0x102: {  	v41 =	vadd.s32 $0x4, v2;
	v20 =	vld.idx.msk [tilespmem:v38+s29+$0x0], $0xffff  }
0x103: {  	v23 =	vld.idx.msk [tilespmem:v39+s29+$0x0], $0xffff  }
0x104: {  	v42 =	vadd.s32 $0x4, v3  }
0x105: {  	v22 =	vld.idx.msk [tilespmem:v40+s29+$0x0], $0xffff  }
0x106: {  	v43 =	vadd.s32 $0x4, v0  }
0x107: {  	v21 =	vld.idx.msk [tilespmem:v41+s29+$0x0], $0xffff  }
0x108: {  	v44 =	vadd.s32 $0x4, v5;
	v20 =	vadd.f32 v23, v20  }
0x109: {  	v24 =	vld.idx.msk [tilespmem:v42+s29+$0x0], $0xffff  }
0x10a: {  	v45 =	vadd.s32 $0x4, v6;
	v20 =	vadd.f32 v22, v20  }
0x10b: {  	v25 =	vld.idx.msk [tilespmem:v43+s29+$0x0], $0xffff  }
0x10c: {  	v46 =	vadd.s32 $0x4, v7;
	v20 =	vadd.f32 v21, v20  }
0x10d: {  	v23 =	vld.idx.msk [tilespmem:v44+s29+$0x0], $0xffff  }
0x10e: {  	v47 =	vadd.s32 $0x4, v9;
	v20 =	vadd.f32 v24, v20  }
0x10f: {  	v22 =	vld.idx.msk [tilespmem:v45+s29+$0x0], $0xffff  }
0x110: {  	v48 =	vadd.s32 $0x4, v10;
	v20 =	vadd.f32 v25, v20  }
0x111: {  	v21 =	vld.idx.msk [tilespmem:v46+s29+$0x0], $0xffff  }
0x112: {  	v49 =	vadd.s32 $0x4, v11;
	v20 =	vadd.f32 v23, v20  }
0x113: {  	v24 =	vld.idx.msk [tilespmem:v47+s29+$0x0], $0xffff  }
0x114: {  	v50 =	vadd.s32 $0x4, v12;
	v20 =	vadd.f32 v22, v20  }
0x115: {  	v25 =	vld.idx.msk [tilespmem:v48+s29+$0x0], $0xffff  }
0x116: {  	v51 =	vadd.s32 $0x4, v13;
	v20 =	vadd.f32 v21, v20  }
0x117: {  	v23 =	vld.idx.msk [tilespmem:v49+s29+$0x0], $0xffff  }
0x118: {  	v52 =	vadd.s32 $0x4, v14;
	v20 =	vadd.f32 v24, v20  }
0x119: {  	v22 =	vld.idx.msk [tilespmem:v50+s29+$0x0], $0xffff  }
0x11a: {  	v53 =	vadd.s32 $0x4, v15;
	v20 =	vadd.f32 v25, v20  }
0x11b: {  	v21 =	vld.idx.msk [tilespmem:v51+s29+$0x0], $0xffff  }
0x11c: {  	v54 =	vadd.s32 $0x4, v16;
	v20 =	vadd.f32 v23, v20  }
0x11d: {  	v24 =	vld.idx.msk [tilespmem:v52+s29+$0x0], $0xffff  }
0x11e: {  	v55 =	vadd.s32 $0x4, v17;
	v20 =	vadd.f32 v22, v20  }
0x11f: {  	v25 =	vld.idx.msk [tilespmem:v53+s29+$0x0], $0xffff  }
0x120: {  	v56 =	vadd.s32 $0x4, v18;
	v20 =	vadd.f32 v21, v20  }
0x121: {  	v23 =	vld.idx.msk [tilespmem:v54+s29+$0x0], $0xffff  }
0x122: {  	v57 =	vadd.s32 $0x4, v19;
	v20 =	vadd.f32 v24, v20  }
0x123: {  	v22 =	vld.idx.msk [tilespmem:v55+s29+$0x0], $0xffff  }
0x124: {  	v20 =	vadd.f32 v25, v20  }
0x125: {  	v21 =	vld.idx.msk [tilespmem:v56+s29+$0x0], $0xffff  }
0x126: {  	v20 =	vadd.f32 v23, v20  }
0x127: {  	v58 =	vld.idx.msk [tilespmem:v57+s29+$0x0], $0xffff  }
0x128: {  	v20 =	vadd.f32 v22, v20;
	_ =	sdelay $0x1  }
0x129: {  	v59 =	vadd.s32 $0x5, v1;
	v20 =	vadd.f32 v21, v20  }
0x12a: {  	v60 =	vadd.s32 $0x5, v4  }
0x12b: {  	v20 =	vadd.f32 v58, v20  }
0x12c: {  	v61 =	vadd.s32 $0x5, v8  }
0x12d: {  	[tilespmem:s25+$0x1B280] =	vst v20  }
0x12e: {  	v62 =	vadd.s32 $0x5, v2;
	v20 =	vld.idx.msk [tilespmem:v59+s29+$0x0], $0xffff  }
0x12f: {  	v22 =	vld.idx.msk [tilespmem:v60+s29+$0x0], $0xffff  }
0x130: {  	v63 =	vadd.s32 $0x5, v3  }
0x131: {  	v23 =	vld.idx.msk [tilespmem:v61+s29+$0x0], $0xffff  }
0x132: {  	v28 =	vadd.s32 $0x5, v0  }
0x133: {  	v21 =	vld.idx.msk [tilespmem:v62+s29+$0x0], $0xffff  }
0x134: {  	v29 =	vadd.s32 $0x5, v5;
	v20 =	vadd.f32 v22, v20  }
0x135: {  	v24 =	vld.idx.msk [tilespmem:v63+s29+$0x0], $0xffff  }
0x136: {  	v30 =	vadd.s32 $0x5, v6;
	v20 =	vadd.f32 v23, v20  }
0x137: {  	v25 =	vld.idx.msk [tilespmem:v28+s29+$0x0], $0xffff  }
0x138: {  	v31 =	vadd.s32 $0x5, v7;
	v20 =	vadd.f32 v21, v20  }
0x139: {  	v22 =	vld.idx.msk [tilespmem:v29+s29+$0x0], $0xffff  }
0x13a: {  	v32 =	vadd.s32 $0x5, v9;
	v20 =	vadd.f32 v24, v20  }
0x13b: {  	v23 =	vld.idx.msk [tilespmem:v30+s29+$0x0], $0xffff  }
0x13c: {  	v33 =	vadd.s32 $0x5, v10;
	v20 =	vadd.f32 v25, v20  }
0x13d: {  	v21 =	vld.idx.msk [tilespmem:v31+s29+$0x0], $0xffff  }
0x13e: {  	v34 =	vadd.s32 $0x5, v11;
	v20 =	vadd.f32 v22, v20  }
0x13f: {  	v24 =	vld.idx.msk [tilespmem:v32+s29+$0x0], $0xffff  }
0x140: {  	v35 =	vadd.s32 $0x5, v12;
	v20 =	vadd.f32 v23, v20  }
0x141: {  	v25 =	vld.idx.msk [tilespmem:v33+s29+$0x0], $0xffff  }
0x142: {  	v36 =	vadd.s32 $0x5, v13;
	v20 =	vadd.f32 v21, v20  }
0x143: {  	v22 =	vld.idx.msk [tilespmem:v34+s29+$0x0], $0xffff  }
0x144: {  	v37 =	vadd.s32 $0x5, v14;
	v20 =	vadd.f32 v24, v20  }
0x145: {  	v23 =	vld.idx.msk [tilespmem:v35+s29+$0x0], $0xffff  }
0x146: {  	v38 =	vadd.s32 $0x5, v15;
	v20 =	vadd.f32 v25, v20  }
0x147: {  	v21 =	vld.idx.msk [tilespmem:v36+s29+$0x0], $0xffff  }
0x148: {  	v39 =	vadd.s32 $0x5, v16;
	v20 =	vadd.f32 v22, v20  }
0x149: {  	v24 =	vld.idx.msk [tilespmem:v37+s29+$0x0], $0xffff  }
0x14a: {  	v40 =	vadd.s32 $0x5, v17;
	v20 =	vadd.f32 v23, v20  }
0x14b: {  	v25 =	vld.idx.msk [tilespmem:v38+s29+$0x0], $0xffff  }
0x14c: {  	v41 =	vadd.s32 $0x5, v18;
	v20 =	vadd.f32 v21, v20  }
0x14d: {  	v22 =	vld.idx.msk [tilespmem:v39+s29+$0x0], $0xffff  }
0x14e: {  	v42 =	vadd.s32 $0x5, v19;
	v20 =	vadd.f32 v24, v20  }
0x14f: {  	v23 =	vld.idx.msk [tilespmem:v40+s29+$0x0], $0xffff  }
0x150: {  	v20 =	vadd.f32 v25, v20  }
0x151: {  	v21 =	vld.idx.msk [tilespmem:v41+s29+$0x0], $0xffff  }
0x152: {  	v20 =	vadd.f32 v22, v20  }
0x153: {  	v43 =	vld.idx.msk [tilespmem:v42+s29+$0x0], $0xffff  }
0x154: {  	v20 =	vadd.f32 v23, v20;
	_ =	sdelay $0x1  }
0x155: {  	v44 =	vadd.s32 $0x6, v1;
	v20 =	vadd.f32 v21, v20  }
0x156: {  	v45 =	vadd.s32 $0x6, v4  }
0x157: {  	v20 =	vadd.f32 v43, v20  }
0x158: {  	v46 =	vadd.s32 $0x6, v8  }
0x159: {  	[tilespmem:s25+$0x1B480] =	vst v20  }
0x15a: {  	v47 =	vadd.s32 $0x6, v2;
	v20 =	vld.idx.msk [tilespmem:v44+s29+$0x0], $0xffff  }
0x15b: {  	v23 =	vld.idx.msk [tilespmem:v45+s29+$0x0], $0xffff  }
0x15c: {  	v48 =	vadd.s32 $0x6, v3  }
0x15d: {  	v22 =	vld.idx.msk [tilespmem:v46+s29+$0x0], $0xffff  }
0x15e: {  	v49 =	vadd.s32 $0x6, v0  }
0x15f: {  	v21 =	vld.idx.msk [tilespmem:v47+s29+$0x0], $0xffff  }
0x160: {  	v50 =	vadd.s32 $0x6, v5;
	v20 =	vadd.f32 v23, v20  }
0x161: {  	v24 =	vld.idx.msk [tilespmem:v48+s29+$0x0], $0xffff  }
0x162: {  	v51 =	vadd.s32 $0x6, v6;
	v20 =	vadd.f32 v22, v20  }
0x163: {  	v25 =	vld.idx.msk [tilespmem:v49+s29+$0x0], $0xffff  }
0x164: {  	v52 =	vadd.s32 $0x6, v7;
	v20 =	vadd.f32 v21, v20  }
0x165: {  	v23 =	vld.idx.msk [tilespmem:v50+s29+$0x0], $0xffff  }
0x166: {  	v53 =	vadd.s32 $0x6, v9;
	v20 =	vadd.f32 v24, v20  }
0x167: {  	v22 =	vld.idx.msk [tilespmem:v51+s29+$0x0], $0xffff  }
0x168: {  	v54 =	vadd.s32 $0x6, v10;
	v20 =	vadd.f32 v25, v20  }
0x169: {  	v21 =	vld.idx.msk [tilespmem:v52+s29+$0x0], $0xffff  }
0x16a: {  	v55 =	vadd.s32 $0x6, v11;
	v20 =	vadd.f32 v23, v20  }
0x16b: {  	v24 =	vld.idx.msk [tilespmem:v53+s29+$0x0], $0xffff  }
0x16c: {  	v56 =	vadd.s32 $0x6, v12;
	v20 =	vadd.f32 v22, v20  }
0x16d: {  	v25 =	vld.idx.msk [tilespmem:v54+s29+$0x0], $0xffff  }
0x16e: {  	v57 =	vadd.s32 $0x6, v13;
	v20 =	vadd.f32 v21, v20  }
0x16f: {  	v23 =	vld.idx.msk [tilespmem:v55+s29+$0x0], $0xffff  }
0x170: {  	v58 =	vadd.s32 $0x6, v14;
	v20 =	vadd.f32 v24, v20  }
0x171: {  	v22 =	vld.idx.msk [tilespmem:v56+s29+$0x0], $0xffff  }
0x172: {  	v59 =	vadd.s32 $0x6, v15;
	v20 =	vadd.f32 v25, v20  }
0x173: {  	v21 =	vld.idx.msk [tilespmem:v57+s29+$0x0], $0xffff  }
0x174: {  	v60 =	vadd.s32 $0x6, v16;
	v20 =	vadd.f32 v23, v20  }
0x175: {  	v24 =	vld.idx.msk [tilespmem:v58+s29+$0x0], $0xffff  }
0x176: {  	v61 =	vadd.s32 $0x6, v17;
	v20 =	vadd.f32 v22, v20  }
0x177: {  	v25 =	vld.idx.msk [tilespmem:v59+s29+$0x0], $0xffff  }
0x178: {  	v62 =	vadd.s32 $0x6, v18;
	v20 =	vadd.f32 v21, v20  }
0x179: {  	v23 =	vld.idx.msk [tilespmem:v60+s29+$0x0], $0xffff  }
0x17a: {  	v63 =	vadd.s32 $0x6, v19;
	v20 =	vadd.f32 v24, v20  }
0x17b: {  	v22 =	vld.idx.msk [tilespmem:v61+s29+$0x0], $0xffff  }
0x17c: {  	v20 =	vadd.f32 v25, v20  }
0x17d: {  	v21 =	vld.idx.msk [tilespmem:v62+s29+$0x0], $0xffff  }
0x17e: {  	v20 =	vadd.f32 v23, v20  }
0x17f: {  	v25 =	vld.idx.msk [tilespmem:v63+s29+$0x0], $0xffff  }
0x180: {  	v20 =	vadd.f32 v22, v20;
	_ =	sdelay $0x1  }
0x181: {  	v26 =	vadd.s32 $0x7, v1;
	v20 =	vadd.f32 v21, v20  }
0x182: {  	v27 =	vadd.s32 $0x7, v4  }
0x183: {  	v20 =	vadd.f32 v25, v20  }
0x184: {  	v28 =	vadd.s32 $0x7, v8  }
0x185: {  	[tilespmem:s25+$0x1B680] =	vst v20  }
0x186: {  	v29 =	vadd.s32 $0x7, v2;
	v20 =	vld.idx.msk [tilespmem:v26+s29+$0x0], $0xffff  }
0x187: {  	v22 =	vld.idx.msk [tilespmem:v27+s29+$0x0], $0xffff  }
0x188: {  	v30 =	vadd.s32 $0x7, v3  }
0x189: {  	v23 =	vld.idx.msk [tilespmem:v28+s29+$0x0], $0xffff  }
0x18a: {  	v31 =	vadd.s32 $0x7, v0  }
0x18b: {  	v21 =	vld.idx.msk [tilespmem:v29+s29+$0x0], $0xffff  }
0x18c: {  	v32 =	vadd.s32 $0x7, v5;
	v20 =	vadd.f32 v22, v20  }
0x18d: {  	v24 =	vld.idx.msk [tilespmem:v30+s29+$0x0], $0xffff  }
0x18e: {  	v33 =	vadd.s32 $0x7, v6;
	v20 =	vadd.f32 v23, v20  }
0x18f: {  	v25 =	vld.idx.msk [tilespmem:v31+s29+$0x0], $0xffff  }
0x190: {  	v34 =	vadd.s32 $0x7, v7;
	v20 =	vadd.f32 v21, v20  }
0x191: {  	v22 =	vld.idx.msk [tilespmem:v32+s29+$0x0], $0xffff  }
0x192: {  	v35 =	vadd.s32 $0x7, v9;
	v20 =	vadd.f32 v24, v20  }
0x193: {  	v23 =	vld.idx.msk [tilespmem:v33+s29+$0x0], $0xffff  }
0x194: {  	v36 =	vadd.s32 $0x7, v10;
	v20 =	vadd.f32 v25, v20  }
0x195: {  	v21 =	vld.idx.msk [tilespmem:v34+s29+$0x0], $0xffff  }
0x196: {  	v37 =	vadd.s32 $0x7, v11;
	v20 =	vadd.f32 v22, v20  }
0x197: {  	v24 =	vld.idx.msk [tilespmem:v35+s29+$0x0], $0xffff  }
0x198: {  	v38 =	vadd.s32 $0x7, v12;
	v20 =	vadd.f32 v23, v20  }
0x199: {  	v25 =	vld.idx.msk [tilespmem:v36+s29+$0x0], $0xffff  }
0x19a: {  	v39 =	vadd.s32 $0x7, v13;
	v20 =	vadd.f32 v21, v20  }
0x19b: {  	v22 =	vld.idx.msk [tilespmem:v37+s29+$0x0], $0xffff  }
0x19c: {  	v40 =	vadd.s32 $0x7, v14;
	v20 =	vadd.f32 v24, v20  }
0x19d: {  	v23 =	vld.idx.msk [tilespmem:v38+s29+$0x0], $0xffff  }
0x19e: {  	v41 =	vadd.s32 $0x7, v15;
	v20 =	vadd.f32 v25, v20  }
0x19f: {  	v21 =	vld.idx.msk [tilespmem:v39+s29+$0x0], $0xffff  }
0x1a0: {  	v42 =	vadd.s32 $0x7, v16;
	v20 =	vadd.f32 v22, v20  }
0x1a1: {  	v24 =	vld.idx.msk [tilespmem:v40+s29+$0x0], $0xffff  }
0x1a2: {  	v43 =	vadd.s32 $0x7, v17;
	v20 =	vadd.f32 v23, v20  }
0x1a3: {  	v25 =	vld.idx.msk [tilespmem:v41+s29+$0x0], $0xffff  }
0x1a4: {  	v44 =	vadd.s32 $0x7, v18;
	v20 =	vadd.f32 v21, v20  }
0x1a5: {  	v22 =	vld.idx.msk [tilespmem:v42+s29+$0x0], $0xffff  }
0x1a6: {  	v45 =	vadd.s32 $0x7, v19;
	v20 =	vadd.f32 v24, v20  }
0x1a7: {  	v23 =	vld.idx.msk [tilespmem:v43+s29+$0x0], $0xffff  }
0x1a8: {  	v20 =	vadd.f32 v25, v20  }
0x1a9: {  	v21 =	vld.idx.msk [tilespmem:v44+s29+$0x0], $0xffff  }
0x1aa: {  	v20 =	vadd.f32 v22, v20  }
0x1ab: {  	v46 =	vld.idx.msk [tilespmem:v45+s29+$0x0], $0xffff  }
0x1ac: {  	v20 =	vadd.f32 v23, v20;
	_ =	sdelay $0x1  }
0x1ad: {  	v47 =	vadd.s32 $0x8, v1;
	v20 =	vadd.f32 v21, v20  }
0x1ae: {  	v48 =	vadd.s32 $0x8, v4  }
0x1af: {  	v20 =	vadd.f32 v46, v20  }
0x1b0: {  	v49 =	vadd.s32 $0x8, v8  }
0x1b1: {  	[tilespmem:s25+$0x1B880] =	vst v20  }
0x1b2: {  	v50 =	vadd.s32 $0x8, v2;
	v20 =	vld.idx.msk [tilespmem:v47+s29+$0x0], $0xffff  }
0x1b3: {  	v23 =	vld.idx.msk [tilespmem:v48+s29+$0x0], $0xffff  }
0x1b4: {  	v51 =	vadd.s32 $0x8, v3  }
0x1b5: {  	v22 =	vld.idx.msk [tilespmem:v49+s29+$0x0], $0xffff  }
0x1b6: {  	v52 =	vadd.s32 $0x8, v0  }
0x1b7: {  	v21 =	vld.idx.msk [tilespmem:v50+s29+$0x0], $0xffff  }
0x1b8: {  	v53 =	vadd.s32 $0x8, v5;
	v20 =	vadd.f32 v23, v20  }
0x1b9: {  	v24 =	vld.idx.msk [tilespmem:v51+s29+$0x0], $0xffff  }
0x1ba: {  	v54 =	vadd.s32 $0x8, v6;
	v20 =	vadd.f32 v22, v20  }
0x1bb: {  	v25 =	vld.idx.msk [tilespmem:v52+s29+$0x0], $0xffff  }
0x1bc: {  	v55 =	vadd.s32 $0x8, v7;
	v20 =	vadd.f32 v21, v20  }
0x1bd: {  	v23 =	vld.idx.msk [tilespmem:v53+s29+$0x0], $0xffff  }
0x1be: {  	v56 =	vadd.s32 $0x8, v9;
	v20 =	vadd.f32 v24, v20  }
0x1bf: {  	v22 =	vld.idx.msk [tilespmem:v54+s29+$0x0], $0xffff  }
0x1c0: {  	v57 =	vadd.s32 $0x8, v10;
	v20 =	vadd.f32 v25, v20  }
0x1c1: {  	v21 =	vld.idx.msk [tilespmem:v55+s29+$0x0], $0xffff  }
0x1c2: {  	v58 =	vadd.s32 $0x8, v11;
	v20 =	vadd.f32 v23, v20  }
0x1c3: {  	v24 =	vld.idx.msk [tilespmem:v56+s29+$0x0], $0xffff  }
0x1c4: {  	v59 =	vadd.s32 $0x8, v12;
	v20 =	vadd.f32 v22, v20  }
0x1c5: {  	v25 =	vld.idx.msk [tilespmem:v57+s29+$0x0], $0xffff  }
0x1c6: {  	v60 =	vadd.s32 $0x8, v13;
	v20 =	vadd.f32 v21, v20  }
0x1c7: {  	v23 =	vld.idx.msk [tilespmem:v58+s29+$0x0], $0xffff  }
0x1c8: {  	v61 =	vadd.s32 $0x8, v14;
	v20 =	vadd.f32 v24, v20  }
0x1c9: {  	v22 =	vld.idx.msk [tilespmem:v59+s29+$0x0], $0xffff  }
0x1ca: {  	v62 =	vadd.s32 $0x8, v15;
	v20 =	vadd.f32 v25, v20  }
0x1cb: {  	v21 =	vld.idx.msk [tilespmem:v60+s29+$0x0], $0xffff  }
0x1cc: {  	v63 =	vadd.s32 $0x8, v16;
	v20 =	vadd.f32 v23, v20  }
0x1cd: {  	v24 =	vld.idx.msk [tilespmem:v61+s29+$0x0], $0xffff  }
0x1ce: {  	v28 =	vadd.s32 $0x8, v17;
	v20 =	vadd.f32 v22, v20  }
0x1cf: {  	v25 =	vld.idx.msk [tilespmem:v62+s29+$0x0], $0xffff  }
0x1d0: {  	v29 =	vadd.s32 $0x8, v18;
	v20 =	vadd.f32 v21, v20  }
0x1d1: {  	v23 =	vld.idx.msk [tilespmem:v63+s29+$0x0], $0xffff  }
0x1d2: {  	v30 =	vadd.s32 $0x8, v19;
	v20 =	vadd.f32 v24, v20  }
0x1d3: {  	v22 =	vld.idx.msk [tilespmem:v28+s29+$0x0], $0xffff  }
0x1d4: {  	v20 =	vadd.f32 v25, v20  }
0x1d5: {  	v21 =	vld.idx.msk [tilespmem:v29+s29+$0x0], $0xffff  }
0x1d6: {  	v20 =	vadd.f32 v23, v20  }
0x1d7: {  	v31 =	vld.idx.msk [tilespmem:v30+s29+$0x0], $0xffff  }
0x1d8: {  	v20 =	vadd.f32 v22, v20;
	_ =	sdelay $0x1  }
0x1d9: {  	v32 =	vadd.s32 $0x9, v1;
	v20 =	vadd.f32 v21, v20  }
0x1da: {  	v33 =	vadd.s32 $0x9, v4  }
0x1db: {  	v20 =	vadd.f32 v31, v20  }
0x1dc: {  	v34 =	vadd.s32 $0x9, v8  }
0x1dd: {  	[tilespmem:s25+$0x1BA80] =	vst v20  }
0x1de: {  	v35 =	vadd.s32 $0x9, v2;
	v20 =	vld.idx.msk [tilespmem:v32+s29+$0x0], $0xffff  }
0x1df: {  	v22 =	vld.idx.msk [tilespmem:v33+s29+$0x0], $0xffff  }
0x1e0: {  	v36 =	vadd.s32 $0x9, v3  }
0x1e1: {  	v23 =	vld.idx.msk [tilespmem:v34+s29+$0x0], $0xffff  }
0x1e2: {  	v37 =	vadd.s32 $0x9, v0  }
0x1e3: {  	v21 =	vld.idx.msk [tilespmem:v35+s29+$0x0], $0xffff  }
0x1e4: {  	v38 =	vadd.s32 $0x9, v5;
	v20 =	vadd.f32 v22, v20  }
0x1e5: {  	v24 =	vld.idx.msk [tilespmem:v36+s29+$0x0], $0xffff  }
0x1e6: {  	v39 =	vadd.s32 $0x9, v6;
	v20 =	vadd.f32 v23, v20  }
0x1e7: {  	v25 =	vld.idx.msk [tilespmem:v37+s29+$0x0], $0xffff  }
0x1e8: {  	v40 =	vadd.s32 $0x9, v7;
	v20 =	vadd.f32 v21, v20  }
0x1e9: {  	v22 =	vld.idx.msk [tilespmem:v38+s29+$0x0], $0xffff  }
0x1ea: {  	v41 =	vadd.s32 $0x9, v9;
	v20 =	vadd.f32 v24, v20  }
0x1eb: {  	v23 =	vld.idx.msk [tilespmem:v39+s29+$0x0], $0xffff  }
0x1ec: {  	v42 =	vadd.s32 $0x9, v10;
	v20 =	vadd.f32 v25, v20  }
0x1ed: {  	v21 =	vld.idx.msk [tilespmem:v40+s29+$0x0], $0xffff  }
0x1ee: {  	v43 =	vadd.s32 $0x9, v11;
	v20 =	vadd.f32 v22, v20  }
0x1ef: {  	v24 =	vld.idx.msk [tilespmem:v41+s29+$0x0], $0xffff  }
0x1f0: {  	v44 =	vadd.s32 $0x9, v12;
	v20 =	vadd.f32 v23, v20  }
0x1f1: {  	v25 =	vld.idx.msk [tilespmem:v42+s29+$0x0], $0xffff  }
0x1f2: {  	v45 =	vadd.s32 $0x9, v13;
	v20 =	vadd.f32 v21, v20  }
0x1f3: {  	v22 =	vld.idx.msk [tilespmem:v43+s29+$0x0], $0xffff  }
0x1f4: {  	v46 =	vadd.s32 $0x9, v14;
	v20 =	vadd.f32 v24, v20  }
0x1f5: {  	v23 =	vld.idx.msk [tilespmem:v44+s29+$0x0], $0xffff  }
0x1f6: {  	v47 =	vadd.s32 $0x9, v15;
	v20 =	vadd.f32 v25, v20  }
0x1f7: {  	v21 =	vld.idx.msk [tilespmem:v45+s29+$0x0], $0xffff  }
0x1f8: {  	v48 =	vadd.s32 $0x9, v16;
	v20 =	vadd.f32 v22, v20  }
0x1f9: {  	v24 =	vld.idx.msk [tilespmem:v46+s29+$0x0], $0xffff  }
0x1fa: {  	v49 =	vadd.s32 $0x9, v17;
	v20 =	vadd.f32 v23, v20  }
0x1fb: {  	v25 =	vld.idx.msk [tilespmem:v47+s29+$0x0], $0xffff  }
0x1fc: {  	v50 =	vadd.s32 $0x9, v18;
	v20 =	vadd.f32 v21, v20  }
0x1fd: {  	v22 =	vld.idx.msk [tilespmem:v48+s29+$0x0], $0xffff  }
0x1fe: {  	v51 =	vadd.s32 $0x9, v19;
	v20 =	vadd.f32 v24, v20  }
0x1ff: {  	v23 =	vld.idx.msk [tilespmem:v49+s29+$0x0], $0xffff  }
0x200: {  	v20 =	vadd.f32 v25, v20  }
0x201: {  	v21 =	vld.idx.msk [tilespmem:v50+s29+$0x0], $0xffff  }
0x202: {  	v20 =	vadd.f32 v22, v20  }
0x203: {  	v52 =	vld.idx.msk [tilespmem:v51+s29+$0x0], $0xffff  }
0x204: {  	v20 =	vadd.f32 v23, v20;
	_ =	sdelay $0x1  }
0x205: {  	v53 =	vadd.s32 $0xA, v1;
	v20 =	vadd.f32 v21, v20  }
0x206: {  	v54 =	vadd.s32 $0xA, v4  }
0x207: {  	v20 =	vadd.f32 v52, v20  }
0x208: {  	v55 =	vadd.s32 $0xA, v8  }
0x209: {  	[tilespmem:s25+$0x1BC80] =	vst v20  }
0x20a: {  	v56 =	vadd.s32 $0xA, v2;
	v20 =	vld.idx.msk [tilespmem:v53+s29+$0x0], $0xffff  }
0x20b: {  	v23 =	vld.idx.msk [tilespmem:v54+s29+$0x0], $0xffff  }
0x20c: {  	v57 =	vadd.s32 $0xA, v3  }
0x20d: {  	v22 =	vld.idx.msk [tilespmem:v55+s29+$0x0], $0xffff  }
0x20e: {  	v58 =	vadd.s32 $0xA, v0  }
0x20f: {  	v21 =	vld.idx.msk [tilespmem:v56+s29+$0x0], $0xffff  }
0x210: {  	v59 =	vadd.s32 $0xA, v5;
	v20 =	vadd.f32 v23, v20  }
0x211: {  	v24 =	vld.idx.msk [tilespmem:v57+s29+$0x0], $0xffff  }
0x212: {  	v60 =	vadd.s32 $0xA, v6;
	v20 =	vadd.f32 v22, v20  }
0x213: {  	v25 =	vld.idx.msk [tilespmem:v58+s29+$0x0], $0xffff  }
0x214: {  	v61 =	vadd.s32 $0xA, v7;
	v20 =	vadd.f32 v21, v20  }
0x215: {  	v23 =	vld.idx.msk [tilespmem:v59+s29+$0x0], $0xffff  }
0x216: {  	v62 =	vadd.s32 $0xA, v9;
	v20 =	vadd.f32 v24, v20  }
0x217: {  	v22 =	vld.idx.msk [tilespmem:v60+s29+$0x0], $0xffff  }
0x218: {  	v63 =	vadd.s32 $0xA, v10;
	v20 =	vadd.f32 v25, v20  }
0x219: {  	v21 =	vld.idx.msk [tilespmem:v61+s29+$0x0], $0xffff  }
0x21a: {  	v28 =	vadd.s32 $0xA, v11;
	v20 =	vadd.f32 v23, v20  }
0x21b: {  	v24 =	vld.idx.msk [tilespmem:v62+s29+$0x0], $0xffff  }
0x21c: {  	v29 =	vadd.s32 $0xA, v12;
	v20 =	vadd.f32 v22, v20  }
0x21d: {  	v25 =	vld.idx.msk [tilespmem:v63+s29+$0x0], $0xffff  }
0x21e: {  	v30 =	vadd.s32 $0xA, v13;
	v20 =	vadd.f32 v21, v20  }
0x21f: {  	v23 =	vld.idx.msk [tilespmem:v28+s29+$0x0], $0xffff  }
0x220: {  	v31 =	vadd.s32 $0xA, v14;
	v20 =	vadd.f32 v24, v20  }
0x221: {  	v22 =	vld.idx.msk [tilespmem:v29+s29+$0x0], $0xffff  }
0x222: {  	v32 =	vadd.s32 $0xA, v15;
	v20 =	vadd.f32 v25, v20  }
0x223: {  	v21 =	vld.idx.msk [tilespmem:v30+s29+$0x0], $0xffff  }
0x224: {  	v33 =	vadd.s32 $0xA, v16;
	v20 =	vadd.f32 v23, v20  }
0x225: {  	v24 =	vld.idx.msk [tilespmem:v31+s29+$0x0], $0xffff  }
0x226: {  	v34 =	vadd.s32 $0xA, v17;
	v20 =	vadd.f32 v22, v20  }
0x227: {  	v25 =	vld.idx.msk [tilespmem:v32+s29+$0x0], $0xffff  }
0x228: {  	v35 =	vadd.s32 $0xA, v18;
	v20 =	vadd.f32 v21, v20  }
0x229: {  	v23 =	vld.idx.msk [tilespmem:v33+s29+$0x0], $0xffff  }
0x22a: {  	v36 =	vadd.s32 $0xA, v19;
	v20 =	vadd.f32 v24, v20  }
0x22b: {  	v22 =	vld.idx.msk [tilespmem:v34+s29+$0x0], $0xffff  }
0x22c: {  	v20 =	vadd.f32 v25, v20  }
0x22d: {  	v21 =	vld.idx.msk [tilespmem:v35+s29+$0x0], $0xffff  }
0x22e: {  	v20 =	vadd.f32 v23, v20  }
0x22f: {  	v37 =	vld.idx.msk [tilespmem:v36+s29+$0x0], $0xffff  }
0x230: {  	v20 =	vadd.f32 v22, v20;
	_ =	sdelay $0x1  }
0x231: {  	v38 =	vadd.s32 $0xB, v1;
	v20 =	vadd.f32 v21, v20  }
0x232: {  	v39 =	vadd.s32 $0xB, v4  }
0x233: {  	v20 =	vadd.f32 v37, v20  }
0x234: {  	v40 =	vadd.s32 $0xB, v8  }
0x235: {  	[tilespmem:s25+$0x1BE80] =	vst v20  }
0x236: {  	v41 =	vadd.s32 $0xB, v2;
	v20 =	vld.idx.msk [tilespmem:v38+s29+$0x0], $0xffff  }
0x237: {  	v22 =	vld.idx.msk [tilespmem:v39+s29+$0x0], $0xffff  }
0x238: {  	v42 =	vadd.s32 $0xB, v3  }
0x239: {  	v23 =	vld.idx.msk [tilespmem:v40+s29+$0x0], $0xffff  }
0x23a: {  	v43 =	vadd.s32 $0xB, v0  }
0x23b: {  	v21 =	vld.idx.msk [tilespmem:v41+s29+$0x0], $0xffff  }
0x23c: {  	v44 =	vadd.s32 $0xB, v5;
	v20 =	vadd.f32 v22, v20  }
0x23d: {  	v24 =	vld.idx.msk [tilespmem:v42+s29+$0x0], $0xffff  }
0x23e: {  	v45 =	vadd.s32 $0xB, v6;
	v20 =	vadd.f32 v23, v20  }
0x23f: {  	v25 =	vld.idx.msk [tilespmem:v43+s29+$0x0], $0xffff  }
0x240: {  	v46 =	vadd.s32 $0xB, v7;
	v20 =	vadd.f32 v21, v20  }
0x241: {  	v22 =	vld.idx.msk [tilespmem:v44+s29+$0x0], $0xffff  }
0x242: {  	v47 =	vadd.s32 $0xB, v9;
	v20 =	vadd.f32 v24, v20  }
0x243: {  	v23 =	vld.idx.msk [tilespmem:v45+s29+$0x0], $0xffff  }
0x244: {  	v48 =	vadd.s32 $0xB, v10;
	v20 =	vadd.f32 v25, v20  }
0x245: {  	v21 =	vld.idx.msk [tilespmem:v46+s29+$0x0], $0xffff  }
0x246: {  	v49 =	vadd.s32 $0xB, v11;
	v20 =	vadd.f32 v22, v20  }
0x247: {  	v24 =	vld.idx.msk [tilespmem:v47+s29+$0x0], $0xffff  }
0x248: {  	v50 =	vadd.s32 $0xB, v12;
	v20 =	vadd.f32 v23, v20  }
0x249: {  	v25 =	vld.idx.msk [tilespmem:v48+s29+$0x0], $0xffff  }
0x24a: {  	v51 =	vadd.s32 $0xB, v13;
	v20 =	vadd.f32 v21, v20  }
0x24b: {  	v22 =	vld.idx.msk [tilespmem:v49+s29+$0x0], $0xffff  }
0x24c: {  	v52 =	vadd.s32 $0xB, v14;
	v20 =	vadd.f32 v24, v20  }
0x24d: {  	v23 =	vld.idx.msk [tilespmem:v50+s29+$0x0], $0xffff  }
0x24e: {  	v53 =	vadd.s32 $0xB, v15;
	v20 =	vadd.f32 v25, v20  }
0x24f: {  	v21 =	vld.idx.msk [tilespmem:v51+s29+$0x0], $0xffff  }
0x250: {  	v54 =	vadd.s32 $0xB, v16;
	v20 =	vadd.f32 v22, v20  }
0x251: {  	v24 =	vld.idx.msk [tilespmem:v52+s29+$0x0], $0xffff  }
0x252: {  	v55 =	vadd.s32 $0xB, v17;
	v20 =	vadd.f32 v23, v20  }
0x253: {  	v25 =	vld.idx.msk [tilespmem:v53+s29+$0x0], $0xffff  }
0x254: {  	v56 =	vadd.s32 $0xB, v18;
	v20 =	vadd.f32 v21, v20  }
0x255: {  	v22 =	vld.idx.msk [tilespmem:v54+s29+$0x0], $0xffff  }
0x256: {  	v57 =	vadd.s32 $0xB, v19;
	v20 =	vadd.f32 v24, v20  }
0x257: {  	v23 =	vld.idx.msk [tilespmem:v55+s29+$0x0], $0xffff  }
0x258: {  	v20 =	vadd.f32 v25, v20  }
0x259: {  	v21 =	vld.idx.msk [tilespmem:v56+s29+$0x0], $0xffff  }
0x25a: {  	v20 =	vadd.f32 v22, v20  }
0x25b: {  	v58 =	vld.idx.msk [tilespmem:v57+s29+$0x0], $0xffff  }
0x25c: {  	v20 =	vadd.f32 v23, v20;
	_ =	sdelay $0x1  }
0x25d: {  	v59 =	vadd.s32 $0xC, v1;
	v20 =	vadd.f32 v21, v20  }
0x25e: {  	v60 =	vadd.s32 $0xC, v4  }
0x25f: {  	v20 =	vadd.f32 v58, v20  }
0x260: {  	v61 =	vadd.s32 $0xC, v8  }
0x261: {  	[tilespmem:s25+$0x1C080] =	vst v20  }
0x262: {  	v62 =	vadd.s32 $0xC, v2;
	v20 =	vld.idx.msk [tilespmem:v59+s29+$0x0], $0xffff  }
0x263: {  	v23 =	vld.idx.msk [tilespmem:v60+s29+$0x0], $0xffff  }
0x264: {  	v63 =	vadd.s32 $0xC, v3  }
0x265: {  	v22 =	vld.idx.msk [tilespmem:v61+s29+$0x0], $0xffff  }
0x266: {  	v28 =	vadd.s32 $0xC, v0  }
0x267: {  	v21 =	vld.idx.msk [tilespmem:v62+s29+$0x0], $0xffff  }
0x268: {  	v29 =	vadd.s32 $0xC, v5;
	v20 =	vadd.f32 v23, v20  }
0x269: {  	v24 =	vld.idx.msk [tilespmem:v63+s29+$0x0], $0xffff  }
0x26a: {  	v30 =	vadd.s32 $0xC, v6;
	v20 =	vadd.f32 v22, v20  }
0x26b: {  	v25 =	vld.idx.msk [tilespmem:v28+s29+$0x0], $0xffff  }
0x26c: {  	v31 =	vadd.s32 $0xC, v7;
	v20 =	vadd.f32 v21, v20  }
0x26d: {  	v23 =	vld.idx.msk [tilespmem:v29+s29+$0x0], $0xffff  }
0x26e: {  	v32 =	vadd.s32 $0xC, v9;
	v20 =	vadd.f32 v24, v20  }
0x26f: {  	v22 =	vld.idx.msk [tilespmem:v30+s29+$0x0], $0xffff  }
0x270: {  	v33 =	vadd.s32 $0xC, v10;
	v20 =	vadd.f32 v25, v20  }
0x271: {  	v21 =	vld.idx.msk [tilespmem:v31+s29+$0x0], $0xffff  }
0x272: {  	v34 =	vadd.s32 $0xC, v11;
	v20 =	vadd.f32 v23, v20  }
0x273: {  	v24 =	vld.idx.msk [tilespmem:v32+s29+$0x0], $0xffff  }
0x274: {  	v35 =	vadd.s32 $0xC, v12;
	v20 =	vadd.f32 v22, v20  }
0x275: {  	v25 =	vld.idx.msk [tilespmem:v33+s29+$0x0], $0xffff  }
0x276: {  	v36 =	vadd.s32 $0xC, v13;
	v20 =	vadd.f32 v21, v20  }
0x277: {  	v23 =	vld.idx.msk [tilespmem:v34+s29+$0x0], $0xffff  }
0x278: {  	v37 =	vadd.s32 $0xC, v14;
	v20 =	vadd.f32 v24, v20  }
0x279: {  	v22 =	vld.idx.msk [tilespmem:v35+s29+$0x0], $0xffff  }
0x27a: {  	v38 =	vadd.s32 $0xC, v15;
	v20 =	vadd.f32 v25, v20  }
0x27b: {  	v21 =	vld.idx.msk [tilespmem:v36+s29+$0x0], $0xffff  }
0x27c: {  	v39 =	vadd.s32 $0xC, v16;
	v20 =	vadd.f32 v23, v20  }
0x27d: {  	v24 =	vld.idx.msk [tilespmem:v37+s29+$0x0], $0xffff  }
0x27e: {  	v40 =	vadd.s32 $0xC, v17;
	v20 =	vadd.f32 v22, v20  }
0x27f: {  	v25 =	vld.idx.msk [tilespmem:v38+s29+$0x0], $0xffff  }
0x280: {  	v41 =	vadd.s32 $0xC, v18;
	v20 =	vadd.f32 v21, v20  }
0x281: {  	v23 =	vld.idx.msk [tilespmem:v39+s29+$0x0], $0xffff  }
0x282: {  	v42 =	vadd.s32 $0xC, v19;
	v20 =	vadd.f32 v24, v20  }
0x283: {  	v22 =	vld.idx.msk [tilespmem:v40+s29+$0x0], $0xffff  }
0x284: {  	v20 =	vadd.f32 v25, v20  }
0x285: {  	v21 =	vld.idx.msk [tilespmem:v41+s29+$0x0], $0xffff  }
0x286: {  	v20 =	vadd.f32 v23, v20  }
0x287: {  	v43 =	vld.idx.msk [tilespmem:v42+s29+$0x0], $0xffff  }
0x288: {  	v20 =	vadd.f32 v22, v20;
	_ =	sdelay $0x1  }
0x289: {  	v44 =	vadd.s32 $0xD, v1;
	v20 =	vadd.f32 v21, v20  }
0x28a: {  	v45 =	vadd.s32 $0xD, v4  }
0x28b: {  	v20 =	vadd.f32 v43, v20  }
0x28c: {  	v46 =	vadd.s32 $0xD, v8  }
0x28d: {  	[tilespmem:s25+$0x1C280] =	vst v20  }
0x28e: {  	v47 =	vadd.s32 $0xD, v2;
	v20 =	vld.idx.msk [tilespmem:v44+s29+$0x0], $0xffff  }
0x28f: {  	v22 =	vld.idx.msk [tilespmem:v45+s29+$0x0], $0xffff  }
0x290: {  	v48 =	vadd.s32 $0xD, v3  }
0x291: {  	v23 =	vld.idx.msk [tilespmem:v46+s29+$0x0], $0xffff  }
0x292: {  	v49 =	vadd.s32 $0xD, v0  }
0x293: {  	v21 =	vld.idx.msk [tilespmem:v47+s29+$0x0], $0xffff  }
0x294: {  	v50 =	vadd.s32 $0xD, v5;
	v20 =	vadd.f32 v22, v20  }
0x295: {  	v24 =	vld.idx.msk [tilespmem:v48+s29+$0x0], $0xffff  }
0x296: {  	v51 =	vadd.s32 $0xD, v6;
	v20 =	vadd.f32 v23, v20  }
0x297: {  	v25 =	vld.idx.msk [tilespmem:v49+s29+$0x0], $0xffff  }
0x298: {  	v52 =	vadd.s32 $0xD, v7;
	v20 =	vadd.f32 v21, v20  }
0x299: {  	v22 =	vld.idx.msk [tilespmem:v50+s29+$0x0], $0xffff  }
0x29a: {  	v53 =	vadd.s32 $0xD, v9;
	v20 =	vadd.f32 v24, v20  }
0x29b: {  	v23 =	vld.idx.msk [tilespmem:v51+s29+$0x0], $0xffff  }
0x29c: {  	v54 =	vadd.s32 $0xD, v10;
	v20 =	vadd.f32 v25, v20  }
0x29d: {  	v21 =	vld.idx.msk [tilespmem:v52+s29+$0x0], $0xffff  }
0x29e: {  	v55 =	vadd.s32 $0xD, v11;
	v20 =	vadd.f32 v22, v20  }
0x29f: {  	v24 =	vld.idx.msk [tilespmem:v53+s29+$0x0], $0xffff  }
0x2a0: {  	v56 =	vadd.s32 $0xD, v12;
	v20 =	vadd.f32 v23, v20  }
0x2a1: {  	v25 =	vld.idx.msk [tilespmem:v54+s29+$0x0], $0xffff  }
0x2a2: {  	v57 =	vadd.s32 $0xD, v13;
	v20 =	vadd.f32 v21, v20  }
0x2a3: {  	v22 =	vld.idx.msk [tilespmem:v55+s29+$0x0], $0xffff  }
0x2a4: {  	v58 =	vadd.s32 $0xD, v14;
	v20 =	vadd.f32 v24, v20  }
0x2a5: {  	v23 =	vld.idx.msk [tilespmem:v56+s29+$0x0], $0xffff  }
0x2a6: {  	v59 =	vadd.s32 $0xD, v15;
	v20 =	vadd.f32 v25, v20  }
0x2a7: {  	v21 =	vld.idx.msk [tilespmem:v57+s29+$0x0], $0xffff  }
0x2a8: {  	v60 =	vadd.s32 $0xD, v16;
	v20 =	vadd.f32 v22, v20  }
0x2a9: {  	v24 =	vld.idx.msk [tilespmem:v58+s29+$0x0], $0xffff  }
0x2aa: {  	v61 =	vadd.s32 $0xD, v17;
	v20 =	vadd.f32 v23, v20  }
0x2ab: {  	v25 =	vld.idx.msk [tilespmem:v59+s29+$0x0], $0xffff  }
0x2ac: {  	v62 =	vadd.s32 $0xD, v18;
	v20 =	vadd.f32 v21, v20  }
0x2ad: {  	v22 =	vld.idx.msk [tilespmem:v60+s29+$0x0], $0xffff  }
0x2ae: {  	v63 =	vadd.s32 $0xD, v19;
	v20 =	vadd.f32 v24, v20  }
0x2af: {  	v23 =	vld.idx.msk [tilespmem:v61+s29+$0x0], $0xffff  }
0x2b0: {  	v20 =	vadd.f32 v25, v20  }
0x2b1: {  	v21 =	vld.idx.msk [tilespmem:v62+s29+$0x0], $0xffff  }
0x2b2: {  	v20 =	vadd.f32 v22, v20  }
0x2b3: {  	v26 =	vld.idx.msk [tilespmem:v63+s29+$0x0], $0xffff  }
0x2b4: {  	v20 =	vadd.f32 v23, v20;
	_ =	sdelay $0x1  }
0x2b5: {  	v27 =	vadd.s32 $0xE, v1;
	v20 =	vadd.f32 v21, v20  }
0x2b6: {  	v28 =	vadd.s32 $0xE, v4  }
0x2b7: {  	v20 =	vadd.f32 v26, v20  }
0x2b8: {  	v29 =	vadd.s32 $0xE, v8  }
0x2b9: {  	[tilespmem:s25+$0x1C480] =	vst v20  }
0x2ba: {  	v30 =	vadd.s32 $0xE, v2;
	v20 =	vld.idx.msk [tilespmem:v27+s29+$0x0], $0xffff  }
0x2bb: {  	v23 =	vld.idx.msk [tilespmem:v28+s29+$0x0], $0xffff  }
0x2bc: {  	v31 =	vadd.s32 $0xE, v3  }
0x2bd: {  	v22 =	vld.idx.msk [tilespmem:v29+s29+$0x0], $0xffff  }
0x2be: {  	v32 =	vadd.s32 $0xE, v0  }
0x2bf: {  	v21 =	vld.idx.msk [tilespmem:v30+s29+$0x0], $0xffff  }
0x2c0: {  	v33 =	vadd.s32 $0xE, v5;
	v20 =	vadd.f32 v23, v20  }
0x2c1: {  	v24 =	vld.idx.msk [tilespmem:v31+s29+$0x0], $0xffff  }
0x2c2: {  	v34 =	vadd.s32 $0xE, v6;
	v20 =	vadd.f32 v22, v20  }
0x2c3: {  	v25 =	vld.idx.msk [tilespmem:v32+s29+$0x0], $0xffff  }
0x2c4: {  	v35 =	vadd.s32 $0xE, v7;
	v20 =	vadd.f32 v21, v20  }
0x2c5: {  	v23 =	vld.idx.msk [tilespmem:v33+s29+$0x0], $0xffff  }
0x2c6: {  	v36 =	vadd.s32 $0xE, v9;
	v20 =	vadd.f32 v24, v20  }
0x2c7: {  	v22 =	vld.idx.msk [tilespmem:v34+s29+$0x0], $0xffff  }
0x2c8: {  	v37 =	vadd.s32 $0xE, v10;
	v20 =	vadd.f32 v25, v20  }
0x2c9: {  	v21 =	vld.idx.msk [tilespmem:v35+s29+$0x0], $0xffff  }
0x2ca: {  	v38 =	vadd.s32 $0xE, v11;
	v20 =	vadd.f32 v23, v20  }
0x2cb: {  	v24 =	vld.idx.msk [tilespmem:v36+s29+$0x0], $0xffff  }
0x2cc: {  	v39 =	vadd.s32 $0xE, v12;
	v20 =	vadd.f32 v22, v20  }
0x2cd: {  	v25 =	vld.idx.msk [tilespmem:v37+s29+$0x0], $0xffff  }
0x2ce: {  	v40 =	vadd.s32 $0xE, v13;
	v20 =	vadd.f32 v21, v20  }
0x2cf: {  	v23 =	vld.idx.msk [tilespmem:v38+s29+$0x0], $0xffff  }
0x2d0: {  	v41 =	vadd.s32 $0xE, v14;
	v20 =	vadd.f32 v24, v20  }
0x2d1: {  	v22 =	vld.idx.msk [tilespmem:v39+s29+$0x0], $0xffff  }
0x2d2: {  	v42 =	vadd.s32 $0xE, v15;
	v20 =	vadd.f32 v25, v20  }
0x2d3: {  	v21 =	vld.idx.msk [tilespmem:v40+s29+$0x0], $0xffff  }
0x2d4: {  	v43 =	vadd.s32 $0xE, v16;
	v20 =	vadd.f32 v23, v20  }
0x2d5: {  	v24 =	vld.idx.msk [tilespmem:v41+s29+$0x0], $0xffff  }
0x2d6: {  	v44 =	vadd.s32 $0xE, v17;
	v20 =	vadd.f32 v22, v20  }
0x2d7: {  	v25 =	vld.idx.msk [tilespmem:v42+s29+$0x0], $0xffff  }
0x2d8: {  	v45 =	vadd.s32 $0xE, v18;
	v20 =	vadd.f32 v21, v20  }
0x2d9: {  	v23 =	vld.idx.msk [tilespmem:v43+s29+$0x0], $0xffff  }
0x2da: {  	v46 =	vadd.s32 $0xE, v19;
	v20 =	vadd.f32 v24, v20  }
0x2db: {  	v22 =	vld.idx.msk [tilespmem:v44+s29+$0x0], $0xffff  }
0x2dc: {  	v20 =	vadd.f32 v25, v20  }
0x2dd: {  	v21 =	vld.idx.msk [tilespmem:v45+s29+$0x0], $0xffff  }
0x2de: {  	v20 =	vadd.f32 v23, v20  }
0x2df: {  	v47 =	vld.idx.msk [tilespmem:v46+s29+$0x0], $0xffff  }
0x2e0: {  	v20 =	vadd.f32 v22, v20;
	_ =	sdelay $0x1  }
0x2e1: {  	v1 =	vadd.s32 $0xF, v1;
	v20 =	vadd.f32 v21, v20  }
0x2e2: {  	v4 =	vadd.s32 $0xF, v4  }
0x2e3: {  	v20 =	vadd.f32 v47, v20  }
0x2e4: {  	v8 =	vadd.s32 $0xF, v8  }
0x2e5: {  	[tilespmem:s25+$0x1C680] =	vst v20  }
0x2e6: {  	v2 =	vadd.s32 $0xF, v2;
	v1 =	vld.idx.msk [tilespmem:v1+s29+$0x0], $0xffff  }
0x2e7: {  	v4 =	vld.idx.msk [tilespmem:v4+s29+$0x0], $0xffff  }
0x2e8: {  	v3 =	vadd.s32 $0xF, v3  }
0x2e9: {  	v8 =	vld.idx.msk [tilespmem:v8+s29+$0x0], $0xffff  }
0x2ea: {  	v0 =	vadd.s32 $0xF, v0  }
0x2eb: {  	v2 =	vld.idx.msk [tilespmem:v2+s29+$0x0], $0xffff  }
0x2ec: {  	v48 =	vadd.s32 $0xF, v5;
	v1 =	vadd.f32 v4, v1  }
0x2ed: {  	v3 =	vld.idx.msk [tilespmem:v3+s29+$0x0], $0xffff  }
0x2ee: {  	v49 =	vadd.s32 $0xF, v6;
	v1 =	vadd.f32 v8, v1  }
0x2ef: {  	v0 =	vld.idx.msk [tilespmem:v0+s29+$0x0], $0xffff  }
0x2f0: {  	v50 =	vadd.s32 $0xF, v7;
	v1 =	vadd.f32 v2, v1  }
0x2f1: {  	v4 =	vld.idx.msk [tilespmem:v48+s29+$0x0], $0xffff  }
0x2f2: {  	v51 =	vadd.s32 $0xF, v9;
	v1 =	vadd.f32 v3, v1  }
0x2f3: {  	v5 =	vld.idx.msk [tilespmem:v49+s29+$0x0], $0xffff  }
0x2f4: {  	v52 =	vadd.s32 $0xF, v10;
	v0 =	vadd.f32 v0, v1  }
0x2f5: {  	v2 =	vld.idx.msk [tilespmem:v50+s29+$0x0], $0xffff  }
0x2f6: {  	v53 =	vadd.s32 $0xF, v11;
	v0 =	vadd.f32 v4, v0  }
0x2f7: {  	v3 =	vld.idx.msk [tilespmem:v51+s29+$0x0], $0xffff  }
0x2f8: {  	v54 =	vadd.s32 $0xF, v12;
	v0 =	vadd.f32 v5, v0  }
0x2f9: {  	v1 =	vld.idx.msk [tilespmem:v52+s29+$0x0], $0xffff  }
0x2fa: {  	v55 =	vadd.s32 $0xF, v13;
	v0 =	vadd.f32 v2, v0  }
0x2fb: {  	v4 =	vld.idx.msk [tilespmem:v53+s29+$0x0], $0xffff  }
0x2fc: {  	v56 =	vadd.s32 $0xF, v14;
	v0 =	vadd.f32 v3, v0  }
0x2fd: {  	v5 =	vld.idx.msk [tilespmem:v54+s29+$0x0], $0xffff  }
0x2fe: {  	v57 =	vadd.s32 $0xF, v15;
	v0 =	vadd.f32 v1, v0  }
0x2ff: {  	v2 =	vld.idx.msk [tilespmem:v55+s29+$0x0], $0xffff  }
0x300: {  	v58 =	vadd.s32 $0xF, v16;
	v0 =	vadd.f32 v4, v0  }
0x301: {  	v3 =	vld.idx.msk [tilespmem:v56+s29+$0x0], $0xffff  }
0x302: {  	v59 =	vadd.s32 $0xF, v17;
	v0 =	vadd.f32 v5, v0  }
0x303: {  	v1 =	vld.idx.msk [tilespmem:v57+s29+$0x0], $0xffff  }
0x304: {  	v60 =	vadd.s32 $0xF, v18;
	v0 =	vadd.f32 v2, v0  }
0x305: {  	v4 =	vld.idx.msk [tilespmem:v58+s29+$0x0], $0xffff  }
0x306: {  	v61 =	vadd.s32 $0xF, v19;
	v0 =	vadd.f32 v3, v0  }
0x307: {  	v5 =	vld.idx.msk [tilespmem:v59+s29+$0x0], $0xffff  }
0x308: {  	v0 =	vadd.f32 v1, v0  }
0x309: {  	v62 =	vld.idx.msk [tilespmem:v60+s29+$0x0], $0xffff  }
0x30a: {  	v0 =	vadd.f32 v4, v0  }
0x30b: {  	v63 =	vld.idx.msk [tilespmem:v61+s29+$0x0], $0xffff  }
0x30c: {  	v0 =	vadd.f32 v5, v0  }
0x30d: {  	p0 =	sne.s32 s23, $0x7C0  }
.Ltmp0:
0x30e: {  	v0 =	vadd.f32 v62, v0;
	(pc) =	sbr.rel @p0 .LBB2_2-.Ltmp0, $3  }
0x30f: {  	_ = 	snop  }
0x310: {  	v0 =	vadd.f32 v63, v0;
	_ =	sdelay $0x1  }
0x311: {  	s23 =	sadd.s32 $0x40, s23;
	[tilespmem:s25+$0x1C880] =	vst v0  }
0x312: {  	_ =	swait.ge [sflag:s26], $0x4000  }
0x313: {  	[sflag:s26] =	ssyncset.done $0x0  }
0x314: {  	[sflag:s26] =	ssyncadd.s32 $0xFFFFC000  }
0x315: {  	_ =	swait.ge [sflag:s26], $0x4000  }
0x316: {  	[sflag:s26] =	ssyncset.done $0x0  }
0x317: {  	[sflag:s26] =	ssyncadd.s32 $0xFFFFC000  }
0x318: {  	_ =	swait.ge [sflag:s26], $0x4000  }
0x319: {  	[sflag:s26] =	ssyncset.done $0x0  }
0x31a: {  	[sflag:s26] =	ssyncadd.s32 $0xFFFFC000  }
0x31b: {  	_ =	swait.ge [sflag:s26], $0x4000  }
0x31c: {  	[sflag:s26] =	ssyncset.done $0x0  }
0x31d: {  	s23 =	simm.s32 $0x0;
	[sflag:s26] =	ssyncadd.s32 $0xFFFFC000  }
0x31e: {  	v0 =	vld [tilespmem:s23+$0x1D300]  }
0x31f: {  	v1 =	vld [tilespmem:s23+$0x1CA80];
	_ =	sdelay $0x4  }
0x320: {  	v2 =	vand.u32 $0xFFFFFFF8, v1;
	v0 =	vshll.u32 v0, $0x7  }
0x321: {  	v3 =	vand.u32 $0x7, v1;
	v2 =	vadd.s32 v0, v2  }
0x322: {  	v2 =	vor.u32 v3, v2;
	_ =	sdelay $0x2  }
0x323: {  	v3 =	vadd.s32 $0x1, v1  }
0x324: {  	v4 =	vand.u32 $0xFFFFFFF8, v3  }
0x325: {  	v3 =	vand.u32 $0x7, v3;
	v4 =	vadd.s32 v0, v4;
	v5 =	vld.idx.msk [tilespmem:v2+s22+$0x0], $0xffff  }
0x326: {  	v3 =	vor.u32 v3, v4;
	_ =	sdelay $0x2  }
0x327: {  	v4 =	vadd.s32 $0x2, v1  }
0x328: {  	[tilespmem:s23+$0x10400] =	vst v5;
	v5 =	vand.u32 $0xFFFFFFF8, v4  }
0x329: {  	v4 =	vand.u32 $0x7, v4;
	v3 =	vld.idx.msk [tilespmem:v3+s22+$0x0], $0xffff;
	v5 =	vadd.s32 v0, v5  }
0x32a: {  	v4 =	vor.u32 v4, v5;
	_ =	sdelay $0x2  }
0x32b: {  	v5 =	vadd.s32 $0x3, v1  }
0x32c: {  	[tilespmem:s23+$0x10600] =	vst v3;
	v3 =	vand.u32 $0xFFFFFFF8, v5  }
0x32d: {  	v5 =	vand.u32 $0x7, v5;
	v4 =	vld.idx.msk [tilespmem:v4+s22+$0x0], $0xffff;
	v3 =	vadd.s32 v0, v3  }
0x32e: {  	v3 =	vor.u32 v5, v3;
	_ =	sdelay $0x2  }
0x32f: {  	v5 =	vadd.s32 $0x4, v1  }
0x330: {  	[tilespmem:s23+$0x10800] =	vst v4;
	v4 =	vand.u32 $0xFFFFFFF8, v5  }
0x331: {  	v5 =	vand.u32 $0x7, v5;
	v3 =	vld.idx.msk [tilespmem:v3+s22+$0x0], $0xffff;
	v4 =	vadd.s32 v0, v4  }
0x332: {  	v4 =	vor.u32 v5, v4;
	_ =	sdelay $0x2  }
0x333: {  	v5 =	vadd.s32 $0x5, v1  }
0x334: {  	[tilespmem:s23+$0x10A00] =	vst v3;
	v3 =	vand.u32 $0xFFFFFFF8, v5  }
0x335: {  	v5 =	vand.u32 $0x7, v5;
	v4 =	vld.idx.msk [tilespmem:v4+s22+$0x0], $0xffff;
	v3 =	vadd.s32 v0, v3  }
0x336: {  	v3 =	vor.u32 v5, v3;
	_ =	sdelay $0x2  }
0x337: {  	v5 =	vadd.s32 $0x6, v1  }
0x338: {  	[tilespmem:s23+$0x10C00] =	vst v4;
	v4 =	vand.u32 $0xFFFFFFF8, v5  }
0x339: {  	v5 =	vand.u32 $0x7, v5;
	v3 =	vld.idx.msk [tilespmem:v3+s22+$0x0], $0xffff;
	v4 =	vadd.s32 v0, v4  }
0x33a: {  	v4 =	vor.u32 v5, v4;
	_ =	sdelay $0x2  }
0x33b: {  	v5 =	vadd.s32 $0x7, v1  }
0x33c: {  	[tilespmem:s23+$0x10E00] =	vst v3;
	v3 =	vand.u32 $0xFFFFFFF8, v5  }
0x33d: {  	v5 =	vand.u32 $0x7, v5;
	v4 =	vld.idx.msk [tilespmem:v4+s22+$0x0], $0xffff;
	v3 =	vadd.s32 v0, v3  }
0x33e: {  	v3 =	vor.u32 v5, v3;
	_ =	sdelay $0x3  }
0x33f: {  	[tilespmem:s23+$0x11000] =	vst v4  }
0x340: {  	v3 =	vld.idx.msk [tilespmem:v3+s22+$0x0], $0xffff  }
0x341: {  	v4 =	vadd.s32 $0x8, v2;
	_ =	sdelay $0x2  }
0x342: {  	v5 =	vadd.s32 $0x9, v1  }
0x343: {  	[tilespmem:s23+$0x11200] =	vst v3;
	v3 =	vand.u32 $0xFFFFFFF8, v5  }
0x344: {  	v5 =	vand.u32 $0x7, v5;
	v4 =	vld.idx.msk [tilespmem:v4+s22+$0x0], $0xffff;
	v3 =	vadd.s32 v0, v3  }
0x345: {  	v3 =	vor.u32 v5, v3;
	_ =	sdelay $0x2  }
0x346: {  	v5 =	vadd.s32 $0xA, v1  }
0x347: {  	[tilespmem:s23+$0x11400] =	vst v4;
	v4 =	vand.u32 $0xFFFFFFF8, v5  }
0x348: {  	v5 =	vand.u32 $0x7, v5;
	v3 =	vld.idx.msk [tilespmem:v3+s22+$0x0], $0xffff;
	v4 =	vadd.s32 v0, v4  }
0x349: {  	v4 =	vor.u32 v5, v4;
	_ =	sdelay $0x2  }
0x34a: {  	v5 =	vadd.s32 $0xB, v1  }
0x34b: {  	[tilespmem:s23+$0x11600] =	vst v3;
	v3 =	vand.u32 $0xFFFFFFF8, v5  }
0x34c: {  	v5 =	vand.u32 $0x7, v5;
	v4 =	vld.idx.msk [tilespmem:v4+s22+$0x0], $0xffff;
	v3 =	vadd.s32 v0, v3  }
0x34d: {  	v3 =	vor.u32 v5, v3;
	_ =	sdelay $0x2  }
0x34e: {  	v5 =	vadd.s32 $0xC, v1  }
0x34f: {  	[tilespmem:s23+$0x11800] =	vst v4;
	v4 =	vand.u32 $0xFFFFFFF8, v5  }
0x350: {  	v5 =	vand.u32 $0x7, v5;
	v3 =	vld.idx.msk [tilespmem:v3+s22+$0x0], $0xffff;
	v4 =	vadd.s32 v0, v4  }
0x351: {  	v4 =	vor.u32 v5, v4;
	_ =	sdelay $0x2  }
0x352: {  	v5 =	vadd.s32 $0xD, v1  }
0x353: {  	[tilespmem:s23+$0x11A00] =	vst v3;
	v3 =	vand.u32 $0xFFFFFFF8, v5  }
0x354: {  	v5 =	vand.u32 $0x7, v5;
	v4 =	vld.idx.msk [tilespmem:v4+s22+$0x0], $0xffff;
	v3 =	vadd.s32 v0, v3  }
0x355: {  	v3 =	vor.u32 v5, v3;
	_ =	sdelay $0x2  }
0x356: {  	v5 =	vadd.s32 $0xE, v1  }
0x357: {  	[tilespmem:s23+$0x11C00] =	vst v4;
	v4 =	vand.u32 $0xFFFFFFF8, v5  }
0x358: {  	v5 =	vand.u32 $0x7, v5;
	v3 =	vld.idx.msk [tilespmem:v3+s22+$0x0], $0xffff;
	v4 =	vadd.s32 v0, v4  }
0x359: {  	v4 =	vor.u32 v5, v4;
	_ =	sdelay $0x2  }
0x35a: {  	v5 =	vadd.s32 $0xF, v1  }
0x35b: {  	[tilespmem:s23+$0x11E00] =	vst v3;
	v3 =	vand.u32 $0xFFFFFFF8, v5  }
0x35c: {  	v5 =	vand.u32 $0x7, v5;
	v4 =	vld.idx.msk [tilespmem:v4+s22+$0x0], $0xffff;
	v3 =	vadd.s32 v0, v3  }
0x35d: {  	v3 =	vor.u32 v5, v3;
	_ =	sdelay $0x3  }
0x35e: {  	[tilespmem:s23+$0x12000] =	vst v4  }
0x35f: {  	v3 =	vld.idx.msk [tilespmem:v3+s22+$0x0], $0xffff  }
0x360: {  	v4 =	vadd.s32 $0x10, v2;
	_ =	sdelay $0x2  }
0x361: {  	v5 =	vadd.s32 $0x11, v1  }
0x362: {  	[tilespmem:s23+$0x12200] =	vst v3;
	v3 =	vand.u32 $0xFFFFFFF8, v5  }
0x363: {  	v5 =	vand.u32 $0x7, v5;
	v4 =	vld.idx.msk [tilespmem:v4+s22+$0x0], $0xffff;
	v3 =	vadd.s32 v0, v3  }
0x364: {  	v3 =	vor.u32 v5, v3;
	_ =	sdelay $0x2  }
0x365: {  	v5 =	vadd.s32 $0x12, v1  }
0x366: {  	[tilespmem:s23+$0x12400] =	vst v4;
	v4 =	vand.u32 $0xFFFFFFF8, v5  }
0x367: {  	v5 =	vand.u32 $0x7, v5;
	v3 =	vld.idx.msk [tilespmem:v3+s22+$0x0], $0xffff;
	v4 =	vadd.s32 v0, v4  }
0x368: {  	v4 =	vor.u32 v5, v4;
	_ =	sdelay $0x2  }
0x369: {  	v5 =	vadd.s32 $0x13, v1  }
0x36a: {  	[tilespmem:s23+$0x12600] =	vst v3;
	v3 =	vand.u32 $0xFFFFFFF8, v5  }
0x36b: {  	v5 =	vand.u32 $0x7, v5;
	v4 =	vld.idx.msk [tilespmem:v4+s22+$0x0], $0xffff;
	v3 =	vadd.s32 v0, v3  }
0x36c: {  	v3 =	vor.u32 v5, v3;
	_ =	sdelay $0x2  }
0x36d: {  	v5 =	vadd.s32 $0x14, v1  }
0x36e: {  	[tilespmem:s23+$0x12800] =	vst v4;
	v4 =	vand.u32 $0xFFFFFFF8, v5  }
0x36f: {  	v5 =	vand.u32 $0x7, v5;
	v3 =	vld.idx.msk [tilespmem:v3+s22+$0x0], $0xffff;
	v4 =	vadd.s32 v0, v4  }
0x370: {  	v4 =	vor.u32 v5, v4;
	_ =	sdelay $0x2  }
0x371: {  	v5 =	vadd.s32 $0x15, v1  }
0x372: {  	[tilespmem:s23+$0x12A00] =	vst v3;
	v3 =	vand.u32 $0xFFFFFFF8, v5  }
0x373: {  	v5 =	vand.u32 $0x7, v5;
	v4 =	vld.idx.msk [tilespmem:v4+s22+$0x0], $0xffff;
	v3 =	vadd.s32 v0, v3  }
0x374: {  	v3 =	vor.u32 v5, v3;
	_ =	sdelay $0x2  }
0x375: {  	v5 =	vadd.s32 $0x16, v1  }
0x376: {  	[tilespmem:s23+$0x12C00] =	vst v4;
	v4 =	vand.u32 $0xFFFFFFF8, v5  }
0x377: {  	v5 =	vand.u32 $0x7, v5;
	v3 =	vld.idx.msk [tilespmem:v3+s22+$0x0], $0xffff;
	v4 =	vadd.s32 v0, v4  }
0x378: {  	v4 =	vor.u32 v5, v4;
	_ =	sdelay $0x2  }
0x379: {  	v5 =	vadd.s32 $0x17, v1  }
0x37a: {  	[tilespmem:s23+$0x12E00] =	vst v3;
	v3 =	vand.u32 $0xFFFFFFF8, v5  }
0x37b: {  	v5 =	vand.u32 $0x7, v5;
	v4 =	vld.idx.msk [tilespmem:v4+s22+$0x0], $0xffff;
	v3 =	vadd.s32 v0, v3  }
0x37c: {  	v3 =	vor.u32 v5, v3;
	_ =	sdelay $0x3  }
0x37d: {  	[tilespmem:s23+$0x13000] =	vst v4  }
0x37e: {  	v3 =	vld.idx.msk [tilespmem:v3+s22+$0x0], $0xffff  }
0x37f: {  	v2 =	vadd.s32 $0x18, v2;
	_ =	sdelay $0x2  }
0x380: {  	v4 =	vadd.s32 $0x19, v1  }
0x381: {  	[tilespmem:s23+$0x13200] =	vst v3;
	v3 =	vand.u32 $0xFFFFFFF8, v4  }
0x382: {  	v4 =	vand.u32 $0x7, v4;
	v2 =	vld.idx.msk [tilespmem:v2+s22+$0x0], $0xffff;
	v3 =	vadd.s32 v0, v3  }
0x383: {  	v3 =	vor.u32 v4, v3;
	_ =	sdelay $0x2  }
0x384: {  	v4 =	vadd.s32 $0x1A, v1  }
0x385: {  	[tilespmem:s23+$0x13400] =	vst v2;
	v2 =	vand.u32 $0xFFFFFFF8, v4  }
0x386: {  	v4 =	vand.u32 $0x7, v4;
	v3 =	vld.idx.msk [tilespmem:v3+s22+$0x0], $0xffff;
	v2 =	vadd.s32 v0, v2  }
0x387: {  	v2 =	vor.u32 v4, v2;
	_ =	sdelay $0x2  }
0x388: {  	v4 =	vadd.s32 $0x1B, v1  }
0x389: {  	[tilespmem:s23+$0x13600] =	vst v3;
	v3 =	vand.u32 $0xFFFFFFF8, v4  }
0x38a: {  	v4 =	vand.u32 $0x7, v4;
	v2 =	vld.idx.msk [tilespmem:v2+s22+$0x0], $0xffff;
	v3 =	vadd.s32 v0, v3  }
0x38b: {  	v3 =	vor.u32 v4, v3;
	_ =	sdelay $0x2  }
0x38c: {  	v4 =	vadd.s32 $0x1C, v1  }
0x38d: {  	[tilespmem:s23+$0x13800] =	vst v2;
	v2 =	vand.u32 $0xFFFFFFF8, v4  }
0x38e: {  	v4 =	vand.u32 $0x7, v4;
	v3 =	vld.idx.msk [tilespmem:v3+s22+$0x0], $0xffff;
	v2 =	vadd.s32 v0, v2  }
0x38f: {  	v2 =	vor.u32 v4, v2;
	_ =	sdelay $0x2  }
0x390: {  	v4 =	vadd.s32 $0x1D, v1  }
0x391: {  	[tilespmem:s23+$0x13A00] =	vst v3;
	v3 =	vand.u32 $0xFFFFFFF8, v4  }
0x392: {  	v4 =	vand.u32 $0x7, v4;
	v2 =	vld.idx.msk [tilespmem:v2+s22+$0x0], $0xffff;
	v3 =	vadd.s32 v0, v3  }
0x393: {  	v3 =	vor.u32 v4, v3;
	_ =	sdelay $0x2  }
0x394: {  	v4 =	vadd.s32 $0x1E, v1  }
0x395: {  	[tilespmem:s23+$0x13C00] =	vst v2;
	v2 =	vand.u32 $0xFFFFFFF8, v4  }
0x396: {  	v4 =	vand.u32 $0x7, v4;
	v3 =	vld.idx.msk [tilespmem:v3+s22+$0x0], $0xffff;
	v2 =	vadd.s32 v0, v2  }
0x397: {  	v2 =	vor.u32 v4, v2;
	_ =	sdelay $0x3  }
0x398: {  	v1 =	vadd.s32 $0x1F, v1;
	[tilespmem:s23+$0x13E00] =	vst v3  }
0x399: {  	s3 =	simm.s32 $0x10;
	v5 =	vand.u32 $0xFFFFFFF8, v1;
	v2 =	vld.idx.msk [tilespmem:v2+s22+$0x0], $0xffff  }
0x39a: {  	s25 =	simm.s32 $0x80;
	v5 =	vadd.s32 v0, v5;
	v4 =	vand.u32 $0x7, v1;
	v3 =	vld [tilespmem:s3+$0x1D300]  }
.LBB2_4:
0x39b: {  	p0 =	sne.s32 s25, $0x7C0;
	v0 =	vld [tilespmem:s3+$0x1CA80];
	v4 =	vor.u32 v4, v5;
	_ =	sdelay $0x3  }
0x39c: {  	[tilespmem:s23+$0x14000] =	vst v2  }
0x39d: {  	v1 =	vshll.u32 v3, $0x7;
	v2 =	vand.u32 $0xFFFFFFF8, v0;
	v3 =	vld.idx.msk [tilespmem:v4+s22+$0x0], $0xffff  }
0x39e: {  	v4 =	vand.u32 $0x7, v0;
	v2 =	vadd.s32 v1, v2  }
0x39f: {  	v2 =	vor.u32 v4, v2;
	_ =	sdelay $0x3  }
0x3a0: {  	v4 =	vadd.s32 $0x1, v0;
	[tilespmem:s23+$0x14200] =	vst v3;
	s23 =	smov.u32 s3  }
0x3a1: {  	v5 =	vand.u32 $0xFFFFFFF8, v4;
	v3 =	vld.idx.msk [tilespmem:v2+s22+$0x0], $0xffff  }
0x3a2: {  	v4 =	vand.u32 $0x7, v4;
	v5 =	vadd.s32 v1, v5  }
0x3a3: {  	v4 =	vor.u32 v4, v5;
	_ =	sdelay $0x3  }
0x3a4: {  	[tilespmem:s23+$0x10400] =	vst v3;
	v3 =	vadd.s32 $0x2, v0  }
0x3a5: {  	v4 =	vld.idx.msk [tilespmem:v4+s22+$0x0], $0xffff;
	v5 =	vand.u32 $0xFFFFFFF8, v3  }
0x3a6: {  	v3 =	vand.u32 $0x7, v3;
	v5 =	vadd.s32 v1, v5  }
0x3a7: {  	v3 =	vor.u32 v3, v5;
	_ =	sdelay $0x3  }
0x3a8: {  	[tilespmem:s23+$0x10600] =	vst v4;
	v4 =	vadd.s32 $0x3, v0  }
0x3a9: {  	v3 =	vld.idx.msk [tilespmem:v3+s22+$0x0], $0xffff;
	v5 =	vand.u32 $0xFFFFFFF8, v4  }
0x3aa: {  	v4 =	vand.u32 $0x7, v4;
	v5 =	vadd.s32 v1, v5  }
0x3ab: {  	v4 =	vor.u32 v4, v5;
	_ =	sdelay $0x3  }
0x3ac: {  	[tilespmem:s23+$0x10800] =	vst v3;
	v3 =	vadd.s32 $0x4, v0  }
0x3ad: {  	v4 =	vld.idx.msk [tilespmem:v4+s22+$0x0], $0xffff;
	v5 =	vand.u32 $0xFFFFFFF8, v3  }
0x3ae: {  	v3 =	vand.u32 $0x7, v3;
	v5 =	vadd.s32 v1, v5  }
0x3af: {  	v3 =	vor.u32 v3, v5;
	_ =	sdelay $0x3  }
0x3b0: {  	[tilespmem:s23+$0x10A00] =	vst v4;
	v4 =	vadd.s32 $0x5, v0  }
0x3b1: {  	v3 =	vld.idx.msk [tilespmem:v3+s22+$0x0], $0xffff;
	v5 =	vand.u32 $0xFFFFFFF8, v4  }
0x3b2: {  	v4 =	vand.u32 $0x7, v4;
	v5 =	vadd.s32 v1, v5  }
0x3b3: {  	v4 =	vor.u32 v4, v5;
	_ =	sdelay $0x3  }
0x3b4: {  	[tilespmem:s23+$0x10C00] =	vst v3;
	v3 =	vadd.s32 $0x6, v0  }
0x3b5: {  	v4 =	vld.idx.msk [tilespmem:v4+s22+$0x0], $0xffff;
	v5 =	vand.u32 $0xFFFFFFF8, v3  }
0x3b6: {  	v3 =	vand.u32 $0x7, v3;
	v5 =	vadd.s32 v1, v5  }
0x3b7: {  	v3 =	vor.u32 v3, v5;
	_ =	sdelay $0x3  }
0x3b8: {  	[tilespmem:s23+$0x10E00] =	vst v4;
	v4 =	vadd.s32 $0x7, v0  }
0x3b9: {  	v3 =	vld.idx.msk [tilespmem:v3+s22+$0x0], $0xffff;
	v5 =	vand.u32 $0xFFFFFFF8, v4  }
0x3ba: {  	v4 =	vand.u32 $0x7, v4;
	v5 =	vadd.s32 v1, v5  }
0x3bb: {  	v4 =	vor.u32 v4, v5;
	_ =	sdelay $0x3  }
0x3bc: {  	[tilespmem:s23+$0x11000] =	vst v3  }
0x3bd: {  	v3 =	vld.idx.msk [tilespmem:v4+s22+$0x0], $0xffff;
	_ =	sdelay $0x1  }
0x3be: {  	v4 =	vadd.s32 $0x8, v2;
	_ =	sdelay $0x3  }
0x3bf: {  	[tilespmem:s23+$0x11200] =	vst v3;
	v3 =	vadd.s32 $0x9, v0  }
0x3c0: {  	v4 =	vld.idx.msk [tilespmem:v4+s22+$0x0], $0xffff;
	v5 =	vand.u32 $0xFFFFFFF8, v3  }
0x3c1: {  	v3 =	vand.u32 $0x7, v3;
	v5 =	vadd.s32 v1, v5  }
0x3c2: {  	v3 =	vor.u32 v3, v5;
	_ =	sdelay $0x3  }
0x3c3: {  	[tilespmem:s23+$0x11400] =	vst v4;
	v4 =	vadd.s32 $0xA, v0  }
0x3c4: {  	v3 =	vld.idx.msk [tilespmem:v3+s22+$0x0], $0xffff;
	v5 =	vand.u32 $0xFFFFFFF8, v4  }
0x3c5: {  	v4 =	vand.u32 $0x7, v4;
	v5 =	vadd.s32 v1, v5  }
0x3c6: {  	v4 =	vor.u32 v4, v5;
	_ =	sdelay $0x3  }
0x3c7: {  	[tilespmem:s23+$0x11600] =	vst v3;
	v3 =	vadd.s32 $0xB, v0  }
0x3c8: {  	v4 =	vld.idx.msk [tilespmem:v4+s22+$0x0], $0xffff;
	v5 =	vand.u32 $0xFFFFFFF8, v3  }
0x3c9: {  	v3 =	vand.u32 $0x7, v3;
	v5 =	vadd.s32 v1, v5  }
0x3ca: {  	v3 =	vor.u32 v3, v5;
	_ =	sdelay $0x3  }
0x3cb: {  	[tilespmem:s23+$0x11800] =	vst v4;
	v4 =	vadd.s32 $0xC, v0  }
0x3cc: {  	v3 =	vld.idx.msk [tilespmem:v3+s22+$0x0], $0xffff;
	v5 =	vand.u32 $0xFFFFFFF8, v4  }
0x3cd: {  	v4 =	vand.u32 $0x7, v4;
	v5 =	vadd.s32 v1, v5  }
0x3ce: {  	v4 =	vor.u32 v4, v5;
	_ =	sdelay $0x3  }
0x3cf: {  	[tilespmem:s23+$0x11A00] =	vst v3;
	v3 =	vadd.s32 $0xD, v0  }
0x3d0: {  	v4 =	vld.idx.msk [tilespmem:v4+s22+$0x0], $0xffff;
	v5 =	vand.u32 $0xFFFFFFF8, v3  }
0x3d1: {  	v3 =	vand.u32 $0x7, v3;
	v5 =	vadd.s32 v1, v5  }
0x3d2: {  	v3 =	vor.u32 v3, v5;
	_ =	sdelay $0x3  }
0x3d3: {  	[tilespmem:s23+$0x11C00] =	vst v4;
	v4 =	vadd.s32 $0xE, v0  }
0x3d4: {  	v3 =	vld.idx.msk [tilespmem:v3+s22+$0x0], $0xffff;
	v5 =	vand.u32 $0xFFFFFFF8, v4  }
0x3d5: {  	v4 =	vand.u32 $0x7, v4;
	v5 =	vadd.s32 v1, v5  }
0x3d6: {  	v4 =	vor.u32 v4, v5;
	_ =	sdelay $0x3  }
0x3d7: {  	[tilespmem:s23+$0x11E00] =	vst v3;
	v3 =	vadd.s32 $0xF, v0  }
0x3d8: {  	v4 =	vld.idx.msk [tilespmem:v4+s22+$0x0], $0xffff;
	v5 =	vand.u32 $0xFFFFFFF8, v3  }
0x3d9: {  	v3 =	vand.u32 $0x7, v3;
	v5 =	vadd.s32 v1, v5  }
0x3da: {  	v3 =	vor.u32 v3, v5;
	_ =	sdelay $0x3  }
0x3db: {  	[tilespmem:s23+$0x12000] =	vst v4  }
0x3dc: {  	v3 =	vld.idx.msk [tilespmem:v3+s22+$0x0], $0xffff;
	_ =	sdelay $0x1  }
0x3dd: {  	v4 =	vadd.s32 $0x10, v2;
	_ =	sdelay $0x3  }
0x3de: {  	[tilespmem:s23+$0x12200] =	vst v3;
	v3 =	vadd.s32 $0x11, v0  }
0x3df: {  	v4 =	vld.idx.msk [tilespmem:v4+s22+$0x0], $0xffff;
	v5 =	vand.u32 $0xFFFFFFF8, v3  }
0x3e0: {  	v3 =	vand.u32 $0x7, v3;
	v5 =	vadd.s32 v1, v5  }
0x3e1: {  	v3 =	vor.u32 v3, v5;
	_ =	sdelay $0x3  }
0x3e2: {  	[tilespmem:s23+$0x12400] =	vst v4;
	v4 =	vadd.s32 $0x12, v0  }
0x3e3: {  	v3 =	vld.idx.msk [tilespmem:v3+s22+$0x0], $0xffff;
	v5 =	vand.u32 $0xFFFFFFF8, v4  }
0x3e4: {  	v4 =	vand.u32 $0x7, v4;
	v5 =	vadd.s32 v1, v5  }
0x3e5: {  	v4 =	vor.u32 v4, v5;
	_ =	sdelay $0x3  }
0x3e6: {  	[tilespmem:s23+$0x12600] =	vst v3;
	v3 =	vadd.s32 $0x13, v0  }
0x3e7: {  	v4 =	vld.idx.msk [tilespmem:v4+s22+$0x0], $0xffff;
	v5 =	vand.u32 $0xFFFFFFF8, v3  }
0x3e8: {  	v3 =	vand.u32 $0x7, v3;
	v5 =	vadd.s32 v1, v5  }
0x3e9: {  	v3 =	vor.u32 v3, v5;
	_ =	sdelay $0x3  }
0x3ea: {  	[tilespmem:s23+$0x12800] =	vst v4;
	v4 =	vadd.s32 $0x14, v0  }
0x3eb: {  	v3 =	vld.idx.msk [tilespmem:v3+s22+$0x0], $0xffff;
	v5 =	vand.u32 $0xFFFFFFF8, v4  }
0x3ec: {  	v4 =	vand.u32 $0x7, v4;
	v5 =	vadd.s32 v1, v5  }
0x3ed: {  	v4 =	vor.u32 v4, v5;
	_ =	sdelay $0x3  }
0x3ee: {  	[tilespmem:s23+$0x12A00] =	vst v3;
	v3 =	vadd.s32 $0x15, v0  }
0x3ef: {  	v4 =	vld.idx.msk [tilespmem:v4+s22+$0x0], $0xffff;
	v5 =	vand.u32 $0xFFFFFFF8, v3  }
0x3f0: {  	v3 =	vand.u32 $0x7, v3;
	v5 =	vadd.s32 v1, v5  }
0x3f1: {  	v3 =	vor.u32 v3, v5;
	_ =	sdelay $0x3  }
0x3f2: {  	[tilespmem:s23+$0x12C00] =	vst v4;
	v4 =	vadd.s32 $0x16, v0  }
0x3f3: {  	v3 =	vld.idx.msk [tilespmem:v3+s22+$0x0], $0xffff;
	v5 =	vand.u32 $0xFFFFFFF8, v4  }
0x3f4: {  	v4 =	vand.u32 $0x7, v4;
	v5 =	vadd.s32 v1, v5  }
0x3f5: {  	v4 =	vor.u32 v4, v5;
	_ =	sdelay $0x3  }
0x3f6: {  	[tilespmem:s23+$0x12E00] =	vst v3;
	v3 =	vadd.s32 $0x17, v0  }
0x3f7: {  	v4 =	vld.idx.msk [tilespmem:v4+s22+$0x0], $0xffff;
	v5 =	vand.u32 $0xFFFFFFF8, v3  }
0x3f8: {  	v3 =	vand.u32 $0x7, v3;
	v5 =	vadd.s32 v1, v5  }
0x3f9: {  	v3 =	vor.u32 v3, v5;
	_ =	sdelay $0x3  }
0x3fa: {  	[tilespmem:s23+$0x13000] =	vst v4  }
0x3fb: {  	v3 =	vld.idx.msk [tilespmem:v3+s22+$0x0], $0xffff;
	_ =	sdelay $0x1  }
0x3fc: {  	v2 =	vadd.s32 $0x18, v2;
	_ =	sdelay $0x3  }
0x3fd: {  	[tilespmem:s23+$0x13200] =	vst v3;
	v3 =	vadd.s32 $0x19, v0  }
0x3fe: {  	v2 =	vld.idx.msk [tilespmem:v2+s22+$0x0], $0xffff;
	v4 =	vand.u32 $0xFFFFFFF8, v3  }
0x3ff: {  	v3 =	vand.u32 $0x7, v3;
	v4 =	vadd.s32 v1, v4  }
0x400: {  	v3 =	vor.u32 v3, v4;
	_ =	sdelay $0x3  }
0x401: {  	[tilespmem:s23+$0x13400] =	vst v2;
	v2 =	vadd.s32 $0x1A, v0  }
0x402: {  	v3 =	vld.idx.msk [tilespmem:v3+s22+$0x0], $0xffff;
	v4 =	vand.u32 $0xFFFFFFF8, v2  }
0x403: {  	v2 =	vand.u32 $0x7, v2;
	v4 =	vadd.s32 v1, v4  }
0x404: {  	v2 =	vor.u32 v2, v4;
	_ =	sdelay $0x3  }
0x405: {  	[tilespmem:s23+$0x13600] =	vst v3;
	v3 =	vadd.s32 $0x1B, v0  }
0x406: {  	v2 =	vld.idx.msk [tilespmem:v2+s22+$0x0], $0xffff;
	v4 =	vand.u32 $0xFFFFFFF8, v3  }
0x407: {  	v3 =	vand.u32 $0x7, v3;
	v4 =	vadd.s32 v1, v4  }
0x408: {  	v3 =	vor.u32 v3, v4;
	_ =	sdelay $0x3  }
0x409: {  	[tilespmem:s23+$0x13800] =	vst v2;
	v2 =	vadd.s32 $0x1C, v0  }
0x40a: {  	v3 =	vld.idx.msk [tilespmem:v3+s22+$0x0], $0xffff;
	v4 =	vand.u32 $0xFFFFFFF8, v2  }
0x40b: {  	v2 =	vand.u32 $0x7, v2;
	v4 =	vadd.s32 v1, v4  }
0x40c: {  	v2 =	vor.u32 v2, v4;
	_ =	sdelay $0x3  }
0x40d: {  	[tilespmem:s23+$0x13A00] =	vst v3;
	v3 =	vadd.s32 $0x1D, v0  }
0x40e: {  	v2 =	vld.idx.msk [tilespmem:v2+s22+$0x0], $0xffff;
	v4 =	vand.u32 $0xFFFFFFF8, v3  }
0x40f: {  	v3 =	vand.u32 $0x7, v3;
	v4 =	vadd.s32 v1, v4  }
0x410: {  	v3 =	vor.u32 v3, v4;
	_ =	sdelay $0x3  }
0x411: {  	[tilespmem:s23+$0x13C00] =	vst v2;
	v2 =	vadd.s32 $0x1E, v0  }
0x412: {  	v3 =	vld.idx.msk [tilespmem:v3+s22+$0x0], $0xffff;
	v4 =	vand.u32 $0xFFFFFFF8, v2  }
0x413: {  	v2 =	vand.u32 $0x7, v2;
	v4 =	vadd.s32 v1, v4  }
0x414: {  	v2 =	vor.u32 v2, v4;
	_ =	sdelay $0x1  }
.Ltmp1:
0x415: {  	(pc) =	sbr.rel @p0 .LBB2_4-.Ltmp1, $4  }
0x416: {  	_ = 	snop  }
0x417: {  	v0 =	vadd.s32 $0x1F, v0;
	[tilespmem:s23+$0x13E00] =	vst v3  }
0x418: {  	s3 =	sshra.s32 s25, $0x2;
	v5 =	vand.u32 $0xFFFFFFF8, v0;
	v2 =	vld.idx.msk [tilespmem:v2+s22+$0x0], $0xffff  }
0x419: {  	s25 =	sadd.s32 $0x40, s25;
	v5 =	vadd.s32 v1, v5;
	v4 =	vand.u32 $0x7, v0;
	v3 =	vld [tilespmem:s3+$0x1D300]  }
0x41a: {  	v1 =	vld [tilespmem:s3+$0x1CA80]  }
0x41b: {  	v4 =	vor.u32 v4, v5;
	_ =	sdelay $0x3  }
0x41c: {  	[tilespmem:s23+$0x14000] =	vst v2;
	v0 =	vshll.u32 v3, $0x7;
	v2 =	vand.u32 $0xFFFFFFF8, v1  }
0x41d: {  	v3 =	vld.idx.msk [tilespmem:v4+s22+$0x0], $0xffff;
	v24 =	vand.u32 $0x7, v1;
	v2 =	vadd.s32 v0, v2  }
0x41e: {  	v2 =	vor.u32 v24, v2;
	_ =	sdelay $0x2  }
0x41f: {  	v25 =	vadd.s32 $0x1, v1  }
0x420: {  	[tilespmem:s23+$0x14200] =	vst v3;
	v3 =	vand.u32 $0xFFFFFFF8, v25  }
0x421: {  	v4 =	vand.u32 $0x7, v25;
	v3 =	vadd.s32 v0, v3;
	v26 =	vld.idx.msk [tilespmem:v2+s22+$0x0], $0xffff  }
0x422: {  	v3 =	vor.u32 v4, v3;
	_ =	sdelay $0x2  }
0x423: {  	v27 =	vadd.s32 $0x2, v1  }
0x424: {  	v28 =	vand.u32 $0xFFFFFFF8, v27;
	[tilespmem:s3+$0x10400] =	vst v26  }
0x425: {  	v5 =	vadd.s32 v0, v28;
	v4 =	vand.u32 $0x7, v27;
	v3 =	vld.idx.msk [tilespmem:v3+s22+$0x0], $0xffff  }
0x426: {  	v4 =	vor.u32 v4, v5;
	_ =	sdelay $0x2  }
0x427: {  	v29 =	vadd.s32 $0x3, v1  }
0x428: {  	[tilespmem:s3+$0x10600] =	vst v3;
	v3 =	vand.u32 $0xFFFFFFF8, v29  }
0x429: {  	v5 =	vand.u32 $0x7, v29;
	v4 =	vld.idx.msk [tilespmem:v4+s22+$0x0], $0xffff;
	v3 =	vadd.s32 v0, v3  }
0x42a: {  	v3 =	vor.u32 v5, v3;
	_ =	sdelay $0x2  }
0x42b: {  	v30 =	vadd.s32 $0x4, v1  }
0x42c: {  	v31 =	vand.u32 $0xFFFFFFF8, v30;
	[tilespmem:s3+$0x10800] =	vst v4  }
0x42d: {  	v5 =	vand.u32 $0x7, v30;
	v4 =	vadd.s32 v0, v31;
	v3 =	vld.idx.msk [tilespmem:v3+s22+$0x0], $0xffff  }
0x42e: {  	v4 =	vor.u32 v5, v4;
	_ =	sdelay $0x2  }
0x42f: {  	v32 =	vadd.s32 $0x5, v1  }
0x430: {  	[tilespmem:s3+$0x10A00] =	vst v3;
	v3 =	vand.u32 $0xFFFFFFF8, v32  }
0x431: {  	v5 =	vand.u32 $0x7, v32;
	v4 =	vld.idx.msk [tilespmem:v4+s22+$0x0], $0xffff;
	v3 =	vadd.s32 v0, v3  }
0x432: {  	v3 =	vor.u32 v5, v3;
	_ =	sdelay $0x2  }
0x433: {  	v33 =	vadd.s32 $0x6, v1  }
0x434: {  	v34 =	vand.u32 $0xFFFFFFF8, v33;
	[tilespmem:s3+$0x10C00] =	vst v4  }
0x435: {  	v5 =	vand.u32 $0x7, v33;
	v4 =	vadd.s32 v0, v34;
	v3 =	vld.idx.msk [tilespmem:v3+s22+$0x0], $0xffff  }
0x436: {  	v4 =	vor.u32 v5, v4;
	_ =	sdelay $0x2  }
0x437: {  	v35 =	vadd.s32 $0x7, v1  }
0x438: {  	[tilespmem:s3+$0x10E00] =	vst v3;
	v3 =	vand.u32 $0xFFFFFFF8, v35  }
0x439: {  	v5 =	vand.u32 $0x7, v35;
	v4 =	vld.idx.msk [tilespmem:v4+s22+$0x0], $0xffff;
	v3 =	vadd.s32 v0, v3  }
0x43a: {  	v3 =	vor.u32 v5, v3;
	_ =	sdelay $0x3  }
0x43b: {  	[tilespmem:s3+$0x11000] =	vst v4  }
0x43c: {  	v3 =	vld.idx.msk [tilespmem:v3+s22+$0x0], $0xffff  }
0x43d: {  	v36 =	vadd.s32 $0x8, v2;
	_ =	sdelay $0x2  }
0x43e: {  	v37 =	vadd.s32 $0x9, v1  }
0x43f: {  	[tilespmem:s3+$0x11200] =	vst v3;
	v3 =	vand.u32 $0xFFFFFFF8, v37  }
0x440: {  	v5 =	vand.u32 $0x7, v37;
	v4 =	vld.idx.msk [tilespmem:v36+s22+$0x0], $0xffff;
	v3 =	vadd.s32 v0, v3  }
0x441: {  	v3 =	vor.u32 v5, v3;
	_ =	sdelay $0x2  }
0x442: {  	v38 =	vadd.s32 $0xA, v1  }
0x443: {  	v39 =	vand.u32 $0xFFFFFFF8, v38;
	[tilespmem:s3+$0x11400] =	vst v4  }
0x444: {  	v5 =	vand.u32 $0x7, v38;
	v4 =	vadd.s32 v0, v39;
	v3 =	vld.idx.msk [tilespmem:v3+s22+$0x0], $0xffff  }
0x445: {  	v4 =	vor.u32 v5, v4;
	_ =	sdelay $0x2  }
0x446: {  	v40 =	vadd.s32 $0xB, v1  }
0x447: {  	[tilespmem:s3+$0x11600] =	vst v3;
	v3 =	vand.u32 $0xFFFFFFF8, v40  }
0x448: {  	v5 =	vand.u32 $0x7, v40;
	v4 =	vld.idx.msk [tilespmem:v4+s22+$0x0], $0xffff;
	v3 =	vadd.s32 v0, v3  }
0x449: {  	v3 =	vor.u32 v5, v3;
	_ =	sdelay $0x2  }
0x44a: {  	v41 =	vadd.s32 $0xC, v1  }
0x44b: {  	v42 =	vand.u32 $0xFFFFFFF8, v41;
	[tilespmem:s3+$0x11800] =	vst v4  }
0x44c: {  	v5 =	vand.u32 $0x7, v41;
	v4 =	vadd.s32 v0, v42;
	v3 =	vld.idx.msk [tilespmem:v3+s22+$0x0], $0xffff  }
0x44d: {  	v4 =	vor.u32 v5, v4;
	_ =	sdelay $0x2  }
0x44e: {  	v43 =	vadd.s32 $0xD, v1  }
0x44f: {  	[tilespmem:s3+$0x11A00] =	vst v3;
	v3 =	vand.u32 $0xFFFFFFF8, v43  }
0x450: {  	v5 =	vand.u32 $0x7, v43;
	v4 =	vld.idx.msk [tilespmem:v4+s22+$0x0], $0xffff;
	v3 =	vadd.s32 v0, v3  }
0x451: {  	v3 =	vor.u32 v5, v3;
	_ =	sdelay $0x2  }
0x452: {  	v44 =	vadd.s32 $0xE, v1  }
0x453: {  	v45 =	vand.u32 $0xFFFFFFF8, v44;
	[tilespmem:s3+$0x11C00] =	vst v4  }
0x454: {  	v5 =	vand.u32 $0x7, v44;
	v4 =	vadd.s32 v0, v45;
	v3 =	vld.idx.msk [tilespmem:v3+s22+$0x0], $0xffff  }
0x455: {  	v4 =	vor.u32 v5, v4;
	_ =	sdelay $0x2  }
0x456: {  	v46 =	vadd.s32 $0xF, v1  }
0x457: {  	[tilespmem:s3+$0x11E00] =	vst v3;
	v3 =	vand.u32 $0xFFFFFFF8, v46  }
0x458: {  	v5 =	vand.u32 $0x7, v46;
	v4 =	vld.idx.msk [tilespmem:v4+s22+$0x0], $0xffff;
	v3 =	vadd.s32 v0, v3  }
0x459: {  	v3 =	vor.u32 v5, v3;
	_ =	sdelay $0x3  }
0x45a: {  	[tilespmem:s3+$0x12000] =	vst v4  }
0x45b: {  	v3 =	vld.idx.msk [tilespmem:v3+s22+$0x0], $0xffff  }
0x45c: {  	v47 =	vadd.s32 $0x10, v2;
	_ =	sdelay $0x2  }
0x45d: {  	v48 =	vadd.s32 $0x11, v1  }
0x45e: {  	[tilespmem:s3+$0x12200] =	vst v3;
	v3 =	vand.u32 $0xFFFFFFF8, v48  }
0x45f: {  	v5 =	vand.u32 $0x7, v48;
	v4 =	vld.idx.msk [tilespmem:v47+s22+$0x0], $0xffff;
	v3 =	vadd.s32 v0, v3  }
0x460: {  	v3 =	vor.u32 v5, v3;
	_ =	sdelay $0x2  }
0x461: {  	v49 =	vadd.s32 $0x12, v1  }
0x462: {  	v50 =	vand.u32 $0xFFFFFFF8, v49;
	[tilespmem:s3+$0x12400] =	vst v4  }
0x463: {  	v5 =	vand.u32 $0x7, v49;
	v4 =	vadd.s32 v0, v50;
	v3 =	vld.idx.msk [tilespmem:v3+s22+$0x0], $0xffff  }
0x464: {  	v4 =	vor.u32 v5, v4;
	_ =	sdelay $0x2  }
0x465: {  	v51 =	vadd.s32 $0x13, v1  }
0x466: {  	[tilespmem:s3+$0x12600] =	vst v3;
	v3 =	vand.u32 $0xFFFFFFF8, v51  }
0x467: {  	v5 =	vand.u32 $0x7, v51;
	v4 =	vld.idx.msk [tilespmem:v4+s22+$0x0], $0xffff;
	v3 =	vadd.s32 v0, v3  }
0x468: {  	v3 =	vor.u32 v5, v3;
	_ =	sdelay $0x2  }
0x469: {  	v52 =	vadd.s32 $0x14, v1  }
0x46a: {  	v53 =	vand.u32 $0xFFFFFFF8, v52;
	[tilespmem:s3+$0x12800] =	vst v4  }
0x46b: {  	v5 =	vand.u32 $0x7, v52;
	v4 =	vadd.s32 v0, v53;
	v3 =	vld.idx.msk [tilespmem:v3+s22+$0x0], $0xffff  }
0x46c: {  	v4 =	vor.u32 v5, v4;
	_ =	sdelay $0x2  }
0x46d: {  	v54 =	vadd.s32 $0x15, v1  }
0x46e: {  	[tilespmem:s3+$0x12A00] =	vst v3;
	v3 =	vand.u32 $0xFFFFFFF8, v54  }
0x46f: {  	v5 =	vand.u32 $0x7, v54;
	v4 =	vld.idx.msk [tilespmem:v4+s22+$0x0], $0xffff;
	v3 =	vadd.s32 v0, v3  }
0x470: {  	v3 =	vor.u32 v5, v3;
	_ =	sdelay $0x2  }
0x471: {  	v55 =	vadd.s32 $0x16, v1  }
0x472: {  	v56 =	vand.u32 $0xFFFFFFF8, v55;
	[tilespmem:s3+$0x12C00] =	vst v4  }
0x473: {  	v5 =	vand.u32 $0x7, v55;
	v4 =	vadd.s32 v0, v56;
	v3 =	vld.idx.msk [tilespmem:v3+s22+$0x0], $0xffff  }
0x474: {  	v4 =	vor.u32 v5, v4;
	_ =	sdelay $0x2  }
0x475: {  	v57 =	vadd.s32 $0x17, v1  }
0x476: {  	[tilespmem:s3+$0x12E00] =	vst v3;
	v3 =	vand.u32 $0xFFFFFFF8, v57  }
0x477: {  	v5 =	vand.u32 $0x7, v57;
	v4 =	vld.idx.msk [tilespmem:v4+s22+$0x0], $0xffff;
	v3 =	vadd.s32 v0, v3  }
0x478: {  	v3 =	vor.u32 v5, v3;
	_ =	sdelay $0x3  }
0x479: {  	[tilespmem:s3+$0x13000] =	vst v4  }
0x47a: {  	v3 =	vld.idx.msk [tilespmem:v3+s22+$0x0], $0xffff  }
0x47b: {  	v2 =	vadd.s32 $0x18, v2;
	_ =	sdelay $0x2  }
0x47c: {  	v58 =	vadd.s32 $0x19, v1  }
0x47d: {  	[tilespmem:s3+$0x13200] =	vst v3;
	v3 =	vand.u32 $0xFFFFFFF8, v58  }
0x47e: {  	v4 =	vand.u32 $0x7, v58;
	v2 =	vld.idx.msk [tilespmem:v2+s22+$0x0], $0xffff;
	v3 =	vadd.s32 v0, v3  }
0x47f: {  	v3 =	vor.u32 v4, v3;
	_ =	sdelay $0x2  }
0x480: {  	v59 =	vadd.s32 $0x1A, v1  }
0x481: {  	[tilespmem:s3+$0x13400] =	vst v2;
	v2 =	vand.u32 $0xFFFFFFF8, v59  }
0x482: {  	v4 =	vand.u32 $0x7, v59;
	v3 =	vld.idx.msk [tilespmem:v3+s22+$0x0], $0xffff;
	v2 =	vadd.s32 v0, v2  }
0x483: {  	v2 =	vor.u32 v4, v2;
	_ =	sdelay $0x2  }
0x484: {  	v60 =	vadd.s32 $0x1B, v1  }
0x485: {  	[tilespmem:s3+$0x13600] =	vst v3;
	v3 =	vand.u32 $0xFFFFFFF8, v60  }
0x486: {  	v4 =	vand.u32 $0x7, v60;
	v2 =	vld.idx.msk [tilespmem:v2+s22+$0x0], $0xffff;
	v3 =	vadd.s32 v0, v3  }
0x487: {  	v3 =	vor.u32 v4, v3;
	_ =	sdelay $0x2  }
0x488: {  	v61 =	vadd.s32 $0x1C, v1  }
0x489: {  	[tilespmem:s3+$0x13800] =	vst v2;
	v2 =	vand.u32 $0xFFFFFFF8, v61  }
0x48a: {  	v4 =	vand.u32 $0x7, v61;
	v3 =	vld.idx.msk [tilespmem:v3+s22+$0x0], $0xffff;
	v2 =	vadd.s32 v0, v2  }
0x48b: {  	v2 =	vor.u32 v4, v2;
	_ =	sdelay $0x2  }
0x48c: {  	v62 =	vadd.s32 $0x1D, v1  }
0x48d: {  	[tilespmem:s3+$0x13A00] =	vst v3;
	v3 =	vand.u32 $0xFFFFFFF8, v62  }
0x48e: {  	v4 =	vand.u32 $0x7, v62;
	v2 =	vld.idx.msk [tilespmem:v2+s22+$0x0], $0xffff;
	v3 =	vadd.s32 v0, v3  }
0x48f: {  	v3 =	vor.u32 v4, v3;
	_ =	sdelay $0x2  }
0x490: {  	v63 =	vadd.s32 $0x1E, v1  }
0x491: {  	[tilespmem:s3+$0x13C00] =	vst v2;
	v2 =	vand.u32 $0xFFFFFFF8, v63  }
0x492: {  	v4 =	vand.u32 $0x7, v63;
	v3 =	vld.idx.msk [tilespmem:v3+s22+$0x0], $0xffff;
	v2 =	vadd.s32 v0, v2  }
0x493: {  	v2 =	vor.u32 v4, v2;
	_ =	sdelay $0x2  }
0x494: {  	v1 =	vadd.s32 $0x1F, v1  }
0x495: {  	[tilespmem:s3+$0x13E00] =	vst v3;
	v3 =	vand.u32 $0xFFFFFFF8, v1  }
0x496: {  	v1 =	vand.u32 $0x7, v1;
	v2 =	vld.idx.msk [tilespmem:v2+s22+$0x0], $0xffff;
	v0 =	vadd.s32 v0, v3  }
0x497: {  	v0 =	vor.u32 v1, v0;
	_ =	sdelay $0x3  }
0x498: {  	[tilespmem:s3+$0x14000] =	vst v2  }
0x499: {  	v0 =	vld.idx.msk [tilespmem:v0+s22+$0x0], $0xffff;
	_ =	sdelay $0x4  }
0x49a: {  	s25 =	simm.s32 $0x10400;
	[tilespmem:s3+$0x14200] =	vst v0;
	s3 =	simm.s32 $0x0  }
0x49b: {  	[hbm4b:s16+s3] =	stream.linear.scatter [tilespmem:s25], [sflag:$0x3], $0x4000, $0x38;
	[tilespmem:$0x1D900] =	vst v63  }
0x49c: {  	_ =	swait.ge [sflag:s20], $0x4000  }
0x49d: {  	[sflag:s20] =	ssyncset.done $0x0  }
0x49e: {  	s25 =	simm.s32 $0x1AA80;
	[sflag:s20] =	ssyncadd.s32 $0xFFFFC000  }
0x49f: {  	[hbm4b:s17+s3] =	stream.linear.scatter [tilespmem:s25], [sflag:$0x3], $0x2000, $0x38;
	[tilespmem:$0x1D900] =	vst v63  }
0x4a0: {  	_ =	swait.ge [sflag:s20], $0x2000  }
0x4a1: {  	[sflag:s20] =	ssyncset.done $0x0  }
0x4a2: {  	[sflag:s20] =	ssyncadd.s32 $0xFFFFE000  }
0x4a3: {  	[tilespmem:s22], [sflag:$0x2] =	stream.indirect.gather [hbm4b:s6+s21], $0x80, s24, s21, $0xb8;
	[tilespmem:$0x1D900] =	vst v63  }
0x4a4: {  	s23 =	simm.s32 $0x4400;
	s25 =	simm.s32 $0x280  }
0x4a5: {  	[tilespmem:s23], [sflag:$0x2] =	stream.indirect.gather [hbm4b:s6+s21], $0x80, s25, s21, $0xb8;
	[tilespmem:$0x1D900] =	vst v63  }
0x4a6: {  	s23 =	simm.s32 $0x8400;
	s25 =	simm.s32 $0x300  }
0x4a7: {  	[tilespmem:s23], [sflag:$0x2] =	stream.indirect.gather [hbm4b:s6+s21], $0x80, s25, s21, $0xb8;
	[tilespmem:$0x1D900] =	vst v63  }
0x4a8: {  	s25 =	simm.s32 $0x380  }
0x4a9: {  	[tilespmem:s28], [sflag:$0x2] =	stream.indirect.gather [hbm4b:s6+s21], $0x80, s25, s21, $0xb8;
	[tilespmem:$0x1D900] =	vst v63  }
0x4aa: {  	_ =	swait.ge [sflag:s1], $0x4000  }
0x4ab: {  	[sflag:s1] =	ssyncset.done $0x0  }
0x4ac: {  	[sflag:s1] =	ssyncadd.s32 $0xFFFFC000  }
0x4ad: {  	_ =	swait.ge [sflag:s1], $0x4000  }
0x4ae: {  	[sflag:s1] =	ssyncset.done $0x0  }
0x4af: {  	[sflag:s1] =	ssyncadd.s32 $0xFFFFC000  }
0x4b0: {  	_ =	swait.ge [sflag:s1], $0x4000  }
0x4b1: {  	[sflag:s1] =	ssyncset.done $0x0  }
0x4b2: {  	[sflag:s1] =	ssyncadd.s32 $0xFFFFC000  }
0x4b3: {  	_ =	swait.ge [sflag:s1], $0x4000  }
0x4b4: {  	[sflag:s1] =	ssyncset.done $0x0  }
0x4b5: {  	s3 =	simm.s32 $0x0;
	[sflag:s1] =	ssyncadd.s32 $0xFFFFC000  }
0x4b6: {  	v0 =	vld [tilespmem:s3+$0x1D300]  }
0x4b7: {  	v1 =	vld [tilespmem:s3+$0x1CC80];
	_ =	sdelay $0x1  }
0x4b8: {  	v2 =	vld [tilespmem:s3+$0x1CE80];
	_ =	sdelay $0x2  }
0x4b9: {  	v3 =	vand.u32 $0xFFFFFFF8, v1;
	v0 =	vshll.u32 v0, $0x7  }
0x4ba: {  	v1 =	vand.u32 $0x7, v1;
	v0 =	vadd.s32 v0, v3  }
0x4bb: {  	v0 =	vor.u32 v1, v0;
	_ =	sdelay $0x2  }
0x4bc: {  	s23 =	simm.s32 $0x10;
	v1 =	vld.idx.msk [tilespmem:v2+s0+$0x0], $0xffff  }
0x4bd: {  	v2 =	vld [tilespmem:s23+$0x1D300]  }
0x4be: {  	s25 =	simm.s32 $0x80;
	v0 =	vld.idx.msk [tilespmem:v0+s22+$0x0], $0xffff  }
.LBB2_6:
0x4bf: {  	p0 =	sne.s32 s25, $0x7C0;
	v3 =	vld [tilespmem:s23+$0x1CC80]  }
0x4c0: {  	v4 =	vld [tilespmem:s3+$0x1D080];
	_ =	sdelay $0x1  }
0x4c1: {  	v5 =	vld [tilespmem:s23+$0x1CE80]  }
0x4c2: {  	v1 =	vsub.f32 v1, v0  }
0x4c3: {  	v2 =	vshll.u32 v2, $0x7;
	v6 =	vand.u32 $0xFFFFFFF8, v3  }
0x4c4: {  	v3 =	vand.u32 $0x7, v3;
	v2 =	vadd.s32 v2, v6;
	v1 =	vmul.f32 v1, v4  }
0x4c5: {  	v2 =	vor.u32 v3, v2  }
0x4c6: {  	v0 =	vadd.f32 v1, v0  }
.Ltmp2:
0x4c7: {  	(pc) =	sbr.rel @p0 .LBB2_6-.Ltmp2, $4  }
0x4c8: {  	[tilespmem:s3+$0x1D700] =	vst v0;
	s3 =	smov.u32 s23  }
0x4c9: {  	v1 =	vld.idx.msk [tilespmem:v5+s0+$0x0], $0xffff  }
0x4ca: {  	s23 =	sshra.s32 s25, $0x2;
	v0 =	vld.idx.msk [tilespmem:v2+s22+$0x0], $0xffff  }
0x4cb: {  	s25 =	sadd.s32 $0x40, s25;
	v2 =	vld [tilespmem:s23+$0x1D300]  }
0x4cc: {  	v3 =	vld [tilespmem:s23+$0x1CC80]  }
0x4cd: {  	v4 =	vld [tilespmem:s3+$0x1D080];
	_ =	sdelay $0x1  }
0x4ce: {  	v5 =	vld [tilespmem:s23+$0x1CE80]  }
0x4cf: {  	v1 =	vsub.f32 v1, v0  }
0x4d0: {  	v2 =	vshll.u32 v2, $0x7;
	v6 =	vand.u32 $0xFFFFFFF8, v3  }
0x4d1: {  	v3 =	vand.u32 $0x7, v3;
	v1 =	vmul.f32 v1, v4;
	v2 =	vadd.s32 v2, v6  }
0x4d2: {  	v2 =	vor.u32 v3, v2  }
0x4d3: {  	v61 =	vadd.f32 v1, v0;
	_ =	sdelay $0x1  }
0x4d4: {  	[tilespmem:s3+$0x1D700] =	vst v61  }
0x4d5: {  	v0 =	vld.idx.msk [tilespmem:v5+s0+$0x0], $0xffff  }
0x4d6: {  	v62 =	vld.idx.msk [tilespmem:v2+s22+$0x0], $0xffff;
	_ =	sdelay $0x1  }
0x4d7: {  	v63 =	vld [tilespmem:s23+$0x1D080];
	_ =	sdelay $0x2  }
0x4d8: {  	v0 =	vsub.f32 v0, v62;
	_ =	sdelay $0x1  }
0x4d9: {  	v0 =	vmul.f32 v0, v63;
	_ =	sdelay $0x1  }
0x4da: {  	s31 =	sadd.s32 $0x1, s31;
	v0 =	vadd.f32 v0, v62  }
0x4db: {  	p0 =	sne.s32 s31, s19  }
.Ltmp3:
0x4dc: {  	s25 =	simm.s32 $0x1D700;
	[tilespmem:s23+$0x1D700] =	vst v0;
	(pc) =	sbr.rel @p0 .LBB2_1-.Ltmp3, $4  }
0x4dd: {  	[hbm4b:s18+s2] =	stream.linear.scatter [tilespmem:s25], [sflag:$0x3], $0x200, $0x38;
	[tilespmem:$0x1D900] =	vst v63  }
0x4de: {  	_ =	swait.ge [sflag:s20], $0x200  }
0x4df: {  	[sflag:s20] =	ssyncset.done $0x0  }
0x4e0: {  	[sflag:s20] =	ssyncadd.s32 $0xFFFFFE00  }
0x4e1: {  	_ =	sfence.sel $0x180000  }
0x4e2: {  	[bflag:$0x0] =	sbarrier.arrive $0xFFFF  }
0x4e3: {  	_ =	strace $0x90000047  }
0x4e4: {  	s0 =	stileid.u32;
	[bflag:$0x2] =	sbarrier.arrive $0xFFFF  }
0x4e5: {  	p0 =	sne.s32 s0, $0x0;
	s0 =	rddreg [dreg:$0x3]  }
0x4e6: {  	s0 =	sadd.s32 @!p0 $0x100000, s0  }
0x4e7: {  	[sflag:s0] =	ssyncadd.tile.s32 @!p0 $0x1;
	_ =	shalt  }
.Lfunc_end2:
_tile_overlayer_lowered:
.L_overlay_start_2:
0x4e8: {  	(tag) =	ssettag $0x2  }
0x4e9: {  	s0 =	rddreg [dreg:$0x0];
	s2 =	stileid.u32  }
0x4ea: {  	s1 =	rddreg [dreg:$0x1];
	p0 =	sne.s32 s2, $0x0  }
0x4eb: {  	s3 =	rddreg [dreg:$0x2];
	[bflag:$0x3] =	sbarrier.arrive $0xFFFF;
	s2 =	simm.s32 @!p0 $0x1C03  }
0x4ec: {  	[timem:s3], [sflag:s2] =	dma.local @!p0 [hbm:s0], s1  }
0x4ed: {  	s0 =	simm.s32 @!p0 $0x3  }
0x4ee: {  	_ =	swait.ge @!p0 [sflag:s0], s1  }
0x4ef: {  	s1 =	ssub.s32 @!p0 $0x0, s1;
	[sflag:s0] =	ssyncset.done @!p0 $0x0  }
0x4f0: {  	[sflag:s0] =	ssyncadd.s32 @!p0 s1  }
0x4f1: {  	[bflag:$0x3] =	sbarrier.arrive $0xFFFF  }
0x4f2: {  	_ =	shalt  }

</sc_bundles>
